<compile_context>
chip_gen: v7x
topology: tpu7x:2x2x1
jax: 0.10.2.dev20260603
libtpu: 0.0.44.dev20260713+nightly
codegen_flags: <defaults>
</compile_context>

<pallas_src>
import functools

import jax
import jax.numpy as jnp
from jax import lax
from jax.experimental import pallas as pl
from jax.experimental.pallas import tpu as pltpu
from jax.experimental.pallas import tpu_sc as plsc

_G = 1024
_K = 32
_INF = 3.0e38


def _fps_body(xyzT_ref, idx_ref, dist_scratch, far_scratch):
    B = xyzT_ref.shape[1]
    N = xyzT_ref.shape[2]
    col = lax.broadcasted_iota(jnp.int32, (B, N), 1)
    gcol = lax.broadcasted_iota(jnp.int32, (B, _G), 1)
    dist_scratch[...] = jnp.full((B, N), 1e10, jnp.float32)
    far_scratch[...] = jnp.zeros((B, 1), jnp.int32)
    idx_ref[...] = jnp.zeros((B, _G), jnp.int32)

    def body(i, _):
        farthest = far_scratch[...]
        idx_ref[...] = jnp.where(gcol == i, farthest, idx_ref[...])
        X = xyzT_ref[0]
        Y = xyzT_ref[1]
        Z = xyzT_ref[2]
        mask = col == farthest
        cx = jnp.sum(jnp.where(mask, X, 0.0), axis=1, keepdims=True)
        cy = jnp.sum(jnp.where(mask, Y, 0.0), axis=1, keepdims=True)
        cz = jnp.sum(jnp.where(mask, Z, 0.0), axis=1, keepdims=True)
        dx = X - cx
        dy = Y - cy
        dz = Z - cz
        dist = dx * dx + dy * dy + dz * dz
        distance = jnp.minimum(dist_scratch[...], dist)
        dist_scratch[...] = distance
        m = jnp.max(distance, axis=1, keepdims=True)
        far_scratch[...] = jnp.min(
            jnp.where(distance == m, col, N), axis=1, keepdims=True
        ).astype(jnp.int32)
        return 0

    lax.fori_loop(0, _G, body, 0)


def _fps(xyzT):
    B, N = xyzT.shape[1], xyzT.shape[2]
    return pl.pallas_call(
        _fps_body,
        out_shape=jax.ShapeDtypeStruct((B, _G), jnp.int32),
        scratch_shapes=[
            pltpu.VMEM((B, N), jnp.float32),
            pltpu.VMEM((B, 1), jnp.int32),
        ],
    )(xyzT)


_Q = 256


def _tree_min(x):
    n = x.shape[1]
    while n > 256:
        x = jnp.minimum(x[:, : n // 2], x[:, n // 2 :])
        n //= 2
    return jnp.min(x, axis=1, keepdims=True)


def _tree_max(x):
    n = x.shape[1]
    while n > 256:
        x = jnp.maximum(x[:, : n // 2], x[:, n // 2 :])
        n //= 2
    return jnp.max(x, axis=1, keepdims=True)


def _knn_body(xyzBT_ref, idx_ref, knn_ref, qT_ref):
    N = xyzBT_ref.shape[2]
    col = lax.broadcasted_iota(jnp.int32, (_Q, N), 1)
    kcol = lax.broadcasted_iota(jnp.int32, (_Q, _K), 1)
    qidx = idx_ref[0, 0]
    X = jnp.broadcast_to(xyzBT_ref[0, 0].reshape(1, N), (_Q, N))
    Y = jnp.broadcast_to(xyzBT_ref[0, 1].reshape(1, N), (_Q, N))
    Z = jnp.broadcast_to(xyzBT_ref[0, 2].reshape(1, N), (_Q, N))
    mask = col == qidx
    qx = jnp.sum(jnp.where(mask, X, 0.0), axis=1, keepdims=True)
    qy = jnp.sum(jnp.where(mask, Y, 0.0), axis=1, keepdims=True)
    qz = jnp.sum(jnp.where(mask, Z, 0.0), axis=1, keepdims=True)
    qT_ref[0, 0, 0] = qx
    qT_ref[1, 0, 0] = qy
    qT_ref[2, 0, 0] = qz
    q = jnp.concatenate([qx, qy, qz], axis=1)
    dst = xyzBT_ref[0]
    mm = lax.dot_general(q, dst, (((1,), (0,)), ((), ())),
                         preferred_element_type=jnp.float32)
    nq = jnp.sum(q * q, axis=1, keepdims=True)
    nd = jnp.sum(dst * dst, axis=0, keepdims=True)
    D0 = -2.0 * mm
    D0 = D0 + nq
    D0 = D0 + nd

    knn_ref[0, 0] = jnp.zeros((_Q, _K), jnp.int32)

    def body(k, D):
        m = _tree_min(D)
        sel = D == m
        idxk = _tree_min(jnp.where(sel, col, N))
        knn_ref[0, 0] = jnp.where(kcol == k, idxk, knn_ref[0, 0])
        return jnp.where(col == idxk, _INF, D)

    lax.fori_loop(0, _K, body, D0)
    knn_ref[0, 0] = knn_ref[0, 0] + pl.program_id(0) * N


def _knn(xyzBT, idx4):
    B, N = xyzBT.shape[0], xyzBT.shape[2]
    QB = _G // _Q
    grid = (B, QB)
    return pl.pallas_call(
        _knn_body,
        grid=grid,
        in_specs=[
            pl.BlockSpec((1, 3, N), lambda b, q: (b, 0, 0)),
            pl.BlockSpec((1, 1, _Q, 1), lambda b, q: (b, q, 0, 0)),
        ],
        out_specs=[
            pl.BlockSpec((1, 1, _Q, _K), lambda b, q: (b, q, 0, 0)),
            pl.BlockSpec((3, 1, 1, _Q, 1), lambda b, q: (0, b, q, 0, 0)),
        ],
        out_shape=[
            jax.ShapeDtypeStruct((B, QB, _Q, _K), jnp.int32),
            jax.ShapeDtypeStruct((3, B, QB, _Q, 1), jnp.float32),
        ],
        compiler_params=pltpu.CompilerParams(
            dimension_semantics=("arbitrary", "arbitrary"),
        ),
    )(xyzBT, idx4)


_NC, _NS = 2, 16
_NW = _NC * _NS


def _sc_gather(table, idx2):
    BR = idx2.shape[0] * 128
    rows_per_w = BR // _NW
    n_chunks = rows_per_w // 128
    mesh = plsc.VectorSubcoreMesh(core_axis_name="c", subcore_axis_name="s")

    @functools.partial(
        pl.kernel,
        mesh=mesh,
        out_type=jax.ShapeDtypeStruct((BR, 16), jnp.float32),
        compiler_params=pltpu.CompilerParams(use_tc_tiling_on_sc=False),
        scratch_types=[
            pltpu.VMEM((n_chunks, 128), jnp.int32),
            pltpu.VMEM((128, 16), jnp.float32),
            pltpu.VMEM((128, 16), jnp.float32),
            pltpu.SemaphoreType.DMA,
            pltpu.SemaphoreType.DMA,
        ],
    )
    def k(table_hbm, idx_hbm, out_hbm, idx_v, buf0, buf1, sem0, sem1):
        wid = lax.axis_index("s") * _NC + lax.axis_index("c")
        base = wid * rows_per_w
        pltpu.sync_copy(idx_hbm.at[pl.ds(wid * n_chunks, n_chunks)], idx_v)
        bufs = (buf0, buf1)
        sems = (sem0, sem1)
        handles = [
            pltpu.async_copy(table_hbm.at[idx_v.at[0]], buf0, sem0),
            pltpu.async_copy(table_hbm.at[idx_v.at[1]], buf1, sem1),
        ]
        for c in range(n_chunks):
            b = c % 2
            handles[b].wait()
            pltpu.sync_copy(bufs[b], out_hbm.at[pl.ds(base + c * 128, 128)])
            if c + 2 < n_chunks:
                handles[b] = pltpu.async_copy(
                    table_hbm.at[idx_v.at[c + 2]], bufs[b], sems[b]
                )

    return k(table, idx2)


_NBLK = 32


def _sums_body(g_ref, q_ref, s1_ref, s2_ref):
    d = g_ref[...] - q_ref[...]
    s1_ref[0] = jnp.sum(d, axis=0, keepdims=True)
    s2_ref[0] = jnp.sum(d * d, axis=0, keepdims=True)


def _sums(g2, q2):
    R = g2.shape[0]
    blk = R // _NBLK
    return pl.pallas_call(
        _sums_body,
        grid=(_NBLK,),
        in_specs=[
            pl.BlockSpec((blk, 128), lambda c: (c, 0)),
            pl.BlockSpec((blk, 128), lambda c: (c, 0)),
        ],
        out_specs=[
            pl.BlockSpec((1, 1, 128), lambda c: (c, 0, 0)),
            pl.BlockSpec((1, 1, 128), lambda c: (c, 0, 0)),
        ],
        out_shape=[
            jax.ShapeDtypeStruct((_NBLK, 1, 128), jnp.float32),
            jax.ShapeDtypeStruct((_NBLK, 1, 128), jnp.float32),
        ],
    )(g2, q2)


_M = 8 * _G * _K * 3


def _scale_body(g_ref, q_ref, s1_ref, s2_ref, out_ref):
    S1 = jnp.sum(s1_ref[...])
    S2 = jnp.sum(s2_ref[...])
    var = (S2 - S1 * S1 / _M) / (_M - 1)
    std = jnp.sqrt(var)
    out_ref[...] = (g_ref[...] - q_ref[...]) / (std + 1e-5)


def _scale(g2, q2, s1, s2):
    R = g2.shape[0]
    blk = R // _NBLK
    return pl.pallas_call(
        _scale_body,
        grid=(_NBLK,),
        in_specs=[
            pl.BlockSpec((blk, 128), lambda c: (c, 0)),
            pl.BlockSpec((blk, 128), lambda c: (c, 0)),
            pl.BlockSpec((_NBLK, 1, 128), lambda c: (0, 0, 0)),
            pl.BlockSpec((_NBLK, 1, 128), lambda c: (0, 0, 0)),
        ],
        out_specs=pl.BlockSpec((blk, 128), lambda c: (c, 0)),
        out_shape=jax.ShapeDtypeStruct((R, 128), jnp.float32),
    )(g2, q2, s1, s2)


def kernel(xyz):
    B, N, C = xyz.shape
    xyzT = jnp.transpose(xyz, (2, 0, 1))
    idx = _fps(xyzT)
    idx4 = idx.reshape(B, _G // _Q, _Q, 1)
    xyzBT = jnp.transpose(xyz, (0, 2, 1))
    knn4, qT5 = _knn(xyzBT, idx4)
    new_xyz = jnp.transpose(qT5.reshape(3, B, _G), (1, 2, 0))

    BR = B * _G * _K
    table = jnp.pad(xyz.reshape(B * N, C), ((0, 0), (0, 16 - C)))
    idx2 = knn4.reshape(BR // 128, 128)
    g = _sc_gather(table, idx2)

    q16 = jnp.pad(new_xyz.reshape(B * _G, C), ((0, 0), (0, 16 - C)))
    R = BR * 16 // 128
    g2 = g.reshape(R, 128)
    q2 = jnp.broadcast_to(
        q16[:, None, None, :], (B * _G, 4, 8, 16)
    ).reshape(R, 128)
    s1, s2 = _sums(g2, q2)
    d2 = _scale(g2, q2, s1, s2)

    knn_xyz = d2.reshape(BR, 16)[:, :C].reshape(B, _G, _K, C)
    tiled = jnp.broadcast_to(
        new_xyz.reshape(B, _G, 1, C), (B, _G, _K, C)
    )
    knn_xyz = jnp.concatenate([knn_xyz, tiled], axis=-1)
    return (new_xyz, knn_xyz)

# --- scband reference (transcript-rebuilt; emitter-appended) ---
"""Pipeline reference for scband-pcsampling-processor-31610959298724 (READ-ONLY COPY).

The authoritative reference and input builder live on the scoring server;
editing this copy changes nothing except your own understanding.
"""

import jax, jax.numpy as jnp
import numpy as np

GROUP_NUM = 1024
KNEIGHBORS = 32

def farthest_point_sample(xyz, npoint):
    B, N, C = xyz.shape
    def body(i, state):
        centroids, distance, farthest = state
        centroids = centroids.at[:, i].set(farthest)
        centroid = xyz[jnp.arange(B), farthest, :].reshape(B, 1, C)
        dist = jnp.sum((xyz - centroid) ** 2, -1)
        distance = jnp.minimum(distance, dist)
        farthest = jnp.argmax(distance, -1).astype(jnp.int32)
        return (centroids, distance, farthest)
    centroids = jnp.zeros((B, npoint), dtype=jnp.int32)
    distance = jnp.full((B, N), 1e10, dtype=xyz.dtype)
    farthest = jnp.zeros((B,), dtype=jnp.int32)
    centroids, _, _ = jax.lax.fori_loop(0, npoint, body, (centroids, distance, farthest))
    return centroids

def index_points(points, idx):
    B = points.shape[0]
    bidx = jnp.arange(B).reshape((B,) + (1,) * (idx.ndim - 1))
    return points[bidx, idx, :]

def square_distance(src, dst):
    dist = -2.0 * jnp.matmul(src, jnp.transpose(dst, (0, 2, 1)))
    dist = dist + jnp.sum(src ** 2, -1)[:, :, None]
    dist = dist + jnp.sum(dst ** 2, -1)[:, None, :]
    return dist

def setup_inputs(seed: int = 0):
    key = jax.random.key(seed)
    xyz = jax.random.normal(key, (8, 4096, 3), dtype=jnp.float32)
    return {"xyz": xyz}

def reference(xyz):
    B, N, C = xyz.shape
    idx = farthest_point_sample(xyz, GROUP_NUM)
    new_xyz = index_points(xyz, idx)
    sqrdists = square_distance(new_xyz, xyz)
    knn_idx = jax.lax.top_k(-sqrdists, KNEIGHBORS)[1]
    grouped_xyz = index_points(xyz, knn_idx)
    mean_xyz = new_xyz[:, :, None, :]
    std_xyz = jnp.std(grouped_xyz - mean_xyz, ddof=1)
    knn_xyz = (grouped_xyz - mean_xyz) / (std_xyz + 1e-5)
    tiled = jnp.broadcast_to(new_xyz.reshape(B, GROUP_NUM, 1, C), (B, GROUP_NUM, KNEIGHBORS, C))
    knn_xyz = jnp.concatenate([knn_xyz, tiled], axis=-1)
    return (new_xyz, knn_xyz)

if __name__ == "__main__":
    import jax
    _d = setup_inputs()
    print(jax.jit(kernel)(*tuple(_d.values())))

</pallas_src>

<mosaic_0001>
#map = affine_map<(d0, d1) -> (0, 0)>
module attributes {stable_mosaic.version = 14 : i64} {
  func.func @k(%arg0: i32, %arg1: i32, %arg2: memref<32768x16xf32, #tpu.memory_space<hbm>>, %arg3: memref<2048x128xi32, #tpu.memory_space<hbm>>, %arg4: memref<262144x16xf32, #tpu.memory_space<hbm>>, %arg5: memref<64x128xi32, #tpu.memory_space<vmem>>, %arg6: memref<128x16xf32, #tpu.memory_space<vmem>>, %arg7: memref<128x16xf32, #tpu.memory_space<vmem>>, %arg8: memref<!tpu.dma_semaphore, #tpu.memory_space<semaphore_mem>>, %arg9: memref<!tpu.dma_semaphore, #tpu.memory_space<semaphore_mem>>) attributes {dimension_semantics = [#tpu.dimension_semantics<core_parallel>, #tpu.dimension_semantics<subcore_parallel>], iteration_bounds = array<i64: 2, 16>, scalar_prefetch = 0 : i64, scratch_operands = 5 : i64, tpu.core_type = #tpu.core_type<sc_vector_subcore>, window_params = [{transform_indices = #map}, {transform_indices = #map}, {transform_indices = #map}]} {
    %mul3A = arith.constant 2 : i32
    %mul3A_0 = arith.muli %arg1, %mul3A : i32
    %add3A = arith.addi %mul3A_0, %arg0 : i32
    %mul3A_1 = arith.constant 8192 : i32
    %mul3A_2 = arith.muli %add3A, %mul3A_1 : i32
    %mul3A_3 = arith.constant 64 : i32
    %mul3A_4 = arith.muli %add3A, %mul3A_3 : i32
    "tpu.region"() ({
      %run_scoped3A = tpu.sem_alloc : memref<!tpu.dma_semaphore, #tpu.memory_space<semaphore_mem>>
      %dma_start3A_1027 = arith.constant 0 : i32
      %dma_start3A_1028 = tpu.memref_slice %arg3[%mul3A_4, %dma_start3A_1027] : memref<2048x128xi32, #tpu.memory_space<hbm>> -> memref<64x128xi32, #tpu.memory_space<hbm>>
      %dma_start3A_1029 = arith.constant 0 : i32
      %dma_start3A_1030 = tpu.memref_slice %arg3[%mul3A_4, %dma_start3A_1029] : memref<2048x128xi32, #tpu.memory_space<hbm>> -> memref<64x128xi32, #tpu.memory_space<hbm>>
      tpu.enqueue_dma source(%dma_start3A_1030 : memref<64x128xi32, #tpu.memory_space<hbm>>) target(%arg5 : memref<64x128xi32, #tpu.memory_space<vmem>>) target_semaphore(%run_scoped3A : memref<!tpu.dma_semaphore, #tpu.memory_space<semaphore_mem>>)
      %dma_wait3A_1031 = arith.constant 0 : i32
      %dma_wait3A_1032 = tpu.memref_slice %arg3[%mul3A_4, %dma_wait3A_1031] : memref<2048x128xi32, #tpu.memory_space<hbm>> -> memref<64x128xi32, #tpu.memory_space<hbm>>
      %dma_wait3A_1033 = arith.constant 0 : i32
      %dma_wait3A_1034 = tpu.memref_slice %arg3[%mul3A_4, %dma_wait3A_1033] : memref<2048x128xi32, #tpu.memory_space<hbm>> -> memref<64x128xi32, #tpu.memory_space<hbm>>
      tpu.wait_dma2 semaphore(%run_scoped3A : memref<!tpu.dma_semaphore, #tpu.memory_space<semaphore_mem>>) src(%dma_wait3A_1034 : memref<64x128xi32, #tpu.memory_space<hbm>>) dst(%arg5 : memref<64x128xi32, #tpu.memory_space<vmem>>)
      tpu.yield
    }) : () -> ()
    %dma_start3A = arith.constant 0 : i32
    %dma_start3A_5 = arith.constant 0 : i32
    %dma_start3A_6 = tpu.memref_slice %arg5[%dma_start3A, %dma_start3A_5] : memref<64x128xi32, #tpu.memory_space<vmem>> -> memref<1x128xi32, #tpu.memory_space<vmem>>
    %dma_start3A_7 = tpu.memref_squeeze %dma_start3A_6 : memref<1x128xi32, #tpu.memory_space<vmem>> -> memref<128xi32, #tpu.memory_space<vmem>>
    %dma_start3A_8 = arith.constant 0 : i32
    %dma_start3A_9 = arith.constant 0 : i32
    %dma_start3A_10 = tpu.memref_slice %arg2[%dma_start3A_8, %dma_start3A_9] : memref<32768x16xf32, #tpu.memory_space<hbm>> -> memref<32768x16xf32, #tpu.memory_space<hbm>>
    tpu.enqueue_indirect_dma source(%dma_start3A_10 : memref<32768x16xf32, #tpu.memory_space<hbm>>) target(%arg6 : memref<128x16xf32, #tpu.memory_space<vmem>>) offsets(%dma_start3A_7 : memref<128xi32, #tpu.memory_space<vmem>>) semaphore(%arg8 : memref<!tpu.dma_semaphore, #tpu.memory_space<semaphore_mem>>)
    %dma_start3A_11 = arith.constant 1 : i32
    %dma_start3A_12 = arith.constant 0 : i32
    %dma_start3A_13 = tpu.memref_slice %arg5[%dma_start3A_11, %dma_start3A_12] : memref<64x128xi32, #tpu.memory_space<vmem>> -> memref<1x128xi32, #tpu.memory_space<vmem>>
    %dma_start3A_14 = tpu.memref_squeeze %dma_start3A_13 : memref<1x128xi32, #tpu.memory_space<vmem>> -> memref<128xi32, #tpu.memory_space<vmem>>
    %dma_start3A_15 = arith.constant 0 : i32
    %dma_start3A_16 = arith.constant 0 : i32
    %dma_start3A_17 = tpu.memref_slice %arg2[%dma_start3A_15, %dma_start3A_16] : memref<32768x16xf32, #tpu.memory_space<hbm>> -> memref<32768x16xf32, #tpu.memory_space<hbm>>
    tpu.enqueue_indirect_dma source(%dma_start3A_17 : memref<32768x16xf32, #tpu.memory_space<hbm>>) target(%arg7 : memref<128x16xf32, #tpu.memory_space<vmem>>) offsets(%dma_start3A_14 : memref<128xi32, #tpu.memory_space<vmem>>) semaphore(%arg9 : memref<!tpu.dma_semaphore, #tpu.memory_space<semaphore_mem>>)
    %dma_wait3A = arith.constant 0 : i32
    %dma_wait3A_18 = arith.constant 0 : i32
    %dma_wait3A_19 = tpu.memref_slice %arg5[%dma_wait3A, %dma_wait3A_18] : memref<64x128xi32, #tpu.memory_space<vmem>> -> memref<1x128xi32, #tpu.memory_space<vmem>>
    %dma_wait3A_20 = tpu.memref_squeeze %dma_wait3A_19 : memref<1x128xi32, #tpu.memory_space<vmem>> -> memref<128xi32, #tpu.memory_space<vmem>>
    %dma_wait3A_21 = arith.constant 0 : i32
    %dma_wait3A_22 = arith.constant 0 : i32
    %dma_wait3A_23 = tpu.memref_slice %arg2[%dma_wait3A_21, %dma_wait3A_22] : memref<32768x16xf32, #tpu.memory_space<hbm>> -> memref<32768x16xf32, #tpu.memory_space<hbm>>
    tpu.wait_indirect_dma semaphore(%arg8 : memref<!tpu.dma_semaphore, #tpu.memory_space<semaphore_mem>>) src(%dma_wait3A_23 : memref<32768x16xf32, #tpu.memory_space<hbm>>) dst(%arg6 : memref<128x16xf32, #tpu.memory_space<vmem>>)
    %add3A_24 = arith.constant 0 : i32
    %add3A_25 = arith.addi %mul3A_2, %add3A_24 : i32
    "tpu.region"() ({
      %run_scoped3A = tpu.sem_alloc : memref<!tpu.dma_semaphore, #tpu.memory_space<semaphore_mem>>
      %dma_start3A_1027 = arith.constant 0 : i32
      %dma_start3A_1028 = tpu.memref_slice %arg4[%add3A_25, %dma_start3A_1027] : memref<262144x16xf32, #tpu.memory_space<hbm>> -> memref<128x16xf32, #tpu.memory_space<hbm>>
      %dma_start3A_1029 = arith.constant 0 : i32
      %dma_start3A_1030 = tpu.memref_slice %arg4[%add3A_25, %dma_start3A_1029] : memref<262144x16xf32, #tpu.memory_space<hbm>> -> memref<128x16xf32, #tpu.memory_space<hbm>>
      tpu.enqueue_dma source(%arg6 : memref<128x16xf32, #tpu.memory_space<vmem>>) target(%dma_start3A_1030 : memref<128x16xf32, #tpu.memory_space<hbm>>) target_semaphore(%run_scoped3A : memref<!tpu.dma_semaphore, #tpu.memory_space<semaphore_mem>>)
      %dma_wait3A_1031 = arith.constant 0 : i32
      %dma_wait3A_1032 = tpu.memref_slice %arg4[%add3A_25, %dma_wait3A_1031] : memref<262144x16xf32, #tpu.memory_space<hbm>> -> memref<128x16xf32, #tpu.memory_space<hbm>>
      %dma_wait3A_1033 = arith.constant 0 : i32
      %dma_wait3A_1034 = tpu.memref_slice %arg4[%add3A_25, %dma_wait3A_1033] : memref<262144x16xf32, #tpu.memory_space<hbm>> -> memref<128x16xf32, #tpu.memory_space<hbm>>
      tpu.wait_dma2 semaphore(%run_scoped3A : memref<!tpu.dma_semaphore, #tpu.memory_space<semaphore_mem>>) src(%arg6 : memref<128x16xf32, #tpu.memory_space<vmem>>) dst(%dma_wait3A_1034 : memref<128x16xf32, #tpu.memory_space<hbm>>)
      tpu.yield
    }) : () -> ()
    %dma_start3A_26 = arith.constant 2 : i32
    %dma_start3A_27 = arith.constant 0 : i32
    %dma_start3A_28 = tpu.memref_slice %arg5[%dma_start3A_26, %dma_start3A_27] : memref<64x128xi32, #tpu.memory_space<vmem>> -> memref<1x128xi32, #tpu.memory_space<vmem>>
    %dma_start3A_29 = tpu.memref_squeeze %dma_start3A_28 : memref<1x128xi32, #tpu.memory_space<vmem>> -> memref<128xi32, #tpu.memory_space<vmem>>
    %dma_start3A_30 = arith.constant 0 : i32
    %dma_start3A_31 = arith.constant 0 : i32
    %dma_start3A_32 = tpu.memref_slice %arg2[%dma_start3A_30, %dma_start3A_31] : memref<32768x16xf32, #tpu.memory_space<hbm>> -> memref<32768x16xf32, #tpu.memory_space<hbm>>
    tpu.enqueue_indirect_dma source(%dma_start3A_32 : memref<32768x16xf32, #tpu.memory_space<hbm>>) target(%arg6 : memref<128x16xf32, #tpu.memory_space<vmem>>) offsets(%dma_start3A_29 : memref<128xi32, #tpu.memory_space<vmem>>) semaphore(%arg8 : memref<!tpu.dma_semaphore, #tpu.memory_space<semaphore_mem>>)
    %dma_wait3A_33 = arith.constant 1 : i32
    %dma_wait3A_34 = arith.constant 0 : i32
    %dma_wait3A_35 = tpu.memref_slice %arg5[%dma_wait3A_33, %dma_wait3A_34] : memref<64x128xi32, #tpu.memory_space<vmem>> -> memref<1x128xi32, #tpu.memory_space<vmem>>
    %dma_wait3A_36 = tpu.memref_squeeze %dma_wait3A_35 : memref<1x128xi32, #tpu.memory_space<vmem>> -> memref<128xi32, #tpu.memory_space<vmem>>
    %dma_wait3A_37 = arith.constant 0 : i32
    %dma_wait3A_38 = arith.constant 0 : i32
    %dma_wait3A_39 = tpu.memref_slice %arg2[%dma_wait3A_37, %dma_wait3A_38] : memref<32768x16xf32, #tpu.memory_space<hbm>> -> memref<32768x16xf32, #tpu.memory_space<hbm>>
    tpu.wait_indirect_dma semaphore(%arg9 : memref<!tpu.dma_semaphore, #tpu.memory_space<semaphore_mem>>) src(%dma_wait3A_39 : memref<32768x16xf32, #tpu.memory_space<hbm>>) dst(%arg7 : memref<128x16xf32, #tpu.memory_space<vmem>>)
    %add3A_40 = arith.constant 128 : i32
    %add3A_41 = arith.addi %mul3A_2, %add3A_40 : i32
    "tpu.region"() ({
      %run_scoped3A = tpu.sem_alloc : memref<!tpu.dma_semaphore, #tpu.memory_space<semaphore_mem>>
      %dma_start3A_1027 = arith.constant 0 : i32
      %dma_start3A_1028 = tpu.memref_slice %arg4[%add3A_41, %dma_start3A_1027] : memref<262144x16xf32, #tpu.memory_space<hbm>> -> memref<128x16xf32, #tpu.memory_space<hbm>>
      %dma_start3A_1029 = arith.constant 0 : i32
      %dma_start3A_1030 = tpu.memref_slice %arg4[%add3A_41, %dma_start3A_1029] : memref<262144x16xf32, #tpu.memory_space<hbm>> -> memref<128x16xf32, #tpu.memory_space<hbm>>
      tpu.enqueue_dma source(%arg7 : memref<128x16xf32, #tpu.memory_space<vmem>>) target(%dma_start3A_1030 : memref<128x16xf32, #tpu.memory_space<hbm>>) target_semaphore(%run_scoped3A : memref<!tpu.dma_semaphore, #tpu.memory_space<semaphore_mem>>)
      %dma_wait3A_1031 = arith.constant 0 : i32
      %dma_wait3A_1032 = tpu.memref_slice %arg4[%add3A_41, %dma_wait3A_1031] : memref<262144x16xf32, #tpu.memory_space<hbm>> -> memref<128x16xf32, #tpu.memory_space<hbm>>
      %dma_wait3A_1033 = arith.constant 0 : i32
      %dma_wait3A_1034 = tpu.memref_slice %arg4[%add3A_41, %dma_wait3A_1033] : memref<262144x16xf32, #tpu.memory_space<hbm>> -> memref<128x16xf32, #tpu.memory_space<hbm>>
      tpu.wait_dma2 semaphore(%run_scoped3A : memref<!tpu.dma_semaphore, #tpu.memory_space<semaphore_mem>>) src(%arg7 : memref<128x16xf32, #tpu.memory_space<vmem>>) dst(%dma_wait3A_1034 : memref<128x16xf32, #tpu.memory_space<hbm>>)
      tpu.yield
    }) : () -> ()
    %dma_start3A_42 = arith.constant 3 : i32
    %dma_start3A_43 = arith.constant 0 : i32
    %dma_start3A_44 = tpu.memref_slice %arg5[%dma_start3A_42, %dma_start3A_43] : memref<64x128xi32, #tpu.memory_space<vmem>> -> memref<1x128xi32, #tpu.memory_space<vmem>>
    %dma_start3A_45 = tpu.memref_squeeze %dma_start3A_44 : memref<1x128xi32, #tpu.memory_space<vmem>> -> memref<128xi32, #tpu.memory_space<vmem>>
    %dma_start3A_46 = arith.constant 0 : i32
    %dma_start3A_47 = arith.constant 0 : i32
    %dma_start3A_48 = tpu.memref_slice %arg2[%dma_start3A_46, %dma_start3A_47] : memref<32768x16xf32, #tpu.memory_space<hbm>> -> memref<32768x16xf32, #tpu.memory_space<hbm>>
    tpu.enqueue_indirect_dma source(%dma_start3A_48 : memref<32768x16xf32, #tpu.memory_space<hbm>>) target(%arg7 : memref<128x16xf32, #tpu.memory_space<vmem>>) offsets(%dma_start3A_45 : memref<128xi32, #tpu.memory_space<vmem>>) semaphore(%arg9 : memref<!tpu.dma_semaphore, #tpu.memory_space<semaphore_mem>>)
    %dma_wait3A_49 = arith.constant 2 : i32
    %dma_wait3A_50 = arith.constant 0 : i32
    %dma_wait3A_51 = tpu.memref_slice %arg5[%dma_wait3A_49, %dma_wait3A_50] : memref<64x128xi32, #tpu.memory_space<vmem>> -> memref<1x128xi32, #tpu.memory_space<vmem>>
    %dma_wait3A_52 = tpu.memref_squeeze %dma_wait3A_51 : memref<1x128xi32, #tpu.memory_space<vmem>> -> memref<128xi32, #tpu.memory_space<vmem>>
    %dma_wait3A_53 = arith.constant 0 : i32
    %dma_wait3A_54 = arith.constant 0 : i32
    %dma_wait3A_55 = tpu.memref_slice %arg2[%dma_wait3A_53, %dma_wait3A_54] : memref<32768x16xf32, #tpu.memory_space<hbm>> -> memref<32768x16xf32, #tpu.memory_space<hbm>>
    tpu.wait_indirect_dma semaphore(%arg8 : memref<!tpu.dma_semaphore, #tpu.memory_space<semaphore_mem>>) src(%dma_wait3A_55 : memref<32768x16xf32, #tpu.memory_space<hbm>>) dst(%arg6 : memref<128x16xf32, #tpu.memory_space<vmem>>)
    %add3A_56 = arith.constant 256 : i32
    %add3A_57 = arith.addi %mul3A_2, %add3A_56 : i32
    "tpu.region"() ({
      %run_scoped3A = tpu.sem_alloc : memref<!tpu.dma_semaphore, #tpu.memory_space<semaphore_mem>>
      %dma_start3A_1027 = arith.constant 0 : i32
      %dma_start3A_1028 = tpu.memref_slice %arg4[%add3A_57, %dma_start3A_1027] : memref<262144x16xf32, #tpu.memory_space<hbm>> -> memref<128x16xf32, #tpu.memory_space<hbm>>
      %dma_start3A_1029 = arith.constant 0 : i32
      %dma_start3A_1030 = tpu.memref_slice %arg4[%add3A_57, %dma_start3A_1029] : memref<262144x16xf32, #tpu.memory_space<hbm>> -> memref<128x16xf32, #tpu.memory_space<hbm>>
      tpu.enqueue_dma source(%arg6 : memref<128x16xf32, #tpu.memory_space<vmem>>) target(%dma_start3A_1030 : memref<128x16xf32, #tpu.memory_space<hbm>>) target_semaphore(%run_scoped3A : memref<!tpu.dma_semaphore, #tpu.memory_space<semaphore_mem>>)
      %dma_wait3A_1031 = arith.constant 0 : i32
      %dma_wait3A_1032 = tpu.memref_slice %arg4[%add3A_57, %dma_wait3A_1031] : memref<262144x16xf32, #tpu.memory_space<hbm>> -> memref<128x16xf32, #tpu.memory_space<hbm>>
      %dma_wait3A_1033 = arith.constant 0 : i32
      %dma_wait3A_1034 = tpu.memref_slice %arg4[%add3A_57, %dma_wait3A_1033] : memref<262144x16xf32, #tpu.memory_space<hbm>> -> memref<128x16xf32, #tpu.memory_space<hbm>>
      tpu.wait_dma2 semaphore(%run_scoped3A : memref<!tpu.dma_semaphore, #tpu.memory_space<semaphore_mem>>) src(%arg6 : memref<128x16xf32, #tpu.memory_space<vmem>>) dst(%dma_wait3A_1034 : memref<128x16xf32, #tpu.memory_space<hbm>>)
      tpu.yield
    }) : () -> ()
    %dma_start3A_58 = arith.constant 4 : i32
    %dma_start3A_59 = arith.constant 0 : i32
    %dma_start3A_60 = tpu.memref_slice %arg5[%dma_start3A_58, %dma_start3A_59] : memref<64x128xi32, #tpu.memory_space<vmem>> -> memref<1x128xi32, #tpu.memory_space<vmem>>
    %dma_start3A_61 = tpu.memref_squeeze %dma_start3A_60 : memref<1x128xi32, #tpu.memory_space<vmem>> -> memref<128xi32, #tpu.memory_space<vmem>>
    %dma_start3A_62 = arith.constant 0 : i32
    %dma_start3A_63 = arith.constant 0 : i32
    %dma_start3A_64 = tpu.memref_slice %arg2[%dma_start3A_62, %dma_start3A_63] : memref<32768x16xf32, #tpu.memory_space<hbm>> -> memref<32768x16xf32, #tpu.memory_space<hbm>>
    tpu.enqueue_indirect_dma source(%dma_start3A_64 : memref<32768x16xf32, #tpu.memory_space<hbm>>) target(%arg6 : memref<128x16xf32, #tpu.memory_space<vmem>>) offsets(%dma_start3A_61 : memref<128xi32, #tpu.memory_space<vmem>>) semaphore(%arg8 : memref<!tpu.dma_semaphore, #tpu.memory_space<semaphore_mem>>)
    %dma_wait3A_65 = arith.constant 3 : i32
    %dma_wait3A_66 = arith.constant 0 : i32
    %dma_wait3A_67 = tpu.memref_slice %arg5[%dma_wait3A_65, %dma_wait3A_66] : memref<64x128xi32, #tpu.memory_space<vmem>> -> memref<1x128xi32, #tpu.memory_space<vmem>>
    %dma_wait3A_68 = tpu.memref_squeeze %dma_wait3A_67 : memref<1x128xi32, #tpu.memory_space<vmem>> -> memref<128xi32, #tpu.memory_space<vmem>>
    %dma_wait3A_69 = arith.constant 0 : i32
    %dma_wait3A_70 = arith.constant 0 : i32
    %dma_wait3A_71 = tpu.memref_slice %arg2[%dma_wait3A_69, %dma_wait3A_70] : memref<32768x16xf32, #tpu.memory_space<hbm>> -> memref<32768x16xf32, #tpu.memory_space<hbm>>
    tpu.wait_indirect_dma semaphore(%arg9 : memref<!tpu.dma_semaphore, #tpu.memory_space<semaphore_mem>>) src(%dma_wait3A_71 : memref<32768x16xf32, #tpu.memory_space<hbm>>) dst(%arg7 : memref<128x16xf32, #tpu.memory_space<vmem>>)
    %add3A_72 = arith.constant 384 : i32
    %add3A_73 = arith.addi %mul3A_2, %add3A_72 : i32
    "tpu.region"() ({
      %run_scoped3A = tpu.sem_alloc : memref<!tpu.dma_semaphore, #tpu.memory_space<semaphore_mem>>
      %dma_start3A_1027 = arith.constant 0 : i32
      %dma_start3A_1028 = tpu.memref_slice %arg4[%add3A_73, %dma_start3A_1027] : memref<262144x16xf32, #tpu.memory_space<hbm>> -> memref<128x16xf32, #tpu.memory_space<hbm>>
      %dma_start3A_1029 = arith.constant 0 : i32
      %dma_start3A_1030 = tpu.memref_slice %arg4[%add3A_73, %dma_start3A_1029] : memref<262144x16xf32, #tpu.memory_space<hbm>> -> memref<128x16xf32, #tpu.memory_space<hbm>>
      tpu.enqueue_dma source(%arg7 : memref<128x16xf32, #tpu.memory_space<vmem>>) target(%dma_start3A_1030 : memref<128x16xf32, #tpu.memory_space<hbm>>) target_semaphore(%run_scoped3A : memref<!tpu.dma_semaphore, #tpu.memory_space<semaphore_mem>>)
      %dma_wait3A_1031 = arith.constant 0 : i32
      %dma_wait3A_1032 = tpu.memref_slice %arg4[%add3A_73, %dma_wait3A_1031] : memref<262144x16xf32, #tpu.memory_space<hbm>> -> memref<128x16xf32, #tpu.memory_space<hbm>>
      %dma_wait3A_1033 = arith.constant 0 : i32
      %dma_wait3A_1034 = tpu.memref_slice %arg4[%add3A_73, %dma_wait3A_1033] : memref<262144x16xf32, #tpu.memory_space<hbm>> -> memref<128x16xf32, #tpu.memory_space<hbm>>
      tpu.wait_dma2 semaphore(%run_scoped3A : memref<!tpu.dma_semaphore, #tpu.memory_space<semaphore_mem>>) src(%arg7 : memref<128x16xf32, #tpu.memory_space<vmem>>) dst(%dma_wait3A_1034 : memref<128x16xf32, #tpu.memory_space<hbm>>)
      tpu.yield
    }) : () -> ()
    %dma_start3A_74 = arith.constant 5 : i32
    %dma_start3A_75 = arith.constant 0 : i32
    %dma_start3A_76 = tpu.memref_slice %arg5[%dma_start3A_74, %dma_start3A_75] : memref<64x128xi32, #tpu.memory_space<vmem>> -> memref<1x128xi32, #tpu.memory_space<vmem>>
    %dma_start3A_77 = tpu.memref_squeeze %dma_start3A_76 : memref<1x128xi32, #tpu.memory_space<vmem>> -> memref<128xi32, #tpu.memory_space<vmem>>
    %dma_start3A_78 = arith.constant 0 : i32
    %dma_start3A_79 = arith.constant 0 : i32
    %dma_start3A_80 = tpu.memref_slice %arg2[%dma_start3A_78, %dma_start3A_79] : memref<32768x16xf32, #tpu.memory_space<hbm>> -> memref<32768x16xf32, #tpu.memory_space<hbm>>
    tpu.enqueue_indirect_dma source(%dma_start3A_80 : memref<32768x16xf32, #tpu.memory_space<hbm>>) target(%arg7 : memref<128x16xf32, #tpu.memory_space<vmem>>) offsets(%dma_start3A_77 : memref<128xi32, #tpu.memory_space<vmem>>) semaphore(%arg9 : memref<!tpu.dma_semaphore, #tpu.memory_space<semaphore_mem>>)
    %dma_wait3A_81 = arith.constant 4 : i32
    %dma_wait3A_82 = arith.constant 0 : i32
    %dma_wait3A_83 = tpu.memref_slice %arg5[%dma_wait3A_81, %dma_wait3A_82] : memref<64x128xi32, #tpu.memory_space<vmem>> -> memref<1x128xi32, #tpu.memory_space<vmem>>
    %dma_wait3A_84 = tpu.memref_squeeze %dma_wait3A_83 : memref<1x128xi32, #tpu.memory_space<vmem>> -> memref<128xi32, #tpu.memory_space<vmem>>
    %dma_wait3A_85 = arith.constant 0 : i32
    %dma_wait3A_86 = arith.constant 0 : i32
    %dma_wait3A_87 = tpu.memref_slice %arg2[%dma_wait3A_85, %dma_wait3A_86] : memref<32768x16xf32, #tpu.memory_space<hbm>> -> memref<32768x16xf32, #tpu.memory_space<hbm>>
    tpu.wait_indirect_dma semaphore(%arg8 : memref<!tpu.dma_semaphore, #tpu.memory_space<semaphore_mem>>) src(%dma_wait3A_87 : memref<32768x16xf32, #tpu.memory_space<hbm>>) dst(%arg6 : memref<128x16xf32, #tpu.memory_space<vmem>>)
    %add3A_88 = arith.constant 512 : i32
    %add3A_89 = arith.addi %mul3A_2, %add3A_88 : i32
    "tpu.region"() ({
      %run_scoped3A = tpu.sem_alloc : memref<!tpu.dma_semaphore, #tpu.memory_space<semaphore_mem>>
      %dma_start3A_1027 = arith.constant 0 : i32
      %dma_start3A_1028 = tpu.memref_slice %arg4[%add3A_89, %dma_start3A_1027] : memref<262144x16xf32, #tpu.memory_space<hbm>> -> memref<128x16xf32, #tpu.memory_space<hbm>>
      %dma_start3A_1029 = arith.constant 0 : i32
      %dma_start3A_1030 = tpu.memref_slice %arg4[%add3A_89, %dma_start3A_1029] : memref<262144x16xf32, #tpu.memory_space<hbm>> -> memref<128x16xf32, #tpu.memory_space<hbm>>
      tpu.enqueue_dma source(%arg6 : memref<128x16xf32, #tpu.memory_space<vmem>>) target(%dma_start3A_1030 : memref<128x16xf32, #tpu.memory_space<hbm>>) target_semaphore(%run_scoped3A : memref<!tpu.dma_semaphore, #tpu.memory_space<semaphore_mem>>)
      %dma_wait3A_1031 = arith.constant 0 : i32
      %dma_wait3A_1032 = tpu.memref_slice %arg4[%add3A_89, %dma_wait3A_1031] : memref<262144x16xf32, #tpu.memory_space<hbm>> -> memref<128x16xf32, #tpu.memory_space<hbm>>
      %dma_wait3A_1033 = arith.constant 0 : i32
      %dma_wait3A_1034 = tpu.memref_slice %arg4[%add3A_89, %dma_wait3A_1033] : memref<262144x16xf32, #tpu.memory_space<hbm>> -> memref<128x16xf32, #tpu.memory_space<hbm>>
      tpu.wait_dma2 semaphore(%run_scoped3A : memref<!tpu.dma_semaphore, #tpu.memory_space<semaphore_mem>>) src(%arg6 : memref<128x16xf32, #tpu.memory_space<vmem>>) dst(%dma_wait3A_1034 : memref<128x16xf32, #tpu.memory_space<hbm>>)
      tpu.yield
    }) : () -> ()
    %dma_start3A_90 = arith.constant 6 : i32
    %dma_start3A_91 = arith.constant 0 : i32
    %dma_start3A_92 = tpu.memref_slice %arg5[%dma_start3A_90, %dma_start3A_91] : memref<64x128xi32, #tpu.memory_space<vmem>> -> memref<1x128xi32, #tpu.memory_space<vmem>>
    %dma_start3A_93 = tpu.memref_squeeze %dma_start3A_92 : memref<1x128xi32, #tpu.memory_space<vmem>> -> memref<128xi32, #tpu.memory_space<vmem>>
    %dma_start3A_94 = arith.constant 0 : i32
    %dma_start3A_95 = arith.constant 0 : i32
    %dma_start3A_96 = tpu.memref_slice %arg2[%dma_start3A_94, %dma_start3A_95] : memref<32768x16xf32, #tpu.memory_space<hbm>> -> memref<32768x16xf32, #tpu.memory_space<hbm>>
    tpu.enqueue_indirect_dma source(%dma_start3A_96 : memref<32768x16xf32, #tpu.memory_space<hbm>>) target(%arg6 : memref<128x16xf32, #tpu.memory_space<vmem>>) offsets(%dma_start3A_93 : memref<128xi32, #tpu.memory_space<vmem>>) semaphore(%arg8 : memref<!tpu.dma_semaphore, #tpu.memory_space<semaphore_mem>>)
    %dma_wait3A_97 = arith.constant 5 : i32
    %dma_wait3A_98 = arith.constant 0 : i32
    %dma_wait3A_99 = tpu.memref_slice %arg5[%dma_wait3A_97, %dma_wait3A_98] : memref<64x128xi32, #tpu.memory_space<vmem>> -> memref<1x128xi32, #tpu.memory_space<vmem>>
    %dma_wait3A_100 = tpu.memref_squeeze %dma_wait3A_99 : memref<1x128xi32, #tpu.memory_space<vmem>> -> memref<128xi32, #tpu.memory_space<vmem>>
    %dma_wait3A_101 = arith.constant 0 : i32
    %dma_wait3A_102 = arith.constant 0 : i32
    %dma_wait3A_103 = tpu.memref_slice %arg2[%dma_wait3A_101, %dma_wait3A_102] : memref<32768x16xf32, #tpu.memory_space<hbm>> -> memref<32768x16xf32, #tpu.memory_space<hbm>>
    tpu.wait_indirect_dma semaphore(%arg9 : memref<!tpu.dma_semaphore, #tpu.memory_space<semaphore_mem>>) src(%dma_wait3A_103 : memref<32768x16xf32, #tpu.memory_space<hbm>>) dst(%arg7 : memref<128x16xf32, #tpu.memory_space<vmem>>)
    %add3A_104 = arith.constant 640 : i32
    %add3A_105 = arith.addi %mul3A_2, %add3A_104 : i32
    "tpu.region"() ({
      %run_scoped3A = tpu.sem_alloc : memref<!tpu.dma_semaphore, #tpu.memory_space<semaphore_mem>>
      %dma_start3A_1027 = arith.constant 0 : i32
      %dma_start3A_1028 = tpu.memref_slice %arg4[%add3A_105, %dma_start3A_1027] : memref<262144x16xf32, #tpu.memory_space<hbm>> -> memref<128x16xf32, #tpu.memory_space<hbm>>
      %dma_start3A_1029 = arith.constant 0 : i32
      %dma_start3A_1030 = tpu.memref_slice %arg4[%add3A_105, %dma_start3A_1029] : memref<262144x16xf32, #tpu.memory_space<hbm>> -> memref<128x16xf32, #tpu.memory_space<hbm>>
      tpu.enqueue_dma source(%arg7 : memref<128x16xf32, #tpu.memory_space<vmem>>) target(%dma_start3A_1030 : memref<128x16xf32, #tpu.memory_space<hbm>>) target_semaphore(%run_scoped3A : memref<!tpu.dma_semaphore, #tpu.memory_space<semaphore_mem>>)
      %dma_wait3A_1031 = arith.constant 0 : i32
      %dma_wait3A_1032 = tpu.memref_slice %arg4[%add3A_105, %dma_wait3A_1031] : memref<262144x16xf32, #tpu.memory_space<hbm>> -> memref<128x16xf32, #tpu.memory_space<hbm>>
      %dma_wait3A_1033 = arith.constant 0 : i32
      %dma_wait3A_1034 = tpu.memref_slice %arg4[%add3A_105, %dma_wait3A_1033] : memref<262144x16xf32, #tpu.memory_space<hbm>> -> memref<128x16xf32, #tpu.memory_space<hbm>>
      tpu.wait_dma2 semaphore(%run_scoped3A : memref<!tpu.dma_semaphore, #tpu.memory_space<semaphore_mem>>) src(%arg7 : memref<128x16xf32, #tpu.memory_space<vmem>>) dst(%dma_wait3A_1034 : memref<128x16xf32, #tpu.memory_space<hbm>>)
      tpu.yield
    }) : () -> ()
    %dma_start3A_106 = arith.constant 7 : i32
    %dma_start3A_107 = arith.constant 0 : i32
    %dma_start3A_108 = tpu.memref_slice %arg5[%dma_start3A_106, %dma_start3A_107] : memref<64x128xi32, #tpu.memory_space<vmem>> -> memref<1x128xi32, #tpu.memory_space<vmem>>
    %dma_start3A_109 = tpu.memref_squeeze %dma_start3A_108 : memref<1x128xi32, #tpu.memory_space<vmem>> -> memref<128xi32, #tpu.memory_space<vmem>>
    %dma_start3A_110 = arith.constant 0 : i32
    %dma_start3A_111 = arith.constant 0 : i32
    %dma_start3A_112 = tpu.memref_slice %arg2[%dma_start3A_110, %dma_start3A_111] : memref<32768x16xf32, #tpu.memory_space<hbm>> -> memref<32768x16xf32, #tpu.memory_space<hbm>>
    tpu.enqueue_indirect_dma source(%dma_start3A_112 : memref<32768x16xf32, #tpu.memory_space<hbm>>) target(%arg7 : memref<128x16xf32, #tpu.memory_space<vmem>>) offsets(%dma_start3A_109 : memref<128xi32, #tpu.memory_space<vmem>>) semaphore(%arg9 : memref<!tpu.dma_semaphore, #tpu.memory_space<semaphore_mem>>)
    %dma_wait3A_113 = arith.constant 6 : i32
    %dma_wait3A_114 = arith.constant 0 : i32
    %dma_wait3A_115 = tpu.memref_slice %arg5[%dma_wait3A_113, %dma_wait3A_114] : memref<64x128xi32, #tpu.memory_space<vmem>> -> memref<1x128xi32, #tpu.memory_space<vmem>>
    %dma_wait3A_116 = tpu.memref_squeeze %dma_wait3A_115 : memref<1x128xi32, #tpu.memory_space<vmem>> -> memref<128xi32, #tpu.memory_space<vmem>>
    %dma_wait3A_117 = arith.constant 0 : i32
    %dma_wait3A_118 = arith.constant 0 : i32
    %dma_wait3A_119 = tpu.memref_slice %arg2[%dma_wait3A_117, %dma_wait3A_118] : memref<32768x16xf32, #tpu.memory_space<hbm>> -> memref<32768x16xf32, #tpu.memory_space<hbm>>
    tpu.wait_indirect_dma semaphore(%arg8 : memref<!tpu.dma_semaphore, #tpu.memory_space<semaphore_mem>>) src(%dma_wait3A_119 : memref<32768x16xf32, #tpu.memory_space<hbm>>) dst(%arg6 : memref<128x16xf32, #tpu.memory_space<vmem>>)
    %add3A_120 = arith.constant 768 : i32
    %add3A_121 = arith.addi %mul3A_2, %add3A_120 : i32
    "tpu.region"() ({
      %run_scoped3A = tpu.sem_alloc : memref<!tpu.dma_semaphore, #tpu.memory_space<semaphore_mem>>
      %dma_start3A_1027 = arith.constant 0 : i32
      %dma_start3A_1028 = tpu.memref_slice %arg4[%add3A_121, %dma_start3A_1027] : memref<262144x16xf32, #tpu.memory_space<hbm>> -> memref<128x16xf32, #tpu.memory_space<hbm>>
      %dma_start3A_1029 = arith.constant 0 : i32
      %dma_start3A_1030 = tpu.memref_slice %arg4[%add3A_121, %dma_start3A_1029] : memref<262144x16xf32, #tpu.memory_space<hbm>> -> memref<128x16xf32, #tpu.memory_space<hbm>>
      tpu.enqueue_dma source(%arg6 : memref<128x16xf32, #tpu.memory_space<vmem>>) target(%dma_start3A_1030 : memref<128x16xf32, #tpu.memory_space<hbm>>) target_semaphore(%run_scoped3A : memref<!tpu.dma_semaphore, #tpu.memory_space<semaphore_mem>>)
      %dma_wait3A_1031 = arith.constant 0 : i32
      %dma_wait3A_1032 = tpu.memref_slice %arg4[%add3A_121, %dma_wait3A_1031] : memref<262144x16xf32, #tpu.memory_space<hbm>> -> memref<128x16xf32, #tpu.memory_space<hbm>>
      %dma_wait3A_1033 = arith.constant 0 : i32
      %dma_wait3A_1034 = tpu.memref_slice %arg4[%add3A_121, %dma_wait3A_1033] : memref<262144x16xf32, #tpu.memory_space<hbm>> -> memref<128x16xf32, #tpu.memory_space<hbm>>
      tpu.wait_dma2 semaphore(%run_scoped3A : memref<!tpu.dma_semaphore, #tpu.memory_space<semaphore_mem>>) src(%arg6 : memref<128x16xf32, #tpu.memory_space<vmem>>) dst(%dma_wait3A_1034 : memref<128x16xf32, #tpu.memory_space<hbm>>)
      tpu.yield
    }) : () -> ()
    %dma_start3A_122 = arith.constant 8 : i32
    %dma_start3A_123 = arith.constant 0 : i32
    %dma_start3A_124 = tpu.memref_slice %arg5[%dma_start3A_122, %dma_start3A_123] : memref<64x128xi32, #tpu.memory_space<vmem>> -> memref<1x128xi32, #tpu.memory_space<vmem>>
    %dma_start3A_125 = tpu.memref_squeeze %dma_start3A_124 : memref<1x128xi32, #tpu.memory_space<vmem>> -> memref<128xi32, #tpu.memory_space<vmem>>
    %dma_start3A_126 = arith.constant 0 : i32
    %dma_start3A_127 = arith.constant 0 : i32
    %dma_start3A_128 = tpu.memref_slice %arg2[%dma_start3A_126, %dma_start3A_127] : memref<32768x16xf32, #tpu.memory_space<hbm>> -> memref<32768x16xf32, #tpu.memory_space<hbm>>
    tpu.enqueue_indirect_dma source(%dma_start3A_128 : memref<32768x16xf32, #tpu.memory_space<hbm>>) target(%arg6 : memref<128x16xf32, #tpu.memory_space<vmem>>) offsets(%dma_start3A_125 : memref<128xi32, #tpu.memory_space<vmem>>) semaphore(%arg8 : memref<!tpu.dma_semaphore, #tpu.memory_space<semaphore_mem>>)
    %dma_wait3A_129 = arith.constant 7 : i32
    %dma_wait3A_130 = arith.constant 0 : i32
    %dma_wait3A_131 = tpu.memref_slice %arg5[%dma_wait3A_129, %dma_wait3A_130] : memref<64x128xi32, #tpu.memory_space<vmem>> -> memref<1x128xi32, #tpu.memory_space<vmem>>
    %dma_wait3A_132 = tpu.memref_squeeze %dma_wait3A_131 : memref<1x128xi32, #tpu.memory_space<vmem>> -> memref<128xi32, #tpu.memory_space<vmem>>
    %dma_wait3A_133 = arith.constant 0 : i32
    %dma_wait3A_134 = arith.constant 0 : i32
    %dma_wait3A_135 = tpu.memref_slice %arg2[%dma_wait3A_133, %dma_wait3A_134] : memref<32768x16xf32, #tpu.memory_space<hbm>> -> memref<32768x16xf32, #tpu.memory_space<hbm>>
    tpu.wait_indirect_dma semaphore(%arg9 : memref<!tpu.dma_semaphore, #tpu.memory_space<semaphore_mem>>) src(%dma_wait3A_135 : memref<32768x16xf32, #tpu.memory_space<hbm>>) dst(%arg7 : memref<128x16xf32, #tpu.memory_space<vmem>>)
    %add3A_136 = arith.constant 896 : i32
    %add3A_137 = arith.addi %mul3A_2, %add3A_136 : i32
    "tpu.region"() ({
      %run_scoped3A = tpu.sem_alloc : memref<!tpu.dma_semaphore, #tpu.memory_space<semaphore_mem>>
      %dma_start3A_1027 = arith.constant 0 : i32
      %dma_start3A_1028 = tpu.memref_slice %arg4[%add3A_137, %dma_start3A_1027] : memref<262144x16xf32, #tpu.memory_space<hbm>> -> memref<128x16xf32, #tpu.memory_space<hbm>>
      %dma_start3A_1029 = arith.constant 0 : i32
      %dma_start3A_1030 = tpu.memref_slice %arg4[%add3A_137, %dma_start3A_1029] : memref<262144x16xf32, #tpu.memory_space<hbm>> -> memref<128x16xf32, #tpu.memory_space<hbm>>
      tpu.enqueue_dma source(%arg7 : memref<128x16xf32, #tpu.memory_space<vmem>>) target(%dma_start3A_1030 : memref<128x16xf32, #tpu.memory_space<hbm>>) target_semaphore(%run_scoped3A : memref<!tpu.dma_semaphore, #tpu.memory_space<semaphore_mem>>)
      %dma_wait3A_1031 = arith.constant 0 : i32
      %dma_wait3A_1032 = tpu.memref_slice %arg4[%add3A_137, %dma_wait3A_1031] : memref<262144x16xf32, #tpu.memory_space<hbm>> -> memref<128x16xf32, #tpu.memory_space<hbm>>
      %dma_wait3A_1033 = arith.constant 0 : i32
      %dma_wait3A_1034 = tpu.memref_slice %arg4[%add3A_137, %dma_wait3A_1033] : memref<262144x16xf32, #tpu.memory_space<hbm>> -> memref<128x16xf32, #tpu.memory_space<hbm>>
      tpu.wait_dma2 semaphore(%run_scoped3A : memref<!tpu.dma_semaphore, #tpu.memory_space<semaphore_mem>>) src(%arg7 : memref<128x16xf32, #tpu.memory_space<vmem>>) dst(%dma_wait3A_1034 : memref<128x16xf32, #tpu.memory_space<hbm>>)
      tpu.yield
    }) : () -> ()
    %dma_start3A_138 = arith.constant 9 : i32
    %dma_start3A_139 = arith.constant 0 : i32
    %dma_start3A_140 = tpu.memref_slice %arg5[%dma_start3A_138, %dma_start3A_139] : memref<64x128xi32, #tpu.memory_space<vmem>> -> memref<1x128xi32, #tpu.memory_space<vmem>>
    %dma_start3A_141 = tpu.memref_squeeze %dma_start3A_140 : memref<1x128xi32, #tpu.memory_space<vmem>> -> memref<128xi32, #tpu.memory_space<vmem>>
    %dma_start3A_142 = arith.constant 0 : i32
    %dma_start3A_143 = arith.constant 0 : i32
    %dma_start3A_144 = tpu.memref_slice %arg2[%dma_start3A_142, %dma_start3A_143] : memref<32768x16xf32, #tpu.memory_space<hbm>> -> memref<32768x16xf32, #tpu.memory_space<hbm>>
    tpu.enqueue_indirect_dma source(%dma_start3A_144 : memref<32768x16xf32, #tpu.memory_space<hbm>>) target(%arg7 : memref<128x16xf32, #tpu.memory_space<vmem>>) offsets(%dma_start3A_141 : memref<128xi32, #tpu.memory_space<vmem>>) semaphore(%arg9 : memref<!tpu.dma_semaphore, #tpu.memory_space<semaphore_mem>>)
    %dma_wait3A_145 = arith.constant 8 : i32
    %dma_wait3A_146 = arith.constant 0 : i32
    %dma_wait3A_147 = tpu.memref_slice %arg5[%dma_wait3A_145, %dma_wait3A_146] : memref<64x128xi32, #tpu.memory_space<vmem>> -> memref<1x128xi32, #tpu.memory_space<vmem>>
    %dma_wait3A_148 = tpu.memref_squeeze %dma_wait3A_147 : memref<1x128xi32, #tpu.memory_space<vmem>> -> memref<128xi32, #tpu.memory_space<vmem>>
    %dma_wait3A_149 = arith.constant 0 : i32
    %dma_wait3A_150 = arith.constant 0 : i32
    %dma_wait3A_151 = tpu.memref_slice %arg2[%dma_wait3A_149, %dma_wait3A_150] : memref<32768x16xf32, #tpu.memory_space<hbm>> -> memref<32768x16xf32, #tpu.memory_space<hbm>>
    tpu.wait_indirect_dma semaphore(%arg8 : memref<!tpu.dma_semaphore, #tpu.memory_space<semaphore_mem>>) src(%dma_wait3A_151 : memref<32768x16xf32, #tpu.memory_space<hbm>>) dst(%arg6 : memref<128x16xf32, #tpu.memory_space<vmem>>)
    %add3A_152 = arith.constant 1024 : i32
    %add3A_153 = arith.addi %mul3A_2, %add3A_152 : i32
    "tpu.region"() ({
      %run_scoped3A = tpu.sem_alloc : memref<!tpu.dma_semaphore, #tpu.memory_space<semaphore_mem>>
      %dma_start3A_1027 = arith.constant 0 : i32
      %dma_start3A_1028 = tpu.memref_slice %arg4[%add3A_153, %dma_start3A_1027] : memref<262144x16xf32, #tpu.memory_space<hbm>> -> memref<128x16xf32, #tpu.memory_space<hbm>>
      %dma_start3A_1029 = arith.constant 0 : i32
      %dma_start3A_1030 = tpu.memref_slice %arg4[%add3A_153, %dma_start3A_1029] : memref<262144x16xf32, #tpu.memory_space<hbm>> -> memref<128x16xf32, #tpu.memory_space<hbm>>
      tpu.enqueue_dma source(%arg6 : memref<128x16xf32, #tpu.memory_space<vmem>>) target(%dma_start3A_1030 : memref<128x16xf32, #tpu.memory_space<hbm>>) target_semaphore(%run_scoped3A : memref<!tpu.dma_semaphore, #tpu.memory_space<semaphore_mem>>)
      %dma_wait3A_1031 = arith.constant 0 : i32
      %dma_wait3A_1032 = tpu.memref_slice %arg4[%add3A_153, %dma_wait3A_1031] : memref<262144x16xf32, #tpu.memory_space<hbm>> -> memref<128x16xf32, #tpu.memory_space<hbm>>
      %dma_wait3A_1033 = arith.constant 0 : i32
      %dma_wait3A_1034 = tpu.memref_slice %arg4[%add3A_153, %dma_wait3A_1033] : memref<262144x16xf32, #tpu.memory_space<hbm>> -> memref<128x16xf32, #tpu.memory_space<hbm>>
      tpu.wait_dma2 semaphore(%run_scoped3A : memref<!tpu.dma_semaphore, #tpu.memory_space<semaphore_mem>>) src(%arg6 : memref<128x16xf32, #tpu.memory_space<vmem>>) dst(%dma_wait3A_1034 : memref<128x16xf32, #tpu.memory_space<hbm>>)
      tpu.yield
    }) : () -> ()
    %dma_start3A_154 = arith.constant 10 : i32
    %dma_start3A_155 = arith.constant 0 : i32
    %dma_start3A_156 = tpu.memref_slice %arg5[%dma_start3A_154, %dma_start3A_155] : memref<64x128xi32, #tpu.memory_space<vmem>> -> memref<1x128xi32, #tpu.memory_space<vmem>>
    %dma_start3A_157 = tpu.memref_squeeze %dma_start3A_156 : memref<1x128xi32, #tpu.memory_space<vmem>> -> memref<128xi32, #tpu.memory_space<vmem>>
    %dma_start3A_158 = arith.constant 0 : i32
    %dma_start3A_159 = arith.constant 0 : i32
    %dma_start3A_160 = tpu.memref_slice %arg2[%dma_start3A_158, %dma_start3A_159] : memref<32768x16xf32, #tpu.memory_space<hbm>> -> memref<32768x16xf32, #tpu.memory_space<hbm>>
    tpu.enqueue_indirect_dma source(%dma_start3A_160 : memref<32768x16xf32, #tpu.memory_space<hbm>>) target(%arg6 : memref<128x16xf32, #tpu.memory_space<vmem>>) offsets(%dma_start3A_157 : memref<128xi32, #tpu.memory_space<vmem>>) semaphore(%arg8 : memref<!tpu.dma_semaphore, #tpu.memory_space<semaphore_mem>>)
    %dma_wait3A_161 = arith.constant 9 : i32
    %dma_wait3A_162 = arith.constant 0 : i32
    %dma_wait3A_163 = tpu.memref_slice %arg5[%dma_wait3A_161, %dma_wait3A_162] : memref<64x128xi32, #tpu.memory_space<vmem>> -> memref<1x128xi32, #tpu.memory_space<vmem>>
    %dma_wait3A_164 = tpu.memref_squeeze %dma_wait3A_163 : memref<1x128xi32, #tpu.memory_space<vmem>> -> memref<128xi32, #tpu.memory_space<vmem>>
    %dma_wait3A_165 = arith.constant 0 : i32
    %dma_wait3A_166 = arith.constant 0 : i32
    %dma_wait3A_167 = tpu.memref_slice %arg2[%dma_wait3A_165, %dma_wait3A_166] : memref<32768x16xf32, #tpu.memory_space<hbm>> -> memref<32768x16xf32, #tpu.memory_space<hbm>>
    tpu.wait_indirect_dma semaphore(%arg9 : memref<!tpu.dma_semaphore, #tpu.memory_space<semaphore_mem>>) src(%dma_wait3A_167 : memref<32768x16xf32, #tpu.memory_space<hbm>>) dst(%arg7 : memref<128x16xf32, #tpu.memory_space<vmem>>)
    %add3A_168 = arith.constant 1152 : i32
    %add3A_169 = arith.addi %mul3A_2, %add3A_168 : i32
    "tpu.region"() ({
      %run_scoped3A = tpu.sem_alloc : memref<!tpu.dma_semaphore, #tpu.memory_space<semaphore_mem>>
      %dma_start3A_1027 = arith.constant 0 : i32
      %dma_start3A_1028 = tpu.memref_slice %arg4[%add3A_169, %dma_start3A_1027] : memref<262144x16xf32, #tpu.memory_space<hbm>> -> memref<128x16xf32, #tpu.memory_space<hbm>>
      %dma_start3A_1029 = arith.constant 0 : i32
      %dma_start3A_1030 = tpu.memref_slice %arg4[%add3A_169, %dma_start3A_1029] : memref<262144x16xf32, #tpu.memory_space<hbm>> -> memref<128x16xf32, #tpu.memory_space<hbm>>
      tpu.enqueue_dma source(%arg7 : memref<128x16xf32, #tpu.memory_space<vmem>>) target(%dma_start3A_1030 : memref<128x16xf32, #tpu.memory_space<hbm>>) target_semaphore(%run_scoped3A : memref<!tpu.dma_semaphore, #tpu.memory_space<semaphore_mem>>)
      %dma_wait3A_1031 = arith.constant 0 : i32
      %dma_wait3A_1032 = tpu.memref_slice %arg4[%add3A_169, %dma_wait3A_1031] : memref<262144x16xf32, #tpu.memory_space<hbm>> -> memref<128x16xf32, #tpu.memory_space<hbm>>
      %dma_wait3A_1033 = arith.constant 0 : i32
      %dma_wait3A_1034 = tpu.memref_slice %arg4[%add3A_169, %dma_wait3A_1033] : memref<262144x16xf32, #tpu.memory_space<hbm>> -> memref<128x16xf32, #tpu.memory_space<hbm>>
      tpu.wait_dma2 semaphore(%run_scoped3A : memref<!tpu.dma_semaphore, #tpu.memory_space<semaphore_mem>>) src(%arg7 : memref<128x16xf32, #tpu.memory_space<vmem>>) dst(%dma_wait3A_1034 : memref<128x16xf32, #tpu.memory_space<hbm>>)
      tpu.yield
    }) : () -> ()
    %dma_start3A_170 = arith.constant 11 : i32
    %dma_start3A_171 = arith.constant 0 : i32
    %dma_start3A_172 = tpu.memref_slice %arg5[%dma_start3A_170, %dma_start3A_171] : memref<64x128xi32, #tpu.memory_space<vmem>> -> memref<1x128xi32, #tpu.memory_space<vmem>>
    %dma_start3A_173 = tpu.memref_squeeze %dma_start3A_172 : memref<1x128xi32, #tpu.memory_space<vmem>> -> memref<128xi32, #tpu.memory_space<vmem>>
    %dma_start3A_174 = arith.constant 0 : i32
    %dma_start3A_175 = arith.constant 0 : i32
    %dma_start3A_176 = tpu.memref_slice %arg2[%dma_start3A_174, %dma_start3A_175] : memref<32768x16xf32, #tpu.memory_space<hbm>> -> memref<32768x16xf32, #tpu.memory_space<hbm>>
    tpu.enqueue_indirect_dma source(%dma_start3A_176 : memref<32768x16xf32, #tpu.memory_space<hbm>>) target(%arg7 : memref<128x16xf32, #tpu.memory_space<vmem>>) offsets(%dma_start3A_173 : memref<128xi32, #tpu.memory_space<vmem>>) semaphore(%arg9 : memref<!tpu.dma_semaphore, #tpu.memory_space<semaphore_mem>>)
    %dma_wait3A_177 = arith.constant 10 : i32
    %dma_wait3A_178 = arith.constant 0 : i32
    %dma_wait3A_179 = tpu.memref_slice %arg5[%dma_wait3A_177, %dma_wait3A_178] : memref<64x128xi32, #tpu.memory_space<vmem>> -> memref<1x128xi32, #tpu.memory_space<vmem>>
    %dma_wait3A_180 = tpu.memref_squeeze %dma_wait3A_179 : memref<1x128xi32, #tpu.memory_space<vmem>> -> memref<128xi32, #tpu.memory_space<vmem>>
    %dma_wait3A_181 = arith.constant 0 : i32
    %dma_wait3A_182 = arith.constant 0 : i32
    %dma_wait3A_183 = tpu.memref_slice %arg2[%dma_wait3A_181, %dma_wait3A_182] : memref<32768x16xf32, #tpu.memory_space<hbm>> -> memref<32768x16xf32, #tpu.memory_space<hbm>>
    tpu.wait_indirect_dma semaphore(%arg8 : memref<!tpu.dma_semaphore, #tpu.memory_space<semaphore_mem>>) src(%dma_wait3A_183 : memref<32768x16xf32, #tpu.memory_space<hbm>>) dst(%arg6 : memref<128x16xf32, #tpu.memory_space<vmem>>)
    %add3A_184 = arith.constant 1280 : i32
    %add3A_185 = arith.addi %mul3A_2, %add3A_184 : i32
    "tpu.region"() ({
      %run_scoped3A = tpu.sem_alloc : memref<!tpu.dma_semaphore, #tpu.memory_space<semaphore_mem>>
      %dma_start3A_1027 = arith.constant 0 : i32
      %dma_start3A_1028 = tpu.memref_slice %arg4[%add3A_185, %dma_start3A_1027] : memref<262144x16xf32, #tpu.memory_space<hbm>> -> memref<128x16xf32, #tpu.memory_space<hbm>>
      %dma_start3A_1029 = arith.constant 0 : i32
      %dma_start3A_1030 = tpu.memref_slice %arg4[%add3A_185, %dma_start3A_1029] : memref<262144x16xf32, #tpu.memory_space<hbm>> -> memref<128x16xf32, #tpu.memory_space<hbm>>
      tpu.enqueue_dma source(%arg6 : memref<128x16xf32, #tpu.memory_space<vmem>>) target(%dma_start3A_1030 : memref<128x16xf32, #tpu.memory_space<hbm>>) target_semaphore(%run_scoped3A : memref<!tpu.dma_semaphore, #tpu.memory_space<semaphore_mem>>)
      %dma_wait3A_1031 = arith.constant 0 : i32
      %dma_wait3A_1032 = tpu.memref_slice %arg4[%add3A_185, %dma_wait3A_1031] : memref<262144x16xf32, #tpu.memory_space<hbm>> -> memref<128x16xf32, #tpu.memory_space<hbm>>
      %dma_wait3A_1033 = arith.constant 0 : i32
      %dma_wait3A_1034 = tpu.memref_slice %arg4[%add3A_185, %dma_wait3A_1033] : memref<262144x16xf32, #tpu.memory_space<hbm>> -> memref<128x16xf32, #tpu.memory_space<hbm>>
      tpu.wait_dma2 semaphore(%run_scoped3A : memref<!tpu.dma_semaphore, #tpu.memory_space<semaphore_mem>>) src(%arg6 : memref<128x16xf32, #tpu.memory_space<vmem>>) dst(%dma_wait3A_1034 : memref<128x16xf32, #tpu.memory_space<hbm>>)
      tpu.yield
    }) : () -> ()
    %dma_start3A_186 = arith.constant 12 : i32
    %dma_start3A_187 = arith.constant 0 : i32
    %dma_start3A_188 = tpu.memref_slice %arg5[%dma_start3A_186, %dma_start3A_187] : memref<64x128xi32, #tpu.memory_space<vmem>> -> memref<1x128xi32, #tpu.memory_space<vmem>>
    %dma_start3A_189 = tpu.memref_squeeze %dma_start3A_188 : memref<1x128xi32, #tpu.memory_space<vmem>> -> memref<128xi32, #tpu.memory_space<vmem>>
    %dma_start3A_190 = arith.constant 0 : i32
    %dma_start3A_191 = arith.constant 0 : i32
    %dma_start3A_192 = tpu.memref_slice %arg2[%dma_start3A_190, %dma_start3A_191] : memref<32768x16xf32, #tpu.memory_space<hbm>> -> memref<32768x16xf32, #tpu.memory_space<hbm>>
    tpu.enqueue_indirect_dma source(%dma_start3A_192 : memref<32768x16xf32, #tpu.memory_space<hbm>>) target(%arg6 : memref<128x16xf32, #tpu.memory_space<vmem>>) offsets(%dma_start3A_189 : memref<128xi32, #tpu.memory_space<vmem>>) semaphore(%arg8 : memref<!tpu.dma_semaphore, #tpu.memory_space<semaphore_mem>>)
    %dma_wait3A_193 = arith.constant 11 : i32
    %dma_wait3A_194 = arith.constant 0 : i32
    %dma_wait3A_195 = tpu.memref_slice %arg5[%dma_wait3A_193, %dma_wait3A_194] : memref<64x128xi32, #tpu.memory_space<vmem>> -> memref<1x128xi32, #tpu.memory_space<vmem>>
    %dma_wait3A_196 = tpu.memref_squeeze %dma_wait3A_195 : memref<1x128xi32, #tpu.memory_space<vmem>> -> memref<128xi32, #tpu.memory_space<vmem>>
    %dma_wait3A_197 = arith.constant 0 : i32
    %dma_wait3A_198 = arith.constant 0 : i32
    %dma_wait3A_199 = tpu.memref_slice %arg2[%dma_wait3A_197, %dma_wait3A_198] : memref<32768x16xf32, #tpu.memory_space<hbm>> -> memref<32768x16xf32, #tpu.memory_space<hbm>>
    tpu.wait_indirect_dma semaphore(%arg9 : memref<!tpu.dma_semaphore, #tpu.memory_space<semaphore_mem>>) src(%dma_wait3A_199 : memref<32768x16xf32, #tpu.memory_space<hbm>>) dst(%arg7 : memref<128x16xf32, #tpu.memory_space<vmem>>)
    %add3A_200 = arith.constant 1408 : i32
    %add3A_201 = arith.addi %mul3A_2, %add3A_200 : i32
    "tpu.region"() ({
      %run_scoped3A = tpu.sem_alloc : memref<!tpu.dma_semaphore, #tpu.memory_space<semaphore_mem>>
      %dma_start3A_1027 = arith.constant 0 : i32
      %dma_start3A_1028 = tpu.memref_slice %arg4[%add3A_201, %dma_start3A_1027] : memref<262144x16xf32, #tpu.memory_space<hbm>> -> memref<128x16xf32, #tpu.memory_space<hbm>>
      %dma_start3A_1029 = arith.constant 0 : i32
      %dma_start3A_1030 = tpu.memref_slice %arg4[%add3A_201, %dma_start3A_1029] : memref<262144x16xf32, #tpu.memory_space<hbm>> -> memref<128x16xf32, #tpu.memory_space<hbm>>
      tpu.enqueue_dma source(%arg7 : memref<128x16xf32, #tpu.memory_space<vmem>>) target(%dma_start3A_1030 : memref<128x16xf32, #tpu.memory_space<hbm>>) target_semaphore(%run_scoped3A : memref<!tpu.dma_semaphore, #tpu.memory_space<semaphore_mem>>)
      %dma_wait3A_1031 = arith.constant 0 : i32
      %dma_wait3A_1032 = tpu.memref_slice %arg4[%add3A_201, %dma_wait3A_1031] : memref<262144x16xf32, #tpu.memory_space<hbm>> -> memref<128x16xf32, #tpu.memory_space<hbm>>
      %dma_wait3A_1033 = arith.constant 0 : i32
      %dma_wait3A_1034 = tpu.memref_slice %arg4[%add3A_201, %dma_wait3A_1033] : memref<262144x16xf32, #tpu.memory_space<hbm>> -> memref<128x16xf32, #tpu.memory_space<hbm>>
      tpu.wait_dma2 semaphore(%run_scoped3A : memref<!tpu.dma_semaphore, #tpu.memory_space<semaphore_mem>>) src(%arg7 : memref<128x16xf32, #tpu.memory_space<vmem>>) dst(%dma_wait3A_1034 : memref<128x16xf32, #tpu.memory_space<hbm>>)
      tpu.yield
    }) : () -> ()
    %dma_start3A_202 = arith.constant 13 : i32
    %dma_start3A_203 = arith.constant 0 : i32
    %dma_start3A_204 = tpu.memref_slice %arg5[%dma_start3A_202, %dma_start3A_203] : memref<64x128xi32, #tpu.memory_space<vmem>> -> memref<1x128xi32, #tpu.memory_space<vmem>>
    %dma_start3A_205 = tpu.memref_squeeze %dma_start3A_204 : memref<1x128xi32, #tpu.memory_space<vmem>> -> memref<128xi32, #tpu.memory_space<vmem>>
    %dma_start3A_206 = arith.constant 0 : i32
    %dma_start3A_207 = arith.constant 0 : i32
    %dma_start3A_208 = tpu.memref_slice %arg2[%dma_start3A_206, %dma_start3A_207] : memref<32768x16xf32, #tpu.memory_space<hbm>> -> memref<32768x16xf32, #tpu.memory_space<hbm>>
    tpu.enqueue_indirect_dma source(%dma_start3A_208 : memref<32768x16xf32, #tpu.memory_space<hbm>>) target(%arg7 : memref<128x16xf32, #tpu.memory_space<vmem>>) offsets(%dma_start3A_205 : memref<128xi32, #tpu.memory_space<vmem>>) semaphore(%arg9 : memref<!tpu.dma_semaphore, #tpu.memory_space<semaphore_mem>>)
    %dma_wait3A_209 = arith.constant 12 : i32
    %dma_wait3A_210 = arith.constant 0 : i32
    %dma_wait3A_211 = tpu.memref_slice %arg5[%dma_wait3A_209, %dma_wait3A_210] : memref<64x128xi32, #tpu.memory_space<vmem>> -> memref<1x128xi32, #tpu.memory_space<vmem>>
    %dma_wait3A_212 = tpu.memref_squeeze %dma_wait3A_211 : memref<1x128xi32, #tpu.memory_space<vmem>> -> memref<128xi32, #tpu.memory_space<vmem>>
    %dma_wait3A_213 = arith.constant 0 : i32
    %dma_wait3A_214 = arith.constant 0 : i32
    %dma_wait3A_215 = tpu.memref_slice %arg2[%dma_wait3A_213, %dma_wait3A_214] : memref<32768x16xf32, #tpu.memory_space<hbm>> -> memref<32768x16xf32, #tpu.memory_space<hbm>>
    tpu.wait_indirect_dma semaphore(%arg8 : memref<!tpu.dma_semaphore, #tpu.memory_space<semaphore_mem>>) src(%dma_wait3A_215 : memref<32768x16xf32, #tpu.memory_space<hbm>>) dst(%arg6 : memref<128x16xf32, #tpu.memory_space<vmem>>)
    %add3A_216 = arith.constant 1536 : i32
    %add3A_217 = arith.addi %mul3A_2, %add3A_216 : i32
    "tpu.region"() ({
      %run_scoped3A = tpu.sem_alloc : memref<!tpu.dma_semaphore, #tpu.memory_space<semaphore_mem>>
      %dma_start3A_1027 = arith.constant 0 : i32
      %dma_start3A_1028 = tpu.memref_slice %arg4[%add3A_217, %dma_start3A_1027] : memref<262144x16xf32, #tpu.memory_space<hbm>> -> memref<128x16xf32, #tpu.memory_space<hbm>>
      %dma_start3A_1029 = arith.constant 0 : i32
      %dma_start3A_1030 = tpu.memref_slice %arg4[%add3A_217, %dma_start3A_1029] : memref<262144x16xf32, #tpu.memory_space<hbm>> -> memref<128x16xf32, #tpu.memory_space<hbm>>
      tpu.enqueue_dma source(%arg6 : memref<128x16xf32, #tpu.memory_space<vmem>>) target(%dma_start3A_1030 : memref<128x16xf32, #tpu.memory_space<hbm>>) target_semaphore(%run_scoped3A : memref<!tpu.dma_semaphore, #tpu.memory_space<semaphore_mem>>)
      %dma_wait3A_1031 = arith.constant 0 : i32
      %dma_wait3A_1032 = tpu.memref_slice %arg4[%add3A_217, %dma_wait3A_1031] : memref<262144x16xf32, #tpu.memory_space<hbm>> -> memref<128x16xf32, #tpu.memory_space<hbm>>
      %dma_wait3A_1033 = arith.constant 0 : i32
      %dma_wait3A_1034 = tpu.memref_slice %arg4[%add3A_217, %dma_wait3A_1033] : memref<262144x16xf32, #tpu.memory_space<hbm>> -> memref<128x16xf32, #tpu.memory_space<hbm>>
      tpu.wait_dma2 semaphore(%run_scoped3A : memref<!tpu.dma_semaphore, #tpu.memory_space<semaphore_mem>>) src(%arg6 : memref<128x16xf32, #tpu.memory_space<vmem>>) dst(%dma_wait3A_1034 : memref<128x16xf32, #tpu.memory_space<hbm>>)
      tpu.yield
    }) : () -> ()
    %dma_start3A_218 = arith.constant 14 : i32
    %dma_start3A_219 = arith.constant 0 : i32
    %dma_start3A_220 = tpu.memref_slice %arg5[%dma_start3A_218, %dma_start3A_219] : memref<64x128xi32, #tpu.memory_space<vmem>> -> memref<1x128xi32, #tpu.memory_space<vmem>>
    %dma_start3A_221 = tpu.memref_squeeze %dma_start3A_220 : memref<1x128xi32, #tpu.memory_space<vmem>> -> memref<128xi32, #tpu.memory_space<vmem>>
    %dma_start3A_222 = arith.constant 0 : i32
    %dma_start3A_223 = arith.constant 0 : i32
    %dma_start3A_224 = tpu.memref_slice %arg2[%dma_start3A_222, %dma_start3A_223] : memref<32768x16xf32, #tpu.memory_space<hbm>> -> memref<32768x16xf32, #tpu.memory_space<hbm>>
    tpu.enqueue_indirect_dma source(%dma_start3A_224 : memref<32768x16xf32, #tpu.memory_space<hbm>>) target(%arg6 : memref<128x16xf32, #tpu.memory_space<vmem>>) offsets(%dma_start3A_221 : memref<128xi32, #tpu.memory_space<vmem>>) semaphore(%arg8 : memref<!tpu.dma_semaphore, #tpu.memory_space<semaphore_mem>>)
    %dma_wait3A_225 = arith.constant 13 : i32
    %dma_wait3A_226 = arith.constant 0 : i32
    %dma_wait3A_227 = tpu.memref_slice %arg5[%dma_wait3A_225, %dma_wait3A_226] : memref<64x128xi32, #tpu.memory_space<vmem>> -> memref<1x128xi32, #tpu.memory_space<vmem>>
    %dma_wait3A_228 = tpu.memref_squeeze %dma_wait3A_227 : memref<1x128xi32, #tpu.memory_space<vmem>> -> memref<128xi32, #tpu.memory_space<vmem>>
    %dma_wait3A_229 = arith.constant 0 : i32
    %dma_wait3A_230 = arith.constant 0 : i32
    %dma_wait3A_231 = tpu.memref_slice %arg2[%dma_wait3A_229, %dma_wait3A_230] : memref<32768x16xf32, #tpu.memory_space<hbm>> -> memref<32768x16xf32, #tpu.memory_space<hbm>>
    tpu.wait_indirect_dma semaphore(%arg9 : memref<!tpu.dma_semaphore, #tpu.memory_space<semaphore_mem>>) src(%dma_wait3A_231 : memref<32768x16xf32, #tpu.memory_space<hbm>>) dst(%arg7 : memref<128x16xf32, #tpu.memory_space<vmem>>)
    %add3A_232 = arith.constant 1664 : i32
    %add3A_233 = arith.addi %mul3A_2, %add3A_232 : i32
    "tpu.region"() ({
      %run_scoped3A = tpu.sem_alloc : memref<!tpu.dma_semaphore, #tpu.memory_space<semaphore_mem>>
      %dma_start3A_1027 = arith.constant 0 : i32
      %dma_start3A_1028 = tpu.memref_slice %arg4[%add3A_233, %dma_start3A_1027] : memref<262144x16xf32, #tpu.memory_space<hbm>> -> memref<128x16xf32, #tpu.memory_space<hbm>>
      %dma_start3A_1029 = arith.constant 0 : i32
      %dma_start3A_1030 = tpu.memref_slice %arg4[%add3A_233, %dma_start3A_1029] : memref<262144x16xf32, #tpu.memory_space<hbm>> -> memref<128x16xf32, #tpu.memory_space<hbm>>
      tpu.enqueue_dma source(%arg7 : memref<128x16xf32, #tpu.memory_space<vmem>>) target(%dma_start3A_1030 : memref<128x16xf32, #tpu.memory_space<hbm>>) target_semaphore(%run_scoped3A : memref<!tpu.dma_semaphore, #tpu.memory_space<semaphore_mem>>)
      %dma_wait3A_1031 = arith.constant 0 : i32
      %dma_wait3A_1032 = tpu.memref_slice %arg4[%add3A_233, %dma_wait3A_1031] : memref<262144x16xf32, #tpu.memory_space<hbm>> -> memref<128x16xf32, #tpu.memory_space<hbm>>
      %dma_wait3A_1033 = arith.constant 0 : i32
      %dma_wait3A_1034 = tpu.memref_slice %arg4[%add3A_233, %dma_wait3A_1033] : memref<262144x16xf32, #tpu.memory_space<hbm>> -> memref<128x16xf32, #tpu.memory_space<hbm>>
      tpu.wait_dma2 semaphore(%run_scoped3A : memref<!tpu.dma_semaphore, #tpu.memory_space<semaphore_mem>>) src(%arg7 : memref<128x16xf32, #tpu.memory_space<vmem>>) dst(%dma_wait3A_1034 : memref<128x16xf32, #tpu.memory_space<hbm>>)
      tpu.yield
    }) : () -> ()
    %dma_start3A_234 = arith.constant 15 : i32
    %dma_start3A_235 = arith.constant 0 : i32
    %dma_start3A_236 = tpu.memref_slice %arg5[%dma_start3A_234, %dma_start3A_235] : memref<64x128xi32, #tpu.memory_space<vmem>> -> memref<1x128xi32, #tpu.memory_space<vmem>>
    %dma_start3A_237 = tpu.memref_squeeze %dma_start3A_236 : memref<1x128xi32, #tpu.memory_space<vmem>> -> memref<128xi32, #tpu.memory_space<vmem>>
    %dma_start3A_238 = arith.constant 0 : i32
    %dma_start3A_239 = arith.constant 0 : i32
    %dma_start3A_240 = tpu.memref_slice %arg2[%dma_start3A_238, %dma_start3A_239] : memref<32768x16xf32, #tpu.memory_space<hbm>> -> memref<32768x16xf32, #tpu.memory_space<hbm>>
    tpu.enqueue_indirect_dma source(%dma_start3A_240 : memref<32768x16xf32, #tpu.memory_space<hbm>>) target(%arg7 : memref<128x16xf32, #tpu.memory_space<vmem>>) offsets(%dma_start3A_237 : memref<128xi32, #tpu.memory_space<vmem>>) semaphore(%arg9 : memref<!tpu.dma_semaphore, #tpu.memory_space<semaphore_mem>>)
    %dma_wait3A_241 = arith.constant 14 : i32
    %dma_wait3A_242 = arith.constant 0 : i32
    %dma_wait3A_243 = tpu.memref_slice %arg5[%dma_wait3A_241, %dma_wait3A_242] : memref<64x128xi32, #tpu.memory_space<vmem>> -> memref<1x128xi32, #tpu.memory_space<vmem>>
    %dma_wait3A_244 = tpu.memref_squeeze %dma_wait3A_243 : memref<1x128xi32, #tpu.memory_space<vmem>> -> memref<128xi32, #tpu.memory_space<vmem>>
    %dma_wait3A_245 = arith.constant 0 : i32
    %dma_wait3A_246 = arith.constant 0 : i32
    %dma_wait3A_247 = tpu.memref_slice %arg2[%dma_wait3A_245, %dma_wait3A_246] : memref<32768x16xf32, #tpu.memory_space<hbm>> -> memref<32768x16xf32, #tpu.memory_space<hbm>>
    tpu.wait_indirect_dma semaphore(%arg8 : memref<!tpu.dma_semaphore, #tpu.memory_space<semaphore_mem>>) src(%dma_wait3A_247 : memref<32768x16xf32, #tpu.memory_space<hbm>>) dst(%arg6 : memref<128x16xf32, #tpu.memory_space<vmem>>)
    %add3A_248 = arith.constant 1792 : i32
    %add3A_249 = arith.addi %mul3A_2, %add3A_248 : i32
    "tpu.region"() ({
      %run_scoped3A = tpu.sem_alloc : memref<!tpu.dma_semaphore, #tpu.memory_space<semaphore_mem>>
      %dma_start3A_1027 = arith.constant 0 : i32
      %dma_start3A_1028 = tpu.memref_slice %arg4[%add3A_249, %dma_start3A_1027] : memref<262144x16xf32, #tpu.memory_space<hbm>> -> memref<128x16xf32, #tpu.memory_space<hbm>>
      %dma_start3A_1029 = arith.constant 0 : i32
      %dma_start3A_1030 = tpu.memref_slice %arg4[%add3A_249, %dma_start3A_1029] : memref<262144x16xf32, #tpu.memory_space<hbm>> -> memref<128x16xf32, #tpu.memory_space<hbm>>
      tpu.enqueue_dma source(%arg6 : memref<128x16xf32, #tpu.memory_space<vmem>>) target(%dma_start3A_1030 : memref<128x16xf32, #tpu.memory_space<hbm>>) target_semaphore(%run_scoped3A : memref<!tpu.dma_semaphore, #tpu.memory_space<semaphore_mem>>)
      %dma_wait3A_1031 = arith.constant 0 : i32
      %dma_wait3A_1032 = tpu.memref_slice %arg4[%add3A_249, %dma_wait3A_1031] : memref<262144x16xf32, #tpu.memory_space<hbm>> -> memref<128x16xf32, #tpu.memory_space<hbm>>
      %dma_wait3A_1033 = arith.constant 0 : i32
      %dma_wait3A_1034 = tpu.memref_slice %arg4[%add3A_249, %dma_wait3A_1033] : memref<262144x16xf32, #tpu.memory_space<hbm>> -> memref<128x16xf32, #tpu.memory_space<hbm>>
      tpu.wait_dma2 semaphore(%run_scoped3A : memref<!tpu.dma_semaphore, #tpu.memory_space<semaphore_mem>>) src(%arg6 : memref<128x16xf32, #tpu.memory_space<vmem>>) dst(%dma_wait3A_1034 : memref<128x16xf32, #tpu.memory_space<hbm>>)
      tpu.yield
    }) : () -> ()
    %dma_start3A_250 = arith.constant 16 : i32
    %dma_start3A_251 = arith.constant 0 : i32
    %dma_start3A_252 = tpu.memref_slice %arg5[%dma_start3A_250, %dma_start3A_251] : memref<64x128xi32, #tpu.memory_space<vmem>> -> memref<1x128xi32, #tpu.memory_space<vmem>>
    %dma_start3A_253 = tpu.memref_squeeze %dma_start3A_252 : memref<1x128xi32, #tpu.memory_space<vmem>> -> memref<128xi32, #tpu.memory_space<vmem>>
    %dma_start3A_254 = arith.constant 0 : i32
    %dma_start3A_255 = arith.constant 0 : i32
    %dma_start3A_256 = tpu.memref_slice %arg2[%dma_start3A_254, %dma_start3A_255] : memref<32768x16xf32, #tpu.memory_space<hbm>> -> memref<32768x16xf32, #tpu.memory_space<hbm>>
    tpu.enqueue_indirect_dma source(%dma_start3A_256 : memref<32768x16xf32, #tpu.memory_space<hbm>>) target(%arg6 : memref<128x16xf32, #tpu.memory_space<vmem>>) offsets(%dma_start3A_253 : memref<128xi32, #tpu.memory_space<vmem>>) semaphore(%arg8 : memref<!tpu.dma_semaphore, #tpu.memory_space<semaphore_mem>>)
    %dma_wait3A_257 = arith.constant 15 : i32
    %dma_wait3A_258 = arith.constant 0 : i32
    %dma_wait3A_259 = tpu.memref_slice %arg5[%dma_wait3A_257, %dma_wait3A_258] : memref<64x128xi32, #tpu.memory_space<vmem>> -> memref<1x128xi32, #tpu.memory_space<vmem>>
    %dma_wait3A_260 = tpu.memref_squeeze %dma_wait3A_259 : memref<1x128xi32, #tpu.memory_space<vmem>> -> memref<128xi32, #tpu.memory_space<vmem>>
    %dma_wait3A_261 = arith.constant 0 : i32
    %dma_wait3A_262 = arith.constant 0 : i32
    %dma_wait3A_263 = tpu.memref_slice %arg2[%dma_wait3A_261, %dma_wait3A_262] : memref<32768x16xf32, #tpu.memory_space<hbm>> -> memref<32768x16xf32, #tpu.memory_space<hbm>>
    tpu.wait_indirect_dma semaphore(%arg9 : memref<!tpu.dma_semaphore, #tpu.memory_space<semaphore_mem>>) src(%dma_wait3A_263 : memref<32768x16xf32, #tpu.memory_space<hbm>>) dst(%arg7 : memref<128x16xf32, #tpu.memory_space<vmem>>)
    %add3A_264 = arith.constant 1920 : i32
    %add3A_265 = arith.addi %mul3A_2, %add3A_264 : i32
    "tpu.region"() ({
      %run_scoped3A = tpu.sem_alloc : memref<!tpu.dma_semaphore, #tpu.memory_space<semaphore_mem>>
      %dma_start3A_1027 = arith.constant 0 : i32
      %dma_start3A_1028 = tpu.memref_slice %arg4[%add3A_265, %dma_start3A_1027] : memref<262144x16xf32, #tpu.memory_space<hbm>> -> memref<128x16xf32, #tpu.memory_space<hbm>>
      %dma_start3A_1029 = arith.constant 0 : i32
      %dma_start3A_1030 = tpu.memref_slice %arg4[%add3A_265, %dma_start3A_1029] : memref<262144x16xf32, #tpu.memory_space<hbm>> -> memref<128x16xf32, #tpu.memory_space<hbm>>
      tpu.enqueue_dma source(%arg7 : memref<128x16xf32, #tpu.memory_space<vmem>>) target(%dma_start3A_1030 : memref<128x16xf32, #tpu.memory_space<hbm>>) target_semaphore(%run_scoped3A : memref<!tpu.dma_semaphore, #tpu.memory_space<semaphore_mem>>)
      %dma_wait3A_1031 = arith.constant 0 : i32
      %dma_wait3A_1032 = tpu.memref_slice %arg4[%add3A_265, %dma_wait3A_1031] : memref<262144x16xf32, #tpu.memory_space<hbm>> -> memref<128x16xf32, #tpu.memory_space<hbm>>
      %dma_wait3A_1033 = arith.constant 0 : i32
      %dma_wait3A_1034 = tpu.memref_slice %arg4[%add3A_265, %dma_wait3A_1033] : memref<262144x16xf32, #tpu.memory_space<hbm>> -> memref<128x16xf32, #tpu.memory_space<hbm>>
      tpu.wait_dma2 semaphore(%run_scoped3A : memref<!tpu.dma_semaphore, #tpu.memory_space<semaphore_mem>>) src(%arg7 : memref<128x16xf32, #tpu.memory_space<vmem>>) dst(%dma_wait3A_1034 : memref<128x16xf32, #tpu.memory_space<hbm>>)
      tpu.yield
    }) : () -> ()
    %dma_start3A_266 = arith.constant 17 : i32
    %dma_start3A_267 = arith.constant 0 : i32
    %dma_start3A_268 = tpu.memref_slice %arg5[%dma_start3A_266, %dma_start3A_267] : memref<64x128xi32, #tpu.memory_space<vmem>> -> memref<1x128xi32, #tpu.memory_space<vmem>>
    %dma_start3A_269 = tpu.memref_squeeze %dma_start3A_268 : memref<1x128xi32, #tpu.memory_space<vmem>> -> memref<128xi32, #tpu.memory_space<vmem>>
    %dma_start3A_270 = arith.constant 0 : i32
    %dma_start3A_271 = arith.constant 0 : i32
    %dma_start3A_272 = tpu.memref_slice %arg2[%dma_start3A_270, %dma_start3A_271] : memref<32768x16xf32, #tpu.memory_space<hbm>> -> memref<32768x16xf32, #tpu.memory_space<hbm>>
    tpu.enqueue_indirect_dma source(%dma_start3A_272 : memref<32768x16xf32, #tpu.memory_space<hbm>>) target(%arg7 : memref<128x16xf32, #tpu.memory_space<vmem>>) offsets(%dma_start3A_269 : memref<128xi32, #tpu.memory_space<vmem>>) semaphore(%arg9 : memref<!tpu.dma_semaphore, #tpu.memory_space<semaphore_mem>>)
    %dma_wait3A_273 = arith.constant 16 : i32
    %dma_wait3A_274 = arith.constant 0 : i32
    %dma_wait3A_275 = tpu.memref_slice %arg5[%dma_wait3A_273, %dma_wait3A_274] : memref<64x128xi32, #tpu.memory_space<vmem>> -> memref<1x128xi32, #tpu.memory_space<vmem>>
    %dma_wait3A_276 = tpu.memref_squeeze %dma_wait3A_275 : memref<1x128xi32, #tpu.memory_space<vmem>> -> memref<128xi32, #tpu.memory_space<vmem>>
    %dma_wait3A_277 = arith.constant 0 : i32
    %dma_wait3A_278 = arith.constant 0 : i32
    %dma_wait3A_279 = tpu.memref_slice %arg2[%dma_wait3A_277, %dma_wait3A_278] : memref<32768x16xf32, #tpu.memory_space<hbm>> -> memref<32768x16xf32, #tpu.memory_space<hbm>>
    tpu.wait_indirect_dma semaphore(%arg8 : memref<!tpu.dma_semaphore, #tpu.memory_space<semaphore_mem>>) src(%dma_wait3A_279 : memref<32768x16xf32, #tpu.memory_space<hbm>>) dst(%arg6 : memref<128x16xf32, #tpu.memory_space<vmem>>)
    %add3A_280 = arith.constant 2048 : i32
    %add3A_281 = arith.addi %mul3A_2, %add3A_280 : i32
    "tpu.region"() ({
      %run_scoped3A = tpu.sem_alloc : memref<!tpu.dma_semaphore, #tpu.memory_space<semaphore_mem>>
      %dma_start3A_1027 = arith.constant 0 : i32
      %dma_start3A_1028 = tpu.memref_slice %arg4[%add3A_281, %dma_start3A_1027] : memref<262144x16xf32, #tpu.memory_space<hbm>> -> memref<128x16xf32, #tpu.memory_space<hbm>>
      %dma_start3A_1029 = arith.constant 0 : i32
      %dma_start3A_1030 = tpu.memref_slice %arg4[%add3A_281, %dma_start3A_1029] : memref<262144x16xf32, #tpu.memory_space<hbm>> -> memref<128x16xf32, #tpu.memory_space<hbm>>
      tpu.enqueue_dma source(%arg6 : memref<128x16xf32, #tpu.memory_space<vmem>>) target(%dma_start3A_1030 : memref<128x16xf32, #tpu.memory_space<hbm>>) target_semaphore(%run_scoped3A : memref<!tpu.dma_semaphore, #tpu.memory_space<semaphore_mem>>)
      %dma_wait3A_1031 = arith.constant 0 : i32
      %dma_wait3A_1032 = tpu.memref_slice %arg4[%add3A_281, %dma_wait3A_1031] : memref<262144x16xf32, #tpu.memory_space<hbm>> -> memref<128x16xf32, #tpu.memory_space<hbm>>
      %dma_wait3A_1033 = arith.constant 0 : i32
      %dma_wait3A_1034 = tpu.memref_slice %arg4[%add3A_281, %dma_wait3A_1033] : memref<262144x16xf32, #tpu.memory_space<hbm>> -> memref<128x16xf32, #tpu.memory_space<hbm>>
      tpu.wait_dma2 semaphore(%run_scoped3A : memref<!tpu.dma_semaphore, #tpu.memory_space<semaphore_mem>>) src(%arg6 : memref<128x16xf32, #tpu.memory_space<vmem>>) dst(%dma_wait3A_1034 : memref<128x16xf32, #tpu.memory_space<hbm>>)
      tpu.yield
    }) : () -> ()
    %dma_start3A_282 = arith.constant 18 : i32
    %dma_start3A_283 = arith.constant 0 : i32
    %dma_start3A_284 = tpu.memref_slice %arg5[%dma_start3A_282, %dma_start3A_283] : memref<64x128xi32, #tpu.memory_space<vmem>> -> memref<1x128xi32, #tpu.memory_space<vmem>>
    %dma_start3A_285 = tpu.memref_squeeze %dma_start3A_284 : memref<1x128xi32, #tpu.memory_space<vmem>> -> memref<128xi32, #tpu.memory_space<vmem>>
    %dma_start3A_286 = arith.constant 0 : i32
    %dma_start3A_287 = arith.constant 0 : i32
    %dma_start3A_288 = tpu.memref_slice %arg2[%dma_start3A_286, %dma_start3A_287] : memref<32768x16xf32, #tpu.memory_space<hbm>> -> memref<32768x16xf32, #tpu.memory_space<hbm>>
    tpu.enqueue_indirect_dma source(%dma_start3A_288 : memref<32768x16xf32, #tpu.memory_space<hbm>>) target(%arg6 : memref<128x16xf32, #tpu.memory_space<vmem>>) offsets(%dma_start3A_285 : memref<128xi32, #tpu.memory_space<vmem>>) semaphore(%arg8 : memref<!tpu.dma_semaphore, #tpu.memory_space<semaphore_mem>>)
    %dma_wait3A_289 = arith.constant 17 : i32
    %dma_wait3A_290 = arith.constant 0 : i32
    %dma_wait3A_291 = tpu.memref_slice %arg5[%dma_wait3A_289, %dma_wait3A_290] : memref<64x128xi32, #tpu.memory_space<vmem>> -> memref<1x128xi32, #tpu.memory_space<vmem>>
    %dma_wait3A_292 = tpu.memref_squeeze %dma_wait3A_291 : memref<1x128xi32, #tpu.memory_space<vmem>> -> memref<128xi32, #tpu.memory_space<vmem>>
    %dma_wait3A_293 = arith.constant 0 : i32
    %dma_wait3A_294 = arith.constant 0 : i32
    %dma_wait3A_295 = tpu.memref_slice %arg2[%dma_wait3A_293, %dma_wait3A_294] : memref<32768x16xf32, #tpu.memory_space<hbm>> -> memref<32768x16xf32, #tpu.memory_space<hbm>>
    tpu.wait_indirect_dma semaphore(%arg9 : memref<!tpu.dma_semaphore, #tpu.memory_space<semaphore_mem>>) src(%dma_wait3A_295 : memref<32768x16xf32, #tpu.memory_space<hbm>>) dst(%arg7 : memref<128x16xf32, #tpu.memory_space<vmem>>)
    %add3A_296 = arith.constant 2176 : i32
    %add3A_297 = arith.addi %mul3A_2, %add3A_296 : i32
    "tpu.region"() ({
      %run_scoped3A = tpu.sem_alloc : memref<!tpu.dma_semaphore, #tpu.memory_space<semaphore_mem>>
      %dma_start3A_1027 = arith.constant 0 : i32
      %dma_start3A_1028 = tpu.memref_slice %arg4[%add3A_297, %dma_start3A_1027] : memref<262144x16xf32, #tpu.memory_space<hbm>> -> memref<128x16xf32, #tpu.memory_space<hbm>>
      %dma_start3A_1029 = arith.constant 0 : i32
      %dma_start3A_1030 = tpu.memref_slice %arg4[%add3A_297, %dma_start3A_1029] : memref<262144x16xf32, #tpu.memory_space<hbm>> -> memref<128x16xf32, #tpu.memory_space<hbm>>
      tpu.enqueue_dma source(%arg7 : memref<128x16xf32, #tpu.memory_space<vmem>>) target(%dma_start3A_1030 : memref<128x16xf32, #tpu.memory_space<hbm>>) target_semaphore(%run_scoped3A : memref<!tpu.dma_semaphore, #tpu.memory_space<semaphore_mem>>)
      %dma_wait3A_1031 = arith.constant 0 : i32
      %dma_wait3A_1032 = tpu.memref_slice %arg4[%add3A_297, %dma_wait3A_1031] : memref<262144x16xf32, #tpu.memory_space<hbm>> -> memref<128x16xf32, #tpu.memory_space<hbm>>
      %dma_wait3A_1033 = arith.constant 0 : i32
      %dma_wait3A_1034 = tpu.memref_slice %arg4[%add3A_297, %dma_wait3A_1033] : memref<262144x16xf32, #tpu.memory_space<hbm>> -> memref<128x16xf32, #tpu.memory_space<hbm>>
      tpu.wait_dma2 semaphore(%run_scoped3A : memref<!tpu.dma_semaphore, #tpu.memory_space<semaphore_mem>>) src(%arg7 : memref<128x16xf32, #tpu.memory_space<vmem>>) dst(%dma_wait3A_1034 : memref<128x16xf32, #tpu.memory_space<hbm>>)
      tpu.yield
    }) : () -> ()
    %dma_start3A_298 = arith.constant 19 : i32
    %dma_start3A_299 = arith.constant 0 : i32
    %dma_start3A_300 = tpu.memref_slice %arg5[%dma_start3A_298, %dma_start3A_299] : memref<64x128xi32, #tpu.memory_space<vmem>> -> memref<1x128xi32, #tpu.memory_space<vmem>>
    %dma_start3A_301 = tpu.memref_squeeze %dma_start3A_300 : memref<1x128xi32, #tpu.memory_space<vmem>> -> memref<128xi32, #tpu.memory_space<vmem>>
    %dma_start3A_302 = arith.constant 0 : i32
    %dma_start3A_303 = arith.constant 0 : i32
    %dma_start3A_304 = tpu.memref_slice %arg2[%dma_start3A_302, %dma_start3A_303] : memref<32768x16xf32, #tpu.memory_space<hbm>> -> memref<32768x16xf32, #tpu.memory_space<hbm>>
    tpu.enqueue_indirect_dma source(%dma_start3A_304 : memref<32768x16xf32, #tpu.memory_space<hbm>>) target(%arg7 : memref<128x16xf32, #tpu.memory_space<vmem>>) offsets(%dma_start3A_301 : memref<128xi32, #tpu.memory_space<vmem>>) semaphore(%arg9 : memref<!tpu.dma_semaphore, #tpu.memory_space<semaphore_mem>>)
    %dma_wait3A_305 = arith.constant 18 : i32
    %dma_wait3A_306 = arith.constant 0 : i32
    %dma_wait3A_307 = tpu.memref_slice %arg5[%dma_wait3A_305, %dma_wait3A_306] : memref<64x128xi32, #tpu.memory_space<vmem>> -> memref<1x128xi32, #tpu.memory_space<vmem>>
    %dma_wait3A_308 = tpu.memref_squeeze %dma_wait3A_307 : memref<1x128xi32, #tpu.memory_space<vmem>> -> memref<128xi32, #tpu.memory_space<vmem>>
    %dma_wait3A_309 = arith.constant 0 : i32
    %dma_wait3A_310 = arith.constant 0 : i32
    %dma_wait3A_311 = tpu.memref_slice %arg2[%dma_wait3A_309, %dma_wait3A_310] : memref<32768x16xf32, #tpu.memory_space<hbm>> -> memref<32768x16xf32, #tpu.memory_space<hbm>>
    tpu.wait_indirect_dma semaphore(%arg8 : memref<!tpu.dma_semaphore, #tpu.memory_space<semaphore_mem>>) src(%dma_wait3A_311 : memref<32768x16xf32, #tpu.memory_space<hbm>>) dst(%arg6 : memref<128x16xf32, #tpu.memory_space<vmem>>)
    %add3A_312 = arith.constant 2304 : i32
    %add3A_313 = arith.addi %mul3A_2, %add3A_312 : i32
    "tpu.region"() ({
      %run_scoped3A = tpu.sem_alloc : memref<!tpu.dma_semaphore, #tpu.memory_space<semaphore_mem>>
      %dma_start3A_1027 = arith.constant 0 : i32
      %dma_start3A_1028 = tpu.memref_slice %arg4[%add3A_313, %dma_start3A_1027] : memref<262144x16xf32, #tpu.memory_space<hbm>> -> memref<128x16xf32, #tpu.memory_space<hbm>>
      %dma_start3A_1029 = arith.constant 0 : i32
      %dma_start3A_1030 = tpu.memref_slice %arg4[%add3A_313, %dma_start3A_1029] : memref<262144x16xf32, #tpu.memory_space<hbm>> -> memref<128x16xf32, #tpu.memory_space<hbm>>
      tpu.enqueue_dma source(%arg6 : memref<128x16xf32, #tpu.memory_space<vmem>>) target(%dma_start3A_1030 : memref<128x16xf32, #tpu.memory_space<hbm>>) target_semaphore(%run_scoped3A : memref<!tpu.dma_semaphore, #tpu.memory_space<semaphore_mem>>)
      %dma_wait3A_1031 = arith.constant 0 : i32
      %dma_wait3A_1032 = tpu.memref_slice %arg4[%add3A_313, %dma_wait3A_1031] : memref<262144x16xf32, #tpu.memory_space<hbm>> -> memref<128x16xf32, #tpu.memory_space<hbm>>
      %dma_wait3A_1033 = arith.constant 0 : i32
      %dma_wait3A_1034 = tpu.memref_slice %arg4[%add3A_313, %dma_wait3A_1033] : memref<262144x16xf32, #tpu.memory_space<hbm>> -> memref<128x16xf32, #tpu.memory_space<hbm>>
      tpu.wait_dma2 semaphore(%run_scoped3A : memref<!tpu.dma_semaphore, #tpu.memory_space<semaphore_mem>>) src(%arg6 : memref<128x16xf32, #tpu.memory_space<vmem>>) dst(%dma_wait3A_1034 : memref<128x16xf32, #tpu.memory_space<hbm>>)
      tpu.yield
    }) : () -> ()
    %dma_start3A_314 = arith.constant 20 : i32
    %dma_start3A_315 = arith.constant 0 : i32
    %dma_start3A_316 = tpu.memref_slice %arg5[%dma_start3A_314, %dma_start3A_315] : memref<64x128xi32, #tpu.memory_space<vmem>> -> memref<1x128xi32, #tpu.memory_space<vmem>>
    %dma_start3A_317 = tpu.memref_squeeze %dma_start3A_316 : memref<1x128xi32, #tpu.memory_space<vmem>> -> memref<128xi32, #tpu.memory_space<vmem>>
    %dma_start3A_318 = arith.constant 0 : i32
    %dma_start3A_319 = arith.constant 0 : i32
    %dma_start3A_320 = tpu.memref_slice %arg2[%dma_start3A_318, %dma_start3A_319] : memref<32768x16xf32, #tpu.memory_space<hbm>> -> memref<32768x16xf32, #tpu.memory_space<hbm>>
    tpu.enqueue_indirect_dma source(%dma_start3A_320 : memref<32768x16xf32, #tpu.memory_space<hbm>>) target(%arg6 : memref<128x16xf32, #tpu.memory_space<vmem>>) offsets(%dma_start3A_317 : memref<128xi32, #tpu.memory_space<vmem>>) semaphore(%arg8 : memref<!tpu.dma_semaphore, #tpu.memory_space<semaphore_mem>>)
    %dma_wait3A_321 = arith.constant 19 : i32
    %dma_wait3A_322 = arith.constant 0 : i32
    %dma_wait3A_323 = tpu.memref_slice %arg5[%dma_wait3A_321, %dma_wait3A_322] : memref<64x128xi32, #tpu.memory_space<vmem>> -> memref<1x128xi32, #tpu.memory_space<vmem>>
    %dma_wait3A_324 = tpu.memref_squeeze %dma_wait3A_323 : memref<1x128xi32, #tpu.memory_space<vmem>> -> memref<128xi32, #tpu.memory_space<vmem>>
    %dma_wait3A_325 = arith.constant 0 : i32
    %dma_wait3A_326 = arith.constant 0 : i32
    %dma_wait3A_327 = tpu.memref_slice %arg2[%dma_wait3A_325, %dma_wait3A_326] : memref<32768x16xf32, #tpu.memory_space<hbm>> -> memref<32768x16xf32, #tpu.memory_space<hbm>>
    tpu.wait_indirect_dma semaphore(%arg9 : memref<!tpu.dma_semaphore, #tpu.memory_space<semaphore_mem>>) src(%dma_wait3A_327 : memref<32768x16xf32, #tpu.memory_space<hbm>>) dst(%arg7 : memref<128x16xf32, #tpu.memory_space<vmem>>)
    %add3A_328 = arith.constant 2432 : i32
    %add3A_329 = arith.addi %mul3A_2, %add3A_328 : i32
    "tpu.region"() ({
      %run_scoped3A = tpu.sem_alloc : memref<!tpu.dma_semaphore, #tpu.memory_space<semaphore_mem>>
      %dma_start3A_1027 = arith.constant 0 : i32
      %dma_start3A_1028 = tpu.memref_slice %arg4[%add3A_329, %dma_start3A_1027] : memref<262144x16xf32, #tpu.memory_space<hbm>> -> memref<128x16xf32, #tpu.memory_space<hbm>>
      %dma_start3A_1029 = arith.constant 0 : i32
      %dma_start3A_1030 = tpu.memref_slice %arg4[%add3A_329, %dma_start3A_1029] : memref<262144x16xf32, #tpu.memory_space<hbm>> -> memref<128x16xf32, #tpu.memory_space<hbm>>
      tpu.enqueue_dma source(%arg7 : memref<128x16xf32, #tpu.memory_space<vmem>>) target(%dma_start3A_1030 : memref<128x16xf32, #tpu.memory_space<hbm>>) target_semaphore(%run_scoped3A : memref<!tpu.dma_semaphore, #tpu.memory_space<semaphore_mem>>)
      %dma_wait3A_1031 = arith.constant 0 : i32
      %dma_wait3A_1032 = tpu.memref_slice %arg4[%add3A_329, %dma_wait3A_1031] : memref<262144x16xf32, #tpu.memory_space<hbm>> -> memref<128x16xf32, #tpu.memory_space<hbm>>
      %dma_wait3A_1033 = arith.constant 0 : i32
      %dma_wait3A_1034 = tpu.memref_slice %arg4[%add3A_329, %dma_wait3A_1033] : memref<262144x16xf32, #tpu.memory_space<hbm>> -> memref<128x16xf32, #tpu.memory_space<hbm>>
      tpu.wait_dma2 semaphore(%run_scoped3A : memref<!tpu.dma_semaphore, #tpu.memory_space<semaphore_mem>>) src(%arg7 : memref<128x16xf32, #tpu.memory_space<vmem>>) dst(%dma_wait3A_1034 : memref<128x16xf32, #tpu.memory_space<hbm>>)
      tpu.yield
    }) : () -> ()
    %dma_start3A_330 = arith.constant 21 : i32
    %dma_start3A_331 = arith.constant 0 : i32
    %dma_start3A_332 = tpu.memref_slice %arg5[%dma_start3A_330, %dma_start3A_331] : memref<64x128xi32, #tpu.memory_space<vmem>> -> memref<1x128xi32, #tpu.memory_space<vmem>>
    %dma_start3A_333 = tpu.memref_squeeze %dma_start3A_332 : memref<1x128xi32, #tpu.memory_space<vmem>> -> memref<128xi32, #tpu.memory_space<vmem>>
    %dma_start3A_334 = arith.constant 0 : i32
    %dma_start3A_335 = arith.constant 0 : i32
    %dma_start3A_336 = tpu.memref_slice %arg2[%dma_start3A_334, %dma_start3A_335] : memref<32768x16xf32, #tpu.memory_space<hbm>> -> memref<32768x16xf32, #tpu.memory_space<hbm>>
    tpu.enqueue_indirect_dma source(%dma_start3A_336 : memref<32768x16xf32, #tpu.memory_space<hbm>>) target(%arg7 : memref<128x16xf32, #tpu.memory_space<vmem>>) offsets(%dma_start3A_333 : memref<128xi32, #tpu.memory_space<vmem>>) semaphore(%arg9 : memref<!tpu.dma_semaphore, #tpu.memory_space<semaphore_mem>>)
    %dma_wait3A_337 = arith.constant 20 : i32
    %dma_wait3A_338 = arith.constant 0 : i32
    %dma_wait3A_339 = tpu.memref_slice %arg5[%dma_wait3A_337, %dma_wait3A_338] : memref<64x128xi32, #tpu.memory_space<vmem>> -> memref<1x128xi32, #tpu.memory_space<vmem>>
    %dma_wait3A_340 = tpu.memref_squeeze %dma_wait3A_339 : memref<1x128xi32, #tpu.memory_space<vmem>> -> memref<128xi32, #tpu.memory_space<vmem>>
    %dma_wait3A_341 = arith.constant 0 : i32
    %dma_wait3A_342 = arith.constant 0 : i32
    %dma_wait3A_343 = tpu.memref_slice %arg2[%dma_wait3A_341, %dma_wait3A_342] : memref<32768x16xf32, #tpu.memory_space<hbm>> -> memref<32768x16xf32, #tpu.memory_space<hbm>>
    tpu.wait_indirect_dma semaphore(%arg8 : memref<!tpu.dma_semaphore, #tpu.memory_space<semaphore_mem>>) src(%dma_wait3A_343 : memref<32768x16xf32, #tpu.memory_space<hbm>>) dst(%arg6 : memref<128x16xf32, #tpu.memory_space<vmem>>)
    %add3A_344 = arith.constant 2560 : i32
    %add3A_345 = arith.addi %mul3A_2, %add3A_344 : i32
    "tpu.region"() ({
      %run_scoped3A = tpu.sem_alloc : memref<!tpu.dma_semaphore, #tpu.memory_space<semaphore_mem>>
      %dma_start3A_1027 = arith.constant 0 : i32
      %dma_start3A_1028 = tpu.memref_slice %arg4[%add3A_345, %dma_start3A_1027] : memref<262144x16xf32, #tpu.memory_space<hbm>> -> memref<128x16xf32, #tpu.memory_space<hbm>>
      %dma_start3A_1029 = arith.constant 0 : i32
      %dma_start3A_1030 = tpu.memref_slice %arg4[%add3A_345, %dma_start3A_1029] : memref<262144x16xf32, #tpu.memory_space<hbm>> -> memref<128x16xf32, #tpu.memory_space<hbm>>
      tpu.enqueue_dma source(%arg6 : memref<128x16xf32, #tpu.memory_space<vmem>>) target(%dma_start3A_1030 : memref<128x16xf32, #tpu.memory_space<hbm>>) target_semaphore(%run_scoped3A : memref<!tpu.dma_semaphore, #tpu.memory_space<semaphore_mem>>)
      %dma_wait3A_1031 = arith.constant 0 : i32
      %dma_wait3A_1032 = tpu.memref_slice %arg4[%add3A_345, %dma_wait3A_1031] : memref<262144x16xf32, #tpu.memory_space<hbm>> -> memref<128x16xf32, #tpu.memory_space<hbm>>
      %dma_wait3A_1033 = arith.constant 0 : i32
      %dma_wait3A_1034 = tpu.memref_slice %arg4[%add3A_345, %dma_wait3A_1033] : memref<262144x16xf32, #tpu.memory_space<hbm>> -> memref<128x16xf32, #tpu.memory_space<hbm>>
      tpu.wait_dma2 semaphore(%run_scoped3A : memref<!tpu.dma_semaphore, #tpu.memory_space<semaphore_mem>>) src(%arg6 : memref<128x16xf32, #tpu.memory_space<vmem>>) dst(%dma_wait3A_1034 : memref<128x16xf32, #tpu.memory_space<hbm>>)
      tpu.yield
    }) : () -> ()
    %dma_start3A_346 = arith.constant 22 : i32
    %dma_start3A_347 = arith.constant 0 : i32
    %dma_start3A_348 = tpu.memref_slice %arg5[%dma_start3A_346, %dma_start3A_347] : memref<64x128xi32, #tpu.memory_space<vmem>> -> memref<1x128xi32, #tpu.memory_space<vmem>>
    %dma_start3A_349 = tpu.memref_squeeze %dma_start3A_348 : memref<1x128xi32, #tpu.memory_space<vmem>> -> memref<128xi32, #tpu.memory_space<vmem>>
    %dma_start3A_350 = arith.constant 0 : i32
    %dma_start3A_351 = arith.constant 0 : i32
    %dma_start3A_352 = tpu.memref_slice %arg2[%dma_start3A_350, %dma_start3A_351] : memref<32768x16xf32, #tpu.memory_space<hbm>> -> memref<32768x16xf32, #tpu.memory_space<hbm>>
    tpu.enqueue_indirect_dma source(%dma_start3A_352 : memref<32768x16xf32, #tpu.memory_space<hbm>>) target(%arg6 : memref<128x16xf32, #tpu.memory_space<vmem>>) offsets(%dma_start3A_349 : memref<128xi32, #tpu.memory_space<vmem>>) semaphore(%arg8 : memref<!tpu.dma_semaphore, #tpu.memory_space<semaphore_mem>>)
    %dma_wait3A_353 = arith.constant 21 : i32
    %dma_wait3A_354 = arith.constant 0 : i32
    %dma_wait3A_355 = tpu.memref_slice %arg5[%dma_wait3A_353, %dma_wait3A_354] : memref<64x128xi32, #tpu.memory_space<vmem>> -> memref<1x128xi32, #tpu.memory_space<vmem>>
    %dma_wait3A_356 = tpu.memref_squeeze %dma_wait3A_355 : memref<1x128xi32, #tpu.memory_space<vmem>> -> memref<128xi32, #tpu.memory_space<vmem>>
    %dma_wait3A_357 = arith.constant 0 : i32
    %dma_wait3A_358 = arith.constant 0 : i32
    %dma_wait3A_359 = tpu.memref_slice %arg2[%dma_wait3A_357, %dma_wait3A_358] : memref<32768x16xf32, #tpu.memory_space<hbm>> -> memref<32768x16xf32, #tpu.memory_space<hbm>>
    tpu.wait_indirect_dma semaphore(%arg9 : memref<!tpu.dma_semaphore, #tpu.memory_space<semaphore_mem>>) src(%dma_wait3A_359 : memref<32768x16xf32, #tpu.memory_space<hbm>>) dst(%arg7 : memref<128x16xf32, #tpu.memory_space<vmem>>)
    %add3A_360 = arith.constant 2688 : i32
    %add3A_361 = arith.addi %mul3A_2, %add3A_360 : i32
    "tpu.region"() ({
      %run_scoped3A = tpu.sem_alloc : memref<!tpu.dma_semaphore, #tpu.memory_space<semaphore_mem>>
      %dma_start3A_1027 = arith.constant 0 : i32
      %dma_start3A_1028 = tpu.memref_slice %arg4[%add3A_361, %dma_start3A_1027] : memref<262144x16xf32, #tpu.memory_space<hbm>> -> memref<128x16xf32, #tpu.memory_space<hbm>>
      %dma_start3A_1029 = arith.constant 0 : i32
      %dma_start3A_1030 = tpu.memref_slice %arg4[%add3A_361, %dma_start3A_1029] : memref<262144x16xf32, #tpu.memory_space<hbm>> -> memref<128x16xf32, #tpu.memory_space<hbm>>
      tpu.enqueue_dma source(%arg7 : memref<128x16xf32, #tpu.memory_space<vmem>>) target(%dma_start3A_1030 : memref<128x16xf32, #tpu.memory_space<hbm>>) target_semaphore(%run_scoped3A : memref<!tpu.dma_semaphore, #tpu.memory_space<semaphore_mem>>)
      %dma_wait3A_1031 = arith.constant 0 : i32
      %dma_wait3A_1032 = tpu.memref_slice %arg4[%add3A_361, %dma_wait3A_1031] : memref<262144x16xf32, #tpu.memory_space<hbm>> -> memref<128x16xf32, #tpu.memory_space<hbm>>
      %dma_wait3A_1033 = arith.constant 0 : i32
      %dma_wait3A_1034 = tpu.memref_slice %arg4[%add3A_361, %dma_wait3A_1033] : memref<262144x16xf32, #tpu.memory_space<hbm>> -> memref<128x16xf32, #tpu.memory_space<hbm>>
      tpu.wait_dma2 semaphore(%run_scoped3A : memref<!tpu.dma_semaphore, #tpu.memory_space<semaphore_mem>>) src(%arg7 : memref<128x16xf32, #tpu.memory_space<vmem>>) dst(%dma_wait3A_1034 : memref<128x16xf32, #tpu.memory_space<hbm>>)
      tpu.yield
    }) : () -> ()
    %dma_start3A_362 = arith.constant 23 : i32
    %dma_start3A_363 = arith.constant 0 : i32
    %dma_start3A_364 = tpu.memref_slice %arg5[%dma_start3A_362, %dma_start3A_363] : memref<64x128xi32, #tpu.memory_space<vmem>> -> memref<1x128xi32, #tpu.memory_space<vmem>>
    %dma_start3A_365 = tpu.memref_squeeze %dma_start3A_364 : memref<1x128xi32, #tpu.memory_space<vmem>> -> memref<128xi32, #tpu.memory_space<vmem>>
    %dma_start3A_366 = arith.constant 0 : i32
    %dma_start3A_367 = arith.constant 0 : i32
    %dma_start3A_368 = tpu.memref_slice %arg2[%dma_start3A_366, %dma_start3A_367] : memref<32768x16xf32, #tpu.memory_space<hbm>> -> memref<32768x16xf32, #tpu.memory_space<hbm>>
    tpu.enqueue_indirect_dma source(%dma_start3A_368 : memref<32768x16xf32, #tpu.memory_space<hbm>>) target(%arg7 : memref<128x16xf32, #tpu.memory_space<vmem>>) offsets(%dma_start3A_365 : memref<128xi32, #tpu.memory_space<vmem>>) semaphore(%arg9 : memref<!tpu.dma_semaphore, #tpu.memory_space<semaphore_mem>>)
    %dma_wait3A_369 = arith.constant 22 : i32
    %dma_wait3A_370 = arith.constant 0 : i32
    %dma_wait3A_371 = tpu.memref_slice %arg5[%dma_wait3A_369, %dma_wait3A_370] : memref<64x128xi32, #tpu.memory_space<vmem>> -> memref<1x128xi32, #tpu.memory_space<vmem>>
    %dma_wait3A_372 = tpu.memref_squeeze %dma_wait3A_371 : memref<1x128xi32, #tpu.memory_space<vmem>> -> memref<128xi32, #tpu.memory_space<vmem>>
    %dma_wait3A_373 = arith.constant 0 : i32
    %dma_wait3A_374 = arith.constant 0 : i32
    %dma_wait3A_375 = tpu.memref_slice %arg2[%dma_wait3A_373, %dma_wait3A_374] : memref<32768x16xf32, #tpu.memory_space<hbm>> -> memref<32768x16xf32, #tpu.memory_space<hbm>>
    tpu.wait_indirect_dma semaphore(%arg8 : memref<!tpu.dma_semaphore, #tpu.memory_space<semaphore_mem>>) src(%dma_wait3A_375 : memref<32768x16xf32, #tpu.memory_space<hbm>>) dst(%arg6 : memref<128x16xf32, #tpu.memory_space<vmem>>)
    %add3A_376 = arith.constant 2816 : i32
    %add3A_377 = arith.addi %mul3A_2, %add3A_376 : i32
    "tpu.region"() ({
      %run_scoped3A = tpu.sem_alloc : memref<!tpu.dma_semaphore, #tpu.memory_space<semaphore_mem>>
      %dma_start3A_1027 = arith.constant 0 : i32
      %dma_start3A_1028 = tpu.memref_slice %arg4[%add3A_377, %dma_start3A_1027] : memref<262144x16xf32, #tpu.memory_space<hbm>> -> memref<128x16xf32, #tpu.memory_space<hbm>>
      %dma_start3A_1029 = arith.constant 0 : i32
      %dma_start3A_1030 = tpu.memref_slice %arg4[%add3A_377, %dma_start3A_1029] : memref<262144x16xf32, #tpu.memory_space<hbm>> -> memref<128x16xf32, #tpu.memory_space<hbm>>
      tpu.enqueue_dma source(%arg6 : memref<128x16xf32, #tpu.memory_space<vmem>>) target(%dma_start3A_1030 : memref<128x16xf32, #tpu.memory_space<hbm>>) target_semaphore(%run_scoped3A : memref<!tpu.dma_semaphore, #tpu.memory_space<semaphore_mem>>)
      %dma_wait3A_1031 = arith.constant 0 : i32
      %dma_wait3A_1032 = tpu.memref_slice %arg4[%add3A_377, %dma_wait3A_1031] : memref<262144x16xf32, #tpu.memory_space<hbm>> -> memref<128x16xf32, #tpu.memory_space<hbm>>
      %dma_wait3A_1033 = arith.constant 0 : i32
      %dma_wait3A_1034 = tpu.memref_slice %arg4[%add3A_377, %dma_wait3A_1033] : memref<262144x16xf32, #tpu.memory_space<hbm>> -> memref<128x16xf32, #tpu.memory_space<hbm>>
      tpu.wait_dma2 semaphore(%run_scoped3A : memref<!tpu.dma_semaphore, #tpu.memory_space<semaphore_mem>>) src(%arg6 : memref<128x16xf32, #tpu.memory_space<vmem>>) dst(%dma_wait3A_1034 : memref<128x16xf32, #tpu.memory_space<hbm>>)
      tpu.yield
    }) : () -> ()
    %dma_start3A_378 = arith.constant 24 : i32
    %dma_start3A_379 = arith.constant 0 : i32
    %dma_start3A_380 = tpu.memref_slice %arg5[%dma_start3A_378, %dma_start3A_379] : memref<64x128xi32, #tpu.memory_space<vmem>> -> memref<1x128xi32, #tpu.memory_space<vmem>>
    %dma_start3A_381 = tpu.memref_squeeze %dma_start3A_380 : memref<1x128xi32, #tpu.memory_space<vmem>> -> memref<128xi32, #tpu.memory_space<vmem>>
    %dma_start3A_382 = arith.constant 0 : i32
    %dma_start3A_383 = arith.constant 0 : i32
    %dma_start3A_384 = tpu.memref_slice %arg2[%dma_start3A_382, %dma_start3A_383] : memref<32768x16xf32, #tpu.memory_space<hbm>> -> memref<32768x16xf32, #tpu.memory_space<hbm>>
    tpu.enqueue_indirect_dma source(%dma_start3A_384 : memref<32768x16xf32, #tpu.memory_space<hbm>>) target(%arg6 : memref<128x16xf32, #tpu.memory_space<vmem>>) offsets(%dma_start3A_381 : memref<128xi32, #tpu.memory_space<vmem>>) semaphore(%arg8 : memref<!tpu.dma_semaphore, #tpu.memory_space<semaphore_mem>>)
    %dma_wait3A_385 = arith.constant 23 : i32
    %dma_wait3A_386 = arith.constant 0 : i32
    %dma_wait3A_387 = tpu.memref_slice %arg5[%dma_wait3A_385, %dma_wait3A_386] : memref<64x128xi32, #tpu.memory_space<vmem>> -> memref<1x128xi32, #tpu.memory_space<vmem>>
    %dma_wait3A_388 = tpu.memref_squeeze %dma_wait3A_387 : memref<1x128xi32, #tpu.memory_space<vmem>> -> memref<128xi32, #tpu.memory_space<vmem>>
    %dma_wait3A_389 = arith.constant 0 : i32
    %dma_wait3A_390 = arith.constant 0 : i32
    %dma_wait3A_391 = tpu.memref_slice %arg2[%dma_wait3A_389, %dma_wait3A_390] : memref<32768x16xf32, #tpu.memory_space<hbm>> -> memref<32768x16xf32, #tpu.memory_space<hbm>>
    tpu.wait_indirect_dma semaphore(%arg9 : memref<!tpu.dma_semaphore, #tpu.memory_space<semaphore_mem>>) src(%dma_wait3A_391 : memref<32768x16xf32, #tpu.memory_space<hbm>>) dst(%arg7 : memref<128x16xf32, #tpu.memory_space<vmem>>)
    %add3A_392 = arith.constant 2944 : i32
    %add3A_393 = arith.addi %mul3A_2, %add3A_392 : i32
    "tpu.region"() ({
      %run_scoped3A = tpu.sem_alloc : memref<!tpu.dma_semaphore, #tpu.memory_space<semaphore_mem>>
      %dma_start3A_1027 = arith.constant 0 : i32
      %dma_start3A_1028 = tpu.memref_slice %arg4[%add3A_393, %dma_start3A_1027] : memref<262144x16xf32, #tpu.memory_space<hbm>> -> memref<128x16xf32, #tpu.memory_space<hbm>>
      %dma_start3A_1029 = arith.constant 0 : i32
      %dma_start3A_1030 = tpu.memref_slice %arg4[%add3A_393, %dma_start3A_1029] : memref<262144x16xf32, #tpu.memory_space<hbm>> -> memref<128x16xf32, #tpu.memory_space<hbm>>
      tpu.enqueue_dma source(%arg7 : memref<128x16xf32, #tpu.memory_space<vmem>>) target(%dma_start3A_1030 : memref<128x16xf32, #tpu.memory_space<hbm>>) target_semaphore(%run_scoped3A : memref<!tpu.dma_semaphore, #tpu.memory_space<semaphore_mem>>)
      %dma_wait3A_1031 = arith.constant 0 : i32
      %dma_wait3A_1032 = tpu.memref_slice %arg4[%add3A_393, %dma_wait3A_1031] : memref<262144x16xf32, #tpu.memory_space<hbm>> -> memref<128x16xf32, #tpu.memory_space<hbm>>
      %dma_wait3A_1033 = arith.constant 0 : i32
      %dma_wait3A_1034 = tpu.memref_slice %arg4[%add3A_393, %dma_wait3A_1033] : memref<262144x16xf32, #tpu.memory_space<hbm>> -> memref<128x16xf32, #tpu.memory_space<hbm>>
      tpu.wait_dma2 semaphore(%run_scoped3A : memref<!tpu.dma_semaphore, #tpu.memory_space<semaphore_mem>>) src(%arg7 : memref<128x16xf32, #tpu.memory_space<vmem>>) dst(%dma_wait3A_1034 : memref<128x16xf32, #tpu.memory_space<hbm>>)
      tpu.yield
    }) : () -> ()
    %dma_start3A_394 = arith.constant 25 : i32
    %dma_start3A_395 = arith.constant 0 : i32
    %dma_start3A_396 = tpu.memref_slice %arg5[%dma_start3A_394, %dma_start3A_395] : memref<64x128xi32, #tpu.memory_space<vmem>> -> memref<1x128xi32, #tpu.memory_space<vmem>>
    %dma_start3A_397 = tpu.memref_squeeze %dma_start3A_396 : memref<1x128xi32, #tpu.memory_space<vmem>> -> memref<128xi32, #tpu.memory_space<vmem>>
    %dma_start3A_398 = arith.constant 0 : i32
    %dma_start3A_399 = arith.constant 0 : i32
    %dma_start3A_400 = tpu.memref_slice %arg2[%dma_start3A_398, %dma_start3A_399] : memref<32768x16xf32, #tpu.memory_space<hbm>> -> memref<32768x16xf32, #tpu.memory_space<hbm>>
    tpu.enqueue_indirect_dma source(%dma_start3A_400 : memref<32768x16xf32, #tpu.memory_space<hbm>>) target(%arg7 : memref<128x16xf32, #tpu.memory_space<vmem>>) offsets(%dma_start3A_397 : memref<128xi32, #tpu.memory_space<vmem>>) semaphore(%arg9 : memref<!tpu.dma_semaphore, #tpu.memory_space<semaphore_mem>>)
    %dma_wait3A_401 = arith.constant 24 : i32
    %dma_wait3A_402 = arith.constant 0 : i32
    %dma_wait3A_403 = tpu.memref_slice %arg5[%dma_wait3A_401, %dma_wait3A_402] : memref<64x128xi32, #tpu.memory_space<vmem>> -> memref<1x128xi32, #tpu.memory_space<vmem>>
    %dma_wait3A_404 = tpu.memref_squeeze %dma_wait3A_403 : memref<1x128xi32, #tpu.memory_space<vmem>> -> memref<128xi32, #tpu.memory_space<vmem>>
    %dma_wait3A_405 = arith.constant 0 : i32
    %dma_wait3A_406 = arith.constant 0 : i32
    %dma_wait3A_407 = tpu.memref_slice %arg2[%dma_wait3A_405, %dma_wait3A_406] : memref<32768x16xf32, #tpu.memory_space<hbm>> -> memref<32768x16xf32, #tpu.memory_space<hbm>>
    tpu.wait_indirect_dma semaphore(%arg8 : memref<!tpu.dma_semaphore, #tpu.memory_space<semaphore_mem>>) src(%dma_wait3A_407 : memref<32768x16xf32, #tpu.memory_space<hbm>>) dst(%arg6 : memref<128x16xf32, #tpu.memory_space<vmem>>)
    %add3A_408 = arith.constant 3072 : i32
    %add3A_409 = arith.addi %mul3A_2, %add3A_408 : i32
    "tpu.region"() ({
      %run_scoped3A = tpu.sem_alloc : memref<!tpu.dma_semaphore, #tpu.memory_space<semaphore_mem>>
      %dma_start3A_1027 = arith.constant 0 : i32
      %dma_start3A_1028 = tpu.memref_slice %arg4[%add3A_409, %dma_start3A_1027] : memref<262144x16xf32, #tpu.memory_space<hbm>> -> memref<128x16xf32, #tpu.memory_space<hbm>>
      %dma_start3A_1029 = arith.constant 0 : i32
      %dma_start3A_1030 = tpu.memref_slice %arg4[%add3A_409, %dma_start3A_1029] : memref<262144x16xf32, #tpu.memory_space<hbm>> -> memref<128x16xf32, #tpu.memory_space<hbm>>
      tpu.enqueue_dma source(%arg6 : memref<128x16xf32, #tpu.memory_space<vmem>>) target(%dma_start3A_1030 : memref<128x16xf32, #tpu.memory_space<hbm>>) target_semaphore(%run_scoped3A : memref<!tpu.dma_semaphore, #tpu.memory_space<semaphore_mem>>)
      %dma_wait3A_1031 = arith.constant 0 : i32
      %dma_wait3A_1032 = tpu.memref_slice %arg4[%add3A_409, %dma_wait3A_1031] : memref<262144x16xf32, #tpu.memory_space<hbm>> -> memref<128x16xf32, #tpu.memory_space<hbm>>
      %dma_wait3A_1033 = arith.constant 0 : i32
      %dma_wait3A_1034 = tpu.memref_slice %arg4[%add3A_409, %dma_wait3A_1033] : memref<262144x16xf32, #tpu.memory_space<hbm>> -> memref<128x16xf32, #tpu.memory_space<hbm>>
      tpu.wait_dma2 semaphore(%run_scoped3A : memref<!tpu.dma_semaphore, #tpu.memory_space<semaphore_mem>>) src(%arg6 : memref<128x16xf32, #tpu.memory_space<vmem>>) dst(%dma_wait3A_1034 : memref<128x16xf32, #tpu.memory_space<hbm>>)
      tpu.yield
    }) : () -> ()
    %dma_start3A_410 = arith.constant 26 : i32
    %dma_start3A_411 = arith.constant 0 : i32
    %dma_start3A_412 = tpu.memref_slice %arg5[%dma_start3A_410, %dma_start3A_411] : memref<64x128xi32, #tpu.memory_space<vmem>> -> memref<1x128xi32, #tpu.memory_space<vmem>>
    %dma_start3A_413 = tpu.memref_squeeze %dma_start3A_412 : memref<1x128xi32, #tpu.memory_space<vmem>> -> memref<128xi32, #tpu.memory_space<vmem>>
    %dma_start3A_414 = arith.constant 0 : i32
    %dma_start3A_415 = arith.constant 0 : i32
    %dma_start3A_416 = tpu.memref_slice %arg2[%dma_start3A_414, %dma_start3A_415] : memref<32768x16xf32, #tpu.memory_space<hbm>> -> memref<32768x16xf32, #tpu.memory_space<hbm>>
    tpu.enqueue_indirect_dma source(%dma_start3A_416 : memref<32768x16xf32, #tpu.memory_space<hbm>>) target(%arg6 : memref<128x16xf32, #tpu.memory_space<vmem>>) offsets(%dma_start3A_413 : memref<128xi32, #tpu.memory_space<vmem>>) semaphore(%arg8 : memref<!tpu.dma_semaphore, #tpu.memory_space<semaphore_mem>>)
    %dma_wait3A_417 = arith.constant 25 : i32
    %dma_wait3A_418 = arith.constant 0 : i32
    %dma_wait3A_419 = tpu.memref_slice %arg5[%dma_wait3A_417, %dma_wait3A_418] : memref<64x128xi32, #tpu.memory_space<vmem>> -> memref<1x128xi32, #tpu.memory_space<vmem>>
    %dma_wait3A_420 = tpu.memref_squeeze %dma_wait3A_419 : memref<1x128xi32, #tpu.memory_space<vmem>> -> memref<128xi32, #tpu.memory_space<vmem>>
    %dma_wait3A_421 = arith.constant 0 : i32
    %dma_wait3A_422 = arith.constant 0 : i32
    %dma_wait3A_423 = tpu.memref_slice %arg2[%dma_wait3A_421, %dma_wait3A_422] : memref<32768x16xf32, #tpu.memory_space<hbm>> -> memref<32768x16xf32, #tpu.memory_space<hbm>>
    tpu.wait_indirect_dma semaphore(%arg9 : memref<!tpu.dma_semaphore, #tpu.memory_space<semaphore_mem>>) src(%dma_wait3A_423 : memref<32768x16xf32, #tpu.memory_space<hbm>>) dst(%arg7 : memref<128x16xf32, #tpu.memory_space<vmem>>)
    %add3A_424 = arith.constant 3200 : i32
    %add3A_425 = arith.addi %mul3A_2, %add3A_424 : i32
    "tpu.region"() ({
      %run_scoped3A = tpu.sem_alloc : memref<!tpu.dma_semaphore, #tpu.memory_space<semaphore_mem>>
      %dma_start3A_1027 = arith.constant 0 : i32
      %dma_start3A_1028 = tpu.memref_slice %arg4[%add3A_425, %dma_start3A_1027] : memref<262144x16xf32, #tpu.memory_space<hbm>> -> memref<128x16xf32, #tpu.memory_space<hbm>>
      %dma_start3A_1029 = arith.constant 0 : i32
      %dma_start3A_1030 = tpu.memref_slice %arg4[%add3A_425, %dma_start3A_1029] : memref<262144x16xf32, #tpu.memory_space<hbm>> -> memref<128x16xf32, #tpu.memory_space<hbm>>
      tpu.enqueue_dma source(%arg7 : memref<128x16xf32, #tpu.memory_space<vmem>>) target(%dma_start3A_1030 : memref<128x16xf32, #tpu.memory_space<hbm>>) target_semaphore(%run_scoped3A : memref<!tpu.dma_semaphore, #tpu.memory_space<semaphore_mem>>)
      %dma_wait3A_1031 = arith.constant 0 : i32
      %dma_wait3A_1032 = tpu.memref_slice %arg4[%add3A_425, %dma_wait3A_1031] : memref<262144x16xf32, #tpu.memory_space<hbm>> -> memref<128x16xf32, #tpu.memory_space<hbm>>
      %dma_wait3A_1033 = arith.constant 0 : i32
      %dma_wait3A_1034 = tpu.memref_slice %arg4[%add3A_425, %dma_wait3A_1033] : memref<262144x16xf32, #tpu.memory_space<hbm>> -> memref<128x16xf32, #tpu.memory_space<hbm>>
      tpu.wait_dma2 semaphore(%run_scoped3A : memref<!tpu.dma_semaphore, #tpu.memory_space<semaphore_mem>>) src(%arg7 : memref<128x16xf32, #tpu.memory_space<vmem>>) dst(%dma_wait3A_1034 : memref<128x16xf32, #tpu.memory_space<hbm>>)
      tpu.yield
    }) : () -> ()
    %dma_start3A_426 = arith.constant 27 : i32
    %dma_start3A_427 = arith.constant 0 : i32
    %dma_start3A_428 = tpu.memref_slice %arg5[%dma_start3A_426, %dma_start3A_427] : memref<64x128xi32, #tpu.memory_space<vmem>> -> memref<1x128xi32, #tpu.memory_space<vmem>>
    %dma_start3A_429 = tpu.memref_squeeze %dma_start3A_428 : memref<1x128xi32, #tpu.memory_space<vmem>> -> memref<128xi32, #tpu.memory_space<vmem>>
    %dma_start3A_430 = arith.constant 0 : i32
    %dma_start3A_431 = arith.constant 0 : i32
    %dma_start3A_432 = tpu.memref_slice %arg2[%dma_start3A_430, %dma_start3A_431] : memref<32768x16xf32, #tpu.memory_space<hbm>> -> memref<32768x16xf32, #tpu.memory_space<hbm>>
    tpu.enqueue_indirect_dma source(%dma_start3A_432 : memref<32768x16xf32, #tpu.memory_space<hbm>>) target(%arg7 : memref<128x16xf32, #tpu.memory_space<vmem>>) offsets(%dma_start3A_429 : memref<128xi32, #tpu.memory_space<vmem>>) semaphore(%arg9 : memref<!tpu.dma_semaphore, #tpu.memory_space<semaphore_mem>>)
    %dma_wait3A_433 = arith.constant 26 : i32
    %dma_wait3A_434 = arith.constant 0 : i32
    %dma_wait3A_435 = tpu.memref_slice %arg5[%dma_wait3A_433, %dma_wait3A_434] : memref<64x128xi32, #tpu.memory_space<vmem>> -> memref<1x128xi32, #tpu.memory_space<vmem>>
    %dma_wait3A_436 = tpu.memref_squeeze %dma_wait3A_435 : memref<1x128xi32, #tpu.memory_space<vmem>> -> memref<128xi32, #tpu.memory_space<vmem>>
    %dma_wait3A_437 = arith.constant 0 : i32
    %dma_wait3A_438 = arith.constant 0 : i32
    %dma_wait3A_439 = tpu.memref_slice %arg2[%dma_wait3A_437, %dma_wait3A_438] : memref<32768x16xf32, #tpu.memory_space<hbm>> -> memref<32768x16xf32, #tpu.memory_space<hbm>>
    tpu.wait_indirect_dma semaphore(%arg8 : memref<!tpu.dma_semaphore, #tpu.memory_space<semaphore_mem>>) src(%dma_wait3A_439 : memref<32768x16xf32, #tpu.memory_space<hbm>>) dst(%arg6 : memref<128x16xf32, #tpu.memory_space<vmem>>)
    %add3A_440 = arith.constant 3328 : i32
    %add3A_441 = arith.addi %mul3A_2, %add3A_440 : i32
    "tpu.region"() ({
      %run_scoped3A = tpu.sem_alloc : memref<!tpu.dma_semaphore, #tpu.memory_space<semaphore_mem>>
      %dma_start3A_1027 = arith.constant 0 : i32
      %dma_start3A_1028 = tpu.memref_slice %arg4[%add3A_441, %dma_start3A_1027] : memref<262144x16xf32, #tpu.memory_space<hbm>> -> memref<128x16xf32, #tpu.memory_space<hbm>>
      %dma_start3A_1029 = arith.constant 0 : i32
      %dma_start3A_1030 = tpu.memref_slice %arg4[%add3A_441, %dma_start3A_1029] : memref<262144x16xf32, #tpu.memory_space<hbm>> -> memref<128x16xf32, #tpu.memory_space<hbm>>
      tpu.enqueue_dma source(%arg6 : memref<128x16xf32, #tpu.memory_space<vmem>>) target(%dma_start3A_1030 : memref<128x16xf32, #tpu.memory_space<hbm>>) target_semaphore(%run_scoped3A : memref<!tpu.dma_semaphore, #tpu.memory_space<semaphore_mem>>)
      %dma_wait3A_1031 = arith.constant 0 : i32
      %dma_wait3A_1032 = tpu.memref_slice %arg4[%add3A_441, %dma_wait3A_1031] : memref<262144x16xf32, #tpu.memory_space<hbm>> -> memref<128x16xf32, #tpu.memory_space<hbm>>
      %dma_wait3A_1033 = arith.constant 0 : i32
      %dma_wait3A_1034 = tpu.memref_slice %arg4[%add3A_441, %dma_wait3A_1033] : memref<262144x16xf32, #tpu.memory_space<hbm>> -> memref<128x16xf32, #tpu.memory_space<hbm>>
      tpu.wait_dma2 semaphore(%run_scoped3A : memref<!tpu.dma_semaphore, #tpu.memory_space<semaphore_mem>>) src(%arg6 : memref<128x16xf32, #tpu.memory_space<vmem>>) dst(%dma_wait3A_1034 : memref<128x16xf32, #tpu.memory_space<hbm>>)
      tpu.yield
    }) : () -> ()
    %dma_start3A_442 = arith.constant 28 : i32
    %dma_start3A_443 = arith.constant 0 : i32
    %dma_start3A_444 = tpu.memref_slice %arg5[%dma_start3A_442, %dma_start3A_443] : memref<64x128xi32, #tpu.memory_space<vmem>> -> memref<1x128xi32, #tpu.memory_space<vmem>>
    %dma_start3A_445 = tpu.memref_squeeze %dma_start3A_444 : memref<1x128xi32, #tpu.memory_space<vmem>> -> memref<128xi32, #tpu.memory_space<vmem>>
    %dma_start3A_446 = arith.constant 0 : i32
    %dma_start3A_447 = arith.constant 0 : i32
    %dma_start3A_448 = tpu.memref_slice %arg2[%dma_start3A_446, %dma_start3A_447] : memref<32768x16xf32, #tpu.memory_space<hbm>> -> memref<32768x16xf32, #tpu.memory_space<hbm>>
    tpu.enqueue_indirect_dma source(%dma_start3A_448 : memref<32768x16xf32, #tpu.memory_space<hbm>>) target(%arg6 : memref<128x16xf32, #tpu.memory_space<vmem>>) offsets(%dma_start3A_445 : memref<128xi32, #tpu.memory_space<vmem>>) semaphore(%arg8 : memref<!tpu.dma_semaphore, #tpu.memory_space<semaphore_mem>>)
    %dma_wait3A_449 = arith.constant 27 : i32
    %dma_wait3A_450 = arith.constant 0 : i32
    %dma_wait3A_451 = tpu.memref_slice %arg5[%dma_wait3A_449, %dma_wait3A_450] : memref<64x128xi32, #tpu.memory_space<vmem>> -> memref<1x128xi32, #tpu.memory_space<vmem>>
    %dma_wait3A_452 = tpu.memref_squeeze %dma_wait3A_451 : memref<1x128xi32, #tpu.memory_space<vmem>> -> memref<128xi32, #tpu.memory_space<vmem>>
    %dma_wait3A_453 = arith.constant 0 : i32
    %dma_wait3A_454 = arith.constant 0 : i32
    %dma_wait3A_455 = tpu.memref_slice %arg2[%dma_wait3A_453, %dma_wait3A_454] : memref<32768x16xf32, #tpu.memory_space<hbm>> -> memref<32768x16xf32, #tpu.memory_space<hbm>>
    tpu.wait_indirect_dma semaphore(%arg9 : memref<!tpu.dma_semaphore, #tpu.memory_space<semaphore_mem>>) src(%dma_wait3A_455 : memref<32768x16xf32, #tpu.memory_space<hbm>>) dst(%arg7 : memref<128x16xf32, #tpu.memory_space<vmem>>)
    %add3A_456 = arith.constant 3456 : i32
    %add3A_457 = arith.addi %mul3A_2, %add3A_456 : i32
    "tpu.region"() ({
      %run_scoped3A = tpu.sem_alloc : memref<!tpu.dma_semaphore, #tpu.memory_space<semaphore_mem>>
      %dma_start3A_1027 = arith.constant 0 : i32
      %dma_start3A_1028 = tpu.memref_slice %arg4[%add3A_457, %dma_start3A_1027] : memref<262144x16xf32, #tpu.memory_space<hbm>> -> memref<128x16xf32, #tpu.memory_space<hbm>>
      %dma_start3A_1029 = arith.constant 0 : i32
      %dma_start3A_1030 = tpu.memref_slice %arg4[%add3A_457, %dma_start3A_1029] : memref<262144x16xf32, #tpu.memory_space<hbm>> -> memref<128x16xf32, #tpu.memory_space<hbm>>
      tpu.enqueue_dma source(%arg7 : memref<128x16xf32, #tpu.memory_space<vmem>>) target(%dma_start3A_1030 : memref<128x16xf32, #tpu.memory_space<hbm>>) target_semaphore(%run_scoped3A : memref<!tpu.dma_semaphore, #tpu.memory_space<semaphore_mem>>)
      %dma_wait3A_1031 = arith.constant 0 : i32
      %dma_wait3A_1032 = tpu.memref_slice %arg4[%add3A_457, %dma_wait3A_1031] : memref<262144x16xf32, #tpu.memory_space<hbm>> -> memref<128x16xf32, #tpu.memory_space<hbm>>
      %dma_wait3A_1033 = arith.constant 0 : i32
      %dma_wait3A_1034 = tpu.memref_slice %arg4[%add3A_457, %dma_wait3A_1033] : memref<262144x16xf32, #tpu.memory_space<hbm>> -> memref<128x16xf32, #tpu.memory_space<hbm>>
      tpu.wait_dma2 semaphore(%run_scoped3A : memref<!tpu.dma_semaphore, #tpu.memory_space<semaphore_mem>>) src(%arg7 : memref<128x16xf32, #tpu.memory_space<vmem>>) dst(%dma_wait3A_1034 : memref<128x16xf32, #tpu.memory_space<hbm>>)
      tpu.yield
    }) : () -> ()
    %dma_start3A_458 = arith.constant 29 : i32
    %dma_start3A_459 = arith.constant 0 : i32
    %dma_start3A_460 = tpu.memref_slice %arg5[%dma_start3A_458, %dma_start3A_459] : memref<64x128xi32, #tpu.memory_space<vmem>> -> memref<1x128xi32, #tpu.memory_space<vmem>>
    %dma_start3A_461 = tpu.memref_squeeze %dma_start3A_460 : memref<1x128xi32, #tpu.memory_space<vmem>> -> memref<128xi32, #tpu.memory_space<vmem>>
    %dma_start3A_462 = arith.constant 0 : i32
    %dma_start3A_463 = arith.constant 0 : i32
    %dma_start3A_464 = tpu.memref_slice %arg2[%dma_start3A_462, %dma_start3A_463] : memref<32768x16xf32, #tpu.memory_space<hbm>> -> memref<32768x16xf32, #tpu.memory_space<hbm>>
    tpu.enqueue_indirect_dma source(%dma_start3A_464 : memref<32768x16xf32, #tpu.memory_space<hbm>>) target(%arg7 : memref<128x16xf32, #tpu.memory_space<vmem>>) offsets(%dma_start3A_461 : memref<128xi32, #tpu.memory_space<vmem>>) semaphore(%arg9 : memref<!tpu.dma_semaphore, #tpu.memory_space<semaphore_mem>>)
    %dma_wait3A_465 = arith.constant 28 : i32
    %dma_wait3A_466 = arith.constant 0 : i32
    %dma_wait3A_467 = tpu.memref_slice %arg5[%dma_wait3A_465, %dma_wait3A_466] : memref<64x128xi32, #tpu.memory_space<vmem>> -> memref<1x128xi32, #tpu.memory_space<vmem>>
    %dma_wait3A_468 = tpu.memref_squeeze %dma_wait3A_467 : memref<1x128xi32, #tpu.memory_space<vmem>> -> memref<128xi32, #tpu.memory_space<vmem>>
    %dma_wait3A_469 = arith.constant 0 : i32
    %dma_wait3A_470 = arith.constant 0 : i32
    %dma_wait3A_471 = tpu.memref_slice %arg2[%dma_wait3A_469, %dma_wait3A_470] : memref<32768x16xf32, #tpu.memory_space<hbm>> -> memref<32768x16xf32, #tpu.memory_space<hbm>>
    tpu.wait_indirect_dma semaphore(%arg8 : memref<!tpu.dma_semaphore, #tpu.memory_space<semaphore_mem>>) src(%dma_wait3A_471 : memref<32768x16xf32, #tpu.memory_space<hbm>>) dst(%arg6 : memref<128x16xf32, #tpu.memory_space<vmem>>)
    %add3A_472 = arith.constant 3584 : i32
    %add3A_473 = arith.addi %mul3A_2, %add3A_472 : i32
    "tpu.region"() ({
      %run_scoped3A = tpu.sem_alloc : memref<!tpu.dma_semaphore, #tpu.memory_space<semaphore_mem>>
      %dma_start3A_1027 = arith.constant 0 : i32
      %dma_start3A_1028 = tpu.memref_slice %arg4[%add3A_473, %dma_start3A_1027] : memref<262144x16xf32, #tpu.memory_space<hbm>> -> memref<128x16xf32, #tpu.memory_space<hbm>>
      %dma_start3A_1029 = arith.constant 0 : i32
      %dma_start3A_1030 = tpu.memref_slice %arg4[%add3A_473, %dma_start3A_1029] : memref<262144x16xf32, #tpu.memory_space<hbm>> -> memref<128x16xf32, #tpu.memory_space<hbm>>
      tpu.enqueue_dma source(%arg6 : memref<128x16xf32, #tpu.memory_space<vmem>>) target(%dma_start3A_1030 : memref<128x16xf32, #tpu.memory_space<hbm>>) target_semaphore(%run_scoped3A : memref<!tpu.dma_semaphore, #tpu.memory_space<semaphore_mem>>)
      %dma_wait3A_1031 = arith.constant 0 : i32
      %dma_wait3A_1032 = tpu.memref_slice %arg4[%add3A_473, %dma_wait3A_1031] : memref<262144x16xf32, #tpu.memory_space<hbm>> -> memref<128x16xf32, #tpu.memory_space<hbm>>
      %dma_wait3A_1033 = arith.constant 0 : i32
      %dma_wait3A_1034 = tpu.memref_slice %arg4[%add3A_473, %dma_wait3A_1033] : memref<262144x16xf32, #tpu.memory_space<hbm>> -> memref<128x16xf32, #tpu.memory_space<hbm>>
      tpu.wait_dma2 semaphore(%run_scoped3A : memref<!tpu.dma_semaphore, #tpu.memory_space<semaphore_mem>>) src(%arg6 : memref<128x16xf32, #tpu.memory_space<vmem>>) dst(%dma_wait3A_1034 : memref<128x16xf32, #tpu.memory_space<hbm>>)
      tpu.yield
    }) : () -> ()
    %dma_start3A_474 = arith.constant 30 : i32
    %dma_start3A_475 = arith.constant 0 : i32
    %dma_start3A_476 = tpu.memref_slice %arg5[%dma_start3A_474, %dma_start3A_475] : memref<64x128xi32, #tpu.memory_space<vmem>> -> memref<1x128xi32, #tpu.memory_space<vmem>>
    %dma_start3A_477 = tpu.memref_squeeze %dma_start3A_476 : memref<1x128xi32, #tpu.memory_space<vmem>> -> memref<128xi32, #tpu.memory_space<vmem>>
    %dma_start3A_478 = arith.constant 0 : i32
    %dma_start3A_479 = arith.constant 0 : i32
    %dma_start3A_480 = tpu.memref_slice %arg2[%dma_start3A_478, %dma_start3A_479] : memref<32768x16xf32, #tpu.memory_space<hbm>> -> memref<32768x16xf32, #tpu.memory_space<hbm>>
    tpu.enqueue_indirect_dma source(%dma_start3A_480 : memref<32768x16xf32, #tpu.memory_space<hbm>>) target(%arg6 : memref<128x16xf32, #tpu.memory_space<vmem>>) offsets(%dma_start3A_477 : memref<128xi32, #tpu.memory_space<vmem>>) semaphore(%arg8 : memref<!tpu.dma_semaphore, #tpu.memory_space<semaphore_mem>>)
    %dma_wait3A_481 = arith.constant 29 : i32
    %dma_wait3A_482 = arith.constant 0 : i32
    %dma_wait3A_483 = tpu.memref_slice %arg5[%dma_wait3A_481, %dma_wait3A_482] : memref<64x128xi32, #tpu.memory_space<vmem>> -> memref<1x128xi32, #tpu.memory_space<vmem>>
    %dma_wait3A_484 = tpu.memref_squeeze %dma_wait3A_483 : memref<1x128xi32, #tpu.memory_space<vmem>> -> memref<128xi32, #tpu.memory_space<vmem>>
    %dma_wait3A_485 = arith.constant 0 : i32
    %dma_wait3A_486 = arith.constant 0 : i32
    %dma_wait3A_487 = tpu.memref_slice %arg2[%dma_wait3A_485, %dma_wait3A_486] : memref<32768x16xf32, #tpu.memory_space<hbm>> -> memref<32768x16xf32, #tpu.memory_space<hbm>>
    tpu.wait_indirect_dma semaphore(%arg9 : memref<!tpu.dma_semaphore, #tpu.memory_space<semaphore_mem>>) src(%dma_wait3A_487 : memref<32768x16xf32, #tpu.memory_space<hbm>>) dst(%arg7 : memref<128x16xf32, #tpu.memory_space<vmem>>)
    %add3A_488 = arith.constant 3712 : i32
    %add3A_489 = arith.addi %mul3A_2, %add3A_488 : i32
    "tpu.region"() ({
      %run_scoped3A = tpu.sem_alloc : memref<!tpu.dma_semaphore, #tpu.memory_space<semaphore_mem>>
      %dma_start3A_1027 = arith.constant 0 : i32
      %dma_start3A_1028 = tpu.memref_slice %arg4[%add3A_489, %dma_start3A_1027] : memref<262144x16xf32, #tpu.memory_space<hbm>> -> memref<128x16xf32, #tpu.memory_space<hbm>>
      %dma_start3A_1029 = arith.constant 0 : i32
      %dma_start3A_1030 = tpu.memref_slice %arg4[%add3A_489, %dma_start3A_1029] : memref<262144x16xf32, #tpu.memory_space<hbm>> -> memref<128x16xf32, #tpu.memory_space<hbm>>
      tpu.enqueue_dma source(%arg7 : memref<128x16xf32, #tpu.memory_space<vmem>>) target(%dma_start3A_1030 : memref<128x16xf32, #tpu.memory_space<hbm>>) target_semaphore(%run_scoped3A : memref<!tpu.dma_semaphore, #tpu.memory_space<semaphore_mem>>)
      %dma_wait3A_1031 = arith.constant 0 : i32
      %dma_wait3A_1032 = tpu.memref_slice %arg4[%add3A_489, %dma_wait3A_1031] : memref<262144x16xf32, #tpu.memory_space<hbm>> -> memref<128x16xf32, #tpu.memory_space<hbm>>
      %dma_wait3A_1033 = arith.constant 0 : i32
      %dma_wait3A_1034 = tpu.memref_slice %arg4[%add3A_489, %dma_wait3A_1033] : memref<262144x16xf32, #tpu.memory_space<hbm>> -> memref<128x16xf32, #tpu.memory_space<hbm>>
      tpu.wait_dma2 semaphore(%run_scoped3A : memref<!tpu.dma_semaphore, #tpu.memory_space<semaphore_mem>>) src(%arg7 : memref<128x16xf32, #tpu.memory_space<vmem>>) dst(%dma_wait3A_1034 : memref<128x16xf32, #tpu.memory_space<hbm>>)
      tpu.yield
    }) : () -> ()
    %dma_start3A_490 = arith.constant 31 : i32
    %dma_start3A_491 = arith.constant 0 : i32
    %dma_start3A_492 = tpu.memref_slice %arg5[%dma_start3A_490, %dma_start3A_491] : memref<64x128xi32, #tpu.memory_space<vmem>> -> memref<1x128xi32, #tpu.memory_space<vmem>>
    %dma_start3A_493 = tpu.memref_squeeze %dma_start3A_492 : memref<1x128xi32, #tpu.memory_space<vmem>> -> memref<128xi32, #tpu.memory_space<vmem>>
    %dma_start3A_494 = arith.constant 0 : i32
    %dma_start3A_495 = arith.constant 0 : i32
    %dma_start3A_496 = tpu.memref_slice %arg2[%dma_start3A_494, %dma_start3A_495] : memref<32768x16xf32, #tpu.memory_space<hbm>> -> memref<32768x16xf32, #tpu.memory_space<hbm>>
    tpu.enqueue_indirect_dma source(%dma_start3A_496 : memref<32768x16xf32, #tpu.memory_space<hbm>>) target(%arg7 : memref<128x16xf32, #tpu.memory_space<vmem>>) offsets(%dma_start3A_493 : memref<128xi32, #tpu.memory_space<vmem>>) semaphore(%arg9 : memref<!tpu.dma_semaphore, #tpu.memory_space<semaphore_mem>>)
    %dma_wait3A_497 = arith.constant 30 : i32
    %dma_wait3A_498 = arith.constant 0 : i32
    %dma_wait3A_499 = tpu.memref_slice %arg5[%dma_wait3A_497, %dma_wait3A_498] : memref<64x128xi32, #tpu.memory_space<vmem>> -> memref<1x128xi32, #tpu.memory_space<vmem>>
    %dma_wait3A_500 = tpu.memref_squeeze %dma_wait3A_499 : memref<1x128xi32, #tpu.memory_space<vmem>> -> memref<128xi32, #tpu.memory_space<vmem>>
    %dma_wait3A_501 = arith.constant 0 : i32
    %dma_wait3A_502 = arith.constant 0 : i32
    %dma_wait3A_503 = tpu.memref_slice %arg2[%dma_wait3A_501, %dma_wait3A_502] : memref<32768x16xf32, #tpu.memory_space<hbm>> -> memref<32768x16xf32, #tpu.memory_space<hbm>>
    tpu.wait_indirect_dma semaphore(%arg8 : memref<!tpu.dma_semaphore, #tpu.memory_space<semaphore_mem>>) src(%dma_wait3A_503 : memref<32768x16xf32, #tpu.memory_space<hbm>>) dst(%arg6 : memref<128x16xf32, #tpu.memory_space<vmem>>)
    %add3A_504 = arith.constant 3840 : i32
    %add3A_505 = arith.addi %mul3A_2, %add3A_504 : i32
    "tpu.region"() ({
      %run_scoped3A = tpu.sem_alloc : memref<!tpu.dma_semaphore, #tpu.memory_space<semaphore_mem>>
      %dma_start3A_1027 = arith.constant 0 : i32
      %dma_start3A_1028 = tpu.memref_slice %arg4[%add3A_505, %dma_start3A_1027] : memref<262144x16xf32, #tpu.memory_space<hbm>> -> memref<128x16xf32, #tpu.memory_space<hbm>>
      %dma_start3A_1029 = arith.constant 0 : i32
      %dma_start3A_1030 = tpu.memref_slice %arg4[%add3A_505, %dma_start3A_1029] : memref<262144x16xf32, #tpu.memory_space<hbm>> -> memref<128x16xf32, #tpu.memory_space<hbm>>
      tpu.enqueue_dma source(%arg6 : memref<128x16xf32, #tpu.memory_space<vmem>>) target(%dma_start3A_1030 : memref<128x16xf32, #tpu.memory_space<hbm>>) target_semaphore(%run_scoped3A : memref<!tpu.dma_semaphore, #tpu.memory_space<semaphore_mem>>)
      %dma_wait3A_1031 = arith.constant 0 : i32
      %dma_wait3A_1032 = tpu.memref_slice %arg4[%add3A_505, %dma_wait3A_1031] : memref<262144x16xf32, #tpu.memory_space<hbm>> -> memref<128x16xf32, #tpu.memory_space<hbm>>
      %dma_wait3A_1033 = arith.constant 0 : i32
      %dma_wait3A_1034 = tpu.memref_slice %arg4[%add3A_505, %dma_wait3A_1033] : memref<262144x16xf32, #tpu.memory_space<hbm>> -> memref<128x16xf32, #tpu.memory_space<hbm>>
      tpu.wait_dma2 semaphore(%run_scoped3A : memref<!tpu.dma_semaphore, #tpu.memory_space<semaphore_mem>>) src(%arg6 : memref<128x16xf32, #tpu.memory_space<vmem>>) dst(%dma_wait3A_1034 : memref<128x16xf32, #tpu.memory_space<hbm>>)
      tpu.yield
    }) : () -> ()
    %dma_start3A_506 = arith.constant 32 : i32
    %dma_start3A_507 = arith.constant 0 : i32
    %dma_start3A_508 = tpu.memref_slice %arg5[%dma_start3A_506, %dma_start3A_507] : memref<64x128xi32, #tpu.memory_space<vmem>> -> memref<1x128xi32, #tpu.memory_space<vmem>>
    %dma_start3A_509 = tpu.memref_squeeze %dma_start3A_508 : memref<1x128xi32, #tpu.memory_space<vmem>> -> memref<128xi32, #tpu.memory_space<vmem>>
    %dma_start3A_510 = arith.constant 0 : i32
    %dma_start3A_511 = arith.constant 0 : i32
    %dma_start3A_512 = tpu.memref_slice %arg2[%dma_start3A_510, %dma_start3A_511] : memref<32768x16xf32, #tpu.memory_space<hbm>> -> memref<32768x16xf32, #tpu.memory_space<hbm>>
    tpu.enqueue_indirect_dma source(%dma_start3A_512 : memref<32768x16xf32, #tpu.memory_space<hbm>>) target(%arg6 : memref<128x16xf32, #tpu.memory_space<vmem>>) offsets(%dma_start3A_509 : memref<128xi32, #tpu.memory_space<vmem>>) semaphore(%arg8 : memref<!tpu.dma_semaphore, #tpu.memory_space<semaphore_mem>>)
    %dma_wait3A_513 = arith.constant 31 : i32
    %dma_wait3A_514 = arith.constant 0 : i32
    %dma_wait3A_515 = tpu.memref_slice %arg5[%dma_wait3A_513, %dma_wait3A_514] : memref<64x128xi32, #tpu.memory_space<vmem>> -> memref<1x128xi32, #tpu.memory_space<vmem>>
    %dma_wait3A_516 = tpu.memref_squeeze %dma_wait3A_515 : memref<1x128xi32, #tpu.memory_space<vmem>> -> memref<128xi32, #tpu.memory_space<vmem>>
    %dma_wait3A_517 = arith.constant 0 : i32
    %dma_wait3A_518 = arith.constant 0 : i32
    %dma_wait3A_519 = tpu.memref_slice %arg2[%dma_wait3A_517, %dma_wait3A_518] : memref<32768x16xf32, #tpu.memory_space<hbm>> -> memref<32768x16xf32, #tpu.memory_space<hbm>>
    tpu.wait_indirect_dma semaphore(%arg9 : memref<!tpu.dma_semaphore, #tpu.memory_space<semaphore_mem>>) src(%dma_wait3A_519 : memref<32768x16xf32, #tpu.memory_space<hbm>>) dst(%arg7 : memref<128x16xf32, #tpu.memory_space<vmem>>)
    %add3A_520 = arith.constant 3968 : i32
    %add3A_521 = arith.addi %mul3A_2, %add3A_520 : i32
    "tpu.region"() ({
      %run_scoped3A = tpu.sem_alloc : memref<!tpu.dma_semaphore, #tpu.memory_space<semaphore_mem>>
      %dma_start3A_1027 = arith.constant 0 : i32
      %dma_start3A_1028 = tpu.memref_slice %arg4[%add3A_521, %dma_start3A_1027] : memref<262144x16xf32, #tpu.memory_space<hbm>> -> memref<128x16xf32, #tpu.memory_space<hbm>>
      %dma_start3A_1029 = arith.constant 0 : i32
      %dma_start3A_1030 = tpu.memref_slice %arg4[%add3A_521, %dma_start3A_1029] : memref<262144x16xf32, #tpu.memory_space<hbm>> -> memref<128x16xf32, #tpu.memory_space<hbm>>
      tpu.enqueue_dma source(%arg7 : memref<128x16xf32, #tpu.memory_space<vmem>>) target(%dma_start3A_1030 : memref<128x16xf32, #tpu.memory_space<hbm>>) target_semaphore(%run_scoped3A : memref<!tpu.dma_semaphore, #tpu.memory_space<semaphore_mem>>)
      %dma_wait3A_1031 = arith.constant 0 : i32
      %dma_wait3A_1032 = tpu.memref_slice %arg4[%add3A_521, %dma_wait3A_1031] : memref<262144x16xf32, #tpu.memory_space<hbm>> -> memref<128x16xf32, #tpu.memory_space<hbm>>
      %dma_wait3A_1033 = arith.constant 0 : i32
      %dma_wait3A_1034 = tpu.memref_slice %arg4[%add3A_521, %dma_wait3A_1033] : memref<262144x16xf32, #tpu.memory_space<hbm>> -> memref<128x16xf32, #tpu.memory_space<hbm>>
      tpu.wait_dma2 semaphore(%run_scoped3A : memref<!tpu.dma_semaphore, #tpu.memory_space<semaphore_mem>>) src(%arg7 : memref<128x16xf32, #tpu.memory_space<vmem>>) dst(%dma_wait3A_1034 : memref<128x16xf32, #tpu.memory_space<hbm>>)
      tpu.yield
    }) : () -> ()
    %dma_start3A_522 = arith.constant 33 : i32
    %dma_start3A_523 = arith.constant 0 : i32
    %dma_start3A_524 = tpu.memref_slice %arg5[%dma_start3A_522, %dma_start3A_523] : memref<64x128xi32, #tpu.memory_space<vmem>> -> memref<1x128xi32, #tpu.memory_space<vmem>>
    %dma_start3A_525 = tpu.memref_squeeze %dma_start3A_524 : memref<1x128xi32, #tpu.memory_space<vmem>> -> memref<128xi32, #tpu.memory_space<vmem>>
    %dma_start3A_526 = arith.constant 0 : i32
    %dma_start3A_527 = arith.constant 0 : i32
    %dma_start3A_528 = tpu.memref_slice %arg2[%dma_start3A_526, %dma_start3A_527] : memref<32768x16xf32, #tpu.memory_space<hbm>> -> memref<32768x16xf32, #tpu.memory_space<hbm>>
    tpu.enqueue_indirect_dma source(%dma_start3A_528 : memref<32768x16xf32, #tpu.memory_space<hbm>>) target(%arg7 : memref<128x16xf32, #tpu.memory_space<vmem>>) offsets(%dma_start3A_525 : memref<128xi32, #tpu.memory_space<vmem>>) semaphore(%arg9 : memref<!tpu.dma_semaphore, #tpu.memory_space<semaphore_mem>>)
    %dma_wait3A_529 = arith.constant 32 : i32
    %dma_wait3A_530 = arith.constant 0 : i32
    %dma_wait3A_531 = tpu.memref_slice %arg5[%dma_wait3A_529, %dma_wait3A_530] : memref<64x128xi32, #tpu.memory_space<vmem>> -> memref<1x128xi32, #tpu.memory_space<vmem>>
    %dma_wait3A_532 = tpu.memref_squeeze %dma_wait3A_531 : memref<1x128xi32, #tpu.memory_space<vmem>> -> memref<128xi32, #tpu.memory_space<vmem>>
    %dma_wait3A_533 = arith.constant 0 : i32
    %dma_wait3A_534 = arith.constant 0 : i32
    %dma_wait3A_535 = tpu.memref_slice %arg2[%dma_wait3A_533, %dma_wait3A_534] : memref<32768x16xf32, #tpu.memory_space<hbm>> -> memref<32768x16xf32, #tpu.memory_space<hbm>>
    tpu.wait_indirect_dma semaphore(%arg8 : memref<!tpu.dma_semaphore, #tpu.memory_space<semaphore_mem>>) src(%dma_wait3A_535 : memref<32768x16xf32, #tpu.memory_space<hbm>>) dst(%arg6 : memref<128x16xf32, #tpu.memory_space<vmem>>)
    %add3A_536 = arith.constant 4096 : i32
    %add3A_537 = arith.addi %mul3A_2, %add3A_536 : i32
    "tpu.region"() ({
      %run_scoped3A = tpu.sem_alloc : memref<!tpu.dma_semaphore, #tpu.memory_space<semaphore_mem>>
      %dma_start3A_1027 = arith.constant 0 : i32
      %dma_start3A_1028 = tpu.memref_slice %arg4[%add3A_537, %dma_start3A_1027] : memref<262144x16xf32, #tpu.memory_space<hbm>> -> memref<128x16xf32, #tpu.memory_space<hbm>>
      %dma_start3A_1029 = arith.constant 0 : i32
      %dma_start3A_1030 = tpu.memref_slice %arg4[%add3A_537, %dma_start3A_1029] : memref<262144x16xf32, #tpu.memory_space<hbm>> -> memref<128x16xf32, #tpu.memory_space<hbm>>
      tpu.enqueue_dma source(%arg6 : memref<128x16xf32, #tpu.memory_space<vmem>>) target(%dma_start3A_1030 : memref<128x16xf32, #tpu.memory_space<hbm>>) target_semaphore(%run_scoped3A : memref<!tpu.dma_semaphore, #tpu.memory_space<semaphore_mem>>)
      %dma_wait3A_1031 = arith.constant 0 : i32
      %dma_wait3A_1032 = tpu.memref_slice %arg4[%add3A_537, %dma_wait3A_1031] : memref<262144x16xf32, #tpu.memory_space<hbm>> -> memref<128x16xf32, #tpu.memory_space<hbm>>
      %dma_wait3A_1033 = arith.constant 0 : i32
      %dma_wait3A_1034 = tpu.memref_slice %arg4[%add3A_537, %dma_wait3A_1033] : memref<262144x16xf32, #tpu.memory_space<hbm>> -> memref<128x16xf32, #tpu.memory_space<hbm>>
      tpu.wait_dma2 semaphore(%run_scoped3A : memref<!tpu.dma_semaphore, #tpu.memory_space<semaphore_mem>>) src(%arg6 : memref<128x16xf32, #tpu.memory_space<vmem>>) dst(%dma_wait3A_1034 : memref<128x16xf32, #tpu.memory_space<hbm>>)
      tpu.yield
    }) : () -> ()
    %dma_start3A_538 = arith.constant 34 : i32
    %dma_start3A_539 = arith.constant 0 : i32
    %dma_start3A_540 = tpu.memref_slice %arg5[%dma_start3A_538, %dma_start3A_539] : memref<64x128xi32, #tpu.memory_space<vmem>> -> memref<1x128xi32, #tpu.memory_space<vmem>>
    %dma_start3A_541 = tpu.memref_squeeze %dma_start3A_540 : memref<1x128xi32, #tpu.memory_space<vmem>> -> memref<128xi32, #tpu.memory_space<vmem>>
    %dma_start3A_542 = arith.constant 0 : i32
    %dma_start3A_543 = arith.constant 0 : i32
    %dma_start3A_544 = tpu.memref_slice %arg2[%dma_start3A_542, %dma_start3A_543] : memref<32768x16xf32, #tpu.memory_space<hbm>> -> memref<32768x16xf32, #tpu.memory_space<hbm>>
    tpu.enqueue_indirect_dma source(%dma_start3A_544 : memref<32768x16xf32, #tpu.memory_space<hbm>>) target(%arg6 : memref<128x16xf32, #tpu.memory_space<vmem>>) offsets(%dma_start3A_541 : memref<128xi32, #tpu.memory_space<vmem>>) semaphore(%arg8 : memref<!tpu.dma_semaphore, #tpu.memory_space<semaphore_mem>>)
    %dma_wait3A_545 = arith.constant 33 : i32
    %dma_wait3A_546 = arith.constant 0 : i32
    %dma_wait3A_547 = tpu.memref_slice %arg5[%dma_wait3A_545, %dma_wait3A_546] : memref<64x128xi32, #tpu.memory_space<vmem>> -> memref<1x128xi32, #tpu.memory_space<vmem>>
    %dma_wait3A_548 = tpu.memref_squeeze %dma_wait3A_547 : memref<1x128xi32, #tpu.memory_space<vmem>> -> memref<128xi32, #tpu.memory_space<vmem>>
    %dma_wait3A_549 = arith.constant 0 : i32
    %dma_wait3A_550 = arith.constant 0 : i32
    %dma_wait3A_551 = tpu.memref_slice %arg2[%dma_wait3A_549, %dma_wait3A_550] : memref<32768x16xf32, #tpu.memory_space<hbm>> -> memref<32768x16xf32, #tpu.memory_space<hbm>>
    tpu.wait_indirect_dma semaphore(%arg9 : memref<!tpu.dma_semaphore, #tpu.memory_space<semaphore_mem>>) src(%dma_wait3A_551 : memref<32768x16xf32, #tpu.memory_space<hbm>>) dst(%arg7 : memref<128x16xf32, #tpu.memory_space<vmem>>)
    %add3A_552 = arith.constant 4224 : i32
    %add3A_553 = arith.addi %mul3A_2, %add3A_552 : i32
    "tpu.region"() ({
      %run_scoped3A = tpu.sem_alloc : memref<!tpu.dma_semaphore, #tpu.memory_space<semaphore_mem>>
      %dma_start3A_1027 = arith.constant 0 : i32
      %dma_start3A_1028 = tpu.memref_slice %arg4[%add3A_553, %dma_start3A_1027] : memref<262144x16xf32, #tpu.memory_space<hbm>> -> memref<128x16xf32, #tpu.memory_space<hbm>>
      %dma_start3A_1029 = arith.constant 0 : i32
      %dma_start3A_1030 = tpu.memref_slice %arg4[%add3A_553, %dma_start3A_1029] : memref<262144x16xf32, #tpu.memory_space<hbm>> -> memref<128x16xf32, #tpu.memory_space<hbm>>
      tpu.enqueue_dma source(%arg7 : memref<128x16xf32, #tpu.memory_space<vmem>>) target(%dma_start3A_1030 : memref<128x16xf32, #tpu.memory_space<hbm>>) target_semaphore(%run_scoped3A : memref<!tpu.dma_semaphore, #tpu.memory_space<semaphore_mem>>)
      %dma_wait3A_1031 = arith.constant 0 : i32
      %dma_wait3A_1032 = tpu.memref_slice %arg4[%add3A_553, %dma_wait3A_1031] : memref<262144x16xf32, #tpu.memory_space<hbm>> -> memref<128x16xf32, #tpu.memory_space<hbm>>
      %dma_wait3A_1033 = arith.constant 0 : i32
      %dma_wait3A_1034 = tpu.memref_slice %arg4[%add3A_553, %dma_wait3A_1033] : memref<262144x16xf32, #tpu.memory_space<hbm>> -> memref<128x16xf32, #tpu.memory_space<hbm>>
      tpu.wait_dma2 semaphore(%run_scoped3A : memref<!tpu.dma_semaphore, #tpu.memory_space<semaphore_mem>>) src(%arg7 : memref<128x16xf32, #tpu.memory_space<vmem>>) dst(%dma_wait3A_1034 : memref<128x16xf32, #tpu.memory_space<hbm>>)
      tpu.yield
    }) : () -> ()
    %dma_start3A_554 = arith.constant 35 : i32
    %dma_start3A_555 = arith.constant 0 : i32
    %dma_start3A_556 = tpu.memref_slice %arg5[%dma_start3A_554, %dma_start3A_555] : memref<64x128xi32, #tpu.memory_space<vmem>> -> memref<1x128xi32, #tpu.memory_space<vmem>>
    %dma_start3A_557 = tpu.memref_squeeze %dma_start3A_556 : memref<1x128xi32, #tpu.memory_space<vmem>> -> memref<128xi32, #tpu.memory_space<vmem>>
    %dma_start3A_558 = arith.constant 0 : i32
    %dma_start3A_559 = arith.constant 0 : i32
    %dma_start3A_560 = tpu.memref_slice %arg2[%dma_start3A_558, %dma_start3A_559] : memref<32768x16xf32, #tpu.memory_space<hbm>> -> memref<32768x16xf32, #tpu.memory_space<hbm>>
    tpu.enqueue_indirect_dma source(%dma_start3A_560 : memref<32768x16xf32, #tpu.memory_space<hbm>>) target(%arg7 : memref<128x16xf32, #tpu.memory_space<vmem>>) offsets(%dma_start3A_557 : memref<128xi32, #tpu.memory_space<vmem>>) semaphore(%arg9 : memref<!tpu.dma_semaphore, #tpu.memory_space<semaphore_mem>>)
    %dma_wait3A_561 = arith.constant 34 : i32
    %dma_wait3A_562 = arith.constant 0 : i32
    %dma_wait3A_563 = tpu.memref_slice %arg5[%dma_wait3A_561, %dma_wait3A_562] : memref<64x128xi32, #tpu.memory_space<vmem>> -> memref<1x128xi32, #tpu.memory_space<vmem>>
    %dma_wait3A_564 = tpu.memref_squeeze %dma_wait3A_563 : memref<1x128xi32, #tpu.memory_space<vmem>> -> memref<128xi32, #tpu.memory_space<vmem>>
    %dma_wait3A_565 = arith.constant 0 : i32
    %dma_wait3A_566 = arith.constant 0 : i32
    %dma_wait3A_567 = tpu.memref_slice %arg2[%dma_wait3A_565, %dma_wait3A_566] : memref<32768x16xf32, #tpu.memory_space<hbm>> -> memref<32768x16xf32, #tpu.memory_space<hbm>>
    tpu.wait_indirect_dma semaphore(%arg8 : memref<!tpu.dma_semaphore, #tpu.memory_space<semaphore_mem>>) src(%dma_wait3A_567 : memref<32768x16xf32, #tpu.memory_space<hbm>>) dst(%arg6 : memref<128x16xf32, #tpu.memory_space<vmem>>)
    %add3A_568 = arith.constant 4352 : i32
    %add3A_569 = arith.addi %mul3A_2, %add3A_568 : i32
    "tpu.region"() ({
      %run_scoped3A = tpu.sem_alloc : memref<!tpu.dma_semaphore, #tpu.memory_space<semaphore_mem>>
      %dma_start3A_1027 = arith.constant 0 : i32
      %dma_start3A_1028 = tpu.memref_slice %arg4[%add3A_569, %dma_start3A_1027] : memref<262144x16xf32, #tpu.memory_space<hbm>> -> memref<128x16xf32, #tpu.memory_space<hbm>>
      %dma_start3A_1029 = arith.constant 0 : i32
      %dma_start3A_1030 = tpu.memref_slice %arg4[%add3A_569, %dma_start3A_1029] : memref<262144x16xf32, #tpu.memory_space<hbm>> -> memref<128x16xf32, #tpu.memory_space<hbm>>
      tpu.enqueue_dma source(%arg6 : memref<128x16xf32, #tpu.memory_space<vmem>>) target(%dma_start3A_1030 : memref<128x16xf32, #tpu.memory_space<hbm>>) target_semaphore(%run_scoped3A : memref<!tpu.dma_semaphore, #tpu.memory_space<semaphore_mem>>)
      %dma_wait3A_1031 = arith.constant 0 : i32
      %dma_wait3A_1032 = tpu.memref_slice %arg4[%add3A_569, %dma_wait3A_1031] : memref<262144x16xf32, #tpu.memory_space<hbm>> -> memref<128x16xf32, #tpu.memory_space<hbm>>
      %dma_wait3A_1033 = arith.constant 0 : i32
      %dma_wait3A_1034 = tpu.memref_slice %arg4[%add3A_569, %dma_wait3A_1033] : memref<262144x16xf32, #tpu.memory_space<hbm>> -> memref<128x16xf32, #tpu.memory_space<hbm>>
      tpu.wait_dma2 semaphore(%run_scoped3A : memref<!tpu.dma_semaphore, #tpu.memory_space<semaphore_mem>>) src(%arg6 : memref<128x16xf32, #tpu.memory_space<vmem>>) dst(%dma_wait3A_1034 : memref<128x16xf32, #tpu.memory_space<hbm>>)
      tpu.yield
    }) : () -> ()
    %dma_start3A_570 = arith.constant 36 : i32
    %dma_start3A_571 = arith.constant 0 : i32
    %dma_start3A_572 = tpu.memref_slice %arg5[%dma_start3A_570, %dma_start3A_571] : memref<64x128xi32, #tpu.memory_space<vmem>> -> memref<1x128xi32, #tpu.memory_space<vmem>>
    %dma_start3A_573 = tpu.memref_squeeze %dma_start3A_572 : memref<1x128xi32, #tpu.memory_space<vmem>> -> memref<128xi32, #tpu.memory_space<vmem>>
    %dma_start3A_574 = arith.constant 0 : i32
    %dma_start3A_575 = arith.constant 0 : i32
    %dma_start3A_576 = tpu.memref_slice %arg2[%dma_start3A_574, %dma_start3A_575] : memref<32768x16xf32, #tpu.memory_space<hbm>> -> memref<32768x16xf32, #tpu.memory_space<hbm>>
    tpu.enqueue_indirect_dma source(%dma_start3A_576 : memref<32768x16xf32, #tpu.memory_space<hbm>>) target(%arg6 : memref<128x16xf32, #tpu.memory_space<vmem>>) offsets(%dma_start3A_573 : memref<128xi32, #tpu.memory_space<vmem>>) semaphore(%arg8 : memref<!tpu.dma_semaphore, #tpu.memory_space<semaphore_mem>>)
    %dma_wait3A_577 = arith.constant 35 : i32
    %dma_wait3A_578 = arith.constant 0 : i32
    %dma_wait3A_579 = tpu.memref_slice %arg5[%dma_wait3A_577, %dma_wait3A_578] : memref<64x128xi32, #tpu.memory_space<vmem>> -> memref<1x128xi32, #tpu.memory_space<vmem>>
    %dma_wait3A_580 = tpu.memref_squeeze %dma_wait3A_579 : memref<1x128xi32, #tpu.memory_space<vmem>> -> memref<128xi32, #tpu.memory_space<vmem>>
    %dma_wait3A_581 = arith.constant 0 : i32
    %dma_wait3A_582 = arith.constant 0 : i32
    %dma_wait3A_583 = tpu.memref_slice %arg2[%dma_wait3A_581, %dma_wait3A_582] : memref<32768x16xf32, #tpu.memory_space<hbm>> -> memref<32768x16xf32, #tpu.memory_space<hbm>>
    tpu.wait_indirect_dma semaphore(%arg9 : memref<!tpu.dma_semaphore, #tpu.memory_space<semaphore_mem>>) src(%dma_wait3A_583 : memref<32768x16xf32, #tpu.memory_space<hbm>>) dst(%arg7 : memref<128x16xf32, #tpu.memory_space<vmem>>)
    %add3A_584 = arith.constant 4480 : i32
    %add3A_585 = arith.addi %mul3A_2, %add3A_584 : i32
    "tpu.region"() ({
      %run_scoped3A = tpu.sem_alloc : memref<!tpu.dma_semaphore, #tpu.memory_space<semaphore_mem>>
      %dma_start3A_1027 = arith.constant 0 : i32
      %dma_start3A_1028 = tpu.memref_slice %arg4[%add3A_585, %dma_start3A_1027] : memref<262144x16xf32, #tpu.memory_space<hbm>> -> memref<128x16xf32, #tpu.memory_space<hbm>>
      %dma_start3A_1029 = arith.constant 0 : i32
      %dma_start3A_1030 = tpu.memref_slice %arg4[%add3A_585, %dma_start3A_1029] : memref<262144x16xf32, #tpu.memory_space<hbm>> -> memref<128x16xf32, #tpu.memory_space<hbm>>
      tpu.enqueue_dma source(%arg7 : memref<128x16xf32, #tpu.memory_space<vmem>>) target(%dma_start3A_1030 : memref<128x16xf32, #tpu.memory_space<hbm>>) target_semaphore(%run_scoped3A : memref<!tpu.dma_semaphore, #tpu.memory_space<semaphore_mem>>)
      %dma_wait3A_1031 = arith.constant 0 : i32
      %dma_wait3A_1032 = tpu.memref_slice %arg4[%add3A_585, %dma_wait3A_1031] : memref<262144x16xf32, #tpu.memory_space<hbm>> -> memref<128x16xf32, #tpu.memory_space<hbm>>
      %dma_wait3A_1033 = arith.constant 0 : i32
      %dma_wait3A_1034 = tpu.memref_slice %arg4[%add3A_585, %dma_wait3A_1033] : memref<262144x16xf32, #tpu.memory_space<hbm>> -> memref<128x16xf32, #tpu.memory_space<hbm>>
      tpu.wait_dma2 semaphore(%run_scoped3A : memref<!tpu.dma_semaphore, #tpu.memory_space<semaphore_mem>>) src(%arg7 : memref<128x16xf32, #tpu.memory_space<vmem>>) dst(%dma_wait3A_1034 : memref<128x16xf32, #tpu.memory_space<hbm>>)
      tpu.yield
    }) : () -> ()
    %dma_start3A_586 = arith.constant 37 : i32
    %dma_start3A_587 = arith.constant 0 : i32
    %dma_start3A_588 = tpu.memref_slice %arg5[%dma_start3A_586, %dma_start3A_587] : memref<64x128xi32, #tpu.memory_space<vmem>> -> memref<1x128xi32, #tpu.memory_space<vmem>>
    %dma_start3A_589 = tpu.memref_squeeze %dma_start3A_588 : memref<1x128xi32, #tpu.memory_space<vmem>> -> memref<128xi32, #tpu.memory_space<vmem>>
    %dma_start3A_590 = arith.constant 0 : i32
    %dma_start3A_591 = arith.constant 0 : i32
    %dma_start3A_592 = tpu.memref_slice %arg2[%dma_start3A_590, %dma_start3A_591] : memref<32768x16xf32, #tpu.memory_space<hbm>> -> memref<32768x16xf32, #tpu.memory_space<hbm>>
    tpu.enqueue_indirect_dma source(%dma_start3A_592 : memref<32768x16xf32, #tpu.memory_space<hbm>>) target(%arg7 : memref<128x16xf32, #tpu.memory_space<vmem>>) offsets(%dma_start3A_589 : memref<128xi32, #tpu.memory_space<vmem>>) semaphore(%arg9 : memref<!tpu.dma_semaphore, #tpu.memory_space<semaphore_mem>>)
    %dma_wait3A_593 = arith.constant 36 : i32
    %dma_wait3A_594 = arith.constant 0 : i32
    %dma_wait3A_595 = tpu.memref_slice %arg5[%dma_wait3A_593, %dma_wait3A_594] : memref<64x128xi32, #tpu.memory_space<vmem>> -> memref<1x128xi32, #tpu.memory_space<vmem>>
    %dma_wait3A_596 = tpu.memref_squeeze %dma_wait3A_595 : memref<1x128xi32, #tpu.memory_space<vmem>> -> memref<128xi32, #tpu.memory_space<vmem>>
    %dma_wait3A_597 = arith.constant 0 : i32
    %dma_wait3A_598 = arith.constant 0 : i32
    %dma_wait3A_599 = tpu.memref_slice %arg2[%dma_wait3A_597, %dma_wait3A_598] : memref<32768x16xf32, #tpu.memory_space<hbm>> -> memref<32768x16xf32, #tpu.memory_space<hbm>>
    tpu.wait_indirect_dma semaphore(%arg8 : memref<!tpu.dma_semaphore, #tpu.memory_space<semaphore_mem>>) src(%dma_wait3A_599 : memref<32768x16xf32, #tpu.memory_space<hbm>>) dst(%arg6 : memref<128x16xf32, #tpu.memory_space<vmem>>)
    %add3A_600 = arith.constant 4608 : i32
    %add3A_601 = arith.addi %mul3A_2, %add3A_600 : i32
    "tpu.region"() ({
      %run_scoped3A = tpu.sem_alloc : memref<!tpu.dma_semaphore, #tpu.memory_space<semaphore_mem>>
      %dma_start3A_1027 = arith.constant 0 : i32
      %dma_start3A_1028 = tpu.memref_slice %arg4[%add3A_601, %dma_start3A_1027] : memref<262144x16xf32, #tpu.memory_space<hbm>> -> memref<128x16xf32, #tpu.memory_space<hbm>>
      %dma_start3A_1029 = arith.constant 0 : i32
      %dma_start3A_1030 = tpu.memref_slice %arg4[%add3A_601, %dma_start3A_1029] : memref<262144x16xf32, #tpu.memory_space<hbm>> -> memref<128x16xf32, #tpu.memory_space<hbm>>
      tpu.enqueue_dma source(%arg6 : memref<128x16xf32, #tpu.memory_space<vmem>>) target(%dma_start3A_1030 : memref<128x16xf32, #tpu.memory_space<hbm>>) target_semaphore(%run_scoped3A : memref<!tpu.dma_semaphore, #tpu.memory_space<semaphore_mem>>)
      %dma_wait3A_1031 = arith.constant 0 : i32
      %dma_wait3A_1032 = tpu.memref_slice %arg4[%add3A_601, %dma_wait3A_1031] : memref<262144x16xf32, #tpu.memory_space<hbm>> -> memref<128x16xf32, #tpu.memory_space<hbm>>
      %dma_wait3A_1033 = arith.constant 0 : i32
      %dma_wait3A_1034 = tpu.memref_slice %arg4[%add3A_601, %dma_wait3A_1033] : memref<262144x16xf32, #tpu.memory_space<hbm>> -> memref<128x16xf32, #tpu.memory_space<hbm>>
      tpu.wait_dma2 semaphore(%run_scoped3A : memref<!tpu.dma_semaphore, #tpu.memory_space<semaphore_mem>>) src(%arg6 : memref<128x16xf32, #tpu.memory_space<vmem>>) dst(%dma_wait3A_1034 : memref<128x16xf32, #tpu.memory_space<hbm>>)
      tpu.yield
    }) : () -> ()
    %dma_start3A_602 = arith.constant 38 : i32
    %dma_start3A_603 = arith.constant 0 : i32
    %dma_start3A_604 = tpu.memref_slice %arg5[%dma_start3A_602, %dma_start3A_603] : memref<64x128xi32, #tpu.memory_space<vmem>> -> memref<1x128xi32, #tpu.memory_space<vmem>>
    %dma_start3A_605 = tpu.memref_squeeze %dma_start3A_604 : memref<1x128xi32, #tpu.memory_space<vmem>> -> memref<128xi32, #tpu.memory_space<vmem>>
    %dma_start3A_606 = arith.constant 0 : i32
    %dma_start3A_607 = arith.constant 0 : i32
    %dma_start3A_608 = tpu.memref_slice %arg2[%dma_start3A_606, %dma_start3A_607] : memref<32768x16xf32, #tpu.memory_space<hbm>> -> memref<32768x16xf32, #tpu.memory_space<hbm>>
    tpu.enqueue_indirect_dma source(%dma_start3A_608 : memref<32768x16xf32, #tpu.memory_space<hbm>>) target(%arg6 : memref<128x16xf32, #tpu.memory_space<vmem>>) offsets(%dma_start3A_605 : memref<128xi32, #tpu.memory_space<vmem>>) semaphore(%arg8 : memref<!tpu.dma_semaphore, #tpu.memory_space<semaphore_mem>>)
    %dma_wait3A_609 = arith.constant 37 : i32
    %dma_wait3A_610 = arith.constant 0 : i32
    %dma_wait3A_611 = tpu.memref_slice %arg5[%dma_wait3A_609, %dma_wait3A_610] : memref<64x128xi32, #tpu.memory_space<vmem>> -> memref<1x128xi32, #tpu.memory_space<vmem>>
    %dma_wait3A_612 = tpu.memref_squeeze %dma_wait3A_611 : memref<1x128xi32, #tpu.memory_space<vmem>> -> memref<128xi32, #tpu.memory_space<vmem>>
    %dma_wait3A_613 = arith.constant 0 : i32
    %dma_wait3A_614 = arith.constant 0 : i32
    %dma_wait3A_615 = tpu.memref_slice %arg2[%dma_wait3A_613, %dma_wait3A_614] : memref<32768x16xf32, #tpu.memory_space<hbm>> -> memref<32768x16xf32, #tpu.memory_space<hbm>>
    tpu.wait_indirect_dma semaphore(%arg9 : memref<!tpu.dma_semaphore, #tpu.memory_space<semaphore_mem>>) src(%dma_wait3A_615 : memref<32768x16xf32, #tpu.memory_space<hbm>>) dst(%arg7 : memref<128x16xf32, #tpu.memory_space<vmem>>)
    %add3A_616 = arith.constant 4736 : i32
    %add3A_617 = arith.addi %mul3A_2, %add3A_616 : i32
    "tpu.region"() ({
      %run_scoped3A = tpu.sem_alloc : memref<!tpu.dma_semaphore, #tpu.memory_space<semaphore_mem>>
      %dma_start3A_1027 = arith.constant 0 : i32
      %dma_start3A_1028 = tpu.memref_slice %arg4[%add3A_617, %dma_start3A_1027] : memref<262144x16xf32, #tpu.memory_space<hbm>> -> memref<128x16xf32, #tpu.memory_space<hbm>>
      %dma_start3A_1029 = arith.constant 0 : i32
      %dma_start3A_1030 = tpu.memref_slice %arg4[%add3A_617, %dma_start3A_1029] : memref<262144x16xf32, #tpu.memory_space<hbm>> -> memref<128x16xf32, #tpu.memory_space<hbm>>
      tpu.enqueue_dma source(%arg7 : memref<128x16xf32, #tpu.memory_space<vmem>>) target(%dma_start3A_1030 : memref<128x16xf32, #tpu.memory_space<hbm>>) target_semaphore(%run_scoped3A : memref<!tpu.dma_semaphore, #tpu.memory_space<semaphore_mem>>)
      %dma_wait3A_1031 = arith.constant 0 : i32
      %dma_wait3A_1032 = tpu.memref_slice %arg4[%add3A_617, %dma_wait3A_1031] : memref<262144x16xf32, #tpu.memory_space<hbm>> -> memref<128x16xf32, #tpu.memory_space<hbm>>
      %dma_wait3A_1033 = arith.constant 0 : i32
      %dma_wait3A_1034 = tpu.memref_slice %arg4[%add3A_617, %dma_wait3A_1033] : memref<262144x16xf32, #tpu.memory_space<hbm>> -> memref<128x16xf32, #tpu.memory_space<hbm>>
      tpu.wait_dma2 semaphore(%run_scoped3A : memref<!tpu.dma_semaphore, #tpu.memory_space<semaphore_mem>>) src(%arg7 : memref<128x16xf32, #tpu.memory_space<vmem>>) dst(%dma_wait3A_1034 : memref<128x16xf32, #tpu.memory_space<hbm>>)
      tpu.yield
    }) : () -> ()
    %dma_start3A_618 = arith.constant 39 : i32
    %dma_start3A_619 = arith.constant 0 : i32
    %dma_start3A_620 = tpu.memref_slice %arg5[%dma_start3A_618, %dma_start3A_619] : memref<64x128xi32, #tpu.memory_space<vmem>> -> memref<1x128xi32, #tpu.memory_space<vmem>>
    %dma_start3A_621 = tpu.memref_squeeze %dma_start3A_620 : memref<1x128xi32, #tpu.memory_space<vmem>> -> memref<128xi32, #tpu.memory_space<vmem>>
    %dma_start3A_622 = arith.constant 0 : i32
    %dma_start3A_623 = arith.constant 0 : i32
    %dma_start3A_624 = tpu.memref_slice %arg2[%dma_start3A_622, %dma_start3A_623] : memref<32768x16xf32, #tpu.memory_space<hbm>> -> memref<32768x16xf32, #tpu.memory_space<hbm>>
    tpu.enqueue_indirect_dma source(%dma_start3A_624 : memref<32768x16xf32, #tpu.memory_space<hbm>>) target(%arg7 : memref<128x16xf32, #tpu.memory_space<vmem>>) offsets(%dma_start3A_621 : memref<128xi32, #tpu.memory_space<vmem>>) semaphore(%arg9 : memref<!tpu.dma_semaphore, #tpu.memory_space<semaphore_mem>>)
    %dma_wait3A_625 = arith.constant 38 : i32
    %dma_wait3A_626 = arith.constant 0 : i32
    %dma_wait3A_627 = tpu.memref_slice %arg5[%dma_wait3A_625, %dma_wait3A_626] : memref<64x128xi32, #tpu.memory_space<vmem>> -> memref<1x128xi32, #tpu.memory_space<vmem>>
    %dma_wait3A_628 = tpu.memref_squeeze %dma_wait3A_627 : memref<1x128xi32, #tpu.memory_space<vmem>> -> memref<128xi32, #tpu.memory_space<vmem>>
    %dma_wait3A_629 = arith.constant 0 : i32
    %dma_wait3A_630 = arith.constant 0 : i32
    %dma_wait3A_631 = tpu.memref_slice %arg2[%dma_wait3A_629, %dma_wait3A_630] : memref<32768x16xf32, #tpu.memory_space<hbm>> -> memref<32768x16xf32, #tpu.memory_space<hbm>>
    tpu.wait_indirect_dma semaphore(%arg8 : memref<!tpu.dma_semaphore, #tpu.memory_space<semaphore_mem>>) src(%dma_wait3A_631 : memref<32768x16xf32, #tpu.memory_space<hbm>>) dst(%arg6 : memref<128x16xf32, #tpu.memory_space<vmem>>)
    %add3A_632 = arith.constant 4864 : i32
    %add3A_633 = arith.addi %mul3A_2, %add3A_632 : i32
    "tpu.region"() ({
      %run_scoped3A = tpu.sem_alloc : memref<!tpu.dma_semaphore, #tpu.memory_space<semaphore_mem>>
      %dma_start3A_1027 = arith.constant 0 : i32
      %dma_start3A_1028 = tpu.memref_slice %arg4[%add3A_633, %dma_start3A_1027] : memref<262144x16xf32, #tpu.memory_space<hbm>> -> memref<128x16xf32, #tpu.memory_space<hbm>>
      %dma_start3A_1029 = arith.constant 0 : i32
      %dma_start3A_1030 = tpu.memref_slice %arg4[%add3A_633, %dma_start3A_1029] : memref<262144x16xf32, #tpu.memory_space<hbm>> -> memref<128x16xf32, #tpu.memory_space<hbm>>
      tpu.enqueue_dma source(%arg6 : memref<128x16xf32, #tpu.memory_space<vmem>>) target(%dma_start3A_1030 : memref<128x16xf32, #tpu.memory_space<hbm>>) target_semaphore(%run_scoped3A : memref<!tpu.dma_semaphore, #tpu.memory_space<semaphore_mem>>)
      %dma_wait3A_1031 = arith.constant 0 : i32
      %dma_wait3A_1032 = tpu.memref_slice %arg4[%add3A_633, %dma_wait3A_1031] : memref<262144x16xf32, #tpu.memory_space<hbm>> -> memref<128x16xf32, #tpu.memory_space<hbm>>
      %dma_wait3A_1033 = arith.constant 0 : i32
      %dma_wait3A_1034 = tpu.memref_slice %arg4[%add3A_633, %dma_wait3A_1033] : memref<262144x16xf32, #tpu.memory_space<hbm>> -> memref<128x16xf32, #tpu.memory_space<hbm>>
      tpu.wait_dma2 semaphore(%run_scoped3A : memref<!tpu.dma_semaphore, #tpu.memory_space<semaphore_mem>>) src(%arg6 : memref<128x16xf32, #tpu.memory_space<vmem>>) dst(%dma_wait3A_1034 : memref<128x16xf32, #tpu.memory_space<hbm>>)
      tpu.yield
    }) : () -> ()
    %dma_start3A_634 = arith.constant 40 : i32
    %dma_start3A_635 = arith.constant 0 : i32
    %dma_start3A_636 = tpu.memref_slice %arg5[%dma_start3A_634, %dma_start3A_635] : memref<64x128xi32, #tpu.memory_space<vmem>> -> memref<1x128xi32, #tpu.memory_space<vmem>>
    %dma_start3A_637 = tpu.memref_squeeze %dma_start3A_636 : memref<1x128xi32, #tpu.memory_space<vmem>> -> memref<128xi32, #tpu.memory_space<vmem>>
    %dma_start3A_638 = arith.constant 0 : i32
    %dma_start3A_639 = arith.constant 0 : i32
    %dma_start3A_640 = tpu.memref_slice %arg2[%dma_start3A_638, %dma_start3A_639] : memref<32768x16xf32, #tpu.memory_space<hbm>> -> memref<32768x16xf32, #tpu.memory_space<hbm>>
    tpu.enqueue_indirect_dma source(%dma_start3A_640 : memref<32768x16xf32, #tpu.memory_space<hbm>>) target(%arg6 : memref<128x16xf32, #tpu.memory_space<vmem>>) offsets(%dma_start3A_637 : memref<128xi32, #tpu.memory_space<vmem>>) semaphore(%arg8 : memref<!tpu.dma_semaphore, #tpu.memory_space<semaphore_mem>>)
    %dma_wait3A_641 = arith.constant 39 : i32
    %dma_wait3A_642 = arith.constant 0 : i32
    %dma_wait3A_643 = tpu.memref_slice %arg5[%dma_wait3A_641, %dma_wait3A_642] : memref<64x128xi32, #tpu.memory_space<vmem>> -> memref<1x128xi32, #tpu.memory_space<vmem>>
    %dma_wait3A_644 = tpu.memref_squeeze %dma_wait3A_643 : memref<1x128xi32, #tpu.memory_space<vmem>> -> memref<128xi32, #tpu.memory_space<vmem>>
    %dma_wait3A_645 = arith.constant 0 : i32
    %dma_wait3A_646 = arith.constant 0 : i32
    %dma_wait3A_647 = tpu.memref_slice %arg2[%dma_wait3A_645, %dma_wait3A_646] : memref<32768x16xf32, #tpu.memory_space<hbm>> -> memref<32768x16xf32, #tpu.memory_space<hbm>>
    tpu.wait_indirect_dma semaphore(%arg9 : memref<!tpu.dma_semaphore, #tpu.memory_space<semaphore_mem>>) src(%dma_wait3A_647 : memref<32768x16xf32, #tpu.memory_space<hbm>>) dst(%arg7 : memref<128x16xf32, #tpu.memory_space<vmem>>)
    %add3A_648 = arith.constant 4992 : i32
    %add3A_649 = arith.addi %mul3A_2, %add3A_648 : i32
    "tpu.region"() ({
      %run_scoped3A = tpu.sem_alloc : memref<!tpu.dma_semaphore, #tpu.memory_space<semaphore_mem>>
      %dma_start3A_1027 = arith.constant 0 : i32
      %dma_start3A_1028 = tpu.memref_slice %arg4[%add3A_649, %dma_start3A_1027] : memref<262144x16xf32, #tpu.memory_space<hbm>> -> memref<128x16xf32, #tpu.memory_space<hbm>>
      %dma_start3A_1029 = arith.constant 0 : i32
      %dma_start3A_1030 = tpu.memref_slice %arg4[%add3A_649, %dma_start3A_1029] : memref<262144x16xf32, #tpu.memory_space<hbm>> -> memref<128x16xf32, #tpu.memory_space<hbm>>
      tpu.enqueue_dma source(%arg7 : memref<128x16xf32, #tpu.memory_space<vmem>>) target(%dma_start3A_1030 : memref<128x16xf32, #tpu.memory_space<hbm>>) target_semaphore(%run_scoped3A : memref<!tpu.dma_semaphore, #tpu.memory_space<semaphore_mem>>)
      %dma_wait3A_1031 = arith.constant 0 : i32
      %dma_wait3A_1032 = tpu.memref_slice %arg4[%add3A_649, %dma_wait3A_1031] : memref<262144x16xf32, #tpu.memory_space<hbm>> -> memref<128x16xf32, #tpu.memory_space<hbm>>
      %dma_wait3A_1033 = arith.constant 0 : i32
      %dma_wait3A_1034 = tpu.memref_slice %arg4[%add3A_649, %dma_wait3A_1033] : memref<262144x16xf32, #tpu.memory_space<hbm>> -> memref<128x16xf32, #tpu.memory_space<hbm>>
      tpu.wait_dma2 semaphore(%run_scoped3A : memref<!tpu.dma_semaphore, #tpu.memory_space<semaphore_mem>>) src(%arg7 : memref<128x16xf32, #tpu.memory_space<vmem>>) dst(%dma_wait3A_1034 : memref<128x16xf32, #tpu.memory_space<hbm>>)
      tpu.yield
    }) : () -> ()
    %dma_start3A_650 = arith.constant 41 : i32
    %dma_start3A_651 = arith.constant 0 : i32
    %dma_start3A_652 = tpu.memref_slice %arg5[%dma_start3A_650, %dma_start3A_651] : memref<64x128xi32, #tpu.memory_space<vmem>> -> memref<1x128xi32, #tpu.memory_space<vmem>>
    %dma_start3A_653 = tpu.memref_squeeze %dma_start3A_652 : memref<1x128xi32, #tpu.memory_space<vmem>> -> memref<128xi32, #tpu.memory_space<vmem>>
    %dma_start3A_654 = arith.constant 0 : i32
    %dma_start3A_655 = arith.constant 0 : i32
    %dma_start3A_656 = tpu.memref_slice %arg2[%dma_start3A_654, %dma_start3A_655] : memref<32768x16xf32, #tpu.memory_space<hbm>> -> memref<32768x16xf32, #tpu.memory_space<hbm>>
    tpu.enqueue_indirect_dma source(%dma_start3A_656 : memref<32768x16xf32, #tpu.memory_space<hbm>>) target(%arg7 : memref<128x16xf32, #tpu.memory_space<vmem>>) offsets(%dma_start3A_653 : memref<128xi32, #tpu.memory_space<vmem>>) semaphore(%arg9 : memref<!tpu.dma_semaphore, #tpu.memory_space<semaphore_mem>>)
    %dma_wait3A_657 = arith.constant 40 : i32
    %dma_wait3A_658 = arith.constant 0 : i32
    %dma_wait3A_659 = tpu.memref_slice %arg5[%dma_wait3A_657, %dma_wait3A_658] : memref<64x128xi32, #tpu.memory_space<vmem>> -> memref<1x128xi32, #tpu.memory_space<vmem>>
    %dma_wait3A_660 = tpu.memref_squeeze %dma_wait3A_659 : memref<1x128xi32, #tpu.memory_space<vmem>> -> memref<128xi32, #tpu.memory_space<vmem>>
    %dma_wait3A_661 = arith.constant 0 : i32
    %dma_wait3A_662 = arith.constant 0 : i32
    %dma_wait3A_663 = tpu.memref_slice %arg2[%dma_wait3A_661, %dma_wait3A_662] : memref<32768x16xf32, #tpu.memory_space<hbm>> -> memref<32768x16xf32, #tpu.memory_space<hbm>>
    tpu.wait_indirect_dma semaphore(%arg8 : memref<!tpu.dma_semaphore, #tpu.memory_space<semaphore_mem>>) src(%dma_wait3A_663 : memref<32768x16xf32, #tpu.memory_space<hbm>>) dst(%arg6 : memref<128x16xf32, #tpu.memory_space<vmem>>)
    %add3A_664 = arith.constant 5120 : i32
    %add3A_665 = arith.addi %mul3A_2, %add3A_664 : i32
    "tpu.region"() ({
      %run_scoped3A = tpu.sem_alloc : memref<!tpu.dma_semaphore, #tpu.memory_space<semaphore_mem>>
      %dma_start3A_1027 = arith.constant 0 : i32
      %dma_start3A_1028 = tpu.memref_slice %arg4[%add3A_665, %dma_start3A_1027] : memref<262144x16xf32, #tpu.memory_space<hbm>> -> memref<128x16xf32, #tpu.memory_space<hbm>>
      %dma_start3A_1029 = arith.constant 0 : i32
      %dma_start3A_1030 = tpu.memref_slice %arg4[%add3A_665, %dma_start3A_1029] : memref<262144x16xf32, #tpu.memory_space<hbm>> -> memref<128x16xf32, #tpu.memory_space<hbm>>
      tpu.enqueue_dma source(%arg6 : memref<128x16xf32, #tpu.memory_space<vmem>>) target(%dma_start3A_1030 : memref<128x16xf32, #tpu.memory_space<hbm>>) target_semaphore(%run_scoped3A : memref<!tpu.dma_semaphore, #tpu.memory_space<semaphore_mem>>)
      %dma_wait3A_1031 = arith.constant 0 : i32
      %dma_wait3A_1032 = tpu.memref_slice %arg4[%add3A_665, %dma_wait3A_1031] : memref<262144x16xf32, #tpu.memory_space<hbm>> -> memref<128x16xf32, #tpu.memory_space<hbm>>
      %dma_wait3A_1033 = arith.constant 0 : i32
      %dma_wait3A_1034 = tpu.memref_slice %arg4[%add3A_665, %dma_wait3A_1033] : memref<262144x16xf32, #tpu.memory_space<hbm>> -> memref<128x16xf32, #tpu.memory_space<hbm>>
      tpu.wait_dma2 semaphore(%run_scoped3A : memref<!tpu.dma_semaphore, #tpu.memory_space<semaphore_mem>>) src(%arg6 : memref<128x16xf32, #tpu.memory_space<vmem>>) dst(%dma_wait3A_1034 : memref<128x16xf32, #tpu.memory_space<hbm>>)
      tpu.yield
    }) : () -> ()
    %dma_start3A_666 = arith.constant 42 : i32
    %dma_start3A_667 = arith.constant 0 : i32
    %dma_start3A_668 = tpu.memref_slice %arg5[%dma_start3A_666, %dma_start3A_667] : memref<64x128xi32, #tpu.memory_space<vmem>> -> memref<1x128xi32, #tpu.memory_space<vmem>>
    %dma_start3A_669 = tpu.memref_squeeze %dma_start3A_668 : memref<1x128xi32, #tpu.memory_space<vmem>> -> memref<128xi32, #tpu.memory_space<vmem>>
    %dma_start3A_670 = arith.constant 0 : i32
    %dma_start3A_671 = arith.constant 0 : i32
    %dma_start3A_672 = tpu.memref_slice %arg2[%dma_start3A_670, %dma_start3A_671] : memref<32768x16xf32, #tpu.memory_space<hbm>> -> memref<32768x16xf32, #tpu.memory_space<hbm>>
    tpu.enqueue_indirect_dma source(%dma_start3A_672 : memref<32768x16xf32, #tpu.memory_space<hbm>>) target(%arg6 : memref<128x16xf32, #tpu.memory_space<vmem>>) offsets(%dma_start3A_669 : memref<128xi32, #tpu.memory_space<vmem>>) semaphore(%arg8 : memref<!tpu.dma_semaphore, #tpu.memory_space<semaphore_mem>>)
    %dma_wait3A_673 = arith.constant 41 : i32
    %dma_wait3A_674 = arith.constant 0 : i32
    %dma_wait3A_675 = tpu.memref_slice %arg5[%dma_wait3A_673, %dma_wait3A_674] : memref<64x128xi32, #tpu.memory_space<vmem>> -> memref<1x128xi32, #tpu.memory_space<vmem>>
    %dma_wait3A_676 = tpu.memref_squeeze %dma_wait3A_675 : memref<1x128xi32, #tpu.memory_space<vmem>> -> memref<128xi32, #tpu.memory_space<vmem>>
    %dma_wait3A_677 = arith.constant 0 : i32
    %dma_wait3A_678 = arith.constant 0 : i32
    %dma_wait3A_679 = tpu.memref_slice %arg2[%dma_wait3A_677, %dma_wait3A_678] : memref<32768x16xf32, #tpu.memory_space<hbm>> -> memref<32768x16xf32, #tpu.memory_space<hbm>>
    tpu.wait_indirect_dma semaphore(%arg9 : memref<!tpu.dma_semaphore, #tpu.memory_space<semaphore_mem>>) src(%dma_wait3A_679 : memref<32768x16xf32, #tpu.memory_space<hbm>>) dst(%arg7 : memref<128x16xf32, #tpu.memory_space<vmem>>)
    %add3A_680 = arith.constant 5248 : i32
    %add3A_681 = arith.addi %mul3A_2, %add3A_680 : i32
    "tpu.region"() ({
      %run_scoped3A = tpu.sem_alloc : memref<!tpu.dma_semaphore, #tpu.memory_space<semaphore_mem>>
      %dma_start3A_1027 = arith.constant 0 : i32
      %dma_start3A_1028 = tpu.memref_slice %arg4[%add3A_681, %dma_start3A_1027] : memref<262144x16xf32, #tpu.memory_space<hbm>> -> memref<128x16xf32, #tpu.memory_space<hbm>>
      %dma_start3A_1029 = arith.constant 0 : i32
      %dma_start3A_1030 = tpu.memref_slice %arg4[%add3A_681, %dma_start3A_1029] : memref<262144x16xf32, #tpu.memory_space<hbm>> -> memref<128x16xf32, #tpu.memory_space<hbm>>
      tpu.enqueue_dma source(%arg7 : memref<128x16xf32, #tpu.memory_space<vmem>>) target(%dma_start3A_1030 : memref<128x16xf32, #tpu.memory_space<hbm>>) target_semaphore(%run_scoped3A : memref<!tpu.dma_semaphore, #tpu.memory_space<semaphore_mem>>)
      %dma_wait3A_1031 = arith.constant 0 : i32
      %dma_wait3A_1032 = tpu.memref_slice %arg4[%add3A_681, %dma_wait3A_1031] : memref<262144x16xf32, #tpu.memory_space<hbm>> -> memref<128x16xf32, #tpu.memory_space<hbm>>
      %dma_wait3A_1033 = arith.constant 0 : i32
      %dma_wait3A_1034 = tpu.memref_slice %arg4[%add3A_681, %dma_wait3A_1033] : memref<262144x16xf32, #tpu.memory_space<hbm>> -> memref<128x16xf32, #tpu.memory_space<hbm>>
      tpu.wait_dma2 semaphore(%run_scoped3A : memref<!tpu.dma_semaphore, #tpu.memory_space<semaphore_mem>>) src(%arg7 : memref<128x16xf32, #tpu.memory_space<vmem>>) dst(%dma_wait3A_1034 : memref<128x16xf32, #tpu.memory_space<hbm>>)
      tpu.yield
    }) : () -> ()
    %dma_start3A_682 = arith.constant 43 : i32
    %dma_start3A_683 = arith.constant 0 : i32
    %dma_start3A_684 = tpu.memref_slice %arg5[%dma_start3A_682, %dma_start3A_683] : memref<64x128xi32, #tpu.memory_space<vmem>> -> memref<1x128xi32, #tpu.memory_space<vmem>>
    %dma_start3A_685 = tpu.memref_squeeze %dma_start3A_684 : memref<1x128xi32, #tpu.memory_space<vmem>> -> memref<128xi32, #tpu.memory_space<vmem>>
    %dma_start3A_686 = arith.constant 0 : i32
    %dma_start3A_687 = arith.constant 0 : i32
    %dma_start3A_688 = tpu.memref_slice %arg2[%dma_start3A_686, %dma_start3A_687] : memref<32768x16xf32, #tpu.memory_space<hbm>> -> memref<32768x16xf32, #tpu.memory_space<hbm>>
    tpu.enqueue_indirect_dma source(%dma_start3A_688 : memref<32768x16xf32, #tpu.memory_space<hbm>>) target(%arg7 : memref<128x16xf32, #tpu.memory_space<vmem>>) offsets(%dma_start3A_685 : memref<128xi32, #tpu.memory_space<vmem>>) semaphore(%arg9 : memref<!tpu.dma_semaphore, #tpu.memory_space<semaphore_mem>>)
    %dma_wait3A_689 = arith.constant 42 : i32
    %dma_wait3A_690 = arith.constant 0 : i32
    %dma_wait3A_691 = tpu.memref_slice %arg5[%dma_wait3A_689, %dma_wait3A_690] : memref<64x128xi32, #tpu.memory_space<vmem>> -> memref<1x128xi32, #tpu.memory_space<vmem>>
    %dma_wait3A_692 = tpu.memref_squeeze %dma_wait3A_691 : memref<1x128xi32, #tpu.memory_space<vmem>> -> memref<128xi32, #tpu.memory_space<vmem>>
    %dma_wait3A_693 = arith.constant 0 : i32
    %dma_wait3A_694 = arith.constant 0 : i32
    %dma_wait3A_695 = tpu.memref_slice %arg2[%dma_wait3A_693, %dma_wait3A_694] : memref<32768x16xf32, #tpu.memory_space<hbm>> -> memref<32768x16xf32, #tpu.memory_space<hbm>>
    tpu.wait_indirect_dma semaphore(%arg8 : memref<!tpu.dma_semaphore, #tpu.memory_space<semaphore_mem>>) src(%dma_wait3A_695 : memref<32768x16xf32, #tpu.memory_space<hbm>>) dst(%arg6 : memref<128x16xf32, #tpu.memory_space<vmem>>)
    %add3A_696 = arith.constant 5376 : i32
    %add3A_697 = arith.addi %mul3A_2, %add3A_696 : i32
    "tpu.region"() ({
      %run_scoped3A = tpu.sem_alloc : memref<!tpu.dma_semaphore, #tpu.memory_space<semaphore_mem>>
      %dma_start3A_1027 = arith.constant 0 : i32
      %dma_start3A_1028 = tpu.memref_slice %arg4[%add3A_697, %dma_start3A_1027] : memref<262144x16xf32, #tpu.memory_space<hbm>> -> memref<128x16xf32, #tpu.memory_space<hbm>>
      %dma_start3A_1029 = arith.constant 0 : i32
      %dma_start3A_1030 = tpu.memref_slice %arg4[%add3A_697, %dma_start3A_1029] : memref<262144x16xf32, #tpu.memory_space<hbm>> -> memref<128x16xf32, #tpu.memory_space<hbm>>
      tpu.enqueue_dma source(%arg6 : memref<128x16xf32, #tpu.memory_space<vmem>>) target(%dma_start3A_1030 : memref<128x16xf32, #tpu.memory_space<hbm>>) target_semaphore(%run_scoped3A : memref<!tpu.dma_semaphore, #tpu.memory_space<semaphore_mem>>)
      %dma_wait3A_1031 = arith.constant 0 : i32
      %dma_wait3A_1032 = tpu.memref_slice %arg4[%add3A_697, %dma_wait3A_1031] : memref<262144x16xf32, #tpu.memory_space<hbm>> -> memref<128x16xf32, #tpu.memory_space<hbm>>
      %dma_wait3A_1033 = arith.constant 0 : i32
      %dma_wait3A_1034 = tpu.memref_slice %arg4[%add3A_697, %dma_wait3A_1033] : memref<262144x16xf32, #tpu.memory_space<hbm>> -> memref<128x16xf32, #tpu.memory_space<hbm>>
      tpu.wait_dma2 semaphore(%run_scoped3A : memref<!tpu.dma_semaphore, #tpu.memory_space<semaphore_mem>>) src(%arg6 : memref<128x16xf32, #tpu.memory_space<vmem>>) dst(%dma_wait3A_1034 : memref<128x16xf32, #tpu.memory_space<hbm>>)
      tpu.yield
    }) : () -> ()
    %dma_start3A_698 = arith.constant 44 : i32
    %dma_start3A_699 = arith.constant 0 : i32
    %dma_start3A_700 = tpu.memref_slice %arg5[%dma_start3A_698, %dma_start3A_699] : memref<64x128xi32, #tpu.memory_space<vmem>> -> memref<1x128xi32, #tpu.memory_space<vmem>>
    %dma_start3A_701 = tpu.memref_squeeze %dma_start3A_700 : memref<1x128xi32, #tpu.memory_space<vmem>> -> memref<128xi32, #tpu.memory_space<vmem>>
    %dma_start3A_702 = arith.constant 0 : i32
    %dma_start3A_703 = arith.constant 0 : i32
    %dma_start3A_704 = tpu.memref_slice %arg2[%dma_start3A_702, %dma_start3A_703] : memref<32768x16xf32, #tpu.memory_space<hbm>> -> memref<32768x16xf32, #tpu.memory_space<hbm>>
    tpu.enqueue_indirect_dma source(%dma_start3A_704 : memref<32768x16xf32, #tpu.memory_space<hbm>>) target(%arg6 : memref<128x16xf32, #tpu.memory_space<vmem>>) offsets(%dma_start3A_701 : memref<128xi32, #tpu.memory_space<vmem>>) semaphore(%arg8 : memref<!tpu.dma_semaphore, #tpu.memory_space<semaphore_mem>>)
    %dma_wait3A_705 = arith.constant 43 : i32
    %dma_wait3A_706 = arith.constant 0 : i32
    %dma_wait3A_707 = tpu.memref_slice %arg5[%dma_wait3A_705, %dma_wait3A_706] : memref<64x128xi32, #tpu.memory_space<vmem>> -> memref<1x128xi32, #tpu.memory_space<vmem>>
    %dma_wait3A_708 = tpu.memref_squeeze %dma_wait3A_707 : memref<1x128xi32, #tpu.memory_space<vmem>> -> memref<128xi32, #tpu.memory_space<vmem>>
    %dma_wait3A_709 = arith.constant 0 : i32
    %dma_wait3A_710 = arith.constant 0 : i32
    %dma_wait3A_711 = tpu.memref_slice %arg2[%dma_wait3A_709, %dma_wait3A_710] : memref<32768x16xf32, #tpu.memory_space<hbm>> -> memref<32768x16xf32, #tpu.memory_space<hbm>>
    tpu.wait_indirect_dma semaphore(%arg9 : memref<!tpu.dma_semaphore, #tpu.memory_space<semaphore_mem>>) src(%dma_wait3A_711 : memref<32768x16xf32, #tpu.memory_space<hbm>>) dst(%arg7 : memref<128x16xf32, #tpu.memory_space<vmem>>)
    %add3A_712 = arith.constant 5504 : i32
    %add3A_713 = arith.addi %mul3A_2, %add3A_712 : i32
    "tpu.region"() ({
      %run_scoped3A = tpu.sem_alloc : memref<!tpu.dma_semaphore, #tpu.memory_space<semaphore_mem>>
      %dma_start3A_1027 = arith.constant 0 : i32
      %dma_start3A_1028 = tpu.memref_slice %arg4[%add3A_713, %dma_start3A_1027] : memref<262144x16xf32, #tpu.memory_space<hbm>> -> memref<128x16xf32, #tpu.memory_space<hbm>>
      %dma_start3A_1029 = arith.constant 0 : i32
      %dma_start3A_1030 = tpu.memref_slice %arg4[%add3A_713, %dma_start3A_1029] : memref<262144x16xf32, #tpu.memory_space<hbm>> -> memref<128x16xf32, #tpu.memory_space<hbm>>
      tpu.enqueue_dma source(%arg7 : memref<128x16xf32, #tpu.memory_space<vmem>>) target(%dma_start3A_1030 : memref<128x16xf32, #tpu.memory_space<hbm>>) target_semaphore(%run_scoped3A : memref<!tpu.dma_semaphore, #tpu.memory_space<semaphore_mem>>)
      %dma_wait3A_1031 = arith.constant 0 : i32
      %dma_wait3A_1032 = tpu.memref_slice %arg4[%add3A_713, %dma_wait3A_1031] : memref<262144x16xf32, #tpu.memory_space<hbm>> -> memref<128x16xf32, #tpu.memory_space<hbm>>
      %dma_wait3A_1033 = arith.constant 0 : i32
      %dma_wait3A_1034 = tpu.memref_slice %arg4[%add3A_713, %dma_wait3A_1033] : memref<262144x16xf32, #tpu.memory_space<hbm>> -> memref<128x16xf32, #tpu.memory_space<hbm>>
      tpu.wait_dma2 semaphore(%run_scoped3A : memref<!tpu.dma_semaphore, #tpu.memory_space<semaphore_mem>>) src(%arg7 : memref<128x16xf32, #tpu.memory_space<vmem>>) dst(%dma_wait3A_1034 : memref<128x16xf32, #tpu.memory_space<hbm>>)
      tpu.yield
    }) : () -> ()
    %dma_start3A_714 = arith.constant 45 : i32
    %dma_start3A_715 = arith.constant 0 : i32
    %dma_start3A_716 = tpu.memref_slice %arg5[%dma_start3A_714, %dma_start3A_715] : memref<64x128xi32, #tpu.memory_space<vmem>> -> memref<1x128xi32, #tpu.memory_space<vmem>>
    %dma_start3A_717 = tpu.memref_squeeze %dma_start3A_716 : memref<1x128xi32, #tpu.memory_space<vmem>> -> memref<128xi32, #tpu.memory_space<vmem>>
    %dma_start3A_718 = arith.constant 0 : i32
    %dma_start3A_719 = arith.constant 0 : i32
    %dma_start3A_720 = tpu.memref_slice %arg2[%dma_start3A_718, %dma_start3A_719] : memref<32768x16xf32, #tpu.memory_space<hbm>> -> memref<32768x16xf32, #tpu.memory_space<hbm>>
    tpu.enqueue_indirect_dma source(%dma_start3A_720 : memref<32768x16xf32, #tpu.memory_space<hbm>>) target(%arg7 : memref<128x16xf32, #tpu.memory_space<vmem>>) offsets(%dma_start3A_717 : memref<128xi32, #tpu.memory_space<vmem>>) semaphore(%arg9 : memref<!tpu.dma_semaphore, #tpu.memory_space<semaphore_mem>>)
    %dma_wait3A_721 = arith.constant 44 : i32
    %dma_wait3A_722 = arith.constant 0 : i32
    %dma_wait3A_723 = tpu.memref_slice %arg5[%dma_wait3A_721, %dma_wait3A_722] : memref<64x128xi32, #tpu.memory_space<vmem>> -> memref<1x128xi32, #tpu.memory_space<vmem>>
    %dma_wait3A_724 = tpu.memref_squeeze %dma_wait3A_723 : memref<1x128xi32, #tpu.memory_space<vmem>> -> memref<128xi32, #tpu.memory_space<vmem>>
    %dma_wait3A_725 = arith.constant 0 : i32
    %dma_wait3A_726 = arith.constant 0 : i32
    %dma_wait3A_727 = tpu.memref_slice %arg2[%dma_wait3A_725, %dma_wait3A_726] : memref<32768x16xf32, #tpu.memory_space<hbm>> -> memref<32768x16xf32, #tpu.memory_space<hbm>>
    tpu.wait_indirect_dma semaphore(%arg8 : memref<!tpu.dma_semaphore, #tpu.memory_space<semaphore_mem>>) src(%dma_wait3A_727 : memref<32768x16xf32, #tpu.memory_space<hbm>>) dst(%arg6 : memref<128x16xf32, #tpu.memory_space<vmem>>)
    %add3A_728 = arith.constant 5632 : i32
    %add3A_729 = arith.addi %mul3A_2, %add3A_728 : i32
    "tpu.region"() ({
      %run_scoped3A = tpu.sem_alloc : memref<!tpu.dma_semaphore, #tpu.memory_space<semaphore_mem>>
      %dma_start3A_1027 = arith.constant 0 : i32
      %dma_start3A_1028 = tpu.memref_slice %arg4[%add3A_729, %dma_start3A_1027] : memref<262144x16xf32, #tpu.memory_space<hbm>> -> memref<128x16xf32, #tpu.memory_space<hbm>>
      %dma_start3A_1029 = arith.constant 0 : i32
      %dma_start3A_1030 = tpu.memref_slice %arg4[%add3A_729, %dma_start3A_1029] : memref<262144x16xf32, #tpu.memory_space<hbm>> -> memref<128x16xf32, #tpu.memory_space<hbm>>
      tpu.enqueue_dma source(%arg6 : memref<128x16xf32, #tpu.memory_space<vmem>>) target(%dma_start3A_1030 : memref<128x16xf32, #tpu.memory_space<hbm>>) target_semaphore(%run_scoped3A : memref<!tpu.dma_semaphore, #tpu.memory_space<semaphore_mem>>)
      %dma_wait3A_1031 = arith.constant 0 : i32
      %dma_wait3A_1032 = tpu.memref_slice %arg4[%add3A_729, %dma_wait3A_1031] : memref<262144x16xf32, #tpu.memory_space<hbm>> -> memref<128x16xf32, #tpu.memory_space<hbm>>
      %dma_wait3A_1033 = arith.constant 0 : i32
      %dma_wait3A_1034 = tpu.memref_slice %arg4[%add3A_729, %dma_wait3A_1033] : memref<262144x16xf32, #tpu.memory_space<hbm>> -> memref<128x16xf32, #tpu.memory_space<hbm>>
      tpu.wait_dma2 semaphore(%run_scoped3A : memref<!tpu.dma_semaphore, #tpu.memory_space<semaphore_mem>>) src(%arg6 : memref<128x16xf32, #tpu.memory_space<vmem>>) dst(%dma_wait3A_1034 : memref<128x16xf32, #tpu.memory_space<hbm>>)
      tpu.yield
    }) : () -> ()
    %dma_start3A_730 = arith.constant 46 : i32
    %dma_start3A_731 = arith.constant 0 : i32
    %dma_start3A_732 = tpu.memref_slice %arg5[%dma_start3A_730, %dma_start3A_731] : memref<64x128xi32, #tpu.memory_space<vmem>> -> memref<1x128xi32, #tpu.memory_space<vmem>>
    %dma_start3A_733 = tpu.memref_squeeze %dma_start3A_732 : memref<1x128xi32, #tpu.memory_space<vmem>> -> memref<128xi32, #tpu.memory_space<vmem>>
    %dma_start3A_734 = arith.constant 0 : i32
    %dma_start3A_735 = arith.constant 0 : i32
    %dma_start3A_736 = tpu.memref_slice %arg2[%dma_start3A_734, %dma_start3A_735] : memref<32768x16xf32, #tpu.memory_space<hbm>> -> memref<32768x16xf32, #tpu.memory_space<hbm>>
    tpu.enqueue_indirect_dma source(%dma_start3A_736 : memref<32768x16xf32, #tpu.memory_space<hbm>>) target(%arg6 : memref<128x16xf32, #tpu.memory_space<vmem>>) offsets(%dma_start3A_733 : memref<128xi32, #tpu.memory_space<vmem>>) semaphore(%arg8 : memref<!tpu.dma_semaphore, #tpu.memory_space<semaphore_mem>>)
    %dma_wait3A_737 = arith.constant 45 : i32
    %dma_wait3A_738 = arith.constant 0 : i32
    %dma_wait3A_739 = tpu.memref_slice %arg5[%dma_wait3A_737, %dma_wait3A_738] : memref<64x128xi32, #tpu.memory_space<vmem>> -> memref<1x128xi32, #tpu.memory_space<vmem>>
    %dma_wait3A_740 = tpu.memref_squeeze %dma_wait3A_739 : memref<1x128xi32, #tpu.memory_space<vmem>> -> memref<128xi32, #tpu.memory_space<vmem>>
    %dma_wait3A_741 = arith.constant 0 : i32
    %dma_wait3A_742 = arith.constant 0 : i32
    %dma_wait3A_743 = tpu.memref_slice %arg2[%dma_wait3A_741, %dma_wait3A_742] : memref<32768x16xf32, #tpu.memory_space<hbm>> -> memref<32768x16xf32, #tpu.memory_space<hbm>>
    tpu.wait_indirect_dma semaphore(%arg9 : memref<!tpu.dma_semaphore, #tpu.memory_space<semaphore_mem>>) src(%dma_wait3A_743 : memref<32768x16xf32, #tpu.memory_space<hbm>>) dst(%arg7 : memref<128x16xf32, #tpu.memory_space<vmem>>)
    %add3A_744 = arith.constant 5760 : i32
    %add3A_745 = arith.addi %mul3A_2, %add3A_744 : i32
    "tpu.region"() ({
      %run_scoped3A = tpu.sem_alloc : memref<!tpu.dma_semaphore, #tpu.memory_space<semaphore_mem>>
      %dma_start3A_1027 = arith.constant 0 : i32
      %dma_start3A_1028 = tpu.memref_slice %arg4[%add3A_745, %dma_start3A_1027] : memref<262144x16xf32, #tpu.memory_space<hbm>> -> memref<128x16xf32, #tpu.memory_space<hbm>>
      %dma_start3A_1029 = arith.constant 0 : i32
      %dma_start3A_1030 = tpu.memref_slice %arg4[%add3A_745, %dma_start3A_1029] : memref<262144x16xf32, #tpu.memory_space<hbm>> -> memref<128x16xf32, #tpu.memory_space<hbm>>
      tpu.enqueue_dma source(%arg7 : memref<128x16xf32, #tpu.memory_space<vmem>>) target(%dma_start3A_1030 : memref<128x16xf32, #tpu.memory_space<hbm>>) target_semaphore(%run_scoped3A : memref<!tpu.dma_semaphore, #tpu.memory_space<semaphore_mem>>)
      %dma_wait3A_1031 = arith.constant 0 : i32
      %dma_wait3A_1032 = tpu.memref_slice %arg4[%add3A_745, %dma_wait3A_1031] : memref<262144x16xf32, #tpu.memory_space<hbm>> -> memref<128x16xf32, #tpu.memory_space<hbm>>
      %dma_wait3A_1033 = arith.constant 0 : i32
      %dma_wait3A_1034 = tpu.memref_slice %arg4[%add3A_745, %dma_wait3A_1033] : memref<262144x16xf32, #tpu.memory_space<hbm>> -> memref<128x16xf32, #tpu.memory_space<hbm>>
      tpu.wait_dma2 semaphore(%run_scoped3A : memref<!tpu.dma_semaphore, #tpu.memory_space<semaphore_mem>>) src(%arg7 : memref<128x16xf32, #tpu.memory_space<vmem>>) dst(%dma_wait3A_1034 : memref<128x16xf32, #tpu.memory_space<hbm>>)
      tpu.yield
    }) : () -> ()
    %dma_start3A_746 = arith.constant 47 : i32
    %dma_start3A_747 = arith.constant 0 : i32
    %dma_start3A_748 = tpu.memref_slice %arg5[%dma_start3A_746, %dma_start3A_747] : memref<64x128xi32, #tpu.memory_space<vmem>> -> memref<1x128xi32, #tpu.memory_space<vmem>>
    %dma_start3A_749 = tpu.memref_squeeze %dma_start3A_748 : memref<1x128xi32, #tpu.memory_space<vmem>> -> memref<128xi32, #tpu.memory_space<vmem>>
    %dma_start3A_750 = arith.constant 0 : i32
    %dma_start3A_751 = arith.constant 0 : i32
    %dma_start3A_752 = tpu.memref_slice %arg2[%dma_start3A_750, %dma_start3A_751] : memref<32768x16xf32, #tpu.memory_space<hbm>> -> memref<32768x16xf32, #tpu.memory_space<hbm>>
    tpu.enqueue_indirect_dma source(%dma_start3A_752 : memref<32768x16xf32, #tpu.memory_space<hbm>>) target(%arg7 : memref<128x16xf32, #tpu.memory_space<vmem>>) offsets(%dma_start3A_749 : memref<128xi32, #tpu.memory_space<vmem>>) semaphore(%arg9 : memref<!tpu.dma_semaphore, #tpu.memory_space<semaphore_mem>>)
    %dma_wait3A_753 = arith.constant 46 : i32
    %dma_wait3A_754 = arith.constant 0 : i32
    %dma_wait3A_755 = tpu.memref_slice %arg5[%dma_wait3A_753, %dma_wait3A_754] : memref<64x128xi32, #tpu.memory_space<vmem>> -> memref<1x128xi32, #tpu.memory_space<vmem>>
    %dma_wait3A_756 = tpu.memref_squeeze %dma_wait3A_755 : memref<1x128xi32, #tpu.memory_space<vmem>> -> memref<128xi32, #tpu.memory_space<vmem>>
    %dma_wait3A_757 = arith.constant 0 : i32
    %dma_wait3A_758 = arith.constant 0 : i32
    %dma_wait3A_759 = tpu.memref_slice %arg2[%dma_wait3A_757, %dma_wait3A_758] : memref<32768x16xf32, #tpu.memory_space<hbm>> -> memref<32768x16xf32, #tpu.memory_space<hbm>>
    tpu.wait_indirect_dma semaphore(%arg8 : memref<!tpu.dma_semaphore, #tpu.memory_space<semaphore_mem>>) src(%dma_wait3A_759 : memref<32768x16xf32, #tpu.memory_space<hbm>>) dst(%arg6 : memref<128x16xf32, #tpu.memory_space<vmem>>)
    %add3A_760 = arith.constant 5888 : i32
    %add3A_761 = arith.addi %mul3A_2, %add3A_760 : i32
    "tpu.region"() ({
      %run_scoped3A = tpu.sem_alloc : memref<!tpu.dma_semaphore, #tpu.memory_space<semaphore_mem>>
      %dma_start3A_1027 = arith.constant 0 : i32
      %dma_start3A_1028 = tpu.memref_slice %arg4[%add3A_761, %dma_start3A_1027] : memref<262144x16xf32, #tpu.memory_space<hbm>> -> memref<128x16xf32, #tpu.memory_space<hbm>>
      %dma_start3A_1029 = arith.constant 0 : i32
      %dma_start3A_1030 = tpu.memref_slice %arg4[%add3A_761, %dma_start3A_1029] : memref<262144x16xf32, #tpu.memory_space<hbm>> -> memref<128x16xf32, #tpu.memory_space<hbm>>
      tpu.enqueue_dma source(%arg6 : memref<128x16xf32, #tpu.memory_space<vmem>>) target(%dma_start3A_1030 : memref<128x16xf32, #tpu.memory_space<hbm>>) target_semaphore(%run_scoped3A : memref<!tpu.dma_semaphore, #tpu.memory_space<semaphore_mem>>)
      %dma_wait3A_1031 = arith.constant 0 : i32
      %dma_wait3A_1032 = tpu.memref_slice %arg4[%add3A_761, %dma_wait3A_1031] : memref<262144x16xf32, #tpu.memory_space<hbm>> -> memref<128x16xf32, #tpu.memory_space<hbm>>
      %dma_wait3A_1033 = arith.constant 0 : i32
      %dma_wait3A_1034 = tpu.memref_slice %arg4[%add3A_761, %dma_wait3A_1033] : memref<262144x16xf32, #tpu.memory_space<hbm>> -> memref<128x16xf32, #tpu.memory_space<hbm>>
      tpu.wait_dma2 semaphore(%run_scoped3A : memref<!tpu.dma_semaphore, #tpu.memory_space<semaphore_mem>>) src(%arg6 : memref<128x16xf32, #tpu.memory_space<vmem>>) dst(%dma_wait3A_1034 : memref<128x16xf32, #tpu.memory_space<hbm>>)
      tpu.yield
    }) : () -> ()
    %dma_start3A_762 = arith.constant 48 : i32
    %dma_start3A_763 = arith.constant 0 : i32
    %dma_start3A_764 = tpu.memref_slice %arg5[%dma_start3A_762, %dma_start3A_763] : memref<64x128xi32, #tpu.memory_space<vmem>> -> memref<1x128xi32, #tpu.memory_space<vmem>>
    %dma_start3A_765 = tpu.memref_squeeze %dma_start3A_764 : memref<1x128xi32, #tpu.memory_space<vmem>> -> memref<128xi32, #tpu.memory_space<vmem>>
    %dma_start3A_766 = arith.constant 0 : i32
    %dma_start3A_767 = arith.constant 0 : i32
    %dma_start3A_768 = tpu.memref_slice %arg2[%dma_start3A_766, %dma_start3A_767] : memref<32768x16xf32, #tpu.memory_space<hbm>> -> memref<32768x16xf32, #tpu.memory_space<hbm>>
    tpu.enqueue_indirect_dma source(%dma_start3A_768 : memref<32768x16xf32, #tpu.memory_space<hbm>>) target(%arg6 : memref<128x16xf32, #tpu.memory_space<vmem>>) offsets(%dma_start3A_765 : memref<128xi32, #tpu.memory_space<vmem>>) semaphore(%arg8 : memref<!tpu.dma_semaphore, #tpu.memory_space<semaphore_mem>>)
    %dma_wait3A_769 = arith.constant 47 : i32
    %dma_wait3A_770 = arith.constant 0 : i32
    %dma_wait3A_771 = tpu.memref_slice %arg5[%dma_wait3A_769, %dma_wait3A_770] : memref<64x128xi32, #tpu.memory_space<vmem>> -> memref<1x128xi32, #tpu.memory_space<vmem>>
    %dma_wait3A_772 = tpu.memref_squeeze %dma_wait3A_771 : memref<1x128xi32, #tpu.memory_space<vmem>> -> memref<128xi32, #tpu.memory_space<vmem>>
    %dma_wait3A_773 = arith.constant 0 : i32
    %dma_wait3A_774 = arith.constant 0 : i32
    %dma_wait3A_775 = tpu.memref_slice %arg2[%dma_wait3A_773, %dma_wait3A_774] : memref<32768x16xf32, #tpu.memory_space<hbm>> -> memref<32768x16xf32, #tpu.memory_space<hbm>>
    tpu.wait_indirect_dma semaphore(%arg9 : memref<!tpu.dma_semaphore, #tpu.memory_space<semaphore_mem>>) src(%dma_wait3A_775 : memref<32768x16xf32, #tpu.memory_space<hbm>>) dst(%arg7 : memref<128x16xf32, #tpu.memory_space<vmem>>)
    %add3A_776 = arith.constant 6016 : i32
    %add3A_777 = arith.addi %mul3A_2, %add3A_776 : i32
    "tpu.region"() ({
      %run_scoped3A = tpu.sem_alloc : memref<!tpu.dma_semaphore, #tpu.memory_space<semaphore_mem>>
      %dma_start3A_1027 = arith.constant 0 : i32
      %dma_start3A_1028 = tpu.memref_slice %arg4[%add3A_777, %dma_start3A_1027] : memref<262144x16xf32, #tpu.memory_space<hbm>> -> memref<128x16xf32, #tpu.memory_space<hbm>>
      %dma_start3A_1029 = arith.constant 0 : i32
      %dma_start3A_1030 = tpu.memref_slice %arg4[%add3A_777, %dma_start3A_1029] : memref<262144x16xf32, #tpu.memory_space<hbm>> -> memref<128x16xf32, #tpu.memory_space<hbm>>
      tpu.enqueue_dma source(%arg7 : memref<128x16xf32, #tpu.memory_space<vmem>>) target(%dma_start3A_1030 : memref<128x16xf32, #tpu.memory_space<hbm>>) target_semaphore(%run_scoped3A : memref<!tpu.dma_semaphore, #tpu.memory_space<semaphore_mem>>)
      %dma_wait3A_1031 = arith.constant 0 : i32
      %dma_wait3A_1032 = tpu.memref_slice %arg4[%add3A_777, %dma_wait3A_1031] : memref<262144x16xf32, #tpu.memory_space<hbm>> -> memref<128x16xf32, #tpu.memory_space<hbm>>
      %dma_wait3A_1033 = arith.constant 0 : i32
      %dma_wait3A_1034 = tpu.memref_slice %arg4[%add3A_777, %dma_wait3A_1033] : memref<262144x16xf32, #tpu.memory_space<hbm>> -> memref<128x16xf32, #tpu.memory_space<hbm>>
      tpu.wait_dma2 semaphore(%run_scoped3A : memref<!tpu.dma_semaphore, #tpu.memory_space<semaphore_mem>>) src(%arg7 : memref<128x16xf32, #tpu.memory_space<vmem>>) dst(%dma_wait3A_1034 : memref<128x16xf32, #tpu.memory_space<hbm>>)
      tpu.yield
    }) : () -> ()
    %dma_start3A_778 = arith.constant 49 : i32
    %dma_start3A_779 = arith.constant 0 : i32
    %dma_start3A_780 = tpu.memref_slice %arg5[%dma_start3A_778, %dma_start3A_779] : memref<64x128xi32, #tpu.memory_space<vmem>> -> memref<1x128xi32, #tpu.memory_space<vmem>>
    %dma_start3A_781 = tpu.memref_squeeze %dma_start3A_780 : memref<1x128xi32, #tpu.memory_space<vmem>> -> memref<128xi32, #tpu.memory_space<vmem>>
    %dma_start3A_782 = arith.constant 0 : i32
    %dma_start3A_783 = arith.constant 0 : i32
    %dma_start3A_784 = tpu.memref_slice %arg2[%dma_start3A_782, %dma_start3A_783] : memref<32768x16xf32, #tpu.memory_space<hbm>> -> memref<32768x16xf32, #tpu.memory_space<hbm>>
    tpu.enqueue_indirect_dma source(%dma_start3A_784 : memref<32768x16xf32, #tpu.memory_space<hbm>>) target(%arg7 : memref<128x16xf32, #tpu.memory_space<vmem>>) offsets(%dma_start3A_781 : memref<128xi32, #tpu.memory_space<vmem>>) semaphore(%arg9 : memref<!tpu.dma_semaphore, #tpu.memory_space<semaphore_mem>>)
    %dma_wait3A_785 = arith.constant 48 : i32
    %dma_wait3A_786 = arith.constant 0 : i32
    %dma_wait3A_787 = tpu.memref_slice %arg5[%dma_wait3A_785, %dma_wait3A_786] : memref<64x128xi32, #tpu.memory_space<vmem>> -> memref<1x128xi32, #tpu.memory_space<vmem>>
    %dma_wait3A_788 = tpu.memref_squeeze %dma_wait3A_787 : memref<1x128xi32, #tpu.memory_space<vmem>> -> memref<128xi32, #tpu.memory_space<vmem>>
    %dma_wait3A_789 = arith.constant 0 : i32
    %dma_wait3A_790 = arith.constant 0 : i32
    %dma_wait3A_791 = tpu.memref_slice %arg2[%dma_wait3A_789, %dma_wait3A_790] : memref<32768x16xf32, #tpu.memory_space<hbm>> -> memref<32768x16xf32, #tpu.memory_space<hbm>>
    tpu.wait_indirect_dma semaphore(%arg8 : memref<!tpu.dma_semaphore, #tpu.memory_space<semaphore_mem>>) src(%dma_wait3A_791 : memref<32768x16xf32, #tpu.memory_space<hbm>>) dst(%arg6 : memref<128x16xf32, #tpu.memory_space<vmem>>)
    %add3A_792 = arith.constant 6144 : i32
    %add3A_793 = arith.addi %mul3A_2, %add3A_792 : i32
    "tpu.region"() ({
      %run_scoped3A = tpu.sem_alloc : memref<!tpu.dma_semaphore, #tpu.memory_space<semaphore_mem>>
      %dma_start3A_1027 = arith.constant 0 : i32
      %dma_start3A_1028 = tpu.memref_slice %arg4[%add3A_793, %dma_start3A_1027] : memref<262144x16xf32, #tpu.memory_space<hbm>> -> memref<128x16xf32, #tpu.memory_space<hbm>>
      %dma_start3A_1029 = arith.constant 0 : i32
      %dma_start3A_1030 = tpu.memref_slice %arg4[%add3A_793, %dma_start3A_1029] : memref<262144x16xf32, #tpu.memory_space<hbm>> -> memref<128x16xf32, #tpu.memory_space<hbm>>
      tpu.enqueue_dma source(%arg6 : memref<128x16xf32, #tpu.memory_space<vmem>>) target(%dma_start3A_1030 : memref<128x16xf32, #tpu.memory_space<hbm>>) target_semaphore(%run_scoped3A : memref<!tpu.dma_semaphore, #tpu.memory_space<semaphore_mem>>)
      %dma_wait3A_1031 = arith.constant 0 : i32
      %dma_wait3A_1032 = tpu.memref_slice %arg4[%add3A_793, %dma_wait3A_1031] : memref<262144x16xf32, #tpu.memory_space<hbm>> -> memref<128x16xf32, #tpu.memory_space<hbm>>
      %dma_wait3A_1033 = arith.constant 0 : i32
      %dma_wait3A_1034 = tpu.memref_slice %arg4[%add3A_793, %dma_wait3A_1033] : memref<262144x16xf32, #tpu.memory_space<hbm>> -> memref<128x16xf32, #tpu.memory_space<hbm>>
      tpu.wait_dma2 semaphore(%run_scoped3A : memref<!tpu.dma_semaphore, #tpu.memory_space<semaphore_mem>>) src(%arg6 : memref<128x16xf32, #tpu.memory_space<vmem>>) dst(%dma_wait3A_1034 : memref<128x16xf32, #tpu.memory_space<hbm>>)
      tpu.yield
    }) : () -> ()
    %dma_start3A_794 = arith.constant 50 : i32
    %dma_start3A_795 = arith.constant 0 : i32
    %dma_start3A_796 = tpu.memref_slice %arg5[%dma_start3A_794, %dma_start3A_795] : memref<64x128xi32, #tpu.memory_space<vmem>> -> memref<1x128xi32, #tpu.memory_space<vmem>>
    %dma_start3A_797 = tpu.memref_squeeze %dma_start3A_796 : memref<1x128xi32, #tpu.memory_space<vmem>> -> memref<128xi32, #tpu.memory_space<vmem>>
    %dma_start3A_798 = arith.constant 0 : i32
    %dma_start3A_799 = arith.constant 0 : i32
    %dma_start3A_800 = tpu.memref_slice %arg2[%dma_start3A_798, %dma_start3A_799] : memref<32768x16xf32, #tpu.memory_space<hbm>> -> memref<32768x16xf32, #tpu.memory_space<hbm>>
    tpu.enqueue_indirect_dma source(%dma_start3A_800 : memref<32768x16xf32, #tpu.memory_space<hbm>>) target(%arg6 : memref<128x16xf32, #tpu.memory_space<vmem>>) offsets(%dma_start3A_797 : memref<128xi32, #tpu.memory_space<vmem>>) semaphore(%arg8 : memref<!tpu.dma_semaphore, #tpu.memory_space<semaphore_mem>>)
    %dma_wait3A_801 = arith.constant 49 : i32
    %dma_wait3A_802 = arith.constant 0 : i32
    %dma_wait3A_803 = tpu.memref_slice %arg5[%dma_wait3A_801, %dma_wait3A_802] : memref<64x128xi32, #tpu.memory_space<vmem>> -> memref<1x128xi32, #tpu.memory_space<vmem>>
    %dma_wait3A_804 = tpu.memref_squeeze %dma_wait3A_803 : memref<1x128xi32, #tpu.memory_space<vmem>> -> memref<128xi32, #tpu.memory_space<vmem>>
    %dma_wait3A_805 = arith.constant 0 : i32
    %dma_wait3A_806 = arith.constant 0 : i32
    %dma_wait3A_807 = tpu.memref_slice %arg2[%dma_wait3A_805, %dma_wait3A_806] : memref<32768x16xf32, #tpu.memory_space<hbm>> -> memref<32768x16xf32, #tpu.memory_space<hbm>>
    tpu.wait_indirect_dma semaphore(%arg9 : memref<!tpu.dma_semaphore, #tpu.memory_space<semaphore_mem>>) src(%dma_wait3A_807 : memref<32768x16xf32, #tpu.memory_space<hbm>>) dst(%arg7 : memref<128x16xf32, #tpu.memory_space<vmem>>)
    %add3A_808 = arith.constant 6272 : i32
    %add3A_809 = arith.addi %mul3A_2, %add3A_808 : i32
    "tpu.region"() ({
      %run_scoped3A = tpu.sem_alloc : memref<!tpu.dma_semaphore, #tpu.memory_space<semaphore_mem>>
      %dma_start3A_1027 = arith.constant 0 : i32
      %dma_start3A_1028 = tpu.memref_slice %arg4[%add3A_809, %dma_start3A_1027] : memref<262144x16xf32, #tpu.memory_space<hbm>> -> memref<128x16xf32, #tpu.memory_space<hbm>>
      %dma_start3A_1029 = arith.constant 0 : i32
      %dma_start3A_1030 = tpu.memref_slice %arg4[%add3A_809, %dma_start3A_1029] : memref<262144x16xf32, #tpu.memory_space<hbm>> -> memref<128x16xf32, #tpu.memory_space<hbm>>
      tpu.enqueue_dma source(%arg7 : memref<128x16xf32, #tpu.memory_space<vmem>>) target(%dma_start3A_1030 : memref<128x16xf32, #tpu.memory_space<hbm>>) target_semaphore(%run_scoped3A : memref<!tpu.dma_semaphore, #tpu.memory_space<semaphore_mem>>)
      %dma_wait3A_1031 = arith.constant 0 : i32
      %dma_wait3A_1032 = tpu.memref_slice %arg4[%add3A_809, %dma_wait3A_1031] : memref<262144x16xf32, #tpu.memory_space<hbm>> -> memref<128x16xf32, #tpu.memory_space<hbm>>
      %dma_wait3A_1033 = arith.constant 0 : i32
      %dma_wait3A_1034 = tpu.memref_slice %arg4[%add3A_809, %dma_wait3A_1033] : memref<262144x16xf32, #tpu.memory_space<hbm>> -> memref<128x16xf32, #tpu.memory_space<hbm>>
      tpu.wait_dma2 semaphore(%run_scoped3A : memref<!tpu.dma_semaphore, #tpu.memory_space<semaphore_mem>>) src(%arg7 : memref<128x16xf32, #tpu.memory_space<vmem>>) dst(%dma_wait3A_1034 : memref<128x16xf32, #tpu.memory_space<hbm>>)
      tpu.yield
    }) : () -> ()
    %dma_start3A_810 = arith.constant 51 : i32
    %dma_start3A_811 = arith.constant 0 : i32
    %dma_start3A_812 = tpu.memref_slice %arg5[%dma_start3A_810, %dma_start3A_811] : memref<64x128xi32, #tpu.memory_space<vmem>> -> memref<1x128xi32, #tpu.memory_space<vmem>>
    %dma_start3A_813 = tpu.memref_squeeze %dma_start3A_812 : memref<1x128xi32, #tpu.memory_space<vmem>> -> memref<128xi32, #tpu.memory_space<vmem>>
    %dma_start3A_814 = arith.constant 0 : i32
    %dma_start3A_815 = arith.constant 0 : i32
    %dma_start3A_816 = tpu.memref_slice %arg2[%dma_start3A_814, %dma_start3A_815] : memref<32768x16xf32, #tpu.memory_space<hbm>> -> memref<32768x16xf32, #tpu.memory_space<hbm>>
    tpu.enqueue_indirect_dma source(%dma_start3A_816 : memref<32768x16xf32, #tpu.memory_space<hbm>>) target(%arg7 : memref<128x16xf32, #tpu.memory_space<vmem>>) offsets(%dma_start3A_813 : memref<128xi32, #tpu.memory_space<vmem>>) semaphore(%arg9 : memref<!tpu.dma_semaphore, #tpu.memory_space<semaphore_mem>>)
    %dma_wait3A_817 = arith.constant 50 : i32
    %dma_wait3A_818 = arith.constant 0 : i32
    %dma_wait3A_819 = tpu.memref_slice %arg5[%dma_wait3A_817, %dma_wait3A_818] : memref<64x128xi32, #tpu.memory_space<vmem>> -> memref<1x128xi32, #tpu.memory_space<vmem>>
    %dma_wait3A_820 = tpu.memref_squeeze %dma_wait3A_819 : memref<1x128xi32, #tpu.memory_space<vmem>> -> memref<128xi32, #tpu.memory_space<vmem>>
    %dma_wait3A_821 = arith.constant 0 : i32
    %dma_wait3A_822 = arith.constant 0 : i32
    %dma_wait3A_823 = tpu.memref_slice %arg2[%dma_wait3A_821, %dma_wait3A_822] : memref<32768x16xf32, #tpu.memory_space<hbm>> -> memref<32768x16xf32, #tpu.memory_space<hbm>>
    tpu.wait_indirect_dma semaphore(%arg8 : memref<!tpu.dma_semaphore, #tpu.memory_space<semaphore_mem>>) src(%dma_wait3A_823 : memref<32768x16xf32, #tpu.memory_space<hbm>>) dst(%arg6 : memref<128x16xf32, #tpu.memory_space<vmem>>)
    %add3A_824 = arith.constant 6400 : i32
    %add3A_825 = arith.addi %mul3A_2, %add3A_824 : i32
    "tpu.region"() ({
      %run_scoped3A = tpu.sem_alloc : memref<!tpu.dma_semaphore, #tpu.memory_space<semaphore_mem>>
      %dma_start3A_1027 = arith.constant 0 : i32
      %dma_start3A_1028 = tpu.memref_slice %arg4[%add3A_825, %dma_start3A_1027] : memref<262144x16xf32, #tpu.memory_space<hbm>> -> memref<128x16xf32, #tpu.memory_space<hbm>>
      %dma_start3A_1029 = arith.constant 0 : i32
      %dma_start3A_1030 = tpu.memref_slice %arg4[%add3A_825, %dma_start3A_1029] : memref<262144x16xf32, #tpu.memory_space<hbm>> -> memref<128x16xf32, #tpu.memory_space<hbm>>
      tpu.enqueue_dma source(%arg6 : memref<128x16xf32, #tpu.memory_space<vmem>>) target(%dma_start3A_1030 : memref<128x16xf32, #tpu.memory_space<hbm>>) target_semaphore(%run_scoped3A : memref<!tpu.dma_semaphore, #tpu.memory_space<semaphore_mem>>)
      %dma_wait3A_1031 = arith.constant 0 : i32
      %dma_wait3A_1032 = tpu.memref_slice %arg4[%add3A_825, %dma_wait3A_1031] : memref<262144x16xf32, #tpu.memory_space<hbm>> -> memref<128x16xf32, #tpu.memory_space<hbm>>
      %dma_wait3A_1033 = arith.constant 0 : i32
      %dma_wait3A_1034 = tpu.memref_slice %arg4[%add3A_825, %dma_wait3A_1033] : memref<262144x16xf32, #tpu.memory_space<hbm>> -> memref<128x16xf32, #tpu.memory_space<hbm>>
      tpu.wait_dma2 semaphore(%run_scoped3A : memref<!tpu.dma_semaphore, #tpu.memory_space<semaphore_mem>>) src(%arg6 : memref<128x16xf32, #tpu.memory_space<vmem>>) dst(%dma_wait3A_1034 : memref<128x16xf32, #tpu.memory_space<hbm>>)
      tpu.yield
    }) : () -> ()
    %dma_start3A_826 = arith.constant 52 : i32
    %dma_start3A_827 = arith.constant 0 : i32
    %dma_start3A_828 = tpu.memref_slice %arg5[%dma_start3A_826, %dma_start3A_827] : memref<64x128xi32, #tpu.memory_space<vmem>> -> memref<1x128xi32, #tpu.memory_space<vmem>>
    %dma_start3A_829 = tpu.memref_squeeze %dma_start3A_828 : memref<1x128xi32, #tpu.memory_space<vmem>> -> memref<128xi32, #tpu.memory_space<vmem>>
    %dma_start3A_830 = arith.constant 0 : i32
    %dma_start3A_831 = arith.constant 0 : i32
    %dma_start3A_832 = tpu.memref_slice %arg2[%dma_start3A_830, %dma_start3A_831] : memref<32768x16xf32, #tpu.memory_space<hbm>> -> memref<32768x16xf32, #tpu.memory_space<hbm>>
    tpu.enqueue_indirect_dma source(%dma_start3A_832 : memref<32768x16xf32, #tpu.memory_space<hbm>>) target(%arg6 : memref<128x16xf32, #tpu.memory_space<vmem>>) offsets(%dma_start3A_829 : memref<128xi32, #tpu.memory_space<vmem>>) semaphore(%arg8 : memref<!tpu.dma_semaphore, #tpu.memory_space<semaphore_mem>>)
    %dma_wait3A_833 = arith.constant 51 : i32
    %dma_wait3A_834 = arith.constant 0 : i32
    %dma_wait3A_835 = tpu.memref_slice %arg5[%dma_wait3A_833, %dma_wait3A_834] : memref<64x128xi32, #tpu.memory_space<vmem>> -> memref<1x128xi32, #tpu.memory_space<vmem>>
    %dma_wait3A_836 = tpu.memref_squeeze %dma_wait3A_835 : memref<1x128xi32, #tpu.memory_space<vmem>> -> memref<128xi32, #tpu.memory_space<vmem>>
    %dma_wait3A_837 = arith.constant 0 : i32
    %dma_wait3A_838 = arith.constant 0 : i32
    %dma_wait3A_839 = tpu.memref_slice %arg2[%dma_wait3A_837, %dma_wait3A_838] : memref<32768x16xf32, #tpu.memory_space<hbm>> -> memref<32768x16xf32, #tpu.memory_space<hbm>>
    tpu.wait_indirect_dma semaphore(%arg9 : memref<!tpu.dma_semaphore, #tpu.memory_space<semaphore_mem>>) src(%dma_wait3A_839 : memref<32768x16xf32, #tpu.memory_space<hbm>>) dst(%arg7 : memref<128x16xf32, #tpu.memory_space<vmem>>)
    %add3A_840 = arith.constant 6528 : i32
    %add3A_841 = arith.addi %mul3A_2, %add3A_840 : i32
    "tpu.region"() ({
      %run_scoped3A = tpu.sem_alloc : memref<!tpu.dma_semaphore, #tpu.memory_space<semaphore_mem>>
      %dma_start3A_1027 = arith.constant 0 : i32
      %dma_start3A_1028 = tpu.memref_slice %arg4[%add3A_841, %dma_start3A_1027] : memref<262144x16xf32, #tpu.memory_space<hbm>> -> memref<128x16xf32, #tpu.memory_space<hbm>>
      %dma_start3A_1029 = arith.constant 0 : i32
      %dma_start3A_1030 = tpu.memref_slice %arg4[%add3A_841, %dma_start3A_1029] : memref<262144x16xf32, #tpu.memory_space<hbm>> -> memref<128x16xf32, #tpu.memory_space<hbm>>
      tpu.enqueue_dma source(%arg7 : memref<128x16xf32, #tpu.memory_space<vmem>>) target(%dma_start3A_1030 : memref<128x16xf32, #tpu.memory_space<hbm>>) target_semaphore(%run_scoped3A : memref<!tpu.dma_semaphore, #tpu.memory_space<semaphore_mem>>)
      %dma_wait3A_1031 = arith.constant 0 : i32
      %dma_wait3A_1032 = tpu.memref_slice %arg4[%add3A_841, %dma_wait3A_1031] : memref<262144x16xf32, #tpu.memory_space<hbm>> -> memref<128x16xf32, #tpu.memory_space<hbm>>
      %dma_wait3A_1033 = arith.constant 0 : i32
      %dma_wait3A_1034 = tpu.memref_slice %arg4[%add3A_841, %dma_wait3A_1033] : memref<262144x16xf32, #tpu.memory_space<hbm>> -> memref<128x16xf32, #tpu.memory_space<hbm>>
      tpu.wait_dma2 semaphore(%run_scoped3A : memref<!tpu.dma_semaphore, #tpu.memory_space<semaphore_mem>>) src(%arg7 : memref<128x16xf32, #tpu.memory_space<vmem>>) dst(%dma_wait3A_1034 : memref<128x16xf32, #tpu.memory_space<hbm>>)
      tpu.yield
    }) : () -> ()
    %dma_start3A_842 = arith.constant 53 : i32
    %dma_start3A_843 = arith.constant 0 : i32
    %dma_start3A_844 = tpu.memref_slice %arg5[%dma_start3A_842, %dma_start3A_843] : memref<64x128xi32, #tpu.memory_space<vmem>> -> memref<1x128xi32, #tpu.memory_space<vmem>>
    %dma_start3A_845 = tpu.memref_squeeze %dma_start3A_844 : memref<1x128xi32, #tpu.memory_space<vmem>> -> memref<128xi32, #tpu.memory_space<vmem>>
    %dma_start3A_846 = arith.constant 0 : i32
    %dma_start3A_847 = arith.constant 0 : i32
    %dma_start3A_848 = tpu.memref_slice %arg2[%dma_start3A_846, %dma_start3A_847] : memref<32768x16xf32, #tpu.memory_space<hbm>> -> memref<32768x16xf32, #tpu.memory_space<hbm>>
    tpu.enqueue_indirect_dma source(%dma_start3A_848 : memref<32768x16xf32, #tpu.memory_space<hbm>>) target(%arg7 : memref<128x16xf32, #tpu.memory_space<vmem>>) offsets(%dma_start3A_845 : memref<128xi32, #tpu.memory_space<vmem>>) semaphore(%arg9 : memref<!tpu.dma_semaphore, #tpu.memory_space<semaphore_mem>>)
    %dma_wait3A_849 = arith.constant 52 : i32
    %dma_wait3A_850 = arith.constant 0 : i32
    %dma_wait3A_851 = tpu.memref_slice %arg5[%dma_wait3A_849, %dma_wait3A_850] : memref<64x128xi32, #tpu.memory_space<vmem>> -> memref<1x128xi32, #tpu.memory_space<vmem>>
    %dma_wait3A_852 = tpu.memref_squeeze %dma_wait3A_851 : memref<1x128xi32, #tpu.memory_space<vmem>> -> memref<128xi32, #tpu.memory_space<vmem>>
    %dma_wait3A_853 = arith.constant 0 : i32
    %dma_wait3A_854 = arith.constant 0 : i32
    %dma_wait3A_855 = tpu.memref_slice %arg2[%dma_wait3A_853, %dma_wait3A_854] : memref<32768x16xf32, #tpu.memory_space<hbm>> -> memref<32768x16xf32, #tpu.memory_space<hbm>>
    tpu.wait_indirect_dma semaphore(%arg8 : memref<!tpu.dma_semaphore, #tpu.memory_space<semaphore_mem>>) src(%dma_wait3A_855 : memref<32768x16xf32, #tpu.memory_space<hbm>>) dst(%arg6 : memref<128x16xf32, #tpu.memory_space<vmem>>)
    %add3A_856 = arith.constant 6656 : i32
    %add3A_857 = arith.addi %mul3A_2, %add3A_856 : i32
    "tpu.region"() ({
      %run_scoped3A = tpu.sem_alloc : memref<!tpu.dma_semaphore, #tpu.memory_space<semaphore_mem>>
      %dma_start3A_1027 = arith.constant 0 : i32
      %dma_start3A_1028 = tpu.memref_slice %arg4[%add3A_857, %dma_start3A_1027] : memref<262144x16xf32, #tpu.memory_space<hbm>> -> memref<128x16xf32, #tpu.memory_space<hbm>>
      %dma_start3A_1029 = arith.constant 0 : i32
      %dma_start3A_1030 = tpu.memref_slice %arg4[%add3A_857, %dma_start3A_1029] : memref<262144x16xf32, #tpu.memory_space<hbm>> -> memref<128x16xf32, #tpu.memory_space<hbm>>
      tpu.enqueue_dma source(%arg6 : memref<128x16xf32, #tpu.memory_space<vmem>>) target(%dma_start3A_1030 : memref<128x16xf32, #tpu.memory_space<hbm>>) target_semaphore(%run_scoped3A : memref<!tpu.dma_semaphore, #tpu.memory_space<semaphore_mem>>)
      %dma_wait3A_1031 = arith.constant 0 : i32
      %dma_wait3A_1032 = tpu.memref_slice %arg4[%add3A_857, %dma_wait3A_1031] : memref<262144x16xf32, #tpu.memory_space<hbm>> -> memref<128x16xf32, #tpu.memory_space<hbm>>
      %dma_wait3A_1033 = arith.constant 0 : i32
      %dma_wait3A_1034 = tpu.memref_slice %arg4[%add3A_857, %dma_wait3A_1033] : memref<262144x16xf32, #tpu.memory_space<hbm>> -> memref<128x16xf32, #tpu.memory_space<hbm>>
      tpu.wait_dma2 semaphore(%run_scoped3A : memref<!tpu.dma_semaphore, #tpu.memory_space<semaphore_mem>>) src(%arg6 : memref<128x16xf32, #tpu.memory_space<vmem>>) dst(%dma_wait3A_1034 : memref<128x16xf32, #tpu.memory_space<hbm>>)
      tpu.yield
    }) : () -> ()
    %dma_start3A_858 = arith.constant 54 : i32
    %dma_start3A_859 = arith.constant 0 : i32
    %dma_start3A_860 = tpu.memref_slice %arg5[%dma_start3A_858, %dma_start3A_859] : memref<64x128xi32, #tpu.memory_space<vmem>> -> memref<1x128xi32, #tpu.memory_space<vmem>>
    %dma_start3A_861 = tpu.memref_squeeze %dma_start3A_860 : memref<1x128xi32, #tpu.memory_space<vmem>> -> memref<128xi32, #tpu.memory_space<vmem>>
    %dma_start3A_862 = arith.constant 0 : i32
    %dma_start3A_863 = arith.constant 0 : i32
    %dma_start3A_864 = tpu.memref_slice %arg2[%dma_start3A_862, %dma_start3A_863] : memref<32768x16xf32, #tpu.memory_space<hbm>> -> memref<32768x16xf32, #tpu.memory_space<hbm>>
    tpu.enqueue_indirect_dma source(%dma_start3A_864 : memref<32768x16xf32, #tpu.memory_space<hbm>>) target(%arg6 : memref<128x16xf32, #tpu.memory_space<vmem>>) offsets(%dma_start3A_861 : memref<128xi32, #tpu.memory_space<vmem>>) semaphore(%arg8 : memref<!tpu.dma_semaphore, #tpu.memory_space<semaphore_mem>>)
    %dma_wait3A_865 = arith.constant 53 : i32
    %dma_wait3A_866 = arith.constant 0 : i32
    %dma_wait3A_867 = tpu.memref_slice %arg5[%dma_wait3A_865, %dma_wait3A_866] : memref<64x128xi32, #tpu.memory_space<vmem>> -> memref<1x128xi32, #tpu.memory_space<vmem>>
    %dma_wait3A_868 = tpu.memref_squeeze %dma_wait3A_867 : memref<1x128xi32, #tpu.memory_space<vmem>> -> memref<128xi32, #tpu.memory_space<vmem>>
    %dma_wait3A_869 = arith.constant 0 : i32
    %dma_wait3A_870 = arith.constant 0 : i32
    %dma_wait3A_871 = tpu.memref_slice %arg2[%dma_wait3A_869, %dma_wait3A_870] : memref<32768x16xf32, #tpu.memory_space<hbm>> -> memref<32768x16xf32, #tpu.memory_space<hbm>>
    tpu.wait_indirect_dma semaphore(%arg9 : memref<!tpu.dma_semaphore, #tpu.memory_space<semaphore_mem>>) src(%dma_wait3A_871 : memref<32768x16xf32, #tpu.memory_space<hbm>>) dst(%arg7 : memref<128x16xf32, #tpu.memory_space<vmem>>)
    %add3A_872 = arith.constant 6784 : i32
    %add3A_873 = arith.addi %mul3A_2, %add3A_872 : i32
    "tpu.region"() ({
      %run_scoped3A = tpu.sem_alloc : memref<!tpu.dma_semaphore, #tpu.memory_space<semaphore_mem>>
      %dma_start3A_1027 = arith.constant 0 : i32
      %dma_start3A_1028 = tpu.memref_slice %arg4[%add3A_873, %dma_start3A_1027] : memref<262144x16xf32, #tpu.memory_space<hbm>> -> memref<128x16xf32, #tpu.memory_space<hbm>>
      %dma_start3A_1029 = arith.constant 0 : i32
      %dma_start3A_1030 = tpu.memref_slice %arg4[%add3A_873, %dma_start3A_1029] : memref<262144x16xf32, #tpu.memory_space<hbm>> -> memref<128x16xf32, #tpu.memory_space<hbm>>
      tpu.enqueue_dma source(%arg7 : memref<128x16xf32, #tpu.memory_space<vmem>>) target(%dma_start3A_1030 : memref<128x16xf32, #tpu.memory_space<hbm>>) target_semaphore(%run_scoped3A : memref<!tpu.dma_semaphore, #tpu.memory_space<semaphore_mem>>)
      %dma_wait3A_1031 = arith.constant 0 : i32
      %dma_wait3A_1032 = tpu.memref_slice %arg4[%add3A_873, %dma_wait3A_1031] : memref<262144x16xf32, #tpu.memory_space<hbm>> -> memref<128x16xf32, #tpu.memory_space<hbm>>
      %dma_wait3A_1033 = arith.constant 0 : i32
      %dma_wait3A_1034 = tpu.memref_slice %arg4[%add3A_873, %dma_wait3A_1033] : memref<262144x16xf32, #tpu.memory_space<hbm>> -> memref<128x16xf32, #tpu.memory_space<hbm>>
      tpu.wait_dma2 semaphore(%run_scoped3A : memref<!tpu.dma_semaphore, #tpu.memory_space<semaphore_mem>>) src(%arg7 : memref<128x16xf32, #tpu.memory_space<vmem>>) dst(%dma_wait3A_1034 : memref<128x16xf32, #tpu.memory_space<hbm>>)
      tpu.yield
    }) : () -> ()
    %dma_start3A_874 = arith.constant 55 : i32
    %dma_start3A_875 = arith.constant 0 : i32
    %dma_start3A_876 = tpu.memref_slice %arg5[%dma_start3A_874, %dma_start3A_875] : memref<64x128xi32, #tpu.memory_space<vmem>> -> memref<1x128xi32, #tpu.memory_space<vmem>>
    %dma_start3A_877 = tpu.memref_squeeze %dma_start3A_876 : memref<1x128xi32, #tpu.memory_space<vmem>> -> memref<128xi32, #tpu.memory_space<vmem>>
    %dma_start3A_878 = arith.constant 0 : i32
    %dma_start3A_879 = arith.constant 0 : i32
    %dma_start3A_880 = tpu.memref_slice %arg2[%dma_start3A_878, %dma_start3A_879] : memref<32768x16xf32, #tpu.memory_space<hbm>> -> memref<32768x16xf32, #tpu.memory_space<hbm>>
    tpu.enqueue_indirect_dma source(%dma_start3A_880 : memref<32768x16xf32, #tpu.memory_space<hbm>>) target(%arg7 : memref<128x16xf32, #tpu.memory_space<vmem>>) offsets(%dma_start3A_877 : memref<128xi32, #tpu.memory_space<vmem>>) semaphore(%arg9 : memref<!tpu.dma_semaphore, #tpu.memory_space<semaphore_mem>>)
    %dma_wait3A_881 = arith.constant 54 : i32
    %dma_wait3A_882 = arith.constant 0 : i32
    %dma_wait3A_883 = tpu.memref_slice %arg5[%dma_wait3A_881, %dma_wait3A_882] : memref<64x128xi32, #tpu.memory_space<vmem>> -> memref<1x128xi32, #tpu.memory_space<vmem>>
    %dma_wait3A_884 = tpu.memref_squeeze %dma_wait3A_883 : memref<1x128xi32, #tpu.memory_space<vmem>> -> memref<128xi32, #tpu.memory_space<vmem>>
    %dma_wait3A_885 = arith.constant 0 : i32
    %dma_wait3A_886 = arith.constant 0 : i32
    %dma_wait3A_887 = tpu.memref_slice %arg2[%dma_wait3A_885, %dma_wait3A_886] : memref<32768x16xf32, #tpu.memory_space<hbm>> -> memref<32768x16xf32, #tpu.memory_space<hbm>>
    tpu.wait_indirect_dma semaphore(%arg8 : memref<!tpu.dma_semaphore, #tpu.memory_space<semaphore_mem>>) src(%dma_wait3A_887 : memref<32768x16xf32, #tpu.memory_space<hbm>>) dst(%arg6 : memref<128x16xf32, #tpu.memory_space<vmem>>)
    %add3A_888 = arith.constant 6912 : i32
    %add3A_889 = arith.addi %mul3A_2, %add3A_888 : i32
    "tpu.region"() ({
      %run_scoped3A = tpu.sem_alloc : memref<!tpu.dma_semaphore, #tpu.memory_space<semaphore_mem>>
      %dma_start3A_1027 = arith.constant 0 : i32
      %dma_start3A_1028 = tpu.memref_slice %arg4[%add3A_889, %dma_start3A_1027] : memref<262144x16xf32, #tpu.memory_space<hbm>> -> memref<128x16xf32, #tpu.memory_space<hbm>>
      %dma_start3A_1029 = arith.constant 0 : i32
      %dma_start3A_1030 = tpu.memref_slice %arg4[%add3A_889, %dma_start3A_1029] : memref<262144x16xf32, #tpu.memory_space<hbm>> -> memref<128x16xf32, #tpu.memory_space<hbm>>
      tpu.enqueue_dma source(%arg6 : memref<128x16xf32, #tpu.memory_space<vmem>>) target(%dma_start3A_1030 : memref<128x16xf32, #tpu.memory_space<hbm>>) target_semaphore(%run_scoped3A : memref<!tpu.dma_semaphore, #tpu.memory_space<semaphore_mem>>)
      %dma_wait3A_1031 = arith.constant 0 : i32
      %dma_wait3A_1032 = tpu.memref_slice %arg4[%add3A_889, %dma_wait3A_1031] : memref<262144x16xf32, #tpu.memory_space<hbm>> -> memref<128x16xf32, #tpu.memory_space<hbm>>
      %dma_wait3A_1033 = arith.constant 0 : i32
      %dma_wait3A_1034 = tpu.memref_slice %arg4[%add3A_889, %dma_wait3A_1033] : memref<262144x16xf32, #tpu.memory_space<hbm>> -> memref<128x16xf32, #tpu.memory_space<hbm>>
      tpu.wait_dma2 semaphore(%run_scoped3A : memref<!tpu.dma_semaphore, #tpu.memory_space<semaphore_mem>>) src(%arg6 : memref<128x16xf32, #tpu.memory_space<vmem>>) dst(%dma_wait3A_1034 : memref<128x16xf32, #tpu.memory_space<hbm>>)
      tpu.yield
    }) : () -> ()
    %dma_start3A_890 = arith.constant 56 : i32
    %dma_start3A_891 = arith.constant 0 : i32
    %dma_start3A_892 = tpu.memref_slice %arg5[%dma_start3A_890, %dma_start3A_891] : memref<64x128xi32, #tpu.memory_space<vmem>> -> memref<1x128xi32, #tpu.memory_space<vmem>>
    %dma_start3A_893 = tpu.memref_squeeze %dma_start3A_892 : memref<1x128xi32, #tpu.memory_space<vmem>> -> memref<128xi32, #tpu.memory_space<vmem>>
    %dma_start3A_894 = arith.constant 0 : i32
    %dma_start3A_895 = arith.constant 0 : i32
    %dma_start3A_896 = tpu.memref_slice %arg2[%dma_start3A_894, %dma_start3A_895] : memref<32768x16xf32, #tpu.memory_space<hbm>> -> memref<32768x16xf32, #tpu.memory_space<hbm>>
    tpu.enqueue_indirect_dma source(%dma_start3A_896 : memref<32768x16xf32, #tpu.memory_space<hbm>>) target(%arg6 : memref<128x16xf32, #tpu.memory_space<vmem>>) offsets(%dma_start3A_893 : memref<128xi32, #tpu.memory_space<vmem>>) semaphore(%arg8 : memref<!tpu.dma_semaphore, #tpu.memory_space<semaphore_mem>>)
    %dma_wait3A_897 = arith.constant 55 : i32
    %dma_wait3A_898 = arith.constant 0 : i32
    %dma_wait3A_899 = tpu.memref_slice %arg5[%dma_wait3A_897, %dma_wait3A_898] : memref<64x128xi32, #tpu.memory_space<vmem>> -> memref<1x128xi32, #tpu.memory_space<vmem>>
    %dma_wait3A_900 = tpu.memref_squeeze %dma_wait3A_899 : memref<1x128xi32, #tpu.memory_space<vmem>> -> memref<128xi32, #tpu.memory_space<vmem>>
    %dma_wait3A_901 = arith.constant 0 : i32
    %dma_wait3A_902 = arith.constant 0 : i32
    %dma_wait3A_903 = tpu.memref_slice %arg2[%dma_wait3A_901, %dma_wait3A_902] : memref<32768x16xf32, #tpu.memory_space<hbm>> -> memref<32768x16xf32, #tpu.memory_space<hbm>>
    tpu.wait_indirect_dma semaphore(%arg9 : memref<!tpu.dma_semaphore, #tpu.memory_space<semaphore_mem>>) src(%dma_wait3A_903 : memref<32768x16xf32, #tpu.memory_space<hbm>>) dst(%arg7 : memref<128x16xf32, #tpu.memory_space<vmem>>)
    %add3A_904 = arith.constant 7040 : i32
    %add3A_905 = arith.addi %mul3A_2, %add3A_904 : i32
    "tpu.region"() ({
      %run_scoped3A = tpu.sem_alloc : memref<!tpu.dma_semaphore, #tpu.memory_space<semaphore_mem>>
      %dma_start3A_1027 = arith.constant 0 : i32
      %dma_start3A_1028 = tpu.memref_slice %arg4[%add3A_905, %dma_start3A_1027] : memref<262144x16xf32, #tpu.memory_space<hbm>> -> memref<128x16xf32, #tpu.memory_space<hbm>>
      %dma_start3A_1029 = arith.constant 0 : i32
      %dma_start3A_1030 = tpu.memref_slice %arg4[%add3A_905, %dma_start3A_1029] : memref<262144x16xf32, #tpu.memory_space<hbm>> -> memref<128x16xf32, #tpu.memory_space<hbm>>
      tpu.enqueue_dma source(%arg7 : memref<128x16xf32, #tpu.memory_space<vmem>>) target(%dma_start3A_1030 : memref<128x16xf32, #tpu.memory_space<hbm>>) target_semaphore(%run_scoped3A : memref<!tpu.dma_semaphore, #tpu.memory_space<semaphore_mem>>)
      %dma_wait3A_1031 = arith.constant 0 : i32
      %dma_wait3A_1032 = tpu.memref_slice %arg4[%add3A_905, %dma_wait3A_1031] : memref<262144x16xf32, #tpu.memory_space<hbm>> -> memref<128x16xf32, #tpu.memory_space<hbm>>
      %dma_wait3A_1033 = arith.constant 0 : i32
      %dma_wait3A_1034 = tpu.memref_slice %arg4[%add3A_905, %dma_wait3A_1033] : memref<262144x16xf32, #tpu.memory_space<hbm>> -> memref<128x16xf32, #tpu.memory_space<hbm>>
      tpu.wait_dma2 semaphore(%run_scoped3A : memref<!tpu.dma_semaphore, #tpu.memory_space<semaphore_mem>>) src(%arg7 : memref<128x16xf32, #tpu.memory_space<vmem>>) dst(%dma_wait3A_1034 : memref<128x16xf32, #tpu.memory_space<hbm>>)
      tpu.yield
    }) : () -> ()
    %dma_start3A_906 = arith.constant 57 : i32
    %dma_start3A_907 = arith.constant 0 : i32
    %dma_start3A_908 = tpu.memref_slice %arg5[%dma_start3A_906, %dma_start3A_907] : memref<64x128xi32, #tpu.memory_space<vmem>> -> memref<1x128xi32, #tpu.memory_space<vmem>>
    %dma_start3A_909 = tpu.memref_squeeze %dma_start3A_908 : memref<1x128xi32, #tpu.memory_space<vmem>> -> memref<128xi32, #tpu.memory_space<vmem>>
    %dma_start3A_910 = arith.constant 0 : i32
    %dma_start3A_911 = arith.constant 0 : i32
    %dma_start3A_912 = tpu.memref_slice %arg2[%dma_start3A_910, %dma_start3A_911] : memref<32768x16xf32, #tpu.memory_space<hbm>> -> memref<32768x16xf32, #tpu.memory_space<hbm>>
    tpu.enqueue_indirect_dma source(%dma_start3A_912 : memref<32768x16xf32, #tpu.memory_space<hbm>>) target(%arg7 : memref<128x16xf32, #tpu.memory_space<vmem>>) offsets(%dma_start3A_909 : memref<128xi32, #tpu.memory_space<vmem>>) semaphore(%arg9 : memref<!tpu.dma_semaphore, #tpu.memory_space<semaphore_mem>>)
    %dma_wait3A_913 = arith.constant 56 : i32
    %dma_wait3A_914 = arith.constant 0 : i32
    %dma_wait3A_915 = tpu.memref_slice %arg5[%dma_wait3A_913, %dma_wait3A_914] : memref<64x128xi32, #tpu.memory_space<vmem>> -> memref<1x128xi32, #tpu.memory_space<vmem>>
    %dma_wait3A_916 = tpu.memref_squeeze %dma_wait3A_915 : memref<1x128xi32, #tpu.memory_space<vmem>> -> memref<128xi32, #tpu.memory_space<vmem>>
    %dma_wait3A_917 = arith.constant 0 : i32
    %dma_wait3A_918 = arith.constant 0 : i32
    %dma_wait3A_919 = tpu.memref_slice %arg2[%dma_wait3A_917, %dma_wait3A_918] : memref<32768x16xf32, #tpu.memory_space<hbm>> -> memref<32768x16xf32, #tpu.memory_space<hbm>>
    tpu.wait_indirect_dma semaphore(%arg8 : memref<!tpu.dma_semaphore, #tpu.memory_space<semaphore_mem>>) src(%dma_wait3A_919 : memref<32768x16xf32, #tpu.memory_space<hbm>>) dst(%arg6 : memref<128x16xf32, #tpu.memory_space<vmem>>)
    %add3A_920 = arith.constant 7168 : i32
    %add3A_921 = arith.addi %mul3A_2, %add3A_920 : i32
    "tpu.region"() ({
      %run_scoped3A = tpu.sem_alloc : memref<!tpu.dma_semaphore, #tpu.memory_space<semaphore_mem>>
      %dma_start3A_1027 = arith.constant 0 : i32
      %dma_start3A_1028 = tpu.memref_slice %arg4[%add3A_921, %dma_start3A_1027] : memref<262144x16xf32, #tpu.memory_space<hbm>> -> memref<128x16xf32, #tpu.memory_space<hbm>>
      %dma_start3A_1029 = arith.constant 0 : i32
      %dma_start3A_1030 = tpu.memref_slice %arg4[%add3A_921, %dma_start3A_1029] : memref<262144x16xf32, #tpu.memory_space<hbm>> -> memref<128x16xf32, #tpu.memory_space<hbm>>
      tpu.enqueue_dma source(%arg6 : memref<128x16xf32, #tpu.memory_space<vmem>>) target(%dma_start3A_1030 : memref<128x16xf32, #tpu.memory_space<hbm>>) target_semaphore(%run_scoped3A : memref<!tpu.dma_semaphore, #tpu.memory_space<semaphore_mem>>)
      %dma_wait3A_1031 = arith.constant 0 : i32
      %dma_wait3A_1032 = tpu.memref_slice %arg4[%add3A_921, %dma_wait3A_1031] : memref<262144x16xf32, #tpu.memory_space<hbm>> -> memref<128x16xf32, #tpu.memory_space<hbm>>
      %dma_wait3A_1033 = arith.constant 0 : i32
      %dma_wait3A_1034 = tpu.memref_slice %arg4[%add3A_921, %dma_wait3A_1033] : memref<262144x16xf32, #tpu.memory_space<hbm>> -> memref<128x16xf32, #tpu.memory_space<hbm>>
      tpu.wait_dma2 semaphore(%run_scoped3A : memref<!tpu.dma_semaphore, #tpu.memory_space<semaphore_mem>>) src(%arg6 : memref<128x16xf32, #tpu.memory_space<vmem>>) dst(%dma_wait3A_1034 : memref<128x16xf32, #tpu.memory_space<hbm>>)
      tpu.yield
    }) : () -> ()
    %dma_start3A_922 = arith.constant 58 : i32
    %dma_start3A_923 = arith.constant 0 : i32
    %dma_start3A_924 = tpu.memref_slice %arg5[%dma_start3A_922, %dma_start3A_923] : memref<64x128xi32, #tpu.memory_space<vmem>> -> memref<1x128xi32, #tpu.memory_space<vmem>>
    %dma_start3A_925 = tpu.memref_squeeze %dma_start3A_924 : memref<1x128xi32, #tpu.memory_space<vmem>> -> memref<128xi32, #tpu.memory_space<vmem>>
    %dma_start3A_926 = arith.constant 0 : i32
    %dma_start3A_927 = arith.constant 0 : i32
    %dma_start3A_928 = tpu.memref_slice %arg2[%dma_start3A_926, %dma_start3A_927] : memref<32768x16xf32, #tpu.memory_space<hbm>> -> memref<32768x16xf32, #tpu.memory_space<hbm>>
    tpu.enqueue_indirect_dma source(%dma_start3A_928 : memref<32768x16xf32, #tpu.memory_space<hbm>>) target(%arg6 : memref<128x16xf32, #tpu.memory_space<vmem>>) offsets(%dma_start3A_925 : memref<128xi32, #tpu.memory_space<vmem>>) semaphore(%arg8 : memref<!tpu.dma_semaphore, #tpu.memory_space<semaphore_mem>>)
    %dma_wait3A_929 = arith.constant 57 : i32
    %dma_wait3A_930 = arith.constant 0 : i32
    %dma_wait3A_931 = tpu.memref_slice %arg5[%dma_wait3A_929, %dma_wait3A_930] : memref<64x128xi32, #tpu.memory_space<vmem>> -> memref<1x128xi32, #tpu.memory_space<vmem>>
    %dma_wait3A_932 = tpu.memref_squeeze %dma_wait3A_931 : memref<1x128xi32, #tpu.memory_space<vmem>> -> memref<128xi32, #tpu.memory_space<vmem>>
    %dma_wait3A_933 = arith.constant 0 : i32
    %dma_wait3A_934 = arith.constant 0 : i32
    %dma_wait3A_935 = tpu.memref_slice %arg2[%dma_wait3A_933, %dma_wait3A_934] : memref<32768x16xf32, #tpu.memory_space<hbm>> -> memref<32768x16xf32, #tpu.memory_space<hbm>>
    tpu.wait_indirect_dma semaphore(%arg9 : memref<!tpu.dma_semaphore, #tpu.memory_space<semaphore_mem>>) src(%dma_wait3A_935 : memref<32768x16xf32, #tpu.memory_space<hbm>>) dst(%arg7 : memref<128x16xf32, #tpu.memory_space<vmem>>)
    %add3A_936 = arith.constant 7296 : i32
    %add3A_937 = arith.addi %mul3A_2, %add3A_936 : i32
    "tpu.region"() ({
      %run_scoped3A = tpu.sem_alloc : memref<!tpu.dma_semaphore, #tpu.memory_space<semaphore_mem>>
      %dma_start3A_1027 = arith.constant 0 : i32
      %dma_start3A_1028 = tpu.memref_slice %arg4[%add3A_937, %dma_start3A_1027] : memref<262144x16xf32, #tpu.memory_space<hbm>> -> memref<128x16xf32, #tpu.memory_space<hbm>>
      %dma_start3A_1029 = arith.constant 0 : i32
      %dma_start3A_1030 = tpu.memref_slice %arg4[%add3A_937, %dma_start3A_1029] : memref<262144x16xf32, #tpu.memory_space<hbm>> -> memref<128x16xf32, #tpu.memory_space<hbm>>
      tpu.enqueue_dma source(%arg7 : memref<128x16xf32, #tpu.memory_space<vmem>>) target(%dma_start3A_1030 : memref<128x16xf32, #tpu.memory_space<hbm>>) target_semaphore(%run_scoped3A : memref<!tpu.dma_semaphore, #tpu.memory_space<semaphore_mem>>)
      %dma_wait3A_1031 = arith.constant 0 : i32
      %dma_wait3A_1032 = tpu.memref_slice %arg4[%add3A_937, %dma_wait3A_1031] : memref<262144x16xf32, #tpu.memory_space<hbm>> -> memref<128x16xf32, #tpu.memory_space<hbm>>
      %dma_wait3A_1033 = arith.constant 0 : i32
      %dma_wait3A_1034 = tpu.memref_slice %arg4[%add3A_937, %dma_wait3A_1033] : memref<262144x16xf32, #tpu.memory_space<hbm>> -> memref<128x16xf32, #tpu.memory_space<hbm>>
      tpu.wait_dma2 semaphore(%run_scoped3A : memref<!tpu.dma_semaphore, #tpu.memory_space<semaphore_mem>>) src(%arg7 : memref<128x16xf32, #tpu.memory_space<vmem>>) dst(%dma_wait3A_1034 : memref<128x16xf32, #tpu.memory_space<hbm>>)
      tpu.yield
    }) : () -> ()
    %dma_start3A_938 = arith.constant 59 : i32
    %dma_start3A_939 = arith.constant 0 : i32
    %dma_start3A_940 = tpu.memref_slice %arg5[%dma_start3A_938, %dma_start3A_939] : memref<64x128xi32, #tpu.memory_space<vmem>> -> memref<1x128xi32, #tpu.memory_space<vmem>>
    %dma_start3A_941 = tpu.memref_squeeze %dma_start3A_940 : memref<1x128xi32, #tpu.memory_space<vmem>> -> memref<128xi32, #tpu.memory_space<vmem>>
    %dma_start3A_942 = arith.constant 0 : i32
    %dma_start3A_943 = arith.constant 0 : i32
    %dma_start3A_944 = tpu.memref_slice %arg2[%dma_start3A_942, %dma_start3A_943] : memref<32768x16xf32, #tpu.memory_space<hbm>> -> memref<32768x16xf32, #tpu.memory_space<hbm>>
    tpu.enqueue_indirect_dma source(%dma_start3A_944 : memref<32768x16xf32, #tpu.memory_space<hbm>>) target(%arg7 : memref<128x16xf32, #tpu.memory_space<vmem>>) offsets(%dma_start3A_941 : memref<128xi32, #tpu.memory_space<vmem>>) semaphore(%arg9 : memref<!tpu.dma_semaphore, #tpu.memory_space<semaphore_mem>>)
    %dma_wait3A_945 = arith.constant 58 : i32
    %dma_wait3A_946 = arith.constant 0 : i32
    %dma_wait3A_947 = tpu.memref_slice %arg5[%dma_wait3A_945, %dma_wait3A_946] : memref<64x128xi32, #tpu.memory_space<vmem>> -> memref<1x128xi32, #tpu.memory_space<vmem>>
    %dma_wait3A_948 = tpu.memref_squeeze %dma_wait3A_947 : memref<1x128xi32, #tpu.memory_space<vmem>> -> memref<128xi32, #tpu.memory_space<vmem>>
    %dma_wait3A_949 = arith.constant 0 : i32
    %dma_wait3A_950 = arith.constant 0 : i32
    %dma_wait3A_951 = tpu.memref_slice %arg2[%dma_wait3A_949, %dma_wait3A_950] : memref<32768x16xf32, #tpu.memory_space<hbm>> -> memref<32768x16xf32, #tpu.memory_space<hbm>>
    tpu.wait_indirect_dma semaphore(%arg8 : memref<!tpu.dma_semaphore, #tpu.memory_space<semaphore_mem>>) src(%dma_wait3A_951 : memref<32768x16xf32, #tpu.memory_space<hbm>>) dst(%arg6 : memref<128x16xf32, #tpu.memory_space<vmem>>)
    %add3A_952 = arith.constant 7424 : i32
    %add3A_953 = arith.addi %mul3A_2, %add3A_952 : i32
    "tpu.region"() ({
      %run_scoped3A = tpu.sem_alloc : memref<!tpu.dma_semaphore, #tpu.memory_space<semaphore_mem>>
      %dma_start3A_1027 = arith.constant 0 : i32
      %dma_start3A_1028 = tpu.memref_slice %arg4[%add3A_953, %dma_start3A_1027] : memref<262144x16xf32, #tpu.memory_space<hbm>> -> memref<128x16xf32, #tpu.memory_space<hbm>>
      %dma_start3A_1029 = arith.constant 0 : i32
      %dma_start3A_1030 = tpu.memref_slice %arg4[%add3A_953, %dma_start3A_1029] : memref<262144x16xf32, #tpu.memory_space<hbm>> -> memref<128x16xf32, #tpu.memory_space<hbm>>
      tpu.enqueue_dma source(%arg6 : memref<128x16xf32, #tpu.memory_space<vmem>>) target(%dma_start3A_1030 : memref<128x16xf32, #tpu.memory_space<hbm>>) target_semaphore(%run_scoped3A : memref<!tpu.dma_semaphore, #tpu.memory_space<semaphore_mem>>)
      %dma_wait3A_1031 = arith.constant 0 : i32
      %dma_wait3A_1032 = tpu.memref_slice %arg4[%add3A_953, %dma_wait3A_1031] : memref<262144x16xf32, #tpu.memory_space<hbm>> -> memref<128x16xf32, #tpu.memory_space<hbm>>
      %dma_wait3A_1033 = arith.constant 0 : i32
      %dma_wait3A_1034 = tpu.memref_slice %arg4[%add3A_953, %dma_wait3A_1033] : memref<262144x16xf32, #tpu.memory_space<hbm>> -> memref<128x16xf32, #tpu.memory_space<hbm>>
      tpu.wait_dma2 semaphore(%run_scoped3A : memref<!tpu.dma_semaphore, #tpu.memory_space<semaphore_mem>>) src(%arg6 : memref<128x16xf32, #tpu.memory_space<vmem>>) dst(%dma_wait3A_1034 : memref<128x16xf32, #tpu.memory_space<hbm>>)
      tpu.yield
    }) : () -> ()
    %dma_start3A_954 = arith.constant 60 : i32
    %dma_start3A_955 = arith.constant 0 : i32
    %dma_start3A_956 = tpu.memref_slice %arg5[%dma_start3A_954, %dma_start3A_955] : memref<64x128xi32, #tpu.memory_space<vmem>> -> memref<1x128xi32, #tpu.memory_space<vmem>>
    %dma_start3A_957 = tpu.memref_squeeze %dma_start3A_956 : memref<1x128xi32, #tpu.memory_space<vmem>> -> memref<128xi32, #tpu.memory_space<vmem>>
    %dma_start3A_958 = arith.constant 0 : i32
    %dma_start3A_959 = arith.constant 0 : i32
    %dma_start3A_960 = tpu.memref_slice %arg2[%dma_start3A_958, %dma_start3A_959] : memref<32768x16xf32, #tpu.memory_space<hbm>> -> memref<32768x16xf32, #tpu.memory_space<hbm>>
    tpu.enqueue_indirect_dma source(%dma_start3A_960 : memref<32768x16xf32, #tpu.memory_space<hbm>>) target(%arg6 : memref<128x16xf32, #tpu.memory_space<vmem>>) offsets(%dma_start3A_957 : memref<128xi32, #tpu.memory_space<vmem>>) semaphore(%arg8 : memref<!tpu.dma_semaphore, #tpu.memory_space<semaphore_mem>>)
    %dma_wait3A_961 = arith.constant 59 : i32
    %dma_wait3A_962 = arith.constant 0 : i32
    %dma_wait3A_963 = tpu.memref_slice %arg5[%dma_wait3A_961, %dma_wait3A_962] : memref<64x128xi32, #tpu.memory_space<vmem>> -> memref<1x128xi32, #tpu.memory_space<vmem>>
    %dma_wait3A_964 = tpu.memref_squeeze %dma_wait3A_963 : memref<1x128xi32, #tpu.memory_space<vmem>> -> memref<128xi32, #tpu.memory_space<vmem>>
    %dma_wait3A_965 = arith.constant 0 : i32
    %dma_wait3A_966 = arith.constant 0 : i32
    %dma_wait3A_967 = tpu.memref_slice %arg2[%dma_wait3A_965, %dma_wait3A_966] : memref<32768x16xf32, #tpu.memory_space<hbm>> -> memref<32768x16xf32, #tpu.memory_space<hbm>>
    tpu.wait_indirect_dma semaphore(%arg9 : memref<!tpu.dma_semaphore, #tpu.memory_space<semaphore_mem>>) src(%dma_wait3A_967 : memref<32768x16xf32, #tpu.memory_space<hbm>>) dst(%arg7 : memref<128x16xf32, #tpu.memory_space<vmem>>)
    %add3A_968 = arith.constant 7552 : i32
    %add3A_969 = arith.addi %mul3A_2, %add3A_968 : i32
    "tpu.region"() ({
      %run_scoped3A = tpu.sem_alloc : memref<!tpu.dma_semaphore, #tpu.memory_space<semaphore_mem>>
      %dma_start3A_1027 = arith.constant 0 : i32
      %dma_start3A_1028 = tpu.memref_slice %arg4[%add3A_969, %dma_start3A_1027] : memref<262144x16xf32, #tpu.memory_space<hbm>> -> memref<128x16xf32, #tpu.memory_space<hbm>>
      %dma_start3A_1029 = arith.constant 0 : i32
      %dma_start3A_1030 = tpu.memref_slice %arg4[%add3A_969, %dma_start3A_1029] : memref<262144x16xf32, #tpu.memory_space<hbm>> -> memref<128x16xf32, #tpu.memory_space<hbm>>
      tpu.enqueue_dma source(%arg7 : memref<128x16xf32, #tpu.memory_space<vmem>>) target(%dma_start3A_1030 : memref<128x16xf32, #tpu.memory_space<hbm>>) target_semaphore(%run_scoped3A : memref<!tpu.dma_semaphore, #tpu.memory_space<semaphore_mem>>)
      %dma_wait3A_1031 = arith.constant 0 : i32
      %dma_wait3A_1032 = tpu.memref_slice %arg4[%add3A_969, %dma_wait3A_1031] : memref<262144x16xf32, #tpu.memory_space<hbm>> -> memref<128x16xf32, #tpu.memory_space<hbm>>
      %dma_wait3A_1033 = arith.constant 0 : i32
      %dma_wait3A_1034 = tpu.memref_slice %arg4[%add3A_969, %dma_wait3A_1033] : memref<262144x16xf32, #tpu.memory_space<hbm>> -> memref<128x16xf32, #tpu.memory_space<hbm>>
      tpu.wait_dma2 semaphore(%run_scoped3A : memref<!tpu.dma_semaphore, #tpu.memory_space<semaphore_mem>>) src(%arg7 : memref<128x16xf32, #tpu.memory_space<vmem>>) dst(%dma_wait3A_1034 : memref<128x16xf32, #tpu.memory_space<hbm>>)
      tpu.yield
    }) : () -> ()
    %dma_start3A_970 = arith.constant 61 : i32
    %dma_start3A_971 = arith.constant 0 : i32
    %dma_start3A_972 = tpu.memref_slice %arg5[%dma_start3A_970, %dma_start3A_971] : memref<64x128xi32, #tpu.memory_space<vmem>> -> memref<1x128xi32, #tpu.memory_space<vmem>>
    %dma_start3A_973 = tpu.memref_squeeze %dma_start3A_972 : memref<1x128xi32, #tpu.memory_space<vmem>> -> memref<128xi32, #tpu.memory_space<vmem>>
    %dma_start3A_974 = arith.constant 0 : i32
    %dma_start3A_975 = arith.constant 0 : i32
    %dma_start3A_976 = tpu.memref_slice %arg2[%dma_start3A_974, %dma_start3A_975] : memref<32768x16xf32, #tpu.memory_space<hbm>> -> memref<32768x16xf32, #tpu.memory_space<hbm>>
    tpu.enqueue_indirect_dma source(%dma_start3A_976 : memref<32768x16xf32, #tpu.memory_space<hbm>>) target(%arg7 : memref<128x16xf32, #tpu.memory_space<vmem>>) offsets(%dma_start3A_973 : memref<128xi32, #tpu.memory_space<vmem>>) semaphore(%arg9 : memref<!tpu.dma_semaphore, #tpu.memory_space<semaphore_mem>>)
    %dma_wait3A_977 = arith.constant 60 : i32
    %dma_wait3A_978 = arith.constant 0 : i32
    %dma_wait3A_979 = tpu.memref_slice %arg5[%dma_wait3A_977, %dma_wait3A_978] : memref<64x128xi32, #tpu.memory_space<vmem>> -> memref<1x128xi32, #tpu.memory_space<vmem>>
    %dma_wait3A_980 = tpu.memref_squeeze %dma_wait3A_979 : memref<1x128xi32, #tpu.memory_space<vmem>> -> memref<128xi32, #tpu.memory_space<vmem>>
    %dma_wait3A_981 = arith.constant 0 : i32
    %dma_wait3A_982 = arith.constant 0 : i32
    %dma_wait3A_983 = tpu.memref_slice %arg2[%dma_wait3A_981, %dma_wait3A_982] : memref<32768x16xf32, #tpu.memory_space<hbm>> -> memref<32768x16xf32, #tpu.memory_space<hbm>>
    tpu.wait_indirect_dma semaphore(%arg8 : memref<!tpu.dma_semaphore, #tpu.memory_space<semaphore_mem>>) src(%dma_wait3A_983 : memref<32768x16xf32, #tpu.memory_space<hbm>>) dst(%arg6 : memref<128x16xf32, #tpu.memory_space<vmem>>)
    %add3A_984 = arith.constant 7680 : i32
    %add3A_985 = arith.addi %mul3A_2, %add3A_984 : i32
    "tpu.region"() ({
      %run_scoped3A = tpu.sem_alloc : memref<!tpu.dma_semaphore, #tpu.memory_space<semaphore_mem>>
      %dma_start3A_1027 = arith.constant 0 : i32
      %dma_start3A_1028 = tpu.memref_slice %arg4[%add3A_985, %dma_start3A_1027] : memref<262144x16xf32, #tpu.memory_space<hbm>> -> memref<128x16xf32, #tpu.memory_space<hbm>>
      %dma_start3A_1029 = arith.constant 0 : i32
      %dma_start3A_1030 = tpu.memref_slice %arg4[%add3A_985, %dma_start3A_1029] : memref<262144x16xf32, #tpu.memory_space<hbm>> -> memref<128x16xf32, #tpu.memory_space<hbm>>
      tpu.enqueue_dma source(%arg6 : memref<128x16xf32, #tpu.memory_space<vmem>>) target(%dma_start3A_1030 : memref<128x16xf32, #tpu.memory_space<hbm>>) target_semaphore(%run_scoped3A : memref<!tpu.dma_semaphore, #tpu.memory_space<semaphore_mem>>)
      %dma_wait3A_1031 = arith.constant 0 : i32
      %dma_wait3A_1032 = tpu.memref_slice %arg4[%add3A_985, %dma_wait3A_1031] : memref<262144x16xf32, #tpu.memory_space<hbm>> -> memref<128x16xf32, #tpu.memory_space<hbm>>
      %dma_wait3A_1033 = arith.constant 0 : i32
      %dma_wait3A_1034 = tpu.memref_slice %arg4[%add3A_985, %dma_wait3A_1033] : memref<262144x16xf32, #tpu.memory_space<hbm>> -> memref<128x16xf32, #tpu.memory_space<hbm>>
      tpu.wait_dma2 semaphore(%run_scoped3A : memref<!tpu.dma_semaphore, #tpu.memory_space<semaphore_mem>>) src(%arg6 : memref<128x16xf32, #tpu.memory_space<vmem>>) dst(%dma_wait3A_1034 : memref<128x16xf32, #tpu.memory_space<hbm>>)
      tpu.yield
    }) : () -> ()
    %dma_start3A_986 = arith.constant 62 : i32
    %dma_start3A_987 = arith.constant 0 : i32
    %dma_start3A_988 = tpu.memref_slice %arg5[%dma_start3A_986, %dma_start3A_987] : memref<64x128xi32, #tpu.memory_space<vmem>> -> memref<1x128xi32, #tpu.memory_space<vmem>>
    %dma_start3A_989 = tpu.memref_squeeze %dma_start3A_988 : memref<1x128xi32, #tpu.memory_space<vmem>> -> memref<128xi32, #tpu.memory_space<vmem>>
    %dma_start3A_990 = arith.constant 0 : i32
    %dma_start3A_991 = arith.constant 0 : i32
    %dma_start3A_992 = tpu.memref_slice %arg2[%dma_start3A_990, %dma_start3A_991] : memref<32768x16xf32, #tpu.memory_space<hbm>> -> memref<32768x16xf32, #tpu.memory_space<hbm>>
    tpu.enqueue_indirect_dma source(%dma_start3A_992 : memref<32768x16xf32, #tpu.memory_space<hbm>>) target(%arg6 : memref<128x16xf32, #tpu.memory_space<vmem>>) offsets(%dma_start3A_989 : memref<128xi32, #tpu.memory_space<vmem>>) semaphore(%arg8 : memref<!tpu.dma_semaphore, #tpu.memory_space<semaphore_mem>>)
    %dma_wait3A_993 = arith.constant 61 : i32
    %dma_wait3A_994 = arith.constant 0 : i32
    %dma_wait3A_995 = tpu.memref_slice %arg5[%dma_wait3A_993, %dma_wait3A_994] : memref<64x128xi32, #tpu.memory_space<vmem>> -> memref<1x128xi32, #tpu.memory_space<vmem>>
    %dma_wait3A_996 = tpu.memref_squeeze %dma_wait3A_995 : memref<1x128xi32, #tpu.memory_space<vmem>> -> memref<128xi32, #tpu.memory_space<vmem>>
    %dma_wait3A_997 = arith.constant 0 : i32
    %dma_wait3A_998 = arith.constant 0 : i32
    %dma_wait3A_999 = tpu.memref_slice %arg2[%dma_wait3A_997, %dma_wait3A_998] : memref<32768x16xf32, #tpu.memory_space<hbm>> -> memref<32768x16xf32, #tpu.memory_space<hbm>>
    tpu.wait_indirect_dma semaphore(%arg9 : memref<!tpu.dma_semaphore, #tpu.memory_space<semaphore_mem>>) src(%dma_wait3A_999 : memref<32768x16xf32, #tpu.memory_space<hbm>>) dst(%arg7 : memref<128x16xf32, #tpu.memory_space<vmem>>)
    %add3A_1000 = arith.constant 7808 : i32
    %add3A_1001 = arith.addi %mul3A_2, %add3A_1000 : i32
    "tpu.region"() ({
      %run_scoped3A = tpu.sem_alloc : memref<!tpu.dma_semaphore, #tpu.memory_space<semaphore_mem>>
      %dma_start3A_1027 = arith.constant 0 : i32
      %dma_start3A_1028 = tpu.memref_slice %arg4[%add3A_1001, %dma_start3A_1027] : memref<262144x16xf32, #tpu.memory_space<hbm>> -> memref<128x16xf32, #tpu.memory_space<hbm>>
      %dma_start3A_1029 = arith.constant 0 : i32
      %dma_start3A_1030 = tpu.memref_slice %arg4[%add3A_1001, %dma_start3A_1029] : memref<262144x16xf32, #tpu.memory_space<hbm>> -> memref<128x16xf32, #tpu.memory_space<hbm>>
      tpu.enqueue_dma source(%arg7 : memref<128x16xf32, #tpu.memory_space<vmem>>) target(%dma_start3A_1030 : memref<128x16xf32, #tpu.memory_space<hbm>>) target_semaphore(%run_scoped3A : memref<!tpu.dma_semaphore, #tpu.memory_space<semaphore_mem>>)
      %dma_wait3A_1031 = arith.constant 0 : i32
      %dma_wait3A_1032 = tpu.memref_slice %arg4[%add3A_1001, %dma_wait3A_1031] : memref<262144x16xf32, #tpu.memory_space<hbm>> -> memref<128x16xf32, #tpu.memory_space<hbm>>
      %dma_wait3A_1033 = arith.constant 0 : i32
      %dma_wait3A_1034 = tpu.memref_slice %arg4[%add3A_1001, %dma_wait3A_1033] : memref<262144x16xf32, #tpu.memory_space<hbm>> -> memref<128x16xf32, #tpu.memory_space<hbm>>
      tpu.wait_dma2 semaphore(%run_scoped3A : memref<!tpu.dma_semaphore, #tpu.memory_space<semaphore_mem>>) src(%arg7 : memref<128x16xf32, #tpu.memory_space<vmem>>) dst(%dma_wait3A_1034 : memref<128x16xf32, #tpu.memory_space<hbm>>)
      tpu.yield
    }) : () -> ()
    %dma_start3A_1002 = arith.constant 63 : i32
    %dma_start3A_1003 = arith.constant 0 : i32
    %dma_start3A_1004 = tpu.memref_slice %arg5[%dma_start3A_1002, %dma_start3A_1003] : memref<64x128xi32, #tpu.memory_space<vmem>> -> memref<1x128xi32, #tpu.memory_space<vmem>>
    %dma_start3A_1005 = tpu.memref_squeeze %dma_start3A_1004 : memref<1x128xi32, #tpu.memory_space<vmem>> -> memref<128xi32, #tpu.memory_space<vmem>>
    %dma_start3A_1006 = arith.constant 0 : i32
    %dma_start3A_1007 = arith.constant 0 : i32
    %dma_start3A_1008 = tpu.memref_slice %arg2[%dma_start3A_1006, %dma_start3A_1007] : memref<32768x16xf32, #tpu.memory_space<hbm>> -> memref<32768x16xf32, #tpu.memory_space<hbm>>
    tpu.enqueue_indirect_dma source(%dma_start3A_1008 : memref<32768x16xf32, #tpu.memory_space<hbm>>) target(%arg7 : memref<128x16xf32, #tpu.memory_space<vmem>>) offsets(%dma_start3A_1005 : memref<128xi32, #tpu.memory_space<vmem>>) semaphore(%arg9 : memref<!tpu.dma_semaphore, #tpu.memory_space<semaphore_mem>>)
    %dma_wait3A_1009 = arith.constant 62 : i32
    %dma_wait3A_1010 = arith.constant 0 : i32
    %dma_wait3A_1011 = tpu.memref_slice %arg5[%dma_wait3A_1009, %dma_wait3A_1010] : memref<64x128xi32, #tpu.memory_space<vmem>> -> memref<1x128xi32, #tpu.memory_space<vmem>>
    %dma_wait3A_1012 = tpu.memref_squeeze %dma_wait3A_1011 : memref<1x128xi32, #tpu.memory_space<vmem>> -> memref<128xi32, #tpu.memory_space<vmem>>
    %dma_wait3A_1013 = arith.constant 0 : i32
    %dma_wait3A_1014 = arith.constant 0 : i32
    %dma_wait3A_1015 = tpu.memref_slice %arg2[%dma_wait3A_1013, %dma_wait3A_1014] : memref<32768x16xf32, #tpu.memory_space<hbm>> -> memref<32768x16xf32, #tpu.memory_space<hbm>>
    tpu.wait_indirect_dma semaphore(%arg8 : memref<!tpu.dma_semaphore, #tpu.memory_space<semaphore_mem>>) src(%dma_wait3A_1015 : memref<32768x16xf32, #tpu.memory_space<hbm>>) dst(%arg6 : memref<128x16xf32, #tpu.memory_space<vmem>>)
    %add3A_1016 = arith.constant 7936 : i32
    %add3A_1017 = arith.addi %mul3A_2, %add3A_1016 : i32
    "tpu.region"() ({
      %run_scoped3A = tpu.sem_alloc : memref<!tpu.dma_semaphore, #tpu.memory_space<semaphore_mem>>
      %dma_start3A_1027 = arith.constant 0 : i32
      %dma_start3A_1028 = tpu.memref_slice %arg4[%add3A_1017, %dma_start3A_1027] : memref<262144x16xf32, #tpu.memory_space<hbm>> -> memref<128x16xf32, #tpu.memory_space<hbm>>
      %dma_start3A_1029 = arith.constant 0 : i32
      %dma_start3A_1030 = tpu.memref_slice %arg4[%add3A_1017, %dma_start3A_1029] : memref<262144x16xf32, #tpu.memory_space<hbm>> -> memref<128x16xf32, #tpu.memory_space<hbm>>
      tpu.enqueue_dma source(%arg6 : memref<128x16xf32, #tpu.memory_space<vmem>>) target(%dma_start3A_1030 : memref<128x16xf32, #tpu.memory_space<hbm>>) target_semaphore(%run_scoped3A : memref<!tpu.dma_semaphore, #tpu.memory_space<semaphore_mem>>)
      %dma_wait3A_1031 = arith.constant 0 : i32
      %dma_wait3A_1032 = tpu.memref_slice %arg4[%add3A_1017, %dma_wait3A_1031] : memref<262144x16xf32, #tpu.memory_space<hbm>> -> memref<128x16xf32, #tpu.memory_space<hbm>>
      %dma_wait3A_1033 = arith.constant 0 : i32
      %dma_wait3A_1034 = tpu.memref_slice %arg4[%add3A_1017, %dma_wait3A_1033] : memref<262144x16xf32, #tpu.memory_space<hbm>> -> memref<128x16xf32, #tpu.memory_space<hbm>>
      tpu.wait_dma2 semaphore(%run_scoped3A : memref<!tpu.dma_semaphore, #tpu.memory_space<semaphore_mem>>) src(%arg6 : memref<128x16xf32, #tpu.memory_space<vmem>>) dst(%dma_wait3A_1034 : memref<128x16xf32, #tpu.memory_space<hbm>>)
      tpu.yield
    }) : () -> ()
    %dma_wait3A_1018 = arith.constant 63 : i32
    %dma_wait3A_1019 = arith.constant 0 : i32
    %dma_wait3A_1020 = tpu.memref_slice %arg5[%dma_wait3A_1018, %dma_wait3A_1019] : memref<64x128xi32, #tpu.memory_space<vmem>> -> memref<1x128xi32, #tpu.memory_space<vmem>>
    %dma_wait3A_1021 = tpu.memref_squeeze %dma_wait3A_1020 : memref<1x128xi32, #tpu.memory_space<vmem>> -> memref<128xi32, #tpu.memory_space<vmem>>
    %dma_wait3A_1022 = arith.constant 0 : i32
    %dma_wait3A_1023 = arith.constant 0 : i32
    %dma_wait3A_1024 = tpu.memref_slice %arg2[%dma_wait3A_1022, %dma_wait3A_1023] : memref<32768x16xf32, #tpu.memory_space<hbm>> -> memref<32768x16xf32, #tpu.memory_space<hbm>>
    tpu.wait_indirect_dma semaphore(%arg9 : memref<!tpu.dma_semaphore, #tpu.memory_space<semaphore_mem>>) src(%dma_wait3A_1024 : memref<32768x16xf32, #tpu.memory_space<hbm>>) dst(%arg7 : memref<128x16xf32, #tpu.memory_space<vmem>>)
    %add3A_1025 = arith.constant 8064 : i32
    %add3A_1026 = arith.addi %mul3A_2, %add3A_1025 : i32
    "tpu.region"() ({
      %run_scoped3A = tpu.sem_alloc : memref<!tpu.dma_semaphore, #tpu.memory_space<semaphore_mem>>
      %dma_start3A_1027 = arith.constant 0 : i32
      %dma_start3A_1028 = tpu.memref_slice %arg4[%add3A_1026, %dma_start3A_1027] : memref<262144x16xf32, #tpu.memory_space<hbm>> -> memref<128x16xf32, #tpu.memory_space<hbm>>
      %dma_start3A_1029 = arith.constant 0 : i32
      %dma_start3A_1030 = tpu.memref_slice %arg4[%add3A_1026, %dma_start3A_1029] : memref<262144x16xf32, #tpu.memory_space<hbm>> -> memref<128x16xf32, #tpu.memory_space<hbm>>
      tpu.enqueue_dma source(%arg7 : memref<128x16xf32, #tpu.memory_space<vmem>>) target(%dma_start3A_1030 : memref<128x16xf32, #tpu.memory_space<hbm>>) target_semaphore(%run_scoped3A : memref<!tpu.dma_semaphore, #tpu.memory_space<semaphore_mem>>)
      %dma_wait3A_1031 = arith.constant 0 : i32
      %dma_wait3A_1032 = tpu.memref_slice %arg4[%add3A_1026, %dma_wait3A_1031] : memref<262144x16xf32, #tpu.memory_space<hbm>> -> memref<128x16xf32, #tpu.memory_space<hbm>>
      %dma_wait3A_1033 = arith.constant 0 : i32
      %dma_wait3A_1034 = tpu.memref_slice %arg4[%add3A_1026, %dma_wait3A_1033] : memref<262144x16xf32, #tpu.memory_space<hbm>> -> memref<128x16xf32, #tpu.memory_space<hbm>>
      tpu.wait_dma2 semaphore(%run_scoped3A : memref<!tpu.dma_semaphore, #tpu.memory_space<semaphore_mem>>) src(%arg7 : memref<128x16xf32, #tpu.memory_space<vmem>>) dst(%dma_wait3A_1034 : memref<128x16xf32, #tpu.memory_space<hbm>>)
      tpu.yield
    }) : () -> ()
    return
  }
}

module attributes {stable_mosaic.version = 14 : i64} {
  func.func @_fps_body(%arg0: memref<3x8x4096xf32, #tpu.memory_space<vmem>>, %arg1: memref<8x1024xi32, #tpu.memory_space<vmem>>, %arg2: memref<8x4096xf32, #tpu.memory_space<vmem>>, %arg3: memref<8x1xi32, #tpu.memory_space<vmem>>) attributes {dimension_semantics = [], scalar_prefetch = 0 : i64, scratch_operands = 2 : i64, tpu.core_type = #tpu.core_type<tc>} {
    %iota3A = tpu.iota {dimensions = array<i32: 1>} : vector<8x4096xi32>
    %iota3A_0 = tpu.iota {dimensions = array<i32: 1>} : vector<8x1024xi32>
    %broadcast_in_dim3A = arith.constant 1.000000e+10 : f32
    %broadcast_in_dim3A_1 = vector.broadcast %broadcast_in_dim3A : f32 to vector<8x4096xf32>
    %swap3A = arith.constant 0 : index
    %swap3A_2 = arith.constant 0 : index
    %swap3A_3 = vector.load %arg2[%swap3A, %swap3A_2] : memref<8x4096xf32, #tpu.memory_space<vmem>>, vector<8x4096xf32>
    tpu.vector_store %arg2[%swap3A, %swap3A_2], %broadcast_in_dim3A_1 {strides = array<i32>} : memref<8x4096xf32, #tpu.memory_space<vmem>>, vector<8x4096xf32>,
    %broadcast_in_dim3A_4 = arith.constant 0 : i32
    %broadcast_in_dim3A_5 = vector.broadcast %broadcast_in_dim3A_4 : i32 to vector<8x1xi32>
    %swap3A_6 = arith.constant 0 : index
    %swap3A_7 = arith.constant 0 : index
    %swap3A_8 = vector.load %arg3[%swap3A_6, %swap3A_7] : memref<8x1xi32, #tpu.memory_space<vmem>>, vector<8x1xi32>
    tpu.vector_store %arg3[%swap3A_6, %swap3A_7], %broadcast_in_dim3A_5 {strides = array<i32>} : memref<8x1xi32, #tpu.memory_space<vmem>>, vector<8x1xi32>,
    %broadcast_in_dim3A_9 = arith.constant 0 : i32
    %broadcast_in_dim3A_10 = vector.broadcast %broadcast_in_dim3A_9 : i32 to vector<8x1024xi32>
    %swap3A_11 = arith.constant 0 : index
    %swap3A_12 = arith.constant 0 : index
    %swap3A_13 = vector.load %arg1[%swap3A_11, %swap3A_12] : memref<8x1024xi32, #tpu.memory_space<vmem>>, vector<8x1024xi32>
    tpu.vector_store %arg1[%swap3A_11, %swap3A_12], %broadcast_in_dim3A_10 {strides = array<i32>} : memref<8x1024xi32, #tpu.memory_space<vmem>>, vector<8x1024xi32>,
    %scan3A = arith.constant 0 : i32
    %scan3A_14 = arith.constant 1024 : i32
    %scan3A_15 = arith.addi %scan3A, %scan3A_14 : i32
    %scan3A_16 = arith.constant 1 : i32
    scf.for %scan3A_18 = %scan3A to %scan3A_15 step %scan3A_16  : i32 {
      %get3A = arith.constant 0 : index
      %get3A_19 = arith.constant 0 : index
      %get3A_20 = vector.load %arg3[%get3A, %get3A_19] : memref<8x1xi32, #tpu.memory_space<vmem>>, vector<8x1xi32>
      %eq3A = vector.broadcast %scan3A_18 : i32 to vector<8x1024xi32>
      %eq3A_21 = arith.cmpi eq, %iota3A_0, %eq3A : vector<8x1024xi32>
      %get3A_22 = arith.constant 0 : index
      %get3A_23 = arith.constant 0 : index
      %get3A_24 = vector.load %arg1[%get3A_22, %get3A_23] : memref<8x1024xi32, #tpu.memory_space<vmem>>, vector<8x1024xi32>
      %broadcast_in_dim3A_25 = vector.shape_cast %get3A_20 : vector<8x1xi32> to vector<8x1xi32>
      %broadcast_in_dim3A_26 = vector.broadcast %broadcast_in_dim3A_25 : vector<8x1xi32> to vector<8x1024xi32>
      %select_n3A = arith.select %eq3A_21, %broadcast_in_dim3A_26, %get3A_24 : vector<8x1024xi1>, vector<8x1024xi32>
      %swap3A_27 = arith.constant 0 : index
      %swap3A_28 = arith.constant 0 : index
      %swap3A_29 = vector.load %arg1[%swap3A_27, %swap3A_28] : memref<8x1024xi32, #tpu.memory_space<vmem>>, vector<8x1024xi32>
      tpu.vector_store %arg1[%swap3A_27, %swap3A_28], %select_n3A {strides = array<i32>} : memref<8x1024xi32, #tpu.memory_space<vmem>>, vector<8x1024xi32>,
      %get3A_30 = arith.constant 0 : index
      %get3A_31 = arith.constant 0 : index
      %get3A_32 = arith.constant 0 : index
      %get3A_33 = vector.load %arg0[%get3A_30, %get3A_31, %get3A_32] : memref<3x8x4096xf32, #tpu.memory_space<vmem>>, vector<1x8x4096xf32>
      %get3A_34 = vector.shape_cast %get3A_33 : vector<1x8x4096xf32> to vector<8x4096xf32>
      %get3A_35 = arith.constant 1 : index
      %get3A_36 = arith.constant 0 : index
      %get3A_37 = arith.constant 0 : index
      %get3A_38 = vector.load %arg0[%get3A_35, %get3A_36, %get3A_37] : memref<3x8x4096xf32, #tpu.memory_space<vmem>>, vector<1x8x4096xf32>
      %get3A_39 = vector.shape_cast %get3A_38 : vector<1x8x4096xf32> to vector<8x4096xf32>
      %get3A_40 = arith.constant 2 : index
      %get3A_41 = arith.constant 0 : index
      %get3A_42 = arith.constant 0 : index
      %get3A_43 = vector.load %arg0[%get3A_40, %get3A_41, %get3A_42] : memref<3x8x4096xf32, #tpu.memory_space<vmem>>, vector<1x8x4096xf32>
      %get3A_44 = vector.shape_cast %get3A_43 : vector<1x8x4096xf32> to vector<8x4096xf32>
      %eq3A_45 = vector.broadcast %get3A_20 : vector<8x1xi32> to vector<8x4096xi32>
      %eq3A_46 = arith.cmpi eq, %iota3A, %eq3A_45 : vector<8x4096xi32>
      %jit3A = arith.constant 0.000000e+00 : f32
      %broadcast_in_dim3A_47 = vector.broadcast %jit3A : f32 to vector<8x4096xf32>
      %select_n3A_48 = arith.select %eq3A_46, %get3A_34, %broadcast_in_dim3A_47 : vector<8x4096xi1>, vector<8x4096xf32>
      %reduce_sum3A = arith.constant dense<0.000000e+00> : vector<8xf32>
      %reduce_sum3A_49 = vector.multi_reduction <add>, %select_n3A_48, %reduce_sum3A [1] : vector<8x4096xf32> to vector<8xf32>
      %broadcast_in_dim3A_50 = vector.shape_cast %reduce_sum3A_49 : vector<8xf32> to vector<8x1xf32>
      %jit3A_51 = arith.constant 0.000000e+00 : f32
      %broadcast_in_dim3A_52 = vector.broadcast %jit3A_51 : f32 to vector<8x4096xf32>
      %select_n3A_53 = arith.select %eq3A_46, %get3A_39, %broadcast_in_dim3A_52 : vector<8x4096xi1>, vector<8x4096xf32>
      %reduce_sum3A_54 = arith.constant dense<0.000000e+00> : vector<8xf32>
      %reduce_sum3A_55 = vector.multi_reduction <add>, %select_n3A_53, %reduce_sum3A_54 [1] : vector<8x4096xf32> to vector<8xf32>
      %broadcast_in_dim3A_56 = vector.shape_cast %reduce_sum3A_55 : vector<8xf32> to vector<8x1xf32>
      %jit3A_57 = arith.constant 0.000000e+00 : f32
      %broadcast_in_dim3A_58 = vector.broadcast %jit3A_57 : f32 to vector<8x4096xf32>
      %select_n3A_59 = arith.select %eq3A_46, %get3A_44, %broadcast_in_dim3A_58 : vector<8x4096xi1>, vector<8x4096xf32>
      %reduce_sum3A_60 = arith.constant dense<0.000000e+00> : vector<8xf32>
      %reduce_sum3A_61 = vector.multi_reduction <add>, %select_n3A_59, %reduce_sum3A_60 [1] : vector<8x4096xf32> to vector<8xf32>
      %broadcast_in_dim3A_62 = vector.shape_cast %reduce_sum3A_61 : vector<8xf32> to vector<8x1xf32>
      %sub3A = vector.broadcast %broadcast_in_dim3A_50 : vector<8x1xf32> to vector<8x4096xf32>
      %sub3A_63 = arith.subf %get3A_34, %sub3A : vector<8x4096xf32>
      %sub3A_64 = vector.broadcast %broadcast_in_dim3A_56 : vector<8x1xf32> to vector<8x4096xf32>
      %sub3A_65 = arith.subf %get3A_39, %sub3A_64 : vector<8x4096xf32>
      %sub3A_66 = vector.broadcast %broadcast_in_dim3A_62 : vector<8x1xf32> to vector<8x4096xf32>
      %sub3A_67 = arith.subf %get3A_44, %sub3A_66 : vector<8x4096xf32>
      %mul3A = arith.mulf %sub3A_63, %sub3A_63 : vector<8x4096xf32>
      %mul3A_68 = arith.mulf %sub3A_65, %sub3A_65 : vector<8x4096xf32>
      %add3A = arith.addf %mul3A, %mul3A_68 : vector<8x4096xf32>
      %mul3A_69 = arith.mulf %sub3A_67, %sub3A_67 : vector<8x4096xf32>
      %add3A_70 = arith.addf %add3A, %mul3A_69 : vector<8x4096xf32>
      %get3A_71 = arith.constant 0 : index
      %get3A_72 = arith.constant 0 : index
      %get3A_73 = vector.load %arg2[%get3A_71, %get3A_72] : memref<8x4096xf32, #tpu.memory_space<vmem>>, vector<8x4096xf32>
      %min3A = arith.minimumf %get3A_73, %add3A_70 : vector<8x4096xf32>
      %swap3A_74 = arith.constant 0 : index
      %swap3A_75 = arith.constant 0 : index
      %swap3A_76 = vector.load %arg2[%swap3A_74, %swap3A_75] : memref<8x4096xf32, #tpu.memory_space<vmem>>, vector<8x4096xf32>
      tpu.vector_store %arg2[%swap3A_74, %swap3A_75], %min3A {strides = array<i32>} : memref<8x4096xf32, #tpu.memory_space<vmem>>, vector<8x4096xf32>,
      %reduce_max3A = arith.constant dense<0xFF800000> : vector<8xf32>
      %reduce_max3A_77 = vector.multi_reduction <maximumf>, %min3A, %reduce_max3A [1] : vector<8x4096xf32> to vector<8xf32>
      %broadcast_in_dim3A_78 = vector.shape_cast %reduce_max3A_77 : vector<8xf32> to vector<8x1xf32>
      %eq3A_79 = vector.broadcast %broadcast_in_dim3A_78 : vector<8x1xf32> to vector<8x4096xf32>
      %eq3A_80 = arith.cmpf oeq, %min3A, %eq3A_79 : vector<8x4096xf32>
      %jit3A_81 = arith.constant 4096 : i32
      %broadcast_in_dim3A_82 = vector.broadcast %jit3A_81 : i32 to vector<8x4096xi32>
      %select_n3A_83 = arith.select %eq3A_80, %iota3A, %broadcast_in_dim3A_82 : vector<8x4096xi1>, vector<8x4096xi32>
      %reduce_min3A = arith.constant dense<2147483647> : vector<8xi32>
      %reduce_min3A_84 = vector.multi_reduction <minsi>, %select_n3A_83, %reduce_min3A [1] : vector<8x4096xi32> to vector<8xi32>
      %broadcast_in_dim3A_85 = vector.shape_cast %reduce_min3A_84 : vector<8xi32> to vector<8x1xi32>
      %swap3A_86 = arith.constant 0 : index
      %swap3A_87 = arith.constant 0 : index
      %swap3A_88 = vector.load %arg3[%swap3A_86, %swap3A_87] : memref<8x1xi32, #tpu.memory_space<vmem>>, vector<8x1xi32>
      tpu.vector_store %arg3[%swap3A_86, %swap3A_87], %broadcast_in_dim3A_85 {strides = array<i32>} : memref<8x1xi32, #tpu.memory_space<vmem>>, vector<8x1xi32>,
    }
    %scan3A_17 = arith.constant 1024 : i32
    return
  }
}

module attributes {stable_mosaic.version = 14 : i64} {
  func.func @_knn_body(%arg0: i32, %arg1: i32, %arg2: memref<1x3x4096xf32, #tpu.memory_space<vmem>>, %arg3: memref<1x1x256x1xi32, #tpu.memory_space<vmem>>, %arg4: memref<1x1x256x32xi32, #tpu.memory_space<vmem>>, %arg5: memref<3x1x1x256x1xf32, #tpu.memory_space<vmem>>) attributes {dimension_semantics = [#tpu.dimension_semantics<arbitrary>, #tpu.dimension_semantics<arbitrary>], iteration_bounds = array<i64: 8, 4>, scalar_prefetch = 0 : i64, scratch_operands = 0 : i64, tpu.core_type = #tpu.core_type<tc>, window_params = [{transform_indices = @transform_0, window_bounds = array<i64: 1, 3, 4096>}, {transform_indices = @transform_1, window_bounds = array<i64: 1, 1, 256, 1>}, {transform_indices = @transform_2, window_bounds = array<i64: 1, 1, 256, 32>}, {transform_indices = @transform_3, window_bounds = array<i64: 3, 1, 1, 256, 1>}]} {
    %iota3A = tpu.iota {dimensions = array<i32: 1>} : vector<256x4096xi32>
    %iota3A_0 = tpu.iota {dimensions = array<i32: 1>} : vector<256x32xi32>
    %get3A = arith.constant 0 : index
    %get3A_1 = arith.constant 0 : index
    %get3A_2 = arith.constant 0 : index
    %get3A_3 = arith.constant 0 : index
    %get3A_4 = vector.load %arg3[%get3A, %get3A_1, %get3A_2, %get3A_3] : memref<1x1x256x1xi32, #tpu.memory_space<vmem>>, vector<1x1x256x1xi32>
    %get3A_5 = vector.shape_cast %get3A_4 : vector<1x1x256x1xi32> to vector<256x1xi32>
    %get3A_6 = arith.constant 0 : index
    %get3A_7 = arith.constant 0 : index
    %get3A_8 = arith.constant 0 : index
    %get3A_9 = vector.load %arg2[%get3A_6, %get3A_7, %get3A_8] : memref<1x3x4096xf32, #tpu.memory_space<vmem>>, vector<1x1x4096xf32>
    %get3A_10 = vector.shape_cast %get3A_9 : vector<1x1x4096xf32> to vector<4096xf32>
    %reshape3A = vector.shape_cast %get3A_10 : vector<4096xf32> to vector<1x4096xf32>
    %broadcast_in_dim3A = vector.shape_cast %reshape3A : vector<1x4096xf32> to vector<1x4096xf32>
    %broadcast_in_dim3A_11 = vector.broadcast %broadcast_in_dim3A : vector<1x4096xf32> to vector<256x4096xf32>
    %get3A_12 = arith.constant 0 : index
    %get3A_13 = arith.constant 1 : index
    %get3A_14 = arith.constant 0 : index
    %get3A_15 = vector.load %arg2[%get3A_12, %get3A_13, %get3A_14] : memref<1x3x4096xf32, #tpu.memory_space<vmem>>, vector<1x1x4096xf32>
    %get3A_16 = vector.shape_cast %get3A_15 : vector<1x1x4096xf32> to vector<4096xf32>
    %reshape3A_17 = vector.shape_cast %get3A_16 : vector<4096xf32> to vector<1x4096xf32>
    %broadcast_in_dim3A_18 = vector.shape_cast %reshape3A_17 : vector<1x4096xf32> to vector<1x4096xf32>
    %broadcast_in_dim3A_19 = vector.broadcast %broadcast_in_dim3A_18 : vector<1x4096xf32> to vector<256x4096xf32>
    %get3A_20 = arith.constant 0 : index
    %get3A_21 = arith.constant 2 : index
    %get3A_22 = arith.constant 0 : index
    %get3A_23 = vector.load %arg2[%get3A_20, %get3A_21, %get3A_22] : memref<1x3x4096xf32, #tpu.memory_space<vmem>>, vector<1x1x4096xf32>
    %get3A_24 = vector.shape_cast %get3A_23 : vector<1x1x4096xf32> to vector<4096xf32>
    %reshape3A_25 = vector.shape_cast %get3A_24 : vector<4096xf32> to vector<1x4096xf32>
    %broadcast_in_dim3A_26 = vector.shape_cast %reshape3A_25 : vector<1x4096xf32> to vector<1x4096xf32>
    %broadcast_in_dim3A_27 = vector.broadcast %broadcast_in_dim3A_26 : vector<1x4096xf32> to vector<256x4096xf32>
    %eq3A = vector.broadcast %get3A_5 : vector<256x1xi32> to vector<256x4096xi32>
    %eq3A_28 = arith.cmpi eq, %iota3A, %eq3A : vector<256x4096xi32>
    %jit3A = arith.constant 0.000000e+00 : f32
    %broadcast_in_dim3A_29 = vector.broadcast %jit3A : f32 to vector<256x4096xf32>
    %select_n3A = arith.select %eq3A_28, %broadcast_in_dim3A_11, %broadcast_in_dim3A_29 : vector<256x4096xi1>, vector<256x4096xf32>
    %reduce_sum3A = arith.constant dense<0.000000e+00> : vector<256xf32>
    %reduce_sum3A_30 = vector.multi_reduction <add>, %select_n3A, %reduce_sum3A [1] : vector<256x4096xf32> to vector<256xf32>
    %broadcast_in_dim3A_31 = vector.shape_cast %reduce_sum3A_30 : vector<256xf32> to vector<256x1xf32>
    %jit3A_32 = arith.constant 0.000000e+00 : f32
    %broadcast_in_dim3A_33 = vector.broadcast %jit3A_32 : f32 to vector<256x4096xf32>
    %select_n3A_34 = arith.select %eq3A_28, %broadcast_in_dim3A_19, %broadcast_in_dim3A_33 : vector<256x4096xi1>, vector<256x4096xf32>
    %reduce_sum3A_35 = arith.constant dense<0.000000e+00> : vector<256xf32>
    %reduce_sum3A_36 = vector.multi_reduction <add>, %select_n3A_34, %reduce_sum3A_35 [1] : vector<256x4096xf32> to vector<256xf32>
    %broadcast_in_dim3A_37 = vector.shape_cast %reduce_sum3A_36 : vector<256xf32> to vector<256x1xf32>
    %jit3A_38 = arith.constant 0.000000e+00 : f32
    %broadcast_in_dim3A_39 = vector.broadcast %jit3A_38 : f32 to vector<256x4096xf32>
    %select_n3A_40 = arith.select %eq3A_28, %broadcast_in_dim3A_27, %broadcast_in_dim3A_39 : vector<256x4096xi1>, vector<256x4096xf32>
    %reduce_sum3A_41 = arith.constant dense<0.000000e+00> : vector<256xf32>
    %reduce_sum3A_42 = vector.multi_reduction <add>, %select_n3A_40, %reduce_sum3A_41 [1] : vector<256x4096xf32> to vector<256xf32>
    %broadcast_in_dim3A_43 = vector.shape_cast %reduce_sum3A_42 : vector<256xf32> to vector<256x1xf32>
    %swap3A = arith.constant 0 : index
    %swap3A_44 = arith.constant 0 : index
    %swap3A_45 = arith.constant 0 : index
    %swap3A_46 = arith.constant 0 : index
    %swap3A_47 = arith.constant 0 : index
    %swap3A_48 = vector.load %arg5[%swap3A, %swap3A_44, %swap3A_45, %swap3A_46, %swap3A_47] : memref<3x1x1x256x1xf32, #tpu.memory_space<vmem>>, vector<1x1x1x256x1xf32>
    %swap3A_49 = vector.shape_cast %swap3A_48 : vector<1x1x1x256x1xf32> to vector<256x1xf32>
    %swap3A_50 = vector.shape_cast %broadcast_in_dim3A_31 : vector<256x1xf32> to vector<1x1x1x256x1xf32>
    tpu.vector_store %arg5[%swap3A, %swap3A_44, %swap3A_45, %swap3A_46, %swap3A_47], %swap3A_50 {strides = array<i32>} : memref<3x1x1x256x1xf32, #tpu.memory_space<vmem>>, vector<1x1x1x256x1xf32>,
    %swap3A_51 = arith.constant 1 : index
    %swap3A_52 = arith.constant 0 : index
    %swap3A_53 = arith.constant 0 : index
    %swap3A_54 = arith.constant 0 : index
    %swap3A_55 = arith.constant 0 : index
    %swap3A_56 = vector.load %arg5[%swap3A_51, %swap3A_52, %swap3A_53, %swap3A_54, %swap3A_55] : memref<3x1x1x256x1xf32, #tpu.memory_space<vmem>>, vector<1x1x1x256x1xf32>
    %swap3A_57 = vector.shape_cast %swap3A_56 : vector<1x1x1x256x1xf32> to vector<256x1xf32>
    %swap3A_58 = vector.shape_cast %broadcast_in_dim3A_37 : vector<256x1xf32> to vector<1x1x1x256x1xf32>
    tpu.vector_store %arg5[%swap3A_51, %swap3A_52, %swap3A_53, %swap3A_54, %swap3A_55], %swap3A_58 {strides = array<i32>} : memref<3x1x1x256x1xf32, #tpu.memory_space<vmem>>, vector<1x1x1x256x1xf32>,
    %swap3A_59 = arith.constant 2 : index
    %swap3A_60 = arith.constant 0 : index
    %swap3A_61 = arith.constant 0 : index
    %swap3A_62 = arith.constant 0 : index
    %swap3A_63 = arith.constant 0 : index
    %swap3A_64 = vector.load %arg5[%swap3A_59, %swap3A_60, %swap3A_61, %swap3A_62, %swap3A_63] : memref<3x1x1x256x1xf32, #tpu.memory_space<vmem>>, vector<1x1x1x256x1xf32>
    %swap3A_65 = vector.shape_cast %swap3A_64 : vector<1x1x1x256x1xf32> to vector<256x1xf32>
    %swap3A_66 = vector.shape_cast %broadcast_in_dim3A_43 : vector<256x1xf32> to vector<1x1x1x256x1xf32>
    tpu.vector_store %arg5[%swap3A_59, %swap3A_60, %swap3A_61, %swap3A_62, %swap3A_63], %swap3A_66 {strides = array<i32>} : memref<3x1x1x256x1xf32, #tpu.memory_space<vmem>>, vector<1x1x1x256x1xf32>,
    %concatenate3A = tpu.concatenate %broadcast_in_dim3A_31, %broadcast_in_dim3A_37, %broadcast_in_dim3A_43 in 1 : vector<256x1xf32>, vector<256x1xf32>, vector<256x1xf32> -> vector<256x3xf32>
    %get3A_67 = arith.constant 0 : index
    %get3A_68 = arith.constant 0 : index
    %get3A_69 = arith.constant 0 : index
    %get3A_70 = vector.load %arg2[%get3A_67, %get3A_68, %get3A_69] : memref<1x3x4096xf32, #tpu.memory_space<vmem>>, vector<1x3x4096xf32>
    %get3A_71 = vector.shape_cast %get3A_70 : vector<1x3x4096xf32> to vector<3x4096xf32>
    %dot_general3A = arith.constant dense<0.000000e+00> : vector<256x4096xf32>
    %dot_general3A_72 = tpu.matmul %concatenate3A, %get3A_71, %dot_general3A {dimension_numbers = #tpu.dot_dimension_numbers<[1], [0], [0], [1], [0, 0, 1, 1], [], []>, transpose_lhs_hint = false} : vector<256x3xf32>, vector<3x4096xf32>, vector<256x4096xf32> -> vector<256x4096xf32>
    %mul3A = arith.mulf %concatenate3A, %concatenate3A : vector<256x3xf32>
    %reduce_sum3A_73 = arith.constant dense<0.000000e+00> : vector<256xf32>
    %reduce_sum3A_74 = vector.multi_reduction <add>, %mul3A, %reduce_sum3A_73 [1] : vector<256x3xf32> to vector<256xf32>
    %broadcast_in_dim3A_75 = vector.shape_cast %reduce_sum3A_74 : vector<256xf32> to vector<256x1xf32>
    %mul3A_76 = arith.mulf %get3A_71, %get3A_71 : vector<3x4096xf32>
    %reduce_sum3A_77 = arith.constant dense<0.000000e+00> : vector<4096xf32>
    %reduce_sum3A_78 = vector.multi_reduction <add>, %mul3A_76, %reduce_sum3A_77 [0] : vector<3x4096xf32> to vector<4096xf32>
    %broadcast_in_dim3A_79 = vector.shape_cast %reduce_sum3A_78 : vector<4096xf32> to vector<1x4096xf32>
    %mul3A_80 = arith.constant -2.000000e+00 : f32
    %mul3A_81 = vector.broadcast %mul3A_80 : f32 to vector<256x4096xf32>
    %mul3A_82 = arith.mulf %mul3A_81, %dot_general3A_72 : vector<256x4096xf32>
    %add3A = vector.broadcast %broadcast_in_dim3A_75 : vector<256x1xf32> to vector<256x4096xf32>
    %add3A_83 = arith.addf %mul3A_82, %add3A : vector<256x4096xf32>
    %add3A_84 = vector.broadcast %broadcast_in_dim3A_79 : vector<1x4096xf32> to vector<256x4096xf32>
    %add3A_85 = arith.addf %add3A_83, %add3A_84 : vector<256x4096xf32>
    %broadcast_in_dim3A_86 = arith.constant 0 : i32
    %broadcast_in_dim3A_87 = vector.broadcast %broadcast_in_dim3A_86 : i32 to vector<256x32xi32>
    %swap3A_88 = arith.constant 0 : index
    %swap3A_89 = arith.constant 0 : index
    %swap3A_90 = arith.constant 0 : index
    %swap3A_91 = arith.constant 0 : index
    %swap3A_92 = vector.load %arg4[%swap3A_88, %swap3A_89, %swap3A_90, %swap3A_91] : memref<1x1x256x32xi32, #tpu.memory_space<vmem>>, vector<1x1x256x32xi32>
    %swap3A_93 = vector.shape_cast %swap3A_92 : vector<1x1x256x32xi32> to vector<256x32xi32>
    %swap3A_94 = vector.shape_cast %broadcast_in_dim3A_87 : vector<256x32xi32> to vector<1x1x256x32xi32>
    tpu.vector_store %arg4[%swap3A_88, %swap3A_89, %swap3A_90, %swap3A_91], %swap3A_94 {strides = array<i32>} : memref<1x1x256x32xi32, #tpu.memory_space<vmem>>, vector<1x1x256x32xi32>,
    %scan3A = arith.constant 0 : i32
    %scan3A_95 = arith.constant 32 : i32
    %scan3A_96 = arith.addi %scan3A, %scan3A_95 : i32
    %scan3A_97 = arith.constant 1 : i32
    %scan3A_98 = scf.for %scan3A_117 = %scan3A to %scan3A_96 step %scan3A_97 iter_args(%scan3A_118 = %add3A_85) -> (vector<256x4096xf32>)  : i32 {
      %slice3A = vector.extract_strided_slice %scan3A_118 {offsets = [0, 0], sizes = [256, 2048], strides = [1, 1]} : vector<256x4096xf32> to vector<256x2048xf32>
      %slice3A_119 = vector.extract_strided_slice %scan3A_118 {offsets = [0, 2048], sizes = [256, 2048], strides = [1, 1]} : vector<256x4096xf32> to vector<256x2048xf32>
      %min3A = arith.minimumf %slice3A, %slice3A_119 : vector<256x2048xf32>
      %slice3A_120 = vector.extract_strided_slice %min3A {offsets = [0, 0], sizes = [256, 1024], strides = [1, 1]} : vector<256x2048xf32> to vector<256x1024xf32>
      %slice3A_121 = vector.extract_strided_slice %min3A {offsets = [0, 1024], sizes = [256, 1024], strides = [1, 1]} : vector<256x2048xf32> to vector<256x1024xf32>
      %min3A_122 = arith.minimumf %slice3A_120, %slice3A_121 : vector<256x1024xf32>
      %slice3A_123 = vector.extract_strided_slice %min3A_122 {offsets = [0, 0], sizes = [256, 512], strides = [1, 1]} : vector<256x1024xf32> to vector<256x512xf32>
      %slice3A_124 = vector.extract_strided_slice %min3A_122 {offsets = [0, 512], sizes = [256, 512], strides = [1, 1]} : vector<256x1024xf32> to vector<256x512xf32>
      %min3A_125 = arith.minimumf %slice3A_123, %slice3A_124 : vector<256x512xf32>
      %slice3A_126 = vector.extract_strided_slice %min3A_125 {offsets = [0, 0], sizes = [256, 256], strides = [1, 1]} : vector<256x512xf32> to vector<256x256xf32>
      %slice3A_127 = vector.extract_strided_slice %min3A_125 {offsets = [0, 256], sizes = [256, 256], strides = [1, 1]} : vector<256x512xf32> to vector<256x256xf32>
      %min3A_128 = arith.minimumf %slice3A_126, %slice3A_127 : vector<256x256xf32>
      %reduce_min3A = arith.constant dense<0x7F800000> : vector<256xf32>
      %reduce_min3A_129 = vector.multi_reduction <minimumf>, %min3A_128, %reduce_min3A [1] : vector<256x256xf32> to vector<256xf32>
      %broadcast_in_dim3A_130 = vector.shape_cast %reduce_min3A_129 : vector<256xf32> to vector<256x1xf32>
      %eq3A_131 = vector.broadcast %broadcast_in_dim3A_130 : vector<256x1xf32> to vector<256x4096xf32>
      %eq3A_132 = arith.cmpf oeq, %scan3A_118, %eq3A_131 : vector<256x4096xf32>
      %jit3A_133 = arith.constant 4096 : i32
      %broadcast_in_dim3A_134 = vector.broadcast %jit3A_133 : i32 to vector<256x4096xi32>
      %select_n3A_135 = arith.select %eq3A_132, %iota3A, %broadcast_in_dim3A_134 : vector<256x4096xi1>, vector<256x4096xi32>
      %slice3A_136 = vector.extract_strided_slice %select_n3A_135 {offsets = [0, 0], sizes = [256, 2048], strides = [1, 1]} : vector<256x4096xi32> to vector<256x2048xi32>
      %slice3A_137 = vector.extract_strided_slice %select_n3A_135 {offsets = [0, 2048], sizes = [256, 2048], strides = [1, 1]} : vector<256x4096xi32> to vector<256x2048xi32>
      %min3A_138 = arith.minsi %slice3A_136, %slice3A_137 : vector<256x2048xi32>
      %slice3A_139 = vector.extract_strided_slice %min3A_138 {offsets = [0, 0], sizes = [256, 1024], strides = [1, 1]} : vector<256x2048xi32> to vector<256x1024xi32>
      %slice3A_140 = vector.extract_strided_slice %min3A_138 {offsets = [0, 1024], sizes = [256, 1024], strides = [1, 1]} : vector<256x2048xi32> to vector<256x1024xi32>
      %min3A_141 = arith.minsi %slice3A_139, %slice3A_140 : vector<256x1024xi32>
      %slice3A_142 = vector.extract_strided_slice %min3A_141 {offsets = [0, 0], sizes = [256, 512], strides = [1, 1]} : vector<256x1024xi32> to vector<256x512xi32>
      %slice3A_143 = vector.extract_strided_slice %min3A_141 {offsets = [0, 512], sizes = [256, 512], strides = [1, 1]} : vector<256x1024xi32> to vector<256x512xi32>
      %min3A_144 = arith.minsi %slice3A_142, %slice3A_143 : vector<256x512xi32>
      %slice3A_145 = vector.extract_strided_slice %min3A_144 {offsets = [0, 0], sizes = [256, 256], strides = [1, 1]} : vector<256x512xi32> to vector<256x256xi32>
      %slice3A_146 = vector.extract_strided_slice %min3A_144 {offsets = [0, 256], sizes = [256, 256], strides = [1, 1]} : vector<256x512xi32> to vector<256x256xi32>
      %min3A_147 = arith.minsi %slice3A_145, %slice3A_146 : vector<256x256xi32>
      %reduce_min3A_148 = arith.constant dense<2147483647> : vector<256xi32>
      %reduce_min3A_149 = vector.multi_reduction <minsi>, %min3A_147, %reduce_min3A_148 [1] : vector<256x256xi32> to vector<256xi32>
      %broadcast_in_dim3A_150 = vector.shape_cast %reduce_min3A_149 : vector<256xi32> to vector<256x1xi32>
      %eq3A_151 = vector.broadcast %scan3A_117 : i32 to vector<256x32xi32>
      %eq3A_152 = arith.cmpi eq, %iota3A_0, %eq3A_151 : vector<256x32xi32>
      %get3A_153 = arith.constant 0 : index
      %get3A_154 = arith.constant 0 : index
      %get3A_155 = arith.constant 0 : index
      %get3A_156 = arith.constant 0 : index
      %get3A_157 = vector.load %arg4[%get3A_153, %get3A_154, %get3A_155, %get3A_156] : memref<1x1x256x32xi32, #tpu.memory_space<vmem>>, vector<1x1x256x32xi32>
      %get3A_158 = vector.shape_cast %get3A_157 : vector<1x1x256x32xi32> to vector<256x32xi32>
      %broadcast_in_dim3A_159 = vector.shape_cast %broadcast_in_dim3A_150 : vector<256x1xi32> to vector<256x1xi32>
      %broadcast_in_dim3A_160 = vector.broadcast %broadcast_in_dim3A_159 : vector<256x1xi32> to vector<256x32xi32>
      %select_n3A_161 = arith.select %eq3A_152, %broadcast_in_dim3A_160, %get3A_158 : vector<256x32xi1>, vector<256x32xi32>
      %swap3A_162 = arith.constant 0 : index
      %swap3A_163 = arith.constant 0 : index
      %swap3A_164 = arith.constant 0 : index
      %swap3A_165 = arith.constant 0 : index
      %swap3A_166 = vector.load %arg4[%swap3A_162, %swap3A_163, %swap3A_164, %swap3A_165] : memref<1x1x256x32xi32, #tpu.memory_space<vmem>>, vector<1x1x256x32xi32>
      %swap3A_167 = vector.shape_cast %swap3A_166 : vector<1x1x256x32xi32> to vector<256x32xi32>
      %swap3A_168 = vector.shape_cast %select_n3A_161 : vector<256x32xi32> to vector<1x1x256x32xi32>
      tpu.vector_store %arg4[%swap3A_162, %swap3A_163, %swap3A_164, %swap3A_165], %swap3A_168 {strides = array<i32>} : memref<1x1x256x32xi32, #tpu.memory_space<vmem>>, vector<1x1x256x32xi32>,
      %eq3A_169 = vector.broadcast %broadcast_in_dim3A_150 : vector<256x1xi32> to vector<256x4096xi32>
      %eq3A_170 = arith.cmpi eq, %iota3A, %eq3A_169 : vector<256x4096xi32>
      %jit3A_171 = arith.constant 3.000000e+38 : f32
      %broadcast_in_dim3A_172 = vector.broadcast %jit3A_171 : f32 to vector<256x4096xf32>
      %select_n3A_173 = arith.select %eq3A_170, %broadcast_in_dim3A_172, %scan3A_118 : vector<256x4096xi1>, vector<256x4096xf32>
      scf.yield %select_n3A_173 : vector<256x4096xf32>
    }
    %scan3A_99 = arith.constant 32 : i32
    %get3A_100 = arith.constant 0 : index
    %get3A_101 = arith.constant 0 : index
    %get3A_102 = arith.constant 0 : index
    %get3A_103 = arith.constant 0 : index
    %get3A_104 = vector.load %arg4[%get3A_100, %get3A_101, %get3A_102, %get3A_103] : memref<1x1x256x32xi32, #tpu.memory_space<vmem>>, vector<1x1x256x32xi32>
    %get3A_105 = vector.shape_cast %get3A_104 : vector<1x1x256x32xi32> to vector<256x32xi32>
    %mul3A_106 = arith.constant 4096 : i32
    %mul3A_107 = arith.muli %arg0, %mul3A_106 : i32
    %add3A_108 = vector.broadcast %mul3A_107 : i32 to vector<256x32xi32>
    %add3A_109 = arith.addi %get3A_105, %add3A_108 : vector<256x32xi32>
    %swap3A_110 = arith.constant 0 : index
    %swap3A_111 = arith.constant 0 : index
    %swap3A_112 = arith.constant 0 : index
    %swap3A_113 = arith.constant 0 : index
    %swap3A_114 = vector.load %arg4[%swap3A_110, %swap3A_111, %swap3A_112, %swap3A_113] : memref<1x1x256x32xi32, #tpu.memory_space<vmem>>, vector<1x1x256x32xi32>
    %swap3A_115 = vector.shape_cast %swap3A_114 : vector<1x1x256x32xi32> to vector<256x32xi32>
    %swap3A_116 = vector.shape_cast %add3A_109 : vector<256x32xi32> to vector<1x1x256x32xi32>
    tpu.vector_store %arg4[%swap3A_110, %swap3A_111, %swap3A_112, %swap3A_113], %swap3A_116 {strides = array<i32>} : memref<1x1x256x32xi32, #tpu.memory_space<vmem>>, vector<1x1x256x32xi32>,
    return
  }
  func.func @transform_0(%arg0: i32, %arg1: i32) -> (i32, i32, i32) {
    %c0_i32 = arith.constant 0 : i32
    %c0_i32_0 = arith.constant 0 : i32
    %c0_i32_1 = arith.constant 0 : i32
    return %arg0, %c0_i32, %c0_i32_0 : i32, i32, i32
  }
  func.func @transform_1(%arg0: i32, %arg1: i32) -> (i32, i32, i32, i32) {
    %c0_i32 = arith.constant 0 : i32
    %c0_i32_0 = arith.constant 0 : i32
    %c0_i32_1 = arith.constant 0 : i32
    return %arg0, %arg1, %c0_i32, %c0_i32_0 : i32, i32, i32, i32
  }
  func.func @transform_2(%arg0: i32, %arg1: i32) -> (i32, i32, i32, i32) {
    %c0_i32 = arith.constant 0 : i32
    %c0_i32_0 = arith.constant 0 : i32
    %c0_i32_1 = arith.constant 0 : i32
    return %arg0, %arg1, %c0_i32, %c0_i32_0 : i32, i32, i32, i32
  }
  func.func @transform_3(%arg0: i32, %arg1: i32) -> (i32, i32, i32, i32, i32) {
    %c0_i32 = arith.constant 0 : i32
    %c0_i32_0 = arith.constant 0 : i32
    %c0_i32_1 = arith.constant 0 : i32
    %c0_i32_2 = arith.constant 0 : i32
    return %c0_i32, %arg0, %arg1, %c0_i32_0, %c0_i32_1 : i32, i32, i32, i32, i32
  }
}

module attributes {stable_mosaic.version = 14 : i64} {
  func.func @_sums_body(%arg0: i32, %arg1: memref<1024x128xf32, #tpu.memory_space<vmem>>, %arg2: memref<1024x128xf32, #tpu.memory_space<vmem>>, %arg3: memref<1x1x128xf32, #tpu.memory_space<vmem>>, %arg4: memref<1x1x128xf32, #tpu.memory_space<vmem>>) attributes {dimension_semantics = [#tpu.dimension_semantics<arbitrary>], iteration_bounds = array<i64: 32>, scalar_prefetch = 0 : i64, scratch_operands = 0 : i64, tpu.core_type = #tpu.core_type<tc>, window_params = [{transform_indices = @transform_0, window_bounds = array<i64: 1024, 128>}, {transform_indices = @transform_1, window_bounds = array<i64: 1024, 128>}, {transform_indices = @transform_2, window_bounds = array<i64: 1, 1, 128>}, {transform_indices = @transform_3, window_bounds = array<i64: 1, 1, 128>}]} {
    %get3A = arith.constant 0 : index
    %get3A_0 = arith.constant 0 : index
    %get3A_1 = vector.load %arg1[%get3A, %get3A_0] : memref<1024x128xf32, #tpu.memory_space<vmem>>, vector<1024x128xf32>
    %get3A_2 = arith.constant 0 : index
    %get3A_3 = arith.constant 0 : index
    %get3A_4 = vector.load %arg2[%get3A_2, %get3A_3] : memref<1024x128xf32, #tpu.memory_space<vmem>>, vector<1024x128xf32>
    %sub3A = arith.subf %get3A_1, %get3A_4 : vector<1024x128xf32>
    %reduce_sum3A = arith.constant dense<0.000000e+00> : vector<128xf32>
    %reduce_sum3A_5 = vector.multi_reduction <add>, %sub3A, %reduce_sum3A [0] : vector<1024x128xf32> to vector<128xf32>
    %broadcast_in_dim3A = vector.shape_cast %reduce_sum3A_5 : vector<128xf32> to vector<1x128xf32>
    %swap3A = arith.constant 0 : index
    %swap3A_6 = arith.constant 0 : index
    %swap3A_7 = arith.constant 0 : index
    %swap3A_8 = vector.load %arg3[%swap3A, %swap3A_6, %swap3A_7] : memref<1x1x128xf32, #tpu.memory_space<vmem>>, vector<1x1x128xf32>
    %swap3A_9 = vector.shape_cast %swap3A_8 : vector<1x1x128xf32> to vector<1x128xf32>
    %swap3A_10 = vector.shape_cast %broadcast_in_dim3A : vector<1x128xf32> to vector<1x1x128xf32>
    tpu.vector_store %arg3[%swap3A, %swap3A_6, %swap3A_7], %swap3A_10 {strides = array<i32>} : memref<1x1x128xf32, #tpu.memory_space<vmem>>, vector<1x1x128xf32>,
    %mul3A = arith.mulf %sub3A, %sub3A : vector<1024x128xf32>
    %reduce_sum3A_11 = arith.constant dense<0.000000e+00> : vector<128xf32>
    %reduce_sum3A_12 = vector.multi_reduction <add>, %mul3A, %reduce_sum3A_11 [0] : vector<1024x128xf32> to vector<128xf32>
    %broadcast_in_dim3A_13 = vector.shape_cast %reduce_sum3A_12 : vector<128xf32> to vector<1x128xf32>
    %swap3A_14 = arith.constant 0 : index
    %swap3A_15 = arith.constant 0 : index
    %swap3A_16 = arith.constant 0 : index
    %swap3A_17 = vector.load %arg4[%swap3A_14, %swap3A_15, %swap3A_16] : memref<1x1x128xf32, #tpu.memory_space<vmem>>, vector<1x1x128xf32>
    %swap3A_18 = vector.shape_cast %swap3A_17 : vector<1x1x128xf32> to vector<1x128xf32>
    %swap3A_19 = vector.shape_cast %broadcast_in_dim3A_13 : vector<1x128xf32> to vector<1x1x128xf32>
    tpu.vector_store %arg4[%swap3A_14, %swap3A_15, %swap3A_16], %swap3A_19 {strides = array<i32>} : memref<1x1x128xf32, #tpu.memory_space<vmem>>, vector<1x1x128xf32>,
    return
  }
  func.func @transform_0(%arg0: i32) -> (i32, i32) {
    %c0_i32 = arith.constant 0 : i32
    %c0_i32_0 = arith.constant 0 : i32
    return %arg0, %c0_i32 : i32, i32
  }
  func.func @transform_1(%arg0: i32) -> (i32, i32) {
    %c0_i32 = arith.constant 0 : i32
    %c0_i32_0 = arith.constant 0 : i32
    return %arg0, %c0_i32 : i32, i32
  }
  func.func @transform_2(%arg0: i32) -> (i32, i32, i32) {
    %c0_i32 = arith.constant 0 : i32
    %c0_i32_0 = arith.constant 0 : i32
    %c0_i32_1 = arith.constant 0 : i32
    return %arg0, %c0_i32, %c0_i32_0 : i32, i32, i32
  }
  func.func @transform_3(%arg0: i32) -> (i32, i32, i32) {
    %c0_i32 = arith.constant 0 : i32
    %c0_i32_0 = arith.constant 0 : i32
    %c0_i32_1 = arith.constant 0 : i32
    return %arg0, %c0_i32, %c0_i32_0 : i32, i32, i32
  }
}

module attributes {stable_mosaic.version = 14 : i64} {
  func.func @_scale_body(%arg0: i32, %arg1: memref<1024x128xf32, #tpu.memory_space<vmem>>, %arg2: memref<1024x128xf32, #tpu.memory_space<vmem>>, %arg3: memref<32x1x128xf32, #tpu.memory_space<vmem>>, %arg4: memref<32x1x128xf32, #tpu.memory_space<vmem>>, %arg5: memref<1024x128xf32, #tpu.memory_space<vmem>>) attributes {dimension_semantics = [#tpu.dimension_semantics<arbitrary>], iteration_bounds = array<i64: 32>, scalar_prefetch = 0 : i64, scratch_operands = 0 : i64, tpu.core_type = #tpu.core_type<tc>, window_params = [{transform_indices = @transform_0, window_bounds = array<i64: 1024, 128>}, {transform_indices = @transform_1, window_bounds = array<i64: 1024, 128>}, {pipeline_mode = #tpu.pipeline_mode<synchronous>, transform_indices = @transform_2, window_bounds = array<i64: 32, 1, 128>}, {pipeline_mode = #tpu.pipeline_mode<synchronous>, transform_indices = @transform_3, window_bounds = array<i64: 32, 1, 128>}, {transform_indices = @transform_4, window_bounds = array<i64: 1024, 128>}]} {
    %get3A = arith.constant 0 : index
    %get3A_0 = arith.constant 0 : index
    %get3A_1 = arith.constant 0 : index
    %get3A_2 = vector.load %arg3[%get3A, %get3A_0, %get3A_1] : memref<32x1x128xf32, #tpu.memory_space<vmem>>, vector<32x1x128xf32>
    %reduce_sum3A = vector.shape_cast %get3A_2 : vector<32x1x128xf32> to vector<1x32x1x128xf32>
    %reduce_sum3A_3 = arith.constant dense<0.000000e+00> : vector<1xf32>
    %reduce_sum3A_4 = vector.multi_reduction <add>, %reduce_sum3A, %reduce_sum3A_3 [1, 2, 3] : vector<1x32x1x128xf32> to vector<1xf32>
    %reduce_sum3A_5 = vector.shape_cast %reduce_sum3A_4 : vector<1xf32> to vector<1x1x1x1xf32>
    %reduce_sum3A_6 = vector.extract %reduce_sum3A_5[0, 0, 0, 0] : f32 from vector<1x1x1x1xf32>
    %get3A_7 = arith.constant 0 : index
    %get3A_8 = arith.constant 0 : index
    %get3A_9 = arith.constant 0 : index
    %get3A_10 = vector.load %arg4[%get3A_7, %get3A_8, %get3A_9] : memref<32x1x128xf32, #tpu.memory_space<vmem>>, vector<32x1x128xf32>
    %reduce_sum3A_11 = vector.shape_cast %get3A_10 : vector<32x1x128xf32> to vector<1x32x1x128xf32>
    %reduce_sum3A_12 = arith.constant dense<0.000000e+00> : vector<1xf32>
    %reduce_sum3A_13 = vector.multi_reduction <add>, %reduce_sum3A_11, %reduce_sum3A_12 [1, 2, 3] : vector<1x32x1x128xf32> to vector<1xf32>
    %reduce_sum3A_14 = vector.shape_cast %reduce_sum3A_13 : vector<1xf32> to vector<1x1x1x1xf32>
    %reduce_sum3A_15 = vector.extract %reduce_sum3A_14[0, 0, 0, 0] : f32 from vector<1x1x1x1xf32>
    %mul3A = arith.mulf %reduce_sum3A_6, %reduce_sum3A_6 : f32
    %div3A = arith.constant 7.864320e+05 : f32
    %div3A_16 = arith.divf %mul3A, %div3A : f32
    %sub3A = arith.subf %reduce_sum3A_15, %div3A_16 : f32
    %div3A_17 = arith.constant 7.864310e+05 : f32
    %div3A_18 = arith.divf %sub3A, %div3A_17 : f32
    %sqrt3A = math.sqrt %div3A_18 : f32
    %get3A_19 = arith.constant 0 : index
    %get3A_20 = arith.constant 0 : index
    %get3A_21 = vector.load %arg1[%get3A_19, %get3A_20] : memref<1024x128xf32, #tpu.memory_space<vmem>>, vector<1024x128xf32>
    %get3A_22 = arith.constant 0 : index
    %get3A_23 = arith.constant 0 : index
    %get3A_24 = vector.load %arg2[%get3A_22, %get3A_23] : memref<1024x128xf32, #tpu.memory_space<vmem>>, vector<1024x128xf32>
    %sub3A_25 = arith.subf %get3A_21, %get3A_24 : vector<1024x128xf32>
    %add3A = arith.constant 9.99999974E-6 : f32
    %add3A_26 = arith.addf %sqrt3A, %add3A : f32
    %div3A_27 = vector.broadcast %add3A_26 : f32 to vector<1024x128xf32>
    %div3A_28 = arith.divf %sub3A_25, %div3A_27 : vector<1024x128xf32>
    %swap3A = arith.constant 0 : index
    %swap3A_29 = arith.constant 0 : index
    %swap3A_30 = vector.load %arg5[%swap3A, %swap3A_29] : memref<1024x128xf32, #tpu.memory_space<vmem>>, vector<1024x128xf32>
    tpu.vector_store %arg5[%swap3A, %swap3A_29], %div3A_28 {strides = array<i32>} : memref<1024x128xf32, #tpu.memory_space<vmem>>, vector<1024x128xf32>,
    return
  }
  func.func @transform_0(%arg0: i32) -> (i32, i32) {
    %c0_i32 = arith.constant 0 : i32
    %c0_i32_0 = arith.constant 0 : i32
    return %arg0, %c0_i32 : i32, i32
  }
  func.func @transform_1(%arg0: i32) -> (i32, i32) {
    %c0_i32 = arith.constant 0 : i32
    %c0_i32_0 = arith.constant 0 : i32
    return %arg0, %c0_i32 : i32, i32
  }
  func.func @transform_2(%arg0: i32) -> (i32, i32, i32) {
    %c0_i32 = arith.constant 0 : i32
    %c0_i32_0 = arith.constant 0 : i32
    %c0_i32_1 = arith.constant 0 : i32
    %c0_i32_2 = arith.constant 0 : i32
    return %c0_i32, %c0_i32_0, %c0_i32_1 : i32, i32, i32
  }
  func.func @transform_3(%arg0: i32) -> (i32, i32, i32) {
    %c0_i32 = arith.constant 0 : i32
    %c0_i32_0 = arith.constant 0 : i32
    %c0_i32_1 = arith.constant 0 : i32
    %c0_i32_2 = arith.constant 0 : i32
    return %c0_i32, %c0_i32_0, %c0_i32_1 : i32, i32, i32
  }
  func.func @transform_4(%arg0: i32) -> (i32, i32) {
    %c0_i32 = arith.constant 0 : i32
    %c0_i32_0 = arith.constant 0 : i32
    return %arg0, %c0_i32 : i32, i32
  }
}

</mosaic_0001>

<sc_bundles>
// kernel: kernel.7.cloned.1.call-start
scs
__scs_entry_jumppad:
0x0: {  	(pc) =	sbr.rel $0x88, $3  }
0x1: {  	(tag) =	ssettag $0x0;
	lr =	simm.s32 $0x1  }
0x2: {  	[smem:$0x3FA0] =	sst lr;
	_ =	strace $0xD0000000  }
0x3: {  	_ = 	snop  }
0x4: {  	_ = 	snop  }
0x5: {  	_ = 	snop  }
0x6: {  	_ = 	snop  }
0x7: {  	_ = 	snop  }
__scs_overlays_trampoline_lowered:
0x8: {  	[smem:$0x3FAF] =	sst s0  }
0x9: {  	[smem:$0x3FB0] =	sst s1  }
0xa: {  	[smem:$0x3FB1] =	sst s2  }
0xb: {  	[smem:$0x3FB2] =	sst s3  }
0xc: {  	[smem:$0x3FB3] =	sst s4  }
0xd: {  	[smem:$0x3FB4] =	sst s5  }
0xe: {  	[smem:$0x3FB5] =	sst s6  }
0xf: {  	[smem:$0x3FB6] =	sst s7  }
0x10: {  	[smem:$0x3FB7] =	sst s8  }
0x11: {  	[smem:$0x3FB8] =	sst s9;
	s0 =	simm.s32 @!p0 $0x0  }
0x12: {  	s1 =	sld [smem:$0x3F9E];
	s0 =	simm.s32 @p0 $0x1  }
0x13: {  	[smem:$0x3FB9] =	sst s0;
	s0 =	simm.s32 @!p1 $0x0  }
0x14: {  	s2 =	sld [smem:$0x3F9D];
	s0 =	simm.s32 @p1 $0x1  }
0x15: {  	[smem:$0x3FBA] =	sst s0;
	s0 =	simm.s32 @!p2 $0x0  }
0x16: {  	s3 =	sld [smem:$0x3FDB];
	s0 =	simm.s32 @p2 $0x1  }
0x17: {  	s4 =	simm.s32 $0x1BF5;
	[smem:$0x3FBC] =	sst s0  }
0x18: {  	s0 =	sld [smem:$0x3F9F];
	_ =	swait.ge [sflag:s4], $0x0  }
0x19: {  	s7 =	sld [smem:$0x3FA0]  }
0x1a: {  	s8 =	sadd.s32 $0xFFFFE003, lr  }
0x1b: {  	s9 =	sadd.s32 $0xFFFFFEF7, lr;
	s5 =	simm.s32 $0xFFFFFFFF;
	p2 =	slt.u32 s8, $0xFFFFF086  }
0x1c: {  	p1 =	slt.u32 s9, $0xF7A;
	s5 =	simm.s32 @!p2 $0x0  }
0x1d: {  	s5 =	simm.s32 @p1 $0x1;
	p0 =	seq.s32 s7, s2  }
0x1e: {  	s7 =	smul.u32 @!p0 $0xF7A, s2;
	p2 =	seq.s32 @!p0 s5, $0x0  }
0x1f: {  	s9 =	smul.u32 $0xF7A, s1;
	s8 =	simm.s32 @!p0 $0x1BF5;
	p2 =	por !p2, p0  }
0x20: {  	[sflag:s8] =	ssyncset.s32 @!p0 $0xFFFFF086;
	s6 =	sadd.s32 @!p0 s3, s7;
	s7 =	simm.s32 @!p0 $0x108  }
0x21: {  	s3 =	sadd.s32 s3, s9;
	s6 =	sadd.s32 @!p0 $0x88, s6;
	s7 =	simm.s32 @p2 $0x1082  }
0x22: {  	[simem:s7], [sflag:s8] =	dma.local @!p0 [hbm:s6], $0xF7A  }
0x23: {  	s9 =	sor.u32 $0xD0000000, s2;
	s6 =	simm.s32 $0x108;
	_ =	swait.ge @!p0 [sflag:s8], $0x0  }
0x24: {  	s3 =	sadd.s32 $0x88, s3;
	s6 =	simm.s32 @!p1 $0x1082;
	[sflag:s4] =	ssyncset.s32 $0xFFFFF086  }
0x25: {  	[simem:s6], [sflag:s4] =	dma.local [hbm:s3], $0xF7A  }
0x26: {  	[smem:$0x3FA0] =	sst s1;
	(tag) =	ssettag s2;
	_ =	strace s9  }
0x27: {  	s1 =	sld [smem:$0x3FB0]  }
0x28: {  	s2 =	sld [smem:$0x3FB1]  }
0x29: {  	s4 =	sld [smem:$0x3FB3]  }
0x2a: {  	p0 =	seq.s32 s5, $0x0;
	s5 =	sld [smem:$0x3FB4]  }
0x2b: {  	s6 =	sld [smem:$0x3FB5]  }
0x2c: {  	s7 =	sld [smem:$0x3FB6]  }
0x2d: {  	s3 =	simm.s32 $0x108;
	s8 =	sld [smem:$0x3FB7]  }
0x2e: {  	s3 =	simm.s32 @!p0 $0x1082;
	s9 =	sld [smem:$0x3FB8]  }
0x2f: {  	lr =	sadd.s32 s0, s3;
	s0 =	sld [smem:$0x3FAF]  }
0x30: {  	s3 =	sld [smem:$0x3FB2]  }
0x31: {  	[smem:$0x3FBB] =	sst s10  }
0x32: {  	s10 =	sld [smem:$0x3FB9];
	_ =	sdelay $0x3  }
0x33: {  	p0 =	seq.s32 s10, $0x1;
	s10 =	sld [smem:$0x3FBB];
	_ =	sdelay $0x3  }
0x34: {  	[smem:$0x3FBB] =	sst s10  }
0x35: {  	s10 =	sld [smem:$0x3FBA];
	_ =	sdelay $0x3  }
0x36: {  	p1 =	seq.s32 s10, $0x1;
	s10 =	sld [smem:$0x3FBB];
	_ =	sdelay $0x3  }
0x37: {  	[smem:$0x3FBB] =	sst s10  }
0x38: {  	s10 =	sld [smem:$0x3FBC]  }
0x39: {  	_ = 	snop;
	(pc) =	sbr.ind lr, $3  }
0x3a: {  	_ = 	snop  }
0x3b: {  	_ = 	snop  }
0x3c: {  	p2 =	seq.s32 s10, $0x1;
	s10 =	sld [smem:$0x3FBB]  }
0x3d: {  	_ =	shalt  }
0x3e: {  	_ =	shalt  }
0x3f: {  	_ =	shalt  }
0x40: {  	_ =	shalt  }
0x41: {  	_ =	shalt  }
0x42: {  	_ =	shalt  }
0x43: {  	_ =	shalt  }
0x44: {  	_ =	shalt  }
0x45: {  	_ =	shalt  }
0x46: {  	_ =	shalt  }
0x47: {  	_ =	shalt  }
0x48: {  	_ =	shalt  }
0x49: {  	_ =	shalt  }
0x4a: {  	_ =	shalt  }
0x4b: {  	_ =	shalt  }
0x4c: {  	_ =	shalt  }
0x4d: {  	_ =	shalt  }
0x4e: {  	_ =	shalt  }
0x4f: {  	_ =	shalt  }
0x50: {  	_ =	shalt  }
0x51: {  	_ =	shalt  }
0x52: {  	_ =	shalt  }
0x53: {  	_ =	shalt  }
0x54: {  	_ =	shalt  }
0x55: {  	_ =	shalt  }
0x56: {  	_ =	shalt  }
0x57: {  	_ =	shalt  }
0x58: {  	_ =	shalt  }
0x59: {  	_ =	shalt  }
0x5a: {  	_ =	shalt  }
0x5b: {  	_ =	shalt  }
0x5c: {  	_ =	shalt  }
0x5d: {  	_ =	shalt  }
0x5e: {  	_ =	shalt  }
0x5f: {  	_ =	shalt  }
0x60: {  	_ =	shalt  }
0x61: {  	_ =	shalt  }
0x62: {  	_ =	shalt  }
0x63: {  	_ =	shalt  }
0x64: {  	_ =	shalt  }
0x65: {  	_ =	shalt  }
0x66: {  	_ =	shalt  }
0x67: {  	_ =	shalt  }
0x68: {  	_ =	shalt  }
0x69: {  	_ =	shalt  }
0x6a: {  	_ =	shalt  }
0x6b: {  	_ =	shalt  }
0x6c: {  	_ =	shalt  }
0x6d: {  	_ =	shalt  }
0x6e: {  	_ =	shalt  }
0x6f: {  	_ =	shalt  }
0x70: {  	_ =	shalt  }
0x71: {  	_ =	shalt  }
0x72: {  	_ =	shalt  }
0x73: {  	_ =	shalt  }
0x74: {  	_ =	shalt  }
0x75: {  	_ =	shalt  }
0x76: {  	_ =	shalt  }
0x77: {  	_ =	shalt  }
0x78: {  	_ =	shalt  }
0x79: {  	_ =	shalt  }
0x7a: {  	_ =	shalt  }
0x7b: {  	_ =	shalt  }
0x7c: {  	_ =	shalt  }
0x7d: {  	_ =	shalt  }
0x7e: {  	_ =	shalt  }
0x7f: {  	_ =	shalt  }
0x80: {  	_ =	shalt  }
0x81: {  	_ =	shalt  }
0x82: {  	_ =	shalt  }
0x83: {  	_ =	shalt  }
0x84: {  	_ =	shalt  }
0x85: {  	_ =	shalt  }
0x86: {  	_ =	shalt  }
0x87: {  	_ =	shalt  }
.Lfunc_end0:
.L_simem_size_0:
called_computation_lowered:
.L_overlay_start_0:
0x88: {  	s2 =	sld [smem:$0x3FD9]  }
0x89: {  	s3 =	sld [smem:$0x3FFE];
	_ =	sdelay $0x1  }
0x8a: {  	s1 =	srdreg.scid  }
0x8b: {  	s0 =	sand.u32 $0x1, s1  }
0x8c: {  	s14 =	sshll.u32 s0, $0xA;
	s2 =	sadd.s32 s3, s2  }
0x8d: {  	s2 =	sadd.s32 s2, s14  }
0x8e: {  	[smem:$0x3FC7] =	sst s2  }
0x8f: {  	_ = 	snop  }
0x90: {  	s2 =	sld [smem:$0x3FD0];
	_ =	sdelay $0x2  }
0x91: {  	s15 =	simm.s32 $0xA;
	s4 =	simm.s32 $0x10  }
0x92: {  	[smem:s4], [sflag:s15] =	dma.local [hbm:s2], $0x1  }
0x93: {  	_ =	swait.eq [sflag:s15], $0x1  }
0x94: {  	[sflag:s15] =	ssyncset.done $0x0  }
0x95: {  	[sflag:s15] =	ssyncadd.s32 $0xFFFFFFFF  }
0x96: {  	s16 =	sld [smem:$0x11];
	(tm) =	ssettm $0x1  }
0x97: {  	s17 =	sld [smem:$0x3FFB];
	_ =	sdelay $0x3  }
0x98: {  	_ =	strace s17  }
0x99: {  	s3 =	sld [smem:$0x3FFC];
	_ =	sdelay $0x3  }
0x9a: {  	_ =	strace s3  }
0x9b: {  	s3 =	sld [smem:$0x3FFD];
	_ =	sdelay $0x3  }
0x9c: {  	_ =	strace s3  }
0x9d: {  	_ =	strace $0x8FFFFFFF  }
0x9e: {  	s18 =	sld [smem:$0x3FDB];
	_ =	sdelay $0x1  }
0x9f: {  	s19 =	simm.s32 $_scs_section_size  }
0xa0: {  	s5 =	simm.s32 $_size__tile_overlayer_lowered;
	s6 =	simm.s32 $_tile_overlayer_lowered  }
0xa1: {  	s22 =	simm.s32 $0x1BFF;
	s21 =	sshll.u32 s6, $0x1;
	s3 =	sadd.s32 s19, s18  }
0xa2: {  	s7 =	simm.s32 $0x0;
	s20 =	sshll.u32 s5, $0x1;
	s5 =	sadd.s32 s21, s3  }
0xa3: {  	[timem:s7], [sflag:s22] =	dma.local [hbm:s5], s20  }
0xa4: {  	_ =	swait.ge [sflag:s22], s20  }
0xa5: {  	s4 =	ssub.s32 $0x0, s20;
	[sflag:s22] =	ssyncset.done $0x0  }
0xa6: {  	[sflag:s22] =	ssyncadd.s32 s4;
	_ =	sdelay $0x1  }
0xa7: {  	s23 =	simm.s32 $0x1B8B  }
0xa8: {  	_ =	swait.ge [sflag:s23], $0x1  }
0xa9: {  	[sflag:s23] =	ssyncset.done $0x0  }
0xaa: {  	s25 =	simm.s32 $0x1B8E;
	s24 =	sld [smem:$0x3FFE];
	[sflag:s23] =	ssyncadd.s32 $0xFFFFFFFF  }
0xab: {  	s26 =	simm.s32 $execute0_lowered;
	[smem:$0x3FD2] =	sst s25  }
0xac: {  	s5 =	sshll.u32 s26, $0x1;
	_ =	strace $0x80000046;
	[dreg:$0x1] =	wrdreg $0xFFFFFFFF  }
0xad: {  	s28 =	simm.s32 $_size_execute0_lowered;
	s3 =	sadd.s32 s3, s5;
	[dreg:$0x0] =	wrdreg $0x0  }
0xae: {  	s5 =	sshll.u32 s28, $0x1;
	[dreg:$0x2] =	wrdreg s3  }
0xaf: {  	[dreg:$0x3] =	wrdreg s5  }
0xb0: {  	[dreg:$0x4] =	wrdreg $0xC0  }
0xb1: {  	_ =	task [dreg:s7], $0x5FFFF  }
0xb2: {  	[dreg:$0x1] =	wrdreg $0xFFFFFFFF  }
0xb3: {  	[dreg:$0x0] =	wrdreg $0x60  }
0xb4: {  	[dreg:$0x2] =	wrdreg s16  }
0xb5: {  	[dreg:$0x3] =	wrdreg s24  }
0xb6: {  	[dreg:$0x4] =	wrdreg $0x9  }
0xb7: {  	_ =	task.clear_ibuf [dreg:s7], $0x5FFFF;
	_ =	strace $0x90000046  }
0xb8: {  	s29 =	simm.s32 $0x9;
	_ =	strace $0x80000048  }
0xb9: {  	_ =	swait.ge [sflag:s29], $0x1  }
0xba: {  	[sflag:s29] =	ssyncadd.s32 $0xFFFFFFFF  }
0xbb: {  	_ =	strace $0x90000048  }
0xbc: {  	_ =	sfence  }
0xbd: {  	s30 =	sld [smem:$0x0];
	_ =	sdelay $0x2  }
0xbe: {  	s31 =	sshll.u32 s1, $0xD;
	s1 =	sshrl.u32 s1, $0x2  }
0xbf: {  	s3 =	sand.u32 $0x4000, s31;
	s1 =	sadd.s32 s1, s30  }
0xc0: {  	s0 =	sor.u32 s3, s0;
	s1 =	sshll.u32 s1, $0x11  }
0xc1: {  	s0 =	sor.u32 s1, s0  }
0xc2: {  	s0 =	sadd.s32 $0x8F2B, s0  }
0xc3: {  	[sflag:s0] =	ssyncadd.remote.s32 $0x1  }
0xc4: {  	_ =	sfence.sel $0xFFFF  }
0xc5: {  	[dreg:$0x0] =	wrdreg $0xFFFFFFFF;
	(pc) =	sbr.abs _section_cstart, $3  }
0xc6: {  	[dreg:$0x1] =	wrdreg $0xFFFFFFFF  }
0xc7: {  	_ =	task.clear_ibuf [dreg:s7], $0x2FFFF;
	_ =	strace $0x9FFFFFFF  }
0xc8: {  	(tm) =	ssettm $0x7FFFFFFF  }
0xc9: {  	_ =	shalt  }
tec
execute0_lowered:
.L_overlay_start_1:
0x0: {  	(tag) =	ssettag $0x1  }
0x1: {  	s0 =	srdreg.scid;
	s2 =	stileid.u32  }
0x2: {  	s1 =	sand.u32 $0x1, s0;
	s8 =	sshll.u32 s2, $0x1  }
0x3: {  	s3 =	rddreg [dreg:$0x0];
	s0 =	sor.u32 s1, s8  }
0x4: {  	s4 =	rddreg [dreg:$0x1];
	s5 =	sshll.u32 s0, $0xA  }
0x5: {  	s2 =	simm.s32 $0x0;
	s0 =	sshll.u32 s0, $0xE;
	s5 =	sadd.s32 s5, s4  }
0x6: {  	[smem:$0x7FF] =	sst s2;
	s4 =	sadd.s32 s0, s4;
	s9 =	sadd.s32 $0x80C00, s5  }
0x7: {  	_ =	strace $0x80000047;
	s10 =	sadd.s32 $0xC00, s4;
	[dreg:$0x3] =	wrdreg s9  }
0x8: {  	s11 =	sadd.s32 $0xD00, s4;
	[dreg:$0x4] =	wrdreg s10  }
0x9: {  	s12 =	sadd.s32 $0xE00, s4;
	[dreg:$0x5] =	wrdreg s11  }
0xa: {  	s13 =	sadd.s32 $0xF00, s4;
	[dreg:$0x6] =	wrdreg s12  }
0xb: {  	s14 =	sadd.s32 $0x1000, s4;
	[dreg:$0x7] =	wrdreg s13  }
0xc: {  	s15 =	sadd.s32 $0x1100, s4;
	[dreg:$0x8] =	wrdreg s14  }
0xd: {  	s16 =	sadd.s32 $0x1200, s4;
	[dreg:$0x9] =	wrdreg s15  }
0xe: {  	s17 =	sadd.s32 $0x1300, s4;
	[dreg:$0xa] =	wrdreg s16  }
0xf: {  	s18 =	sadd.s32 $0x1400, s4;
	[dreg:$0xb] =	wrdreg s17  }
0x10: {  	s19 =	sadd.s32 $0x1500, s4;
	[dreg:$0xc] =	wrdreg s18  }
0x11: {  	s20 =	sadd.s32 $0x1600, s4;
	[dreg:$0xd] =	wrdreg s19  }
0x12: {  	s21 =	sadd.s32 $0x1700, s4;
	[dreg:$0xe] =	wrdreg s20  }
0x13: {  	s22 =	sadd.s32 $0x1800, s4;
	[dreg:$0xf] =	wrdreg s21  }
0x14: {  	s23 =	sadd.s32 $0x1900, s4;
	[dreg:$0x10] =	wrdreg s22  }
0x15: {  	s24 =	sadd.s32 $0x1A00, s4;
	[dreg:$0x11] =	wrdreg s23  }
0x16: {  	s25 =	sadd.s32 $0x1B00, s4;
	[dreg:$0x12] =	wrdreg s24  }
0x17: {  	s26 =	sadd.s32 $0x1C00, s4;
	[dreg:$0x13] =	wrdreg s25  }
0x18: {  	s5 =	sadd.s32 $0x1D00, s4;
	[dreg:$0x14] =	wrdreg s26  }
0x19: {  	s6 =	sadd.s32 $0x1E00, s4;
	[dreg:$0x15] =	wrdreg s5  }
0x1a: {  	s7 =	sadd.s32 $0x1F00, s4;
	[dreg:$0x16] =	wrdreg s6  }
0x1b: {  	s8 =	sadd.s32 $0x2000, s4;
	[dreg:$0x17] =	wrdreg s7  }
0x1c: {  	[dreg:$0x18] =	wrdreg s8;
	s9 =	sadd.s32 $0x2100, s4  }
0x1d: {  	s10 =	sadd.s32 $0x2200, s4;
	[dreg:$0x19] =	wrdreg s9  }
0x1e: {  	s11 =	sadd.s32 $0x2300, s4;
	[dreg:$0x1a] =	wrdreg s10  }
0x1f: {  	s12 =	sadd.s32 $0x2400, s4;
	[dreg:$0x1b] =	wrdreg s11  }
0x20: {  	s13 =	sadd.s32 $0x2500, s4;
	[dreg:$0x1c] =	wrdreg s12  }
0x21: {  	s14 =	sadd.s32 $0x2600, s4;
	[dreg:$0x1d] =	wrdreg s13  }
0x22: {  	s15 =	sadd.s32 $0x2700, s4;
	[dreg:$0x1e] =	wrdreg s14  }
0x23: {  	s16 =	sadd.s32 $0x2800, s4;
	[dreg:$0x1f] =	wrdreg s15  }
0x24: {  	s17 =	sadd.s32 $0x2900, s4;
	[smem:$0x7B1] =	sst s16  }
0x25: {  	s18 =	sadd.s32 $0x2A00, s4;
	[smem:$0x7B2] =	sst s17  }
0x26: {  	s19 =	sadd.s32 $0x2B00, s4;
	[smem:$0x7B3] =	sst s18  }
0x27: {  	s20 =	sadd.s32 $0x2C00, s4;
	[smem:$0x7B4] =	sst s19  }
0x28: {  	s21 =	sadd.s32 $0x2D00, s4;
	[smem:$0x7B5] =	sst s20  }
0x29: {  	s22 =	sadd.s32 $0x2E00, s4;
	[smem:$0x7B6] =	sst s21  }
0x2a: {  	s23 =	sadd.s32 $0x2F00, s4;
	[smem:$0x7B7] =	sst s22  }
0x2b: {  	s24 =	sadd.s32 $0x3000, s4;
	[smem:$0x7B8] =	sst s23  }
0x2c: {  	s25 =	sadd.s32 $0x3100, s4;
	[smem:$0x7B9] =	sst s24  }
0x2d: {  	s26 =	sadd.s32 $0x3200, s4;
	[smem:$0x7BA] =	sst s25  }
0x2e: {  	s5 =	sadd.s32 $0x3300, s4;
	[smem:$0x7BB] =	sst s26  }
0x2f: {  	s6 =	sadd.s32 $0x3400, s4;
	[smem:$0x7BC] =	sst s5  }
0x30: {  	s7 =	sadd.s32 $0x3500, s4;
	[smem:$0x7BD] =	sst s6  }
0x31: {  	s8 =	sadd.s32 $0x3600, s4;
	[smem:$0x7BE] =	sst s7  }
0x32: {  	[smem:$0x7BF] =	sst s8  }
0x33: {  	s9 =	sadd.s32 $0x3700, s4;
	s0 =	rddreg [dreg:$0x3]  }
0x34: {  	s10 =	sadd.s32 $0x3800, s4;
	[smem:$0x7C0] =	sst s9  }
0x35: {  	s11 =	sadd.s32 $0x3900, s4;
	[smem:$0x7C1] =	sst s10  }
0x36: {  	s12 =	sadd.s32 $0x3A00, s4;
	[smem:$0x7C2] =	sst s11  }
0x37: {  	s13 =	sadd.s32 $0x3B00, s4;
	[smem:$0x7C3] =	sst s12  }
0x38: {  	s14 =	sadd.s32 $0x3C00, s4;
	[smem:$0x7C4] =	sst s13  }
0x39: {  	s15 =	sadd.s32 $0x3D00, s4;
	[smem:$0x7C5] =	sst s14  }
0x3a: {  	s16 =	sadd.s32 $0x3E00, s4;
	[smem:$0x7C6] =	sst s15  }
0x3b: {  	s17 =	sadd.s32 $0x3F00, s4;
	[smem:$0x7C7] =	sst s16  }
0x3c: {  	s18 =	sadd.s32 $0x4000, s4;
	[smem:$0x7C8] =	sst s17  }
0x3d: {  	s19 =	sadd.s32 $0x4100, s4;
	[smem:$0x7C9] =	sst s18  }
0x3e: {  	s20 =	sadd.s32 $0x4200, s4;
	[smem:$0x7CA] =	sst s19  }
0x3f: {  	s21 =	sadd.s32 $0x4300, s4;
	[smem:$0x7CB] =	sst s20  }
0x40: {  	s22 =	sadd.s32 $0x4400, s4;
	[smem:$0x7CC] =	sst s21  }
0x41: {  	s23 =	sadd.s32 $0x4500, s4;
	[smem:$0x7CD] =	sst s22  }
0x42: {  	s24 =	sadd.s32 $0x4600, s4;
	[smem:$0x7CE] =	sst s23  }
0x43: {  	s25 =	sadd.s32 $0x4700, s4;
	[smem:$0x7CF] =	sst s24  }
0x44: {  	s26 =	sadd.s32 $0x4800, s4;
	[smem:$0x7D0] =	sst s25  }
0x45: {  	s5 =	sadd.s32 $0x4900, s4;
	[smem:$0x7D1] =	sst s26  }
0x46: {  	s6 =	sadd.s32 $0x4A00, s4;
	[smem:$0x7D2] =	sst s5  }
0x47: {  	s7 =	sadd.s32 $0x4B00, s4;
	[smem:$0x7D3] =	sst s6  }
0x48: {  	s8 =	simm.s32 $0x100;
	[smem:$0x7D4] =	sst s7  }
0x49: {  	s4 =	simm.s32 $0xA80;
	[smem:$0x7D5] =	sst s8  }
0x4a: {  	s9 =	simm.s32 $0x180;
	[smem:$0x7E8] =	sst s4  }
0x4b: {  	s10 =	simm.s32 $0x200;
	[smem:$0x7D6] =	sst s9  }
0x4c: {  	s11 =	simm.s32 $0x280;
	[smem:$0x7D7] =	sst s10  }
0x4d: {  	s12 =	simm.s32 $0x300;
	[smem:$0x7D8] =	sst s11  }
0x4e: {  	s13 =	simm.s32 $0x380;
	[smem:$0x7D9] =	sst s12  }
0x4f: {  	s14 =	simm.s32 $0x400;
	[smem:$0x7DA] =	sst s13  }
0x50: {  	s15 =	simm.s32 $0x480;
	[smem:$0x7DB] =	sst s14  }
0x51: {  	s16 =	simm.s32 $0x500;
	[smem:$0x7DC] =	sst s15  }
0x52: {  	s17 =	simm.s32 $0x580;
	[smem:$0x7DD] =	sst s16  }
0x53: {  	s18 =	simm.s32 $0x600;
	[smem:$0x7DE] =	sst s17  }
0x54: {  	s19 =	simm.s32 $0x680;
	[smem:$0x7DF] =	sst s18  }
0x55: {  	s20 =	simm.s32 $0x700;
	[smem:$0x7E0] =	sst s19  }
0x56: {  	s21 =	simm.s32 $0x780;
	[smem:$0x7E1] =	sst s20  }
0x57: {  	s22 =	simm.s32 $0x800;
	[smem:$0x7E2] =	sst s21  }
0x58: {  	s23 =	simm.s32 $0x880;
	[smem:$0x7E3] =	sst s22  }
0x59: {  	s24 =	simm.s32 $0x900;
	[smem:$0x7E4] =	sst s23  }
0x5a: {  	s25 =	simm.s32 $0x980;
	[smem:$0x7E5] =	sst s24  }
0x5b: {  	s26 =	simm.s32 $0xA00;
	[smem:$0x7E6] =	sst s25  }
0x5c: {  	s5 =	simm.s32 $0xB00;
	[smem:$0x7E7] =	sst s26  }
0x5d: {  	s6 =	simm.s32 $0xB80;
	[smem:$0x7E9] =	sst s5  }
0x5e: {  	s7 =	simm.s32 $0xC00;
	[smem:$0x7EA] =	sst s6  }
0x5f: {  	s8 =	simm.s32 $0xC80;
	[smem:$0x7EB] =	sst s7  }
0x60: {  	[smem:$0x7EC] =	sst s8;
	s9 =	simm.s32 $0xD00  }
0x61: {  	s10 =	simm.s32 $0xD80;
	[smem:$0x7ED] =	sst s9  }
0x62: {  	s11 =	simm.s32 $0xE00;
	[smem:$0x7EE] =	sst s10  }
0x63: {  	s12 =	simm.s32 $0xE80;
	[smem:$0x7EF] =	sst s11  }
0x64: {  	s13 =	simm.s32 $0xF00;
	[smem:$0x7F0] =	sst s12  }
0x65: {  	s31 =	simm.s32 $0x1580;
	s14 =	simm.s32 $0xF80;
	[smem:$0x7F1] =	sst s13  }
0x66: {  	s30 =	simm.s32 $0x1600;
	s15 =	simm.s32 $0x1000;
	[smem:$0x7F2] =	sst s14  }
0x67: {  	s29 =	simm.s32 $0x1680;
	s16 =	simm.s32 $0x1080;
	[smem:$0x7F3] =	sst s15  }
0x68: {  	s28 =	simm.s32 $0x1700;
	s17 =	simm.s32 $0x1100;
	[smem:$0x7F4] =	sst s16  }
0x69: {  	p0 =	por $0x0, $0x0;
	s19 =	simm.s32 $0x1180;
	[smem:$0x7F5] =	sst s17  }
0x6a: {  	s1 =	ssub.s32 $0x2, s1;
	s20 =	simm.s32 $0x1200;
	[smem:$0x7F6] =	sst s19  }
0x6b: {  	s4 =	simm.s32 $0x3;
	s21 =	simm.s32 $0x1280;
	[smem:$0x7F7] =	sst s20  }
0x6c: {  	s18 =	sshrl.u32 s1, $0x1;
	s22 =	simm.s32 $0x1300;
	[smem:$0x7F8] =	sst s21  }
0x6d: {  	s7 =	simm.s32 $0x80;
	s23 =	simm.s32 $0x1380;
	[smem:$0x7F9] =	sst s22  }
0x6e: {  	s6 =	simm.s32 $0x2000;
	s24 =	simm.s32 $0x1400;
	[smem:$0x7FA] =	sst s23  }
0x6f: {  	s5 =	simm.s32 $0x2800;
	s25 =	simm.s32 $0x1480;
	[smem:$0x7FB] =	sst s24  }
0x70: {  	s26 =	simm.s32 $0x1500;
	s8 =	simm.s32 $0x2;
	[smem:$0x7FC] =	sst s25  }
0x71: {  	s1 =	ssub.s32 s1, s18;
	s9 =	simm.s32 $0x1;
	[smem:$0x7FD] =	sst s26  }
0x72: {  	s26 =	simm.s32 $0x1780;
	s25 =	simm.s32 $0x1800;
	s1 =	smax.u32 s1, $0x1  }
0x73: {  	s24 =	simm.s32 $0x1880;
	s23 =	simm.s32 $0x1900;
	p1 =	sne.s32 s1, $0x1  }
.Ltmp0:
0x74: {  	s22 =	simm.s32 $0x1980;
	s21 =	simm.s32 $0x1A00;
	(pc) =	sbr.rel @!p1 .LBB2_3-.Ltmp0, $4  }
0x75: {  	s20 =	simm.s32 $0x1A80;
	s19 =	simm.s32 $0x1B00;
	s18 =	simm.s32 $0x1B80  }
0x76: {  	s17 =	simm.s32 $0x1C00;
	s16 =	simm.s32 $0x1C80;
	s15 =	simm.s32 $0x1D00  }
0x77: {  	s14 =	simm.s32 $0x1D80;
	s13 =	simm.s32 $0x1E00;
	s12 =	simm.s32 $0x1E80  }
0x78: {  	s11 =	simm.s32 $0x1F00;
	s10 =	simm.s32 $0x1F80;
	s1 =	sadd.s32 $0xFFFFFFFF, s1  }
0x79: {  	[tilespmem:s2], [sflag:$0x3] =	stream.linear.gather [hbm4b:s0+s2], $0x2000, $0x38;
	[tilespmem:$0x3000] =	vst v63  }
0x7a: {  	_ =	swait.ge [sflag:s4], $0x2000  }
0x7b: {  	[sflag:s4] =	ssyncset.done $0x0  }
0x7c: {  	[sflag:s4] =	ssyncadd.s32 $0xFFFFE000  }
0x7d: {  	[tilespmem:s6], [sflag:$0x1] =	stream.indirect.gather [hbm4b:s3+s7], $0x10, s2, s7, $0xb8;
	[tilespmem:$0x3000] =	vst v63  }
0x7e: {  	_ = 	snop  }
0x7f: {  	[tilespmem:s5], [sflag:$0x2] =	stream.indirect.gather [hbm4b:s3+s7], $0x10, s7, s7, $0xb8;
	[tilespmem:$0x3000] =	vst v63  }
0x80: {  	_ =	swait.ge [sflag:s9], $0x800  }
0x81: {  	[sflag:s9] =	ssyncset.done $0x0  }
0x82: {  	s0 =	rddreg [dreg:$0x4];
	[sflag:s9] =	ssyncadd.s32 $0xFFFFF800  }
0x83: {  	[hbm4b:s0+s2] =	stream.linear.scatter [tilespmem:s6], [sflag:$0x3], $0x800, $0x38;
	[tilespmem:$0x3000] =	vst v63  }
0x84: {  	_ =	swait.ge [sflag:s4], $0x800  }
0x85: {  	s0 =	sld [smem:$0x7D5]  }
0x86: {  	[sflag:s4] =	ssyncset.done $0x0  }
0x87: {  	[sflag:s4] =	ssyncadd.s32 $0xFFFFF800  }
0x88: {  	[tilespmem:s6], [sflag:$0x1] =	stream.indirect.gather [hbm4b:s3+s7], $0x10, s0, s7, $0xb8;
	[tilespmem:$0x3000] =	vst v63  }
0x89: {  	_ =	swait.ge [sflag:s8], $0x800  }
0x8a: {  	[sflag:s8] =	ssyncset.done $0x0  }
0x8b: {  	s0 =	rddreg [dreg:$0x5];
	[sflag:s8] =	ssyncadd.s32 $0xFFFFF800  }
0x8c: {  	[hbm4b:s0+s2] =	stream.linear.scatter [tilespmem:s5], [sflag:$0x3], $0x800, $0x38;
	[tilespmem:$0x3000] =	vst v63  }
0x8d: {  	_ =	swait.ge [sflag:s4], $0x800  }
0x8e: {  	s0 =	sld [smem:$0x7D6]  }
0x8f: {  	[sflag:s4] =	ssyncset.done $0x0  }
0x90: {  	[sflag:s4] =	ssyncadd.s32 $0xFFFFF800  }
0x91: {  	[tilespmem:s5], [sflag:$0x2] =	stream.indirect.gather [hbm4b:s3+s7], $0x10, s0, s7, $0xb8;
	[tilespmem:$0x3000] =	vst v63  }
0x92: {  	_ =	swait.ge [sflag:s9], $0x800  }
0x93: {  	[sflag:s9] =	ssyncset.done $0x0  }
0x94: {  	s0 =	rddreg [dreg:$0x6];
	[sflag:s9] =	ssyncadd.s32 $0xFFFFF800  }
0x95: {  	[hbm4b:s0+s2] =	stream.linear.scatter [tilespmem:s6], [sflag:$0x3], $0x800, $0x38;
	[tilespmem:$0x3000] =	vst v63  }
0x96: {  	_ =	swait.ge [sflag:s4], $0x800  }
0x97: {  	s0 =	sld [smem:$0x7D7]  }
0x98: {  	[sflag:s4] =	ssyncset.done $0x0  }
0x99: {  	[sflag:s4] =	ssyncadd.s32 $0xFFFFF800  }
0x9a: {  	[tilespmem:s6], [sflag:$0x1] =	stream.indirect.gather [hbm4b:s3+s7], $0x10, s0, s7, $0xb8;
	[tilespmem:$0x3000] =	vst v63  }
0x9b: {  	_ =	swait.ge [sflag:s8], $0x800  }
0x9c: {  	[sflag:s8] =	ssyncset.done $0x0  }
0x9d: {  	s0 =	rddreg [dreg:$0x7];
	[sflag:s8] =	ssyncadd.s32 $0xFFFFF800  }
0x9e: {  	[hbm4b:s0+s2] =	stream.linear.scatter [tilespmem:s5], [sflag:$0x3], $0x800, $0x38;
	[tilespmem:$0x3000] =	vst v63  }
0x9f: {  	_ =	swait.ge [sflag:s4], $0x800  }
0xa0: {  	s0 =	sld [smem:$0x7D8]  }
0xa1: {  	[sflag:s4] =	ssyncset.done $0x0  }
0xa2: {  	[sflag:s4] =	ssyncadd.s32 $0xFFFFF800  }
0xa3: {  	[tilespmem:s5], [sflag:$0x2] =	stream.indirect.gather [hbm4b:s3+s7], $0x10, s0, s7, $0xb8;
	[tilespmem:$0x3000] =	vst v63  }
0xa4: {  	_ =	swait.ge [sflag:s9], $0x800  }
0xa5: {  	[sflag:s9] =	ssyncset.done $0x0  }
0xa6: {  	s0 =	rddreg [dreg:$0x8];
	[sflag:s9] =	ssyncadd.s32 $0xFFFFF800  }
0xa7: {  	[hbm4b:s0+s2] =	stream.linear.scatter [tilespmem:s6], [sflag:$0x3], $0x800, $0x38;
	[tilespmem:$0x3000] =	vst v63  }
0xa8: {  	_ =	swait.ge [sflag:s4], $0x800  }
0xa9: {  	s0 =	sld [smem:$0x7D9]  }
0xaa: {  	[sflag:s4] =	ssyncset.done $0x0  }
0xab: {  	[sflag:s4] =	ssyncadd.s32 $0xFFFFF800  }
0xac: {  	[tilespmem:s6], [sflag:$0x1] =	stream.indirect.gather [hbm4b:s3+s7], $0x10, s0, s7, $0xb8;
	[tilespmem:$0x3000] =	vst v63  }
0xad: {  	_ =	swait.ge [sflag:s8], $0x800  }
0xae: {  	[sflag:s8] =	ssyncset.done $0x0  }
0xaf: {  	s0 =	rddreg [dreg:$0x9];
	[sflag:s8] =	ssyncadd.s32 $0xFFFFF800  }
0xb0: {  	[hbm4b:s0+s2] =	stream.linear.scatter [tilespmem:s5], [sflag:$0x3], $0x800, $0x38;
	[tilespmem:$0x3000] =	vst v63  }
0xb1: {  	_ =	swait.ge [sflag:s4], $0x800  }
0xb2: {  	s0 =	sld [smem:$0x7DA]  }
0xb3: {  	[sflag:s4] =	ssyncset.done $0x0  }
0xb4: {  	[sflag:s4] =	ssyncadd.s32 $0xFFFFF800  }
0xb5: {  	[tilespmem:s5], [sflag:$0x2] =	stream.indirect.gather [hbm4b:s3+s7], $0x10, s0, s7, $0xb8;
	[tilespmem:$0x3000] =	vst v63  }
0xb6: {  	_ =	swait.ge [sflag:s9], $0x800  }
0xb7: {  	[sflag:s9] =	ssyncset.done $0x0  }
0xb8: {  	s0 =	rddreg [dreg:$0xa];
	[sflag:s9] =	ssyncadd.s32 $0xFFFFF800  }
0xb9: {  	[hbm4b:s0+s2] =	stream.linear.scatter [tilespmem:s6], [sflag:$0x3], $0x800, $0x38;
	[tilespmem:$0x3000] =	vst v63  }
0xba: {  	_ =	swait.ge [sflag:s4], $0x800  }
0xbb: {  	s0 =	sld [smem:$0x7DB]  }
0xbc: {  	[sflag:s4] =	ssyncset.done $0x0  }
0xbd: {  	[sflag:s4] =	ssyncadd.s32 $0xFFFFF800  }
0xbe: {  	[tilespmem:s6], [sflag:$0x1] =	stream.indirect.gather [hbm4b:s3+s7], $0x10, s0, s7, $0xb8;
	[tilespmem:$0x3000] =	vst v63  }
0xbf: {  	_ =	swait.ge [sflag:s8], $0x800  }
0xc0: {  	[sflag:s8] =	ssyncset.done $0x0  }
0xc1: {  	s0 =	rddreg [dreg:$0xb];
	[sflag:s8] =	ssyncadd.s32 $0xFFFFF800  }
0xc2: {  	[hbm4b:s0+s2] =	stream.linear.scatter [tilespmem:s5], [sflag:$0x3], $0x800, $0x38;
	[tilespmem:$0x3000] =	vst v63  }
0xc3: {  	_ =	swait.ge [sflag:s4], $0x800  }
0xc4: {  	s0 =	sld [smem:$0x7DC]  }
0xc5: {  	[sflag:s4] =	ssyncset.done $0x0  }
0xc6: {  	[sflag:s4] =	ssyncadd.s32 $0xFFFFF800  }
0xc7: {  	[tilespmem:s5], [sflag:$0x2] =	stream.indirect.gather [hbm4b:s3+s7], $0x10, s0, s7, $0xb8;
	[tilespmem:$0x3000] =	vst v63  }
0xc8: {  	_ =	swait.ge [sflag:s9], $0x800  }
0xc9: {  	[sflag:s9] =	ssyncset.done $0x0  }
0xca: {  	s0 =	rddreg [dreg:$0xc];
	[sflag:s9] =	ssyncadd.s32 $0xFFFFF800  }
0xcb: {  	[hbm4b:s0+s2] =	stream.linear.scatter [tilespmem:s6], [sflag:$0x3], $0x800, $0x38;
	[tilespmem:$0x3000] =	vst v63  }
0xcc: {  	_ =	swait.ge [sflag:s4], $0x800  }
0xcd: {  	s0 =	sld [smem:$0x7DD]  }
0xce: {  	[sflag:s4] =	ssyncset.done $0x0  }
0xcf: {  	[sflag:s4] =	ssyncadd.s32 $0xFFFFF800  }
0xd0: {  	[tilespmem:s6], [sflag:$0x1] =	stream.indirect.gather [hbm4b:s3+s7], $0x10, s0, s7, $0xb8;
	[tilespmem:$0x3000] =	vst v63  }
0xd1: {  	_ =	swait.ge [sflag:s8], $0x800  }
0xd2: {  	[sflag:s8] =	ssyncset.done $0x0  }
0xd3: {  	s0 =	rddreg [dreg:$0xd];
	[sflag:s8] =	ssyncadd.s32 $0xFFFFF800  }
0xd4: {  	[hbm4b:s0+s2] =	stream.linear.scatter [tilespmem:s5], [sflag:$0x3], $0x800, $0x38;
	[tilespmem:$0x3000] =	vst v63  }
0xd5: {  	_ =	swait.ge [sflag:s4], $0x800  }
0xd6: {  	s0 =	sld [smem:$0x7DE]  }
0xd7: {  	[sflag:s4] =	ssyncset.done $0x0  }
0xd8: {  	[sflag:s4] =	ssyncadd.s32 $0xFFFFF800  }
0xd9: {  	[tilespmem:s5], [sflag:$0x2] =	stream.indirect.gather [hbm4b:s3+s7], $0x10, s0, s7, $0xb8;
	[tilespmem:$0x3000] =	vst v63  }
0xda: {  	_ =	swait.ge [sflag:s9], $0x800  }
0xdb: {  	[sflag:s9] =	ssyncset.done $0x0  }
0xdc: {  	s0 =	rddreg [dreg:$0xe];
	[sflag:s9] =	ssyncadd.s32 $0xFFFFF800  }
0xdd: {  	[hbm4b:s0+s2] =	stream.linear.scatter [tilespmem:s6], [sflag:$0x3], $0x800, $0x38;
	[tilespmem:$0x3000] =	vst v63  }
0xde: {  	_ =	swait.ge [sflag:s4], $0x800  }
0xdf: {  	s0 =	sld [smem:$0x7DF]  }
0xe0: {  	[sflag:s4] =	ssyncset.done $0x0  }
0xe1: {  	[sflag:s4] =	ssyncadd.s32 $0xFFFFF800  }
0xe2: {  	[tilespmem:s6], [sflag:$0x1] =	stream.indirect.gather [hbm4b:s3+s7], $0x10, s0, s7, $0xb8;
	[tilespmem:$0x3000] =	vst v63  }
0xe3: {  	_ =	swait.ge [sflag:s8], $0x800  }
0xe4: {  	[sflag:s8] =	ssyncset.done $0x0  }
0xe5: {  	s0 =	rddreg [dreg:$0xf];
	[sflag:s8] =	ssyncadd.s32 $0xFFFFF800  }
0xe6: {  	[hbm4b:s0+s2] =	stream.linear.scatter [tilespmem:s5], [sflag:$0x3], $0x800, $0x38;
	[tilespmem:$0x3000] =	vst v63  }
0xe7: {  	_ =	swait.ge [sflag:s4], $0x800  }
0xe8: {  	s0 =	sld [smem:$0x7E0]  }
0xe9: {  	[sflag:s4] =	ssyncset.done $0x0  }
0xea: {  	[sflag:s4] =	ssyncadd.s32 $0xFFFFF800  }
0xeb: {  	[tilespmem:s5], [sflag:$0x2] =	stream.indirect.gather [hbm4b:s3+s7], $0x10, s0, s7, $0xb8;
	[tilespmem:$0x3000] =	vst v63  }
0xec: {  	_ =	swait.ge [sflag:s9], $0x800  }
0xed: {  	[sflag:s9] =	ssyncset.done $0x0  }
0xee: {  	s0 =	rddreg [dreg:$0x10];
	[sflag:s9] =	ssyncadd.s32 $0xFFFFF800  }
0xef: {  	[hbm4b:s0+s2] =	stream.linear.scatter [tilespmem:s6], [sflag:$0x3], $0x800, $0x38;
	[tilespmem:$0x3000] =	vst v63  }
0xf0: {  	_ =	swait.ge [sflag:s4], $0x800  }
0xf1: {  	s0 =	sld [smem:$0x7E1]  }
0xf2: {  	[sflag:s4] =	ssyncset.done $0x0  }
0xf3: {  	[sflag:s4] =	ssyncadd.s32 $0xFFFFF800  }
0xf4: {  	[tilespmem:s6], [sflag:$0x1] =	stream.indirect.gather [hbm4b:s3+s7], $0x10, s0, s7, $0xb8;
	[tilespmem:$0x3000] =	vst v63  }
0xf5: {  	_ =	swait.ge [sflag:s8], $0x800  }
0xf6: {  	[sflag:s8] =	ssyncset.done $0x0  }
0xf7: {  	s0 =	rddreg [dreg:$0x11];
	[sflag:s8] =	ssyncadd.s32 $0xFFFFF800  }
0xf8: {  	[hbm4b:s0+s2] =	stream.linear.scatter [tilespmem:s5], [sflag:$0x3], $0x800, $0x38;
	[tilespmem:$0x3000] =	vst v63  }
0xf9: {  	_ =	swait.ge [sflag:s4], $0x800  }
0xfa: {  	s0 =	sld [smem:$0x7E2]  }
0xfb: {  	[sflag:s4] =	ssyncset.done $0x0  }
0xfc: {  	[sflag:s4] =	ssyncadd.s32 $0xFFFFF800  }
0xfd: {  	[tilespmem:s5], [sflag:$0x2] =	stream.indirect.gather [hbm4b:s3+s7], $0x10, s0, s7, $0xb8;
	[tilespmem:$0x3000] =	vst v63  }
0xfe: {  	_ =	swait.ge [sflag:s9], $0x800  }
0xff: {  	[sflag:s9] =	ssyncset.done $0x0  }
0x100: {  	s0 =	rddreg [dreg:$0x12];
	[sflag:s9] =	ssyncadd.s32 $0xFFFFF800  }
0x101: {  	[hbm4b:s0+s2] =	stream.linear.scatter [tilespmem:s6], [sflag:$0x3], $0x800, $0x38;
	[tilespmem:$0x3000] =	vst v63  }
0x102: {  	_ =	swait.ge [sflag:s4], $0x800  }
0x103: {  	s0 =	sld [smem:$0x7E3]  }
0x104: {  	[sflag:s4] =	ssyncset.done $0x0  }
0x105: {  	[sflag:s4] =	ssyncadd.s32 $0xFFFFF800  }
0x106: {  	[tilespmem:s6], [sflag:$0x1] =	stream.indirect.gather [hbm4b:s3+s7], $0x10, s0, s7, $0xb8;
	[tilespmem:$0x3000] =	vst v63  }
0x107: {  	_ =	swait.ge [sflag:s8], $0x800  }
0x108: {  	[sflag:s8] =	ssyncset.done $0x0  }
0x109: {  	s0 =	rddreg [dreg:$0x13];
	[sflag:s8] =	ssyncadd.s32 $0xFFFFF800  }
0x10a: {  	[hbm4b:s0+s2] =	stream.linear.scatter [tilespmem:s5], [sflag:$0x3], $0x800, $0x38;
	[tilespmem:$0x3000] =	vst v63  }
0x10b: {  	_ =	swait.ge [sflag:s4], $0x800  }
0x10c: {  	s0 =	sld [smem:$0x7E4]  }
0x10d: {  	[sflag:s4] =	ssyncset.done $0x0  }
0x10e: {  	[sflag:s4] =	ssyncadd.s32 $0xFFFFF800  }
0x10f: {  	[tilespmem:s5], [sflag:$0x2] =	stream.indirect.gather [hbm4b:s3+s7], $0x10, s0, s7, $0xb8;
	[tilespmem:$0x3000] =	vst v63  }
0x110: {  	_ =	swait.ge [sflag:s9], $0x800  }
0x111: {  	[sflag:s9] =	ssyncset.done $0x0  }
0x112: {  	s0 =	rddreg [dreg:$0x14];
	[sflag:s9] =	ssyncadd.s32 $0xFFFFF800  }
0x113: {  	[hbm4b:s0+s2] =	stream.linear.scatter [tilespmem:s6], [sflag:$0x3], $0x800, $0x38;
	[tilespmem:$0x3000] =	vst v63  }
0x114: {  	_ =	swait.ge [sflag:s4], $0x800  }
0x115: {  	s0 =	sld [smem:$0x7E5]  }
0x116: {  	[sflag:s4] =	ssyncset.done $0x0  }
0x117: {  	[sflag:s4] =	ssyncadd.s32 $0xFFFFF800  }
0x118: {  	[tilespmem:s6], [sflag:$0x1] =	stream.indirect.gather [hbm4b:s3+s7], $0x10, s0, s7, $0xb8;
	[tilespmem:$0x3000] =	vst v63  }
0x119: {  	_ =	swait.ge [sflag:s8], $0x800  }
0x11a: {  	[sflag:s8] =	ssyncset.done $0x0  }
0x11b: {  	s0 =	rddreg [dreg:$0x15];
	[sflag:s8] =	ssyncadd.s32 $0xFFFFF800  }
0x11c: {  	[hbm4b:s0+s2] =	stream.linear.scatter [tilespmem:s5], [sflag:$0x3], $0x800, $0x38;
	[tilespmem:$0x3000] =	vst v63  }
0x11d: {  	_ =	swait.ge [sflag:s4], $0x800  }
0x11e: {  	s0 =	sld [smem:$0x7E6]  }
0x11f: {  	[sflag:s4] =	ssyncset.done $0x0  }
0x120: {  	[sflag:s4] =	ssyncadd.s32 $0xFFFFF800  }
0x121: {  	[tilespmem:s5], [sflag:$0x2] =	stream.indirect.gather [hbm4b:s3+s7], $0x10, s0, s7, $0xb8;
	[tilespmem:$0x3000] =	vst v63  }
0x122: {  	_ =	swait.ge [sflag:s9], $0x800  }
0x123: {  	[sflag:s9] =	ssyncset.done $0x0  }
0x124: {  	s0 =	rddreg [dreg:$0x16];
	[sflag:s9] =	ssyncadd.s32 $0xFFFFF800  }
0x125: {  	[hbm4b:s0+s2] =	stream.linear.scatter [tilespmem:s6], [sflag:$0x3], $0x800, $0x38;
	[tilespmem:$0x3000] =	vst v63  }
0x126: {  	_ =	swait.ge [sflag:s4], $0x800  }
0x127: {  	s0 =	sld [smem:$0x7E7]  }
0x128: {  	[sflag:s4] =	ssyncset.done $0x0  }
0x129: {  	[sflag:s4] =	ssyncadd.s32 $0xFFFFF800  }
0x12a: {  	[tilespmem:s6], [sflag:$0x1] =	stream.indirect.gather [hbm4b:s3+s7], $0x10, s0, s7, $0xb8;
	[tilespmem:$0x3000] =	vst v63  }
0x12b: {  	_ =	swait.ge [sflag:s8], $0x800  }
0x12c: {  	[sflag:s8] =	ssyncset.done $0x0  }
0x12d: {  	s0 =	rddreg [dreg:$0x17];
	[sflag:s8] =	ssyncadd.s32 $0xFFFFF800  }
0x12e: {  	[hbm4b:s0+s2] =	stream.linear.scatter [tilespmem:s5], [sflag:$0x3], $0x800, $0x38;
	[tilespmem:$0x3000] =	vst v63  }
0x12f: {  	_ =	swait.ge [sflag:s4], $0x800  }
0x130: {  	s0 =	sld [smem:$0x7E8]  }
0x131: {  	[sflag:s4] =	ssyncset.done $0x0  }
0x132: {  	[sflag:s4] =	ssyncadd.s32 $0xFFFFF800  }
0x133: {  	[tilespmem:s5], [sflag:$0x2] =	stream.indirect.gather [hbm4b:s3+s7], $0x10, s0, s7, $0xb8;
	[tilespmem:$0x3000] =	vst v63  }
0x134: {  	_ =	swait.ge [sflag:s9], $0x800  }
0x135: {  	[sflag:s9] =	ssyncset.done $0x0  }
0x136: {  	s0 =	rddreg [dreg:$0x18];
	[sflag:s9] =	ssyncadd.s32 $0xFFFFF800  }
0x137: {  	[hbm4b:s0+s2] =	stream.linear.scatter [tilespmem:s6], [sflag:$0x3], $0x800, $0x38;
	[tilespmem:$0x3000] =	vst v63  }
0x138: {  	_ =	swait.ge [sflag:s4], $0x800  }
0x139: {  	s0 =	sld [smem:$0x7E9]  }
0x13a: {  	[sflag:s4] =	ssyncset.done $0x0  }
0x13b: {  	[sflag:s4] =	ssyncadd.s32 $0xFFFFF800  }
0x13c: {  	[tilespmem:s6], [sflag:$0x1] =	stream.indirect.gather [hbm4b:s3+s7], $0x10, s0, s7, $0xb8;
	[tilespmem:$0x3000] =	vst v63  }
0x13d: {  	_ =	swait.ge [sflag:s8], $0x800  }
0x13e: {  	[sflag:s8] =	ssyncset.done $0x0  }
0x13f: {  	s0 =	rddreg [dreg:$0x19];
	[sflag:s8] =	ssyncadd.s32 $0xFFFFF800  }
0x140: {  	[hbm4b:s0+s2] =	stream.linear.scatter [tilespmem:s5], [sflag:$0x3], $0x800, $0x38;
	[tilespmem:$0x3000] =	vst v63  }
0x141: {  	_ =	swait.ge [sflag:s4], $0x800  }
0x142: {  	s0 =	sld [smem:$0x7EA]  }
0x143: {  	[sflag:s4] =	ssyncset.done $0x0  }
0x144: {  	[sflag:s4] =	ssyncadd.s32 $0xFFFFF800  }
0x145: {  	[tilespmem:s5], [sflag:$0x2] =	stream.indirect.gather [hbm4b:s3+s7], $0x10, s0, s7, $0xb8;
	[tilespmem:$0x3000] =	vst v63  }
0x146: {  	_ =	swait.ge [sflag:s9], $0x800  }
0x147: {  	[sflag:s9] =	ssyncset.done $0x0  }
0x148: {  	s0 =	rddreg [dreg:$0x1a];
	[sflag:s9] =	ssyncadd.s32 $0xFFFFF800  }
0x149: {  	[hbm4b:s0+s2] =	stream.linear.scatter [tilespmem:s6], [sflag:$0x3], $0x800, $0x38;
	[tilespmem:$0x3000] =	vst v63  }
0x14a: {  	_ =	swait.ge [sflag:s4], $0x800  }
0x14b: {  	s0 =	sld [smem:$0x7EB]  }
0x14c: {  	[sflag:s4] =	ssyncset.done $0x0  }
0x14d: {  	[sflag:s4] =	ssyncadd.s32 $0xFFFFF800  }
0x14e: {  	[tilespmem:s6], [sflag:$0x1] =	stream.indirect.gather [hbm4b:s3+s7], $0x10, s0, s7, $0xb8;
	[tilespmem:$0x3000] =	vst v63  }
0x14f: {  	_ =	swait.ge [sflag:s8], $0x800  }
0x150: {  	[sflag:s8] =	ssyncset.done $0x0  }
0x151: {  	s0 =	rddreg [dreg:$0x1b];
	[sflag:s8] =	ssyncadd.s32 $0xFFFFF800  }
0x152: {  	[hbm4b:s0+s2] =	stream.linear.scatter [tilespmem:s5], [sflag:$0x3], $0x800, $0x38;
	[tilespmem:$0x3000] =	vst v63  }
0x153: {  	_ =	swait.ge [sflag:s4], $0x800  }
0x154: {  	s0 =	sld [smem:$0x7EC]  }
0x155: {  	[sflag:s4] =	ssyncset.done $0x0  }
0x156: {  	[sflag:s4] =	ssyncadd.s32 $0xFFFFF800  }
0x157: {  	[tilespmem:s5], [sflag:$0x2] =	stream.indirect.gather [hbm4b:s3+s7], $0x10, s0, s7, $0xb8;
	[tilespmem:$0x3000] =	vst v63  }
0x158: {  	_ =	swait.ge [sflag:s9], $0x800  }
0x159: {  	[sflag:s9] =	ssyncset.done $0x0  }
0x15a: {  	s0 =	rddreg [dreg:$0x1c];
	[sflag:s9] =	ssyncadd.s32 $0xFFFFF800  }
0x15b: {  	[hbm4b:s0+s2] =	stream.linear.scatter [tilespmem:s6], [sflag:$0x3], $0x800, $0x38;
	[tilespmem:$0x3000] =	vst v63  }
0x15c: {  	_ =	swait.ge [sflag:s4], $0x800  }
0x15d: {  	s0 =	sld [smem:$0x7ED]  }
0x15e: {  	[sflag:s4] =	ssyncset.done $0x0  }
0x15f: {  	[sflag:s4] =	ssyncadd.s32 $0xFFFFF800  }
0x160: {  	[tilespmem:s6], [sflag:$0x1] =	stream.indirect.gather [hbm4b:s3+s7], $0x10, s0, s7, $0xb8;
	[tilespmem:$0x3000] =	vst v63  }
0x161: {  	_ =	swait.ge [sflag:s8], $0x800  }
0x162: {  	[sflag:s8] =	ssyncset.done $0x0  }
0x163: {  	s0 =	rddreg [dreg:$0x1d];
	[sflag:s8] =	ssyncadd.s32 $0xFFFFF800  }
0x164: {  	[hbm4b:s0+s2] =	stream.linear.scatter [tilespmem:s5], [sflag:$0x3], $0x800, $0x38;
	[tilespmem:$0x3000] =	vst v63  }
0x165: {  	_ =	swait.ge [sflag:s4], $0x800  }
0x166: {  	s0 =	sld [smem:$0x7EE]  }
0x167: {  	[sflag:s4] =	ssyncset.done $0x0  }
0x168: {  	[sflag:s4] =	ssyncadd.s32 $0xFFFFF800  }
0x169: {  	[tilespmem:s5], [sflag:$0x2] =	stream.indirect.gather [hbm4b:s3+s7], $0x10, s0, s7, $0xb8;
	[tilespmem:$0x3000] =	vst v63  }
0x16a: {  	_ =	swait.ge [sflag:s9], $0x800  }
0x16b: {  	[sflag:s9] =	ssyncset.done $0x0  }
0x16c: {  	s0 =	rddreg [dreg:$0x1e];
	[sflag:s9] =	ssyncadd.s32 $0xFFFFF800  }
0x16d: {  	[hbm4b:s0+s2] =	stream.linear.scatter [tilespmem:s6], [sflag:$0x3], $0x800, $0x38;
	[tilespmem:$0x3000] =	vst v63  }
0x16e: {  	_ =	swait.ge [sflag:s4], $0x800  }
0x16f: {  	s0 =	sld [smem:$0x7EF]  }
0x170: {  	[sflag:s4] =	ssyncset.done $0x0  }
0x171: {  	[sflag:s4] =	ssyncadd.s32 $0xFFFFF800  }
0x172: {  	[tilespmem:s6], [sflag:$0x1] =	stream.indirect.gather [hbm4b:s3+s7], $0x10, s0, s7, $0xb8;
	[tilespmem:$0x3000] =	vst v63  }
0x173: {  	_ =	swait.ge [sflag:s8], $0x800  }
0x174: {  	[sflag:s8] =	ssyncset.done $0x0  }
0x175: {  	s0 =	rddreg [dreg:$0x1f];
	[sflag:s8] =	ssyncadd.s32 $0xFFFFF800  }
0x176: {  	[hbm4b:s0+s2] =	stream.linear.scatter [tilespmem:s5], [sflag:$0x3], $0x800, $0x38;
	[tilespmem:$0x3000] =	vst v63  }
0x177: {  	_ =	swait.ge [sflag:s4], $0x800  }
0x178: {  	s0 =	sld [smem:$0x7F0]  }
0x179: {  	[sflag:s4] =	ssyncset.done $0x0  }
0x17a: {  	[sflag:s4] =	ssyncadd.s32 $0xFFFFF800  }
0x17b: {  	[tilespmem:s5], [sflag:$0x2] =	stream.indirect.gather [hbm4b:s3+s7], $0x10, s0, s7, $0xb8;
	[tilespmem:$0x3000] =	vst v63  }
0x17c: {  	_ =	swait.ge [sflag:s9], $0x800  }
0x17d: {  	s0 =	sld [smem:$0x7B1]  }
0x17e: {  	[sflag:s9] =	ssyncset.done $0x0  }
0x17f: {  	[sflag:s9] =	ssyncadd.s32 $0xFFFFF800  }
0x180: {  	[hbm4b:s0+s2] =	stream.linear.scatter [tilespmem:s6], [sflag:$0x3], $0x800, $0x38;
	[tilespmem:$0x3000] =	vst v63  }
0x181: {  	_ =	swait.ge [sflag:s4], $0x800  }
0x182: {  	s0 =	sld [smem:$0x7F1]  }
0x183: {  	[sflag:s4] =	ssyncset.done $0x0  }
0x184: {  	[sflag:s4] =	ssyncadd.s32 $0xFFFFF800  }
0x185: {  	[tilespmem:s6], [sflag:$0x1] =	stream.indirect.gather [hbm4b:s3+s7], $0x10, s0, s7, $0xb8;
	[tilespmem:$0x3000] =	vst v63  }
0x186: {  	_ =	swait.ge [sflag:s8], $0x800  }
0x187: {  	s0 =	sld [smem:$0x7B2]  }
0x188: {  	[sflag:s8] =	ssyncset.done $0x0  }
0x189: {  	[sflag:s8] =	ssyncadd.s32 $0xFFFFF800  }
0x18a: {  	[hbm4b:s0+s2] =	stream.linear.scatter [tilespmem:s5], [sflag:$0x3], $0x800, $0x38;
	[tilespmem:$0x3000] =	vst v63  }
0x18b: {  	_ =	swait.ge [sflag:s4], $0x800  }
0x18c: {  	s0 =	sld [smem:$0x7F2]  }
0x18d: {  	[sflag:s4] =	ssyncset.done $0x0  }
0x18e: {  	[sflag:s4] =	ssyncadd.s32 $0xFFFFF800  }
0x18f: {  	[tilespmem:s5], [sflag:$0x2] =	stream.indirect.gather [hbm4b:s3+s7], $0x10, s0, s7, $0xb8;
	[tilespmem:$0x3000] =	vst v63  }
0x190: {  	_ =	swait.ge [sflag:s9], $0x800  }
0x191: {  	s0 =	sld [smem:$0x7B3]  }
0x192: {  	[sflag:s9] =	ssyncset.done $0x0  }
0x193: {  	[sflag:s9] =	ssyncadd.s32 $0xFFFFF800  }
0x194: {  	[hbm4b:s0+s2] =	stream.linear.scatter [tilespmem:s6], [sflag:$0x3], $0x800, $0x38;
	[tilespmem:$0x3000] =	vst v63  }
0x195: {  	_ =	swait.ge [sflag:s4], $0x800  }
0x196: {  	s0 =	sld [smem:$0x7F3]  }
0x197: {  	[sflag:s4] =	ssyncset.done $0x0  }
0x198: {  	[sflag:s4] =	ssyncadd.s32 $0xFFFFF800  }
0x199: {  	[tilespmem:s6], [sflag:$0x1] =	stream.indirect.gather [hbm4b:s3+s7], $0x10, s0, s7, $0xb8;
	[tilespmem:$0x3000] =	vst v63  }
0x19a: {  	_ =	swait.ge [sflag:s8], $0x800  }
0x19b: {  	s0 =	sld [smem:$0x7B4]  }
0x19c: {  	[sflag:s8] =	ssyncset.done $0x0  }
0x19d: {  	[sflag:s8] =	ssyncadd.s32 $0xFFFFF800  }
0x19e: {  	[hbm4b:s0+s2] =	stream.linear.scatter [tilespmem:s5], [sflag:$0x3], $0x800, $0x38;
	[tilespmem:$0x3000] =	vst v63  }
0x19f: {  	_ =	swait.ge [sflag:s4], $0x800  }
0x1a0: {  	s0 =	sld [smem:$0x7F4]  }
0x1a1: {  	[sflag:s4] =	ssyncset.done $0x0  }
0x1a2: {  	[sflag:s4] =	ssyncadd.s32 $0xFFFFF800  }
0x1a3: {  	[tilespmem:s5], [sflag:$0x2] =	stream.indirect.gather [hbm4b:s3+s7], $0x10, s0, s7, $0xb8;
	[tilespmem:$0x3000] =	vst v63  }
0x1a4: {  	_ =	swait.ge [sflag:s9], $0x800  }
0x1a5: {  	s0 =	sld [smem:$0x7B5]  }
0x1a6: {  	[sflag:s9] =	ssyncset.done $0x0  }
0x1a7: {  	[sflag:s9] =	ssyncadd.s32 $0xFFFFF800  }
0x1a8: {  	[hbm4b:s0+s2] =	stream.linear.scatter [tilespmem:s6], [sflag:$0x3], $0x800, $0x38;
	[tilespmem:$0x3000] =	vst v63  }
0x1a9: {  	_ =	swait.ge [sflag:s4], $0x800  }
0x1aa: {  	s0 =	sld [smem:$0x7F5]  }
0x1ab: {  	[sflag:s4] =	ssyncset.done $0x0  }
0x1ac: {  	[sflag:s4] =	ssyncadd.s32 $0xFFFFF800  }
0x1ad: {  	[tilespmem:s6], [sflag:$0x1] =	stream.indirect.gather [hbm4b:s3+s7], $0x10, s0, s7, $0xb8;
	[tilespmem:$0x3000] =	vst v63  }
0x1ae: {  	_ =	swait.ge [sflag:s8], $0x800  }
0x1af: {  	s0 =	sld [smem:$0x7B6]  }
0x1b0: {  	[sflag:s8] =	ssyncset.done $0x0  }
0x1b1: {  	[sflag:s8] =	ssyncadd.s32 $0xFFFFF800  }
0x1b2: {  	[hbm4b:s0+s2] =	stream.linear.scatter [tilespmem:s5], [sflag:$0x3], $0x800, $0x38;
	[tilespmem:$0x3000] =	vst v63  }
0x1b3: {  	_ =	swait.ge [sflag:s4], $0x800  }
0x1b4: {  	s0 =	sld [smem:$0x7F6]  }
0x1b5: {  	[sflag:s4] =	ssyncset.done $0x0  }
0x1b6: {  	[sflag:s4] =	ssyncadd.s32 $0xFFFFF800  }
0x1b7: {  	[tilespmem:s5], [sflag:$0x2] =	stream.indirect.gather [hbm4b:s3+s7], $0x10, s0, s7, $0xb8;
	[tilespmem:$0x3000] =	vst v63  }
0x1b8: {  	_ =	swait.ge [sflag:s9], $0x800  }
0x1b9: {  	s0 =	sld [smem:$0x7B7]  }
0x1ba: {  	[sflag:s9] =	ssyncset.done $0x0  }
0x1bb: {  	[sflag:s9] =	ssyncadd.s32 $0xFFFFF800  }
0x1bc: {  	[hbm4b:s0+s2] =	stream.linear.scatter [tilespmem:s6], [sflag:$0x3], $0x800, $0x38;
	[tilespmem:$0x3000] =	vst v63  }
0x1bd: {  	_ =	swait.ge [sflag:s4], $0x800  }
0x1be: {  	s0 =	sld [smem:$0x7F7]  }
0x1bf: {  	[sflag:s4] =	ssyncset.done $0x0  }
0x1c0: {  	[sflag:s4] =	ssyncadd.s32 $0xFFFFF800  }
0x1c1: {  	[tilespmem:s6], [sflag:$0x1] =	stream.indirect.gather [hbm4b:s3+s7], $0x10, s0, s7, $0xb8;
	[tilespmem:$0x3000] =	vst v63  }
0x1c2: {  	_ =	swait.ge [sflag:s8], $0x800  }
0x1c3: {  	s0 =	sld [smem:$0x7B8]  }
0x1c4: {  	[sflag:s8] =	ssyncset.done $0x0  }
0x1c5: {  	[sflag:s8] =	ssyncadd.s32 $0xFFFFF800  }
0x1c6: {  	[hbm4b:s0+s2] =	stream.linear.scatter [tilespmem:s5], [sflag:$0x3], $0x800, $0x38;
	[tilespmem:$0x3000] =	vst v63  }
0x1c7: {  	_ =	swait.ge [sflag:s4], $0x800  }
0x1c8: {  	s0 =	sld [smem:$0x7F8]  }
0x1c9: {  	[sflag:s4] =	ssyncset.done $0x0  }
0x1ca: {  	[sflag:s4] =	ssyncadd.s32 $0xFFFFF800  }
0x1cb: {  	[tilespmem:s5], [sflag:$0x2] =	stream.indirect.gather [hbm4b:s3+s7], $0x10, s0, s7, $0xb8;
	[tilespmem:$0x3000] =	vst v63  }
0x1cc: {  	_ =	swait.ge [sflag:s9], $0x800  }
0x1cd: {  	s0 =	sld [smem:$0x7B9]  }
0x1ce: {  	[sflag:s9] =	ssyncset.done $0x0  }
0x1cf: {  	[sflag:s9] =	ssyncadd.s32 $0xFFFFF800  }
0x1d0: {  	[hbm4b:s0+s2] =	stream.linear.scatter [tilespmem:s6], [sflag:$0x3], $0x800, $0x38;
	[tilespmem:$0x3000] =	vst v63  }
0x1d1: {  	_ =	swait.ge [sflag:s4], $0x800  }
0x1d2: {  	s0 =	sld [smem:$0x7F9]  }
0x1d3: {  	[sflag:s4] =	ssyncset.done $0x0  }
0x1d4: {  	[sflag:s4] =	ssyncadd.s32 $0xFFFFF800  }
0x1d5: {  	[tilespmem:s6], [sflag:$0x1] =	stream.indirect.gather [hbm4b:s3+s7], $0x10, s0, s7, $0xb8;
	[tilespmem:$0x3000] =	vst v63  }
0x1d6: {  	_ =	swait.ge [sflag:s8], $0x800  }
0x1d7: {  	s0 =	sld [smem:$0x7BA]  }
0x1d8: {  	[sflag:s8] =	ssyncset.done $0x0  }
0x1d9: {  	[sflag:s8] =	ssyncadd.s32 $0xFFFFF800  }
0x1da: {  	[hbm4b:s0+s2] =	stream.linear.scatter [tilespmem:s5], [sflag:$0x3], $0x800, $0x38;
	[tilespmem:$0x3000] =	vst v63  }
0x1db: {  	_ =	swait.ge [sflag:s4], $0x800  }
0x1dc: {  	s0 =	sld [smem:$0x7FA]  }
0x1dd: {  	[sflag:s4] =	ssyncset.done $0x0  }
0x1de: {  	[sflag:s4] =	ssyncadd.s32 $0xFFFFF800  }
0x1df: {  	[tilespmem:s5], [sflag:$0x2] =	stream.indirect.gather [hbm4b:s3+s7], $0x10, s0, s7, $0xb8;
	[tilespmem:$0x3000] =	vst v63  }
0x1e0: {  	_ =	swait.ge [sflag:s9], $0x800  }
0x1e1: {  	s0 =	sld [smem:$0x7BB]  }
0x1e2: {  	[sflag:s9] =	ssyncset.done $0x0  }
0x1e3: {  	[sflag:s9] =	ssyncadd.s32 $0xFFFFF800  }
0x1e4: {  	[hbm4b:s0+s2] =	stream.linear.scatter [tilespmem:s6], [sflag:$0x3], $0x800, $0x38;
	[tilespmem:$0x3000] =	vst v63  }
0x1e5: {  	_ =	swait.ge [sflag:s4], $0x800  }
0x1e6: {  	s0 =	sld [smem:$0x7FB]  }
0x1e7: {  	[sflag:s4] =	ssyncset.done $0x0  }
0x1e8: {  	[sflag:s4] =	ssyncadd.s32 $0xFFFFF800  }
0x1e9: {  	[tilespmem:s6], [sflag:$0x1] =	stream.indirect.gather [hbm4b:s3+s7], $0x10, s0, s7, $0xb8;
	[tilespmem:$0x3000] =	vst v63  }
0x1ea: {  	_ =	swait.ge [sflag:s8], $0x800  }
0x1eb: {  	s0 =	sld [smem:$0x7BC]  }
0x1ec: {  	[sflag:s8] =	ssyncset.done $0x0  }
0x1ed: {  	[sflag:s8] =	ssyncadd.s32 $0xFFFFF800  }
0x1ee: {  	[hbm4b:s0+s2] =	stream.linear.scatter [tilespmem:s5], [sflag:$0x3], $0x800, $0x38;
	[tilespmem:$0x3000] =	vst v63  }
0x1ef: {  	_ =	swait.ge [sflag:s4], $0x800  }
0x1f0: {  	s0 =	sld [smem:$0x7FC]  }
0x1f1: {  	[sflag:s4] =	ssyncset.done $0x0  }
0x1f2: {  	[sflag:s4] =	ssyncadd.s32 $0xFFFFF800  }
0x1f3: {  	[tilespmem:s5], [sflag:$0x2] =	stream.indirect.gather [hbm4b:s3+s7], $0x10, s0, s7, $0xb8;
	[tilespmem:$0x3000] =	vst v63  }
0x1f4: {  	_ =	swait.ge [sflag:s9], $0x800  }
0x1f5: {  	s0 =	sld [smem:$0x7BD]  }
0x1f6: {  	[sflag:s9] =	ssyncset.done $0x0  }
0x1f7: {  	[sflag:s9] =	ssyncadd.s32 $0xFFFFF800  }
0x1f8: {  	[hbm4b:s0+s2] =	stream.linear.scatter [tilespmem:s6], [sflag:$0x3], $0x800, $0x38;
	[tilespmem:$0x3000] =	vst v63  }
0x1f9: {  	_ =	swait.ge [sflag:s4], $0x800  }
0x1fa: {  	s0 =	sld [smem:$0x7FD]  }
0x1fb: {  	[sflag:s4] =	ssyncset.done $0x0  }
0x1fc: {  	[sflag:s4] =	ssyncadd.s32 $0xFFFFF800  }
0x1fd: {  	[tilespmem:s6], [sflag:$0x1] =	stream.indirect.gather [hbm4b:s3+s7], $0x10, s0, s7, $0xb8;
	[tilespmem:$0x3000] =	vst v63  }
0x1fe: {  	_ =	swait.ge [sflag:s8], $0x800  }
0x1ff: {  	s0 =	sld [smem:$0x7BE]  }
0x200: {  	[sflag:s8] =	ssyncset.done $0x0  }
0x201: {  	[sflag:s8] =	ssyncadd.s32 $0xFFFFF800  }
0x202: {  	[hbm4b:s0+s2] =	stream.linear.scatter [tilespmem:s5], [sflag:$0x3], $0x800, $0x38;
	[tilespmem:$0x3000] =	vst v63  }
0x203: {  	_ =	swait.ge [sflag:s4], $0x800  }
0x204: {  	[sflag:s4] =	ssyncset.done $0x0  }
0x205: {  	[sflag:s4] =	ssyncadd.s32 $0xFFFFF800  }
0x206: {  	[tilespmem:s5], [sflag:$0x2] =	stream.indirect.gather [hbm4b:s3+s7], $0x10, s31, s7, $0xb8;
	[tilespmem:$0x3000] =	vst v63  }
0x207: {  	_ =	swait.ge [sflag:s9], $0x800  }
0x208: {  	s0 =	sld [smem:$0x7BF]  }
0x209: {  	[sflag:s9] =	ssyncset.done $0x0  }
0x20a: {  	[sflag:s9] =	ssyncadd.s32 $0xFFFFF800  }
0x20b: {  	[hbm4b:s0+s2] =	stream.linear.scatter [tilespmem:s6], [sflag:$0x3], $0x800, $0x38;
	[tilespmem:$0x3000] =	vst v63  }
0x20c: {  	_ =	swait.ge [sflag:s4], $0x800  }
0x20d: {  	[sflag:s4] =	ssyncset.done $0x0  }
0x20e: {  	[sflag:s4] =	ssyncadd.s32 $0xFFFFF800  }
0x20f: {  	[tilespmem:s6], [sflag:$0x1] =	stream.indirect.gather [hbm4b:s3+s7], $0x10, s30, s7, $0xb8;
	[tilespmem:$0x3000] =	vst v63  }
0x210: {  	_ =	swait.ge [sflag:s8], $0x800  }
0x211: {  	s0 =	sld [smem:$0x7C0]  }
0x212: {  	[sflag:s8] =	ssyncset.done $0x0  }
0x213: {  	[sflag:s8] =	ssyncadd.s32 $0xFFFFF800  }
0x214: {  	[hbm4b:s0+s2] =	stream.linear.scatter [tilespmem:s5], [sflag:$0x3], $0x800, $0x38;
	[tilespmem:$0x3000] =	vst v63  }
0x215: {  	_ =	swait.ge [sflag:s4], $0x800  }
0x216: {  	[sflag:s4] =	ssyncset.done $0x0  }
0x217: {  	[sflag:s4] =	ssyncadd.s32 $0xFFFFF800  }
0x218: {  	[tilespmem:s5], [sflag:$0x2] =	stream.indirect.gather [hbm4b:s3+s7], $0x10, s29, s7, $0xb8;
	[tilespmem:$0x3000] =	vst v63  }
0x219: {  	_ =	swait.ge [sflag:s9], $0x800  }
0x21a: {  	s0 =	sld [smem:$0x7C1]  }
0x21b: {  	[sflag:s9] =	ssyncset.done $0x0  }
0x21c: {  	[sflag:s9] =	ssyncadd.s32 $0xFFFFF800  }
0x21d: {  	[hbm4b:s0+s2] =	stream.linear.scatter [tilespmem:s6], [sflag:$0x3], $0x800, $0x38;
	[tilespmem:$0x3000] =	vst v63  }
0x21e: {  	_ =	swait.ge [sflag:s4], $0x800  }
0x21f: {  	[sflag:s4] =	ssyncset.done $0x0  }
0x220: {  	[sflag:s4] =	ssyncadd.s32 $0xFFFFF800  }
0x221: {  	[tilespmem:s6], [sflag:$0x1] =	stream.indirect.gather [hbm4b:s3+s7], $0x10, s28, s7, $0xb8;
	[tilespmem:$0x3000] =	vst v63  }
0x222: {  	_ =	swait.ge [sflag:s8], $0x800  }
0x223: {  	s0 =	sld [smem:$0x7C2]  }
0x224: {  	[sflag:s8] =	ssyncset.done $0x0  }
0x225: {  	[sflag:s8] =	ssyncadd.s32 $0xFFFFF800  }
0x226: {  	[hbm4b:s0+s2] =	stream.linear.scatter [tilespmem:s5], [sflag:$0x3], $0x800, $0x38;
	[tilespmem:$0x3000] =	vst v63  }
0x227: {  	_ =	swait.ge [sflag:s4], $0x800  }
0x228: {  	[sflag:s4] =	ssyncset.done $0x0  }
0x229: {  	[sflag:s4] =	ssyncadd.s32 $0xFFFFF800  }
0x22a: {  	[tilespmem:s5], [sflag:$0x2] =	stream.indirect.gather [hbm4b:s3+s7], $0x10, s26, s7, $0xb8;
	[tilespmem:$0x3000] =	vst v63  }
0x22b: {  	_ =	swait.ge [sflag:s9], $0x800  }
0x22c: {  	s0 =	sld [smem:$0x7C3]  }
0x22d: {  	[sflag:s9] =	ssyncset.done $0x0  }
0x22e: {  	[sflag:s9] =	ssyncadd.s32 $0xFFFFF800  }
0x22f: {  	[hbm4b:s0+s2] =	stream.linear.scatter [tilespmem:s6], [sflag:$0x3], $0x800, $0x38;
	[tilespmem:$0x3000] =	vst v63  }
0x230: {  	_ =	swait.ge [sflag:s4], $0x800  }
0x231: {  	[sflag:s4] =	ssyncset.done $0x0  }
0x232: {  	[sflag:s4] =	ssyncadd.s32 $0xFFFFF800  }
0x233: {  	[tilespmem:s6], [sflag:$0x1] =	stream.indirect.gather [hbm4b:s3+s7], $0x10, s25, s7, $0xb8;
	[tilespmem:$0x3000] =	vst v63  }
0x234: {  	_ =	swait.ge [sflag:s8], $0x800  }
0x235: {  	s0 =	sld [smem:$0x7C4]  }
0x236: {  	[sflag:s8] =	ssyncset.done $0x0  }
0x237: {  	[sflag:s8] =	ssyncadd.s32 $0xFFFFF800  }
0x238: {  	[hbm4b:s0+s2] =	stream.linear.scatter [tilespmem:s5], [sflag:$0x3], $0x800, $0x38;
	[tilespmem:$0x3000] =	vst v63  }
0x239: {  	_ =	swait.ge [sflag:s4], $0x800  }
0x23a: {  	[sflag:s4] =	ssyncset.done $0x0  }
0x23b: {  	[sflag:s4] =	ssyncadd.s32 $0xFFFFF800  }
0x23c: {  	[tilespmem:s5], [sflag:$0x2] =	stream.indirect.gather [hbm4b:s3+s7], $0x10, s24, s7, $0xb8;
	[tilespmem:$0x3000] =	vst v63  }
0x23d: {  	_ =	swait.ge [sflag:s9], $0x800  }
0x23e: {  	s0 =	sld [smem:$0x7C5]  }
0x23f: {  	[sflag:s9] =	ssyncset.done $0x0  }
0x240: {  	[sflag:s9] =	ssyncadd.s32 $0xFFFFF800  }
0x241: {  	[hbm4b:s0+s2] =	stream.linear.scatter [tilespmem:s6], [sflag:$0x3], $0x800, $0x38;
	[tilespmem:$0x3000] =	vst v63  }
0x242: {  	_ =	swait.ge [sflag:s4], $0x800  }
0x243: {  	[sflag:s4] =	ssyncset.done $0x0  }
0x244: {  	[sflag:s4] =	ssyncadd.s32 $0xFFFFF800  }
0x245: {  	[tilespmem:s6], [sflag:$0x1] =	stream.indirect.gather [hbm4b:s3+s7], $0x10, s23, s7, $0xb8;
	[tilespmem:$0x3000] =	vst v63  }
0x246: {  	_ =	swait.ge [sflag:s8], $0x800  }
0x247: {  	s0 =	sld [smem:$0x7C6]  }
0x248: {  	[sflag:s8] =	ssyncset.done $0x0  }
0x249: {  	[sflag:s8] =	ssyncadd.s32 $0xFFFFF800  }
0x24a: {  	[hbm4b:s0+s2] =	stream.linear.scatter [tilespmem:s5], [sflag:$0x3], $0x800, $0x38;
	[tilespmem:$0x3000] =	vst v63  }
0x24b: {  	_ =	swait.ge [sflag:s4], $0x800  }
0x24c: {  	[sflag:s4] =	ssyncset.done $0x0  }
0x24d: {  	[sflag:s4] =	ssyncadd.s32 $0xFFFFF800  }
0x24e: {  	[tilespmem:s5], [sflag:$0x2] =	stream.indirect.gather [hbm4b:s3+s7], $0x10, s22, s7, $0xb8;
	[tilespmem:$0x3000] =	vst v63  }
0x24f: {  	_ =	swait.ge [sflag:s9], $0x800  }
0x250: {  	s0 =	sld [smem:$0x7C7]  }
0x251: {  	[sflag:s9] =	ssyncset.done $0x0  }
0x252: {  	[sflag:s9] =	ssyncadd.s32 $0xFFFFF800  }
0x253: {  	[hbm4b:s0+s2] =	stream.linear.scatter [tilespmem:s6], [sflag:$0x3], $0x800, $0x38;
	[tilespmem:$0x3000] =	vst v63  }
0x254: {  	_ =	swait.ge [sflag:s4], $0x800  }
0x255: {  	[sflag:s4] =	ssyncset.done $0x0  }
0x256: {  	[sflag:s4] =	ssyncadd.s32 $0xFFFFF800  }
0x257: {  	[tilespmem:s6], [sflag:$0x1] =	stream.indirect.gather [hbm4b:s3+s7], $0x10, s21, s7, $0xb8;
	[tilespmem:$0x3000] =	vst v63  }
0x258: {  	_ =	swait.ge [sflag:s8], $0x800  }
0x259: {  	s0 =	sld [smem:$0x7C8]  }
0x25a: {  	[sflag:s8] =	ssyncset.done $0x0  }
0x25b: {  	[sflag:s8] =	ssyncadd.s32 $0xFFFFF800  }
0x25c: {  	[hbm4b:s0+s2] =	stream.linear.scatter [tilespmem:s5], [sflag:$0x3], $0x800, $0x38;
	[tilespmem:$0x3000] =	vst v63  }
0x25d: {  	_ =	swait.ge [sflag:s4], $0x800  }
0x25e: {  	[sflag:s4] =	ssyncset.done $0x0  }
0x25f: {  	[sflag:s4] =	ssyncadd.s32 $0xFFFFF800  }
0x260: {  	[tilespmem:s5], [sflag:$0x2] =	stream.indirect.gather [hbm4b:s3+s7], $0x10, s20, s7, $0xb8;
	[tilespmem:$0x3000] =	vst v63  }
0x261: {  	_ =	swait.ge [sflag:s9], $0x800  }
0x262: {  	s0 =	sld [smem:$0x7C9]  }
0x263: {  	[sflag:s9] =	ssyncset.done $0x0  }
0x264: {  	[sflag:s9] =	ssyncadd.s32 $0xFFFFF800  }
0x265: {  	[hbm4b:s0+s2] =	stream.linear.scatter [tilespmem:s6], [sflag:$0x3], $0x800, $0x38;
	[tilespmem:$0x3000] =	vst v63  }
0x266: {  	_ =	swait.ge [sflag:s4], $0x800  }
0x267: {  	[sflag:s4] =	ssyncset.done $0x0  }
0x268: {  	[sflag:s4] =	ssyncadd.s32 $0xFFFFF800  }
0x269: {  	[tilespmem:s6], [sflag:$0x1] =	stream.indirect.gather [hbm4b:s3+s7], $0x10, s19, s7, $0xb8;
	[tilespmem:$0x3000] =	vst v63  }
0x26a: {  	_ =	swait.ge [sflag:s8], $0x800  }
0x26b: {  	s0 =	sld [smem:$0x7CA]  }
0x26c: {  	[sflag:s8] =	ssyncset.done $0x0  }
0x26d: {  	[sflag:s8] =	ssyncadd.s32 $0xFFFFF800  }
0x26e: {  	[hbm4b:s0+s2] =	stream.linear.scatter [tilespmem:s5], [sflag:$0x3], $0x800, $0x38;
	[tilespmem:$0x3000] =	vst v63  }
0x26f: {  	_ =	swait.ge [sflag:s4], $0x800  }
0x270: {  	[sflag:s4] =	ssyncset.done $0x0  }
0x271: {  	[sflag:s4] =	ssyncadd.s32 $0xFFFFF800  }
0x272: {  	[tilespmem:s5], [sflag:$0x2] =	stream.indirect.gather [hbm4b:s3+s7], $0x10, s18, s7, $0xb8;
	[tilespmem:$0x3000] =	vst v63  }
0x273: {  	_ =	swait.ge [sflag:s9], $0x800  }
0x274: {  	s0 =	sld [smem:$0x7CB]  }
0x275: {  	[sflag:s9] =	ssyncset.done $0x0  }
0x276: {  	[sflag:s9] =	ssyncadd.s32 $0xFFFFF800  }
0x277: {  	[hbm4b:s0+s2] =	stream.linear.scatter [tilespmem:s6], [sflag:$0x3], $0x800, $0x38;
	[tilespmem:$0x3000] =	vst v63  }
0x278: {  	_ =	swait.ge [sflag:s4], $0x800  }
0x279: {  	[sflag:s4] =	ssyncset.done $0x0  }
0x27a: {  	[sflag:s4] =	ssyncadd.s32 $0xFFFFF800  }
0x27b: {  	[tilespmem:s6], [sflag:$0x1] =	stream.indirect.gather [hbm4b:s3+s7], $0x10, s17, s7, $0xb8;
	[tilespmem:$0x3000] =	vst v63  }
0x27c: {  	_ =	swait.ge [sflag:s8], $0x800  }
0x27d: {  	s0 =	sld [smem:$0x7CC]  }
0x27e: {  	[sflag:s8] =	ssyncset.done $0x0  }
0x27f: {  	[sflag:s8] =	ssyncadd.s32 $0xFFFFF800  }
0x280: {  	[hbm4b:s0+s2] =	stream.linear.scatter [tilespmem:s5], [sflag:$0x3], $0x800, $0x38;
	[tilespmem:$0x3000] =	vst v63  }
0x281: {  	_ =	swait.ge [sflag:s4], $0x800  }
0x282: {  	[sflag:s4] =	ssyncset.done $0x0  }
0x283: {  	[sflag:s4] =	ssyncadd.s32 $0xFFFFF800  }
0x284: {  	[tilespmem:s5], [sflag:$0x2] =	stream.indirect.gather [hbm4b:s3+s7], $0x10, s16, s7, $0xb8;
	[tilespmem:$0x3000] =	vst v63  }
0x285: {  	_ =	swait.ge [sflag:s9], $0x800  }
0x286: {  	s0 =	sld [smem:$0x7CD]  }
0x287: {  	[sflag:s9] =	ssyncset.done $0x0  }
0x288: {  	[sflag:s9] =	ssyncadd.s32 $0xFFFFF800  }
0x289: {  	[hbm4b:s0+s2] =	stream.linear.scatter [tilespmem:s6], [sflag:$0x3], $0x800, $0x38;
	[tilespmem:$0x3000] =	vst v63  }
0x28a: {  	_ =	swait.ge [sflag:s4], $0x800  }
0x28b: {  	[sflag:s4] =	ssyncset.done $0x0  }
0x28c: {  	[sflag:s4] =	ssyncadd.s32 $0xFFFFF800  }
0x28d: {  	[tilespmem:s6], [sflag:$0x1] =	stream.indirect.gather [hbm4b:s3+s7], $0x10, s15, s7, $0xb8;
	[tilespmem:$0x3000] =	vst v63  }
0x28e: {  	_ =	swait.ge [sflag:s8], $0x800  }
0x28f: {  	s0 =	sld [smem:$0x7CE]  }
0x290: {  	[sflag:s8] =	ssyncset.done $0x0  }
0x291: {  	[sflag:s8] =	ssyncadd.s32 $0xFFFFF800  }
0x292: {  	[hbm4b:s0+s2] =	stream.linear.scatter [tilespmem:s5], [sflag:$0x3], $0x800, $0x38;
	[tilespmem:$0x3000] =	vst v63  }
0x293: {  	_ =	swait.ge [sflag:s4], $0x800  }
0x294: {  	[sflag:s4] =	ssyncset.done $0x0  }
0x295: {  	[sflag:s4] =	ssyncadd.s32 $0xFFFFF800  }
0x296: {  	[tilespmem:s5], [sflag:$0x2] =	stream.indirect.gather [hbm4b:s3+s7], $0x10, s14, s7, $0xb8;
	[tilespmem:$0x3000] =	vst v63  }
0x297: {  	_ =	swait.ge [sflag:s9], $0x800  }
0x298: {  	s0 =	sld [smem:$0x7CF]  }
0x299: {  	[sflag:s9] =	ssyncset.done $0x0  }
0x29a: {  	[sflag:s9] =	ssyncadd.s32 $0xFFFFF800  }
0x29b: {  	[hbm4b:s0+s2] =	stream.linear.scatter [tilespmem:s6], [sflag:$0x3], $0x800, $0x38;
	[tilespmem:$0x3000] =	vst v63  }
0x29c: {  	_ =	swait.ge [sflag:s4], $0x800  }
0x29d: {  	[sflag:s4] =	ssyncset.done $0x0  }
0x29e: {  	[sflag:s4] =	ssyncadd.s32 $0xFFFFF800  }
0x29f: {  	[tilespmem:s6], [sflag:$0x1] =	stream.indirect.gather [hbm4b:s3+s7], $0x10, s13, s7, $0xb8;
	[tilespmem:$0x3000] =	vst v63  }
0x2a0: {  	_ =	swait.ge [sflag:s8], $0x800  }
0x2a1: {  	s0 =	sld [smem:$0x7D0]  }
0x2a2: {  	[sflag:s8] =	ssyncset.done $0x0  }
0x2a3: {  	[sflag:s8] =	ssyncadd.s32 $0xFFFFF800  }
0x2a4: {  	[hbm4b:s0+s2] =	stream.linear.scatter [tilespmem:s5], [sflag:$0x3], $0x800, $0x38;
	[tilespmem:$0x3000] =	vst v63  }
0x2a5: {  	_ =	swait.ge [sflag:s4], $0x800  }
0x2a6: {  	[sflag:s4] =	ssyncset.done $0x0  }
0x2a7: {  	[sflag:s4] =	ssyncadd.s32 $0xFFFFF800  }
0x2a8: {  	[tilespmem:s5], [sflag:$0x2] =	stream.indirect.gather [hbm4b:s3+s7], $0x10, s12, s7, $0xb8;
	[tilespmem:$0x3000] =	vst v63  }
0x2a9: {  	_ =	swait.ge [sflag:s9], $0x800  }
0x2aa: {  	s0 =	sld [smem:$0x7D1]  }
0x2ab: {  	[sflag:s9] =	ssyncset.done $0x0  }
0x2ac: {  	[sflag:s9] =	ssyncadd.s32 $0xFFFFF800  }
0x2ad: {  	[hbm4b:s0+s2] =	stream.linear.scatter [tilespmem:s6], [sflag:$0x3], $0x800, $0x38;
	[tilespmem:$0x3000] =	vst v63  }
0x2ae: {  	_ =	swait.ge [sflag:s4], $0x800  }
0x2af: {  	[sflag:s4] =	ssyncset.done $0x0  }
0x2b0: {  	[sflag:s4] =	ssyncadd.s32 $0xFFFFF800  }
0x2b1: {  	[tilespmem:s6], [sflag:$0x1] =	stream.indirect.gather [hbm4b:s3+s7], $0x10, s11, s7, $0xb8;
	[tilespmem:$0x3000] =	vst v63  }
0x2b2: {  	_ =	swait.ge [sflag:s8], $0x800  }
0x2b3: {  	s0 =	sld [smem:$0x7D2]  }
0x2b4: {  	[sflag:s8] =	ssyncset.done $0x0  }
0x2b5: {  	[sflag:s8] =	ssyncadd.s32 $0xFFFFF800  }
0x2b6: {  	[hbm4b:s0+s2] =	stream.linear.scatter [tilespmem:s5], [sflag:$0x3], $0x800, $0x38;
	[tilespmem:$0x3000] =	vst v63  }
0x2b7: {  	_ =	swait.ge [sflag:s4], $0x800  }
0x2b8: {  	[sflag:s4] =	ssyncset.done $0x0  }
0x2b9: {  	[sflag:s4] =	ssyncadd.s32 $0xFFFFF800  }
0x2ba: {  	[tilespmem:s5], [sflag:$0x2] =	stream.indirect.gather [hbm4b:s3+s7], $0x10, s10, s7, $0xb8;
	[tilespmem:$0x3000] =	vst v63  }
0x2bb: {  	_ =	swait.ge [sflag:s9], $0x800  }
0x2bc: {  	s0 =	sld [smem:$0x7D3]  }
0x2bd: {  	[sflag:s9] =	ssyncset.done $0x0  }
0x2be: {  	[sflag:s9] =	ssyncadd.s32 $0xFFFFF800  }
0x2bf: {  	[hbm4b:s0+s2] =	stream.linear.scatter [tilespmem:s6], [sflag:$0x3], $0x800, $0x38;
	[tilespmem:$0x3000] =	vst v63  }
0x2c0: {  	_ =	swait.ge [sflag:s4], $0x800  }
0x2c1: {  	[sflag:s4] =	ssyncset.done $0x0  }
0x2c2: {  	[sflag:s4] =	ssyncadd.s32 $0xFFFFF800  }
0x2c3: {  	_ =	swait.ge [sflag:s8], $0x800  }
0x2c4: {  	p1 =	sne.s32 s1, $0x1;
	s0 =	sld [smem:$0x7D4]  }
.Ltmp1:
0x2c5: {  	[sflag:s8] =	ssyncset.done $0x0;
	(pc) =	sbr.rel @!p1 .LBB2_3-.Ltmp1, $4  }
0x2c6: {  	[sflag:s8] =	ssyncadd.s32 $0xFFFFF800  }
0x2c7: {  	[hbm4b:s0+s2] =	stream.linear.scatter [tilespmem:s5], [sflag:$0x3], $0x800, $0x38;
	[tilespmem:$0x3000] =	vst v63  }
0x2c8: {  	s1 =	sadd.s32 $0xFFFFFFFF, s1;
	_ =	swait.ge [sflag:s4], $0x800  }
0x2c9: {  	p0 =	por $0x1, $0x1;
	s0 =	rddreg [dreg:$0x3];
	[sflag:s4] =	ssyncset.done $0x0  }
.LBB2_2:
0x2ca: {  	[sflag:s4] =	ssyncadd.s32 $0xFFFFF800  }
0x2cb: {  	[tilespmem:s2], [sflag:$0x3] =	stream.linear.gather [hbm4b:s0+s2], $0x2000, $0x38;
	[tilespmem:$0x3000] =	vst v63  }
0x2cc: {  	_ =	swait.ge [sflag:s4], $0x2000  }
0x2cd: {  	[sflag:s4] =	ssyncset.done $0x0  }
0x2ce: {  	[sflag:s4] =	ssyncadd.s32 $0xFFFFE000  }
0x2cf: {  	[tilespmem:s6], [sflag:$0x1] =	stream.indirect.gather [hbm4b:s3+s7], $0x10, s2, s7, $0xb8;
	[tilespmem:$0x3000] =	vst v63  }
0x2d0: {  	_ = 	snop  }
0x2d1: {  	[tilespmem:s5], [sflag:$0x2] =	stream.indirect.gather [hbm4b:s3+s7], $0x10, s7, s7, $0xb8;
	[tilespmem:$0x3000] =	vst v63  }
0x2d2: {  	_ =	swait.ge [sflag:s9], $0x800  }
0x2d3: {  	[sflag:s9] =	ssyncset.done $0x0  }
0x2d4: {  	s0 =	rddreg [dreg:$0x4];
	[sflag:s9] =	ssyncadd.s32 $0xFFFFF800  }
0x2d5: {  	[hbm4b:s0+s2] =	stream.linear.scatter [tilespmem:s6], [sflag:$0x3], $0x800, $0x38;
	[tilespmem:$0x3000] =	vst v63  }
0x2d6: {  	_ =	swait.ge [sflag:s4], $0x800  }
0x2d7: {  	s0 =	sld [smem:$0x7D5]  }
0x2d8: {  	[sflag:s4] =	ssyncset.done $0x0  }
0x2d9: {  	[sflag:s4] =	ssyncadd.s32 $0xFFFFF800  }
0x2da: {  	[tilespmem:s6], [sflag:$0x1] =	stream.indirect.gather [hbm4b:s3+s7], $0x10, s0, s7, $0xb8;
	[tilespmem:$0x3000] =	vst v63  }
0x2db: {  	_ =	swait.ge [sflag:s8], $0x800  }
0x2dc: {  	[sflag:s8] =	ssyncset.done $0x0  }
0x2dd: {  	s0 =	rddreg [dreg:$0x5];
	[sflag:s8] =	ssyncadd.s32 $0xFFFFF800  }
0x2de: {  	[hbm4b:s0+s2] =	stream.linear.scatter [tilespmem:s5], [sflag:$0x3], $0x800, $0x38;
	[tilespmem:$0x3000] =	vst v63  }
0x2df: {  	_ =	swait.ge [sflag:s4], $0x800  }
0x2e0: {  	s0 =	sld [smem:$0x7D6]  }
0x2e1: {  	[sflag:s4] =	ssyncset.done $0x0  }
0x2e2: {  	[sflag:s4] =	ssyncadd.s32 $0xFFFFF800  }
0x2e3: {  	[tilespmem:s5], [sflag:$0x2] =	stream.indirect.gather [hbm4b:s3+s7], $0x10, s0, s7, $0xb8;
	[tilespmem:$0x3000] =	vst v63  }
0x2e4: {  	_ =	swait.ge [sflag:s9], $0x800  }
0x2e5: {  	[sflag:s9] =	ssyncset.done $0x0  }
0x2e6: {  	s0 =	rddreg [dreg:$0x6];
	[sflag:s9] =	ssyncadd.s32 $0xFFFFF800  }
0x2e7: {  	[hbm4b:s0+s2] =	stream.linear.scatter [tilespmem:s6], [sflag:$0x3], $0x800, $0x38;
	[tilespmem:$0x3000] =	vst v63  }
0x2e8: {  	_ =	swait.ge [sflag:s4], $0x800  }
0x2e9: {  	s0 =	sld [smem:$0x7D7]  }
0x2ea: {  	[sflag:s4] =	ssyncset.done $0x0  }
0x2eb: {  	[sflag:s4] =	ssyncadd.s32 $0xFFFFF800  }
0x2ec: {  	[tilespmem:s6], [sflag:$0x1] =	stream.indirect.gather [hbm4b:s3+s7], $0x10, s0, s7, $0xb8;
	[tilespmem:$0x3000] =	vst v63  }
0x2ed: {  	_ =	swait.ge [sflag:s8], $0x800  }
0x2ee: {  	[sflag:s8] =	ssyncset.done $0x0  }
0x2ef: {  	s0 =	rddreg [dreg:$0x7];
	[sflag:s8] =	ssyncadd.s32 $0xFFFFF800  }
0x2f0: {  	[hbm4b:s0+s2] =	stream.linear.scatter [tilespmem:s5], [sflag:$0x3], $0x800, $0x38;
	[tilespmem:$0x3000] =	vst v63  }
0x2f1: {  	_ =	swait.ge [sflag:s4], $0x800  }
0x2f2: {  	s0 =	sld [smem:$0x7D8]  }
0x2f3: {  	[sflag:s4] =	ssyncset.done $0x0  }
0x2f4: {  	[sflag:s4] =	ssyncadd.s32 $0xFFFFF800  }
0x2f5: {  	[tilespmem:s5], [sflag:$0x2] =	stream.indirect.gather [hbm4b:s3+s7], $0x10, s0, s7, $0xb8;
	[tilespmem:$0x3000] =	vst v63  }
0x2f6: {  	_ =	swait.ge [sflag:s9], $0x800  }
0x2f7: {  	[sflag:s9] =	ssyncset.done $0x0  }
0x2f8: {  	s0 =	rddreg [dreg:$0x8];
	[sflag:s9] =	ssyncadd.s32 $0xFFFFF800  }
0x2f9: {  	[hbm4b:s0+s2] =	stream.linear.scatter [tilespmem:s6], [sflag:$0x3], $0x800, $0x38;
	[tilespmem:$0x3000] =	vst v63  }
0x2fa: {  	_ =	swait.ge [sflag:s4], $0x800  }
0x2fb: {  	s0 =	sld [smem:$0x7D9]  }
0x2fc: {  	[sflag:s4] =	ssyncset.done $0x0  }
0x2fd: {  	[sflag:s4] =	ssyncadd.s32 $0xFFFFF800  }
0x2fe: {  	[tilespmem:s6], [sflag:$0x1] =	stream.indirect.gather [hbm4b:s3+s7], $0x10, s0, s7, $0xb8;
	[tilespmem:$0x3000] =	vst v63  }
0x2ff: {  	_ =	swait.ge [sflag:s8], $0x800  }
0x300: {  	[sflag:s8] =	ssyncset.done $0x0  }
0x301: {  	s0 =	rddreg [dreg:$0x9];
	[sflag:s8] =	ssyncadd.s32 $0xFFFFF800  }
0x302: {  	[hbm4b:s0+s2] =	stream.linear.scatter [tilespmem:s5], [sflag:$0x3], $0x800, $0x38;
	[tilespmem:$0x3000] =	vst v63  }
0x303: {  	_ =	swait.ge [sflag:s4], $0x800  }
0x304: {  	s0 =	sld [smem:$0x7DA]  }
0x305: {  	[sflag:s4] =	ssyncset.done $0x0  }
0x306: {  	[sflag:s4] =	ssyncadd.s32 $0xFFFFF800  }
0x307: {  	[tilespmem:s5], [sflag:$0x2] =	stream.indirect.gather [hbm4b:s3+s7], $0x10, s0, s7, $0xb8;
	[tilespmem:$0x3000] =	vst v63  }
0x308: {  	_ =	swait.ge [sflag:s9], $0x800  }
0x309: {  	[sflag:s9] =	ssyncset.done $0x0  }
0x30a: {  	s0 =	rddreg [dreg:$0xa];
	[sflag:s9] =	ssyncadd.s32 $0xFFFFF800  }
0x30b: {  	[hbm4b:s0+s2] =	stream.linear.scatter [tilespmem:s6], [sflag:$0x3], $0x800, $0x38;
	[tilespmem:$0x3000] =	vst v63  }
0x30c: {  	_ =	swait.ge [sflag:s4], $0x800  }
0x30d: {  	s0 =	sld [smem:$0x7DB]  }
0x30e: {  	[sflag:s4] =	ssyncset.done $0x0  }
0x30f: {  	[sflag:s4] =	ssyncadd.s32 $0xFFFFF800  }
0x310: {  	[tilespmem:s6], [sflag:$0x1] =	stream.indirect.gather [hbm4b:s3+s7], $0x10, s0, s7, $0xb8;
	[tilespmem:$0x3000] =	vst v63  }
0x311: {  	_ =	swait.ge [sflag:s8], $0x800  }
0x312: {  	[sflag:s8] =	ssyncset.done $0x0  }
0x313: {  	s0 =	rddreg [dreg:$0xb];
	[sflag:s8] =	ssyncadd.s32 $0xFFFFF800  }
0x314: {  	[hbm4b:s0+s2] =	stream.linear.scatter [tilespmem:s5], [sflag:$0x3], $0x800, $0x38;
	[tilespmem:$0x3000] =	vst v63  }
0x315: {  	_ =	swait.ge [sflag:s4], $0x800  }
0x316: {  	s0 =	sld [smem:$0x7DC]  }
0x317: {  	[sflag:s4] =	ssyncset.done $0x0  }
0x318: {  	[sflag:s4] =	ssyncadd.s32 $0xFFFFF800  }
0x319: {  	[tilespmem:s5], [sflag:$0x2] =	stream.indirect.gather [hbm4b:s3+s7], $0x10, s0, s7, $0xb8;
	[tilespmem:$0x3000] =	vst v63  }
0x31a: {  	_ =	swait.ge [sflag:s9], $0x800  }
0x31b: {  	[sflag:s9] =	ssyncset.done $0x0  }
0x31c: {  	s0 =	rddreg [dreg:$0xc];
	[sflag:s9] =	ssyncadd.s32 $0xFFFFF800  }
0x31d: {  	[hbm4b:s0+s2] =	stream.linear.scatter [tilespmem:s6], [sflag:$0x3], $0x800, $0x38;
	[tilespmem:$0x3000] =	vst v63  }
0x31e: {  	_ =	swait.ge [sflag:s4], $0x800  }
0x31f: {  	s0 =	sld [smem:$0x7DD]  }
0x320: {  	[sflag:s4] =	ssyncset.done $0x0  }
0x321: {  	[sflag:s4] =	ssyncadd.s32 $0xFFFFF800  }
0x322: {  	[tilespmem:s6], [sflag:$0x1] =	stream.indirect.gather [hbm4b:s3+s7], $0x10, s0, s7, $0xb8;
	[tilespmem:$0x3000] =	vst v63  }
0x323: {  	_ =	swait.ge [sflag:s8], $0x800  }
0x324: {  	[sflag:s8] =	ssyncset.done $0x0  }
0x325: {  	s0 =	rddreg [dreg:$0xd];
	[sflag:s8] =	ssyncadd.s32 $0xFFFFF800  }
0x326: {  	[hbm4b:s0+s2] =	stream.linear.scatter [tilespmem:s5], [sflag:$0x3], $0x800, $0x38;
	[tilespmem:$0x3000] =	vst v63  }
0x327: {  	_ =	swait.ge [sflag:s4], $0x800  }
0x328: {  	s0 =	sld [smem:$0x7DE]  }
0x329: {  	[sflag:s4] =	ssyncset.done $0x0  }
0x32a: {  	[sflag:s4] =	ssyncadd.s32 $0xFFFFF800  }
0x32b: {  	[tilespmem:s5], [sflag:$0x2] =	stream.indirect.gather [hbm4b:s3+s7], $0x10, s0, s7, $0xb8;
	[tilespmem:$0x3000] =	vst v63  }
0x32c: {  	_ =	swait.ge [sflag:s9], $0x800  }
0x32d: {  	[sflag:s9] =	ssyncset.done $0x0  }
0x32e: {  	s0 =	rddreg [dreg:$0xe];
	[sflag:s9] =	ssyncadd.s32 $0xFFFFF800  }
0x32f: {  	[hbm4b:s0+s2] =	stream.linear.scatter [tilespmem:s6], [sflag:$0x3], $0x800, $0x38;
	[tilespmem:$0x3000] =	vst v63  }
0x330: {  	_ =	swait.ge [sflag:s4], $0x800  }
0x331: {  	s0 =	sld [smem:$0x7DF]  }
0x332: {  	[sflag:s4] =	ssyncset.done $0x0  }
0x333: {  	[sflag:s4] =	ssyncadd.s32 $0xFFFFF800  }
0x334: {  	[tilespmem:s6], [sflag:$0x1] =	stream.indirect.gather [hbm4b:s3+s7], $0x10, s0, s7, $0xb8;
	[tilespmem:$0x3000] =	vst v63  }
0x335: {  	_ =	swait.ge [sflag:s8], $0x800  }
0x336: {  	[sflag:s8] =	ssyncset.done $0x0  }
0x337: {  	s0 =	rddreg [dreg:$0xf];
	[sflag:s8] =	ssyncadd.s32 $0xFFFFF800  }
0x338: {  	[hbm4b:s0+s2] =	stream.linear.scatter [tilespmem:s5], [sflag:$0x3], $0x800, $0x38;
	[tilespmem:$0x3000] =	vst v63  }
0x339: {  	_ =	swait.ge [sflag:s4], $0x800  }
0x33a: {  	s0 =	sld [smem:$0x7E0]  }
0x33b: {  	[sflag:s4] =	ssyncset.done $0x0  }
0x33c: {  	[sflag:s4] =	ssyncadd.s32 $0xFFFFF800  }
0x33d: {  	[tilespmem:s5], [sflag:$0x2] =	stream.indirect.gather [hbm4b:s3+s7], $0x10, s0, s7, $0xb8;
	[tilespmem:$0x3000] =	vst v63  }
0x33e: {  	_ =	swait.ge [sflag:s9], $0x800  }
0x33f: {  	[sflag:s9] =	ssyncset.done $0x0  }
0x340: {  	s0 =	rddreg [dreg:$0x10];
	[sflag:s9] =	ssyncadd.s32 $0xFFFFF800  }
0x341: {  	[hbm4b:s0+s2] =	stream.linear.scatter [tilespmem:s6], [sflag:$0x3], $0x800, $0x38;
	[tilespmem:$0x3000] =	vst v63  }
0x342: {  	_ =	swait.ge [sflag:s4], $0x800  }
0x343: {  	s0 =	sld [smem:$0x7E1]  }
0x344: {  	[sflag:s4] =	ssyncset.done $0x0  }
0x345: {  	[sflag:s4] =	ssyncadd.s32 $0xFFFFF800  }
0x346: {  	[tilespmem:s6], [sflag:$0x1] =	stream.indirect.gather [hbm4b:s3+s7], $0x10, s0, s7, $0xb8;
	[tilespmem:$0x3000] =	vst v63  }
0x347: {  	_ =	swait.ge [sflag:s8], $0x800  }
0x348: {  	[sflag:s8] =	ssyncset.done $0x0  }
0x349: {  	s0 =	rddreg [dreg:$0x11];
	[sflag:s8] =	ssyncadd.s32 $0xFFFFF800  }
0x34a: {  	[hbm4b:s0+s2] =	stream.linear.scatter [tilespmem:s5], [sflag:$0x3], $0x800, $0x38;
	[tilespmem:$0x3000] =	vst v63  }
0x34b: {  	_ =	swait.ge [sflag:s4], $0x800  }
0x34c: {  	s0 =	sld [smem:$0x7E2]  }
0x34d: {  	[sflag:s4] =	ssyncset.done $0x0  }
0x34e: {  	[sflag:s4] =	ssyncadd.s32 $0xFFFFF800  }
0x34f: {  	[tilespmem:s5], [sflag:$0x2] =	stream.indirect.gather [hbm4b:s3+s7], $0x10, s0, s7, $0xb8;
	[tilespmem:$0x3000] =	vst v63  }
0x350: {  	_ =	swait.ge [sflag:s9], $0x800  }
0x351: {  	[sflag:s9] =	ssyncset.done $0x0  }
0x352: {  	s0 =	rddreg [dreg:$0x12];
	[sflag:s9] =	ssyncadd.s32 $0xFFFFF800  }
0x353: {  	[hbm4b:s0+s2] =	stream.linear.scatter [tilespmem:s6], [sflag:$0x3], $0x800, $0x38;
	[tilespmem:$0x3000] =	vst v63  }
0x354: {  	_ =	swait.ge [sflag:s4], $0x800  }
0x355: {  	s0 =	sld [smem:$0x7E3]  }
0x356: {  	[sflag:s4] =	ssyncset.done $0x0  }
0x357: {  	[sflag:s4] =	ssyncadd.s32 $0xFFFFF800  }
0x358: {  	[tilespmem:s6], [sflag:$0x1] =	stream.indirect.gather [hbm4b:s3+s7], $0x10, s0, s7, $0xb8;
	[tilespmem:$0x3000] =	vst v63  }
0x359: {  	_ =	swait.ge [sflag:s8], $0x800  }
0x35a: {  	[sflag:s8] =	ssyncset.done $0x0  }
0x35b: {  	s0 =	rddreg [dreg:$0x13];
	[sflag:s8] =	ssyncadd.s32 $0xFFFFF800  }
0x35c: {  	[hbm4b:s0+s2] =	stream.linear.scatter [tilespmem:s5], [sflag:$0x3], $0x800, $0x38;
	[tilespmem:$0x3000] =	vst v63  }
0x35d: {  	_ =	swait.ge [sflag:s4], $0x800  }
0x35e: {  	s0 =	sld [smem:$0x7E4]  }
0x35f: {  	[sflag:s4] =	ssyncset.done $0x0  }
0x360: {  	[sflag:s4] =	ssyncadd.s32 $0xFFFFF800  }
0x361: {  	[tilespmem:s5], [sflag:$0x2] =	stream.indirect.gather [hbm4b:s3+s7], $0x10, s0, s7, $0xb8;
	[tilespmem:$0x3000] =	vst v63  }
0x362: {  	_ =	swait.ge [sflag:s9], $0x800  }
0x363: {  	[sflag:s9] =	ssyncset.done $0x0  }
0x364: {  	s0 =	rddreg [dreg:$0x14];
	[sflag:s9] =	ssyncadd.s32 $0xFFFFF800  }
0x365: {  	[hbm4b:s0+s2] =	stream.linear.scatter [tilespmem:s6], [sflag:$0x3], $0x800, $0x38;
	[tilespmem:$0x3000] =	vst v63  }
0x366: {  	_ =	swait.ge [sflag:s4], $0x800  }
0x367: {  	s0 =	sld [smem:$0x7E5]  }
0x368: {  	[sflag:s4] =	ssyncset.done $0x0  }
0x369: {  	[sflag:s4] =	ssyncadd.s32 $0xFFFFF800  }
0x36a: {  	[tilespmem:s6], [sflag:$0x1] =	stream.indirect.gather [hbm4b:s3+s7], $0x10, s0, s7, $0xb8;
	[tilespmem:$0x3000] =	vst v63  }
0x36b: {  	_ =	swait.ge [sflag:s8], $0x800  }
0x36c: {  	[sflag:s8] =	ssyncset.done $0x0  }
0x36d: {  	s0 =	rddreg [dreg:$0x15];
	[sflag:s8] =	ssyncadd.s32 $0xFFFFF800  }
0x36e: {  	[hbm4b:s0+s2] =	stream.linear.scatter [tilespmem:s5], [sflag:$0x3], $0x800, $0x38;
	[tilespmem:$0x3000] =	vst v63  }
0x36f: {  	_ =	swait.ge [sflag:s4], $0x800  }
0x370: {  	s0 =	sld [smem:$0x7E6]  }
0x371: {  	[sflag:s4] =	ssyncset.done $0x0  }
0x372: {  	[sflag:s4] =	ssyncadd.s32 $0xFFFFF800  }
0x373: {  	[tilespmem:s5], [sflag:$0x2] =	stream.indirect.gather [hbm4b:s3+s7], $0x10, s0, s7, $0xb8;
	[tilespmem:$0x3000] =	vst v63  }
0x374: {  	_ =	swait.ge [sflag:s9], $0x800  }
0x375: {  	[sflag:s9] =	ssyncset.done $0x0  }
0x376: {  	s0 =	rddreg [dreg:$0x16];
	[sflag:s9] =	ssyncadd.s32 $0xFFFFF800  }
0x377: {  	[hbm4b:s0+s2] =	stream.linear.scatter [tilespmem:s6], [sflag:$0x3], $0x800, $0x38;
	[tilespmem:$0x3000] =	vst v63  }
0x378: {  	_ =	swait.ge [sflag:s4], $0x800  }
0x379: {  	s0 =	sld [smem:$0x7E7]  }
0x37a: {  	[sflag:s4] =	ssyncset.done $0x0  }
0x37b: {  	[sflag:s4] =	ssyncadd.s32 $0xFFFFF800  }
0x37c: {  	[tilespmem:s6], [sflag:$0x1] =	stream.indirect.gather [hbm4b:s3+s7], $0x10, s0, s7, $0xb8;
	[tilespmem:$0x3000] =	vst v63  }
0x37d: {  	_ =	swait.ge [sflag:s8], $0x800  }
0x37e: {  	[sflag:s8] =	ssyncset.done $0x0  }
0x37f: {  	s0 =	rddreg [dreg:$0x17];
	[sflag:s8] =	ssyncadd.s32 $0xFFFFF800  }
0x380: {  	[hbm4b:s0+s2] =	stream.linear.scatter [tilespmem:s5], [sflag:$0x3], $0x800, $0x38;
	[tilespmem:$0x3000] =	vst v63  }
0x381: {  	_ =	swait.ge [sflag:s4], $0x800  }
0x382: {  	s0 =	sld [smem:$0x7E8]  }
0x383: {  	[sflag:s4] =	ssyncset.done $0x0  }
0x384: {  	[sflag:s4] =	ssyncadd.s32 $0xFFFFF800  }
0x385: {  	[tilespmem:s5], [sflag:$0x2] =	stream.indirect.gather [hbm4b:s3+s7], $0x10, s0, s7, $0xb8;
	[tilespmem:$0x3000] =	vst v63  }
0x386: {  	_ =	swait.ge [sflag:s9], $0x800  }
0x387: {  	[sflag:s9] =	ssyncset.done $0x0  }
0x388: {  	s0 =	rddreg [dreg:$0x18];
	[sflag:s9] =	ssyncadd.s32 $0xFFFFF800  }
0x389: {  	[hbm4b:s0+s2] =	stream.linear.scatter [tilespmem:s6], [sflag:$0x3], $0x800, $0x38;
	[tilespmem:$0x3000] =	vst v63  }
0x38a: {  	_ =	swait.ge [sflag:s4], $0x800  }
0x38b: {  	s0 =	sld [smem:$0x7E9]  }
0x38c: {  	[sflag:s4] =	ssyncset.done $0x0  }
0x38d: {  	[sflag:s4] =	ssyncadd.s32 $0xFFFFF800  }
0x38e: {  	[tilespmem:s6], [sflag:$0x1] =	stream.indirect.gather [hbm4b:s3+s7], $0x10, s0, s7, $0xb8;
	[tilespmem:$0x3000] =	vst v63  }
0x38f: {  	_ =	swait.ge [sflag:s8], $0x800  }
0x390: {  	[sflag:s8] =	ssyncset.done $0x0  }
0x391: {  	s0 =	rddreg [dreg:$0x19];
	[sflag:s8] =	ssyncadd.s32 $0xFFFFF800  }
0x392: {  	[hbm4b:s0+s2] =	stream.linear.scatter [tilespmem:s5], [sflag:$0x3], $0x800, $0x38;
	[tilespmem:$0x3000] =	vst v63  }
0x393: {  	_ =	swait.ge [sflag:s4], $0x800  }
0x394: {  	s0 =	sld [smem:$0x7EA]  }
0x395: {  	[sflag:s4] =	ssyncset.done $0x0  }
0x396: {  	[sflag:s4] =	ssyncadd.s32 $0xFFFFF800  }
0x397: {  	[tilespmem:s5], [sflag:$0x2] =	stream.indirect.gather [hbm4b:s3+s7], $0x10, s0, s7, $0xb8;
	[tilespmem:$0x3000] =	vst v63  }
0x398: {  	_ =	swait.ge [sflag:s9], $0x800  }
0x399: {  	[sflag:s9] =	ssyncset.done $0x0  }
0x39a: {  	s0 =	rddreg [dreg:$0x1a];
	[sflag:s9] =	ssyncadd.s32 $0xFFFFF800  }
0x39b: {  	[hbm4b:s0+s2] =	stream.linear.scatter [tilespmem:s6], [sflag:$0x3], $0x800, $0x38;
	[tilespmem:$0x3000] =	vst v63  }
0x39c: {  	_ =	swait.ge [sflag:s4], $0x800  }
0x39d: {  	s0 =	sld [smem:$0x7EB]  }
0x39e: {  	[sflag:s4] =	ssyncset.done $0x0  }
0x39f: {  	[sflag:s4] =	ssyncadd.s32 $0xFFFFF800  }
0x3a0: {  	[tilespmem:s6], [sflag:$0x1] =	stream.indirect.gather [hbm4b:s3+s7], $0x10, s0, s7, $0xb8;
	[tilespmem:$0x3000] =	vst v63  }
0x3a1: {  	_ =	swait.ge [sflag:s8], $0x800  }
0x3a2: {  	[sflag:s8] =	ssyncset.done $0x0  }
0x3a3: {  	s0 =	rddreg [dreg:$0x1b];
	[sflag:s8] =	ssyncadd.s32 $0xFFFFF800  }
0x3a4: {  	[hbm4b:s0+s2] =	stream.linear.scatter [tilespmem:s5], [sflag:$0x3], $0x800, $0x38;
	[tilespmem:$0x3000] =	vst v63  }
0x3a5: {  	_ =	swait.ge [sflag:s4], $0x800  }
0x3a6: {  	s0 =	sld [smem:$0x7EC]  }
0x3a7: {  	[sflag:s4] =	ssyncset.done $0x0  }
0x3a8: {  	[sflag:s4] =	ssyncadd.s32 $0xFFFFF800  }
0x3a9: {  	[tilespmem:s5], [sflag:$0x2] =	stream.indirect.gather [hbm4b:s3+s7], $0x10, s0, s7, $0xb8;
	[tilespmem:$0x3000] =	vst v63  }
0x3aa: {  	_ =	swait.ge [sflag:s9], $0x800  }
0x3ab: {  	[sflag:s9] =	ssyncset.done $0x0  }
0x3ac: {  	s0 =	rddreg [dreg:$0x1c];
	[sflag:s9] =	ssyncadd.s32 $0xFFFFF800  }
0x3ad: {  	[hbm4b:s0+s2] =	stream.linear.scatter [tilespmem:s6], [sflag:$0x3], $0x800, $0x38;
	[tilespmem:$0x3000] =	vst v63  }
0x3ae: {  	_ =	swait.ge [sflag:s4], $0x800  }
0x3af: {  	s0 =	sld [smem:$0x7ED]  }
0x3b0: {  	[sflag:s4] =	ssyncset.done $0x0  }
0x3b1: {  	[sflag:s4] =	ssyncadd.s32 $0xFFFFF800  }
0x3b2: {  	[tilespmem:s6], [sflag:$0x1] =	stream.indirect.gather [hbm4b:s3+s7], $0x10, s0, s7, $0xb8;
	[tilespmem:$0x3000] =	vst v63  }
0x3b3: {  	_ =	swait.ge [sflag:s8], $0x800  }
0x3b4: {  	[sflag:s8] =	ssyncset.done $0x0  }
0x3b5: {  	s0 =	rddreg [dreg:$0x1d];
	[sflag:s8] =	ssyncadd.s32 $0xFFFFF800  }
0x3b6: {  	[hbm4b:s0+s2] =	stream.linear.scatter [tilespmem:s5], [sflag:$0x3], $0x800, $0x38;
	[tilespmem:$0x3000] =	vst v63  }
0x3b7: {  	_ =	swait.ge [sflag:s4], $0x800  }
0x3b8: {  	s0 =	sld [smem:$0x7EE]  }
0x3b9: {  	[sflag:s4] =	ssyncset.done $0x0  }
0x3ba: {  	[sflag:s4] =	ssyncadd.s32 $0xFFFFF800  }
0x3bb: {  	[tilespmem:s5], [sflag:$0x2] =	stream.indirect.gather [hbm4b:s3+s7], $0x10, s0, s7, $0xb8;
	[tilespmem:$0x3000] =	vst v63  }
0x3bc: {  	_ =	swait.ge [sflag:s9], $0x800  }
0x3bd: {  	[sflag:s9] =	ssyncset.done $0x0  }
0x3be: {  	s0 =	rddreg [dreg:$0x1e];
	[sflag:s9] =	ssyncadd.s32 $0xFFFFF800  }
0x3bf: {  	[hbm4b:s0+s2] =	stream.linear.scatter [tilespmem:s6], [sflag:$0x3], $0x800, $0x38;
	[tilespmem:$0x3000] =	vst v63  }
0x3c0: {  	_ =	swait.ge [sflag:s4], $0x800  }
0x3c1: {  	s0 =	sld [smem:$0x7EF]  }
0x3c2: {  	[sflag:s4] =	ssyncset.done $0x0  }
0x3c3: {  	[sflag:s4] =	ssyncadd.s32 $0xFFFFF800  }
0x3c4: {  	[tilespmem:s6], [sflag:$0x1] =	stream.indirect.gather [hbm4b:s3+s7], $0x10, s0, s7, $0xb8;
	[tilespmem:$0x3000] =	vst v63  }
0x3c5: {  	_ =	swait.ge [sflag:s8], $0x800  }
0x3c6: {  	[sflag:s8] =	ssyncset.done $0x0  }
0x3c7: {  	s0 =	rddreg [dreg:$0x1f];
	[sflag:s8] =	ssyncadd.s32 $0xFFFFF800  }
0x3c8: {  	[hbm4b:s0+s2] =	stream.linear.scatter [tilespmem:s5], [sflag:$0x3], $0x800, $0x38;
	[tilespmem:$0x3000] =	vst v63  }
0x3c9: {  	_ =	swait.ge [sflag:s4], $0x800  }
0x3ca: {  	s0 =	sld [smem:$0x7F0]  }
0x3cb: {  	[sflag:s4] =	ssyncset.done $0x0  }
0x3cc: {  	[sflag:s4] =	ssyncadd.s32 $0xFFFFF800  }
0x3cd: {  	[tilespmem:s5], [sflag:$0x2] =	stream.indirect.gather [hbm4b:s3+s7], $0x10, s0, s7, $0xb8;
	[tilespmem:$0x3000] =	vst v63  }
0x3ce: {  	_ =	swait.ge [sflag:s9], $0x800  }
0x3cf: {  	s0 =	sld [smem:$0x7B1]  }
0x3d0: {  	[sflag:s9] =	ssyncset.done $0x0  }
0x3d1: {  	[sflag:s9] =	ssyncadd.s32 $0xFFFFF800  }
0x3d2: {  	[hbm4b:s0+s2] =	stream.linear.scatter [tilespmem:s6], [sflag:$0x3], $0x800, $0x38;
	[tilespmem:$0x3000] =	vst v63  }
0x3d3: {  	_ =	swait.ge [sflag:s4], $0x800  }
0x3d4: {  	s0 =	sld [smem:$0x7F1]  }
0x3d5: {  	[sflag:s4] =	ssyncset.done $0x0  }
0x3d6: {  	[sflag:s4] =	ssyncadd.s32 $0xFFFFF800  }
0x3d7: {  	[tilespmem:s6], [sflag:$0x1] =	stream.indirect.gather [hbm4b:s3+s7], $0x10, s0, s7, $0xb8;
	[tilespmem:$0x3000] =	vst v63  }
0x3d8: {  	_ =	swait.ge [sflag:s8], $0x800  }
0x3d9: {  	s0 =	sld [smem:$0x7B2]  }
0x3da: {  	[sflag:s8] =	ssyncset.done $0x0  }
0x3db: {  	[sflag:s8] =	ssyncadd.s32 $0xFFFFF800  }
0x3dc: {  	[hbm4b:s0+s2] =	stream.linear.scatter [tilespmem:s5], [sflag:$0x3], $0x800, $0x38;
	[tilespmem:$0x3000] =	vst v63  }
0x3dd: {  	_ =	swait.ge [sflag:s4], $0x800  }
0x3de: {  	s0 =	sld [smem:$0x7F2]  }
0x3df: {  	[sflag:s4] =	ssyncset.done $0x0  }
0x3e0: {  	[sflag:s4] =	ssyncadd.s32 $0xFFFFF800  }
0x3e1: {  	[tilespmem:s5], [sflag:$0x2] =	stream.indirect.gather [hbm4b:s3+s7], $0x10, s0, s7, $0xb8;
	[tilespmem:$0x3000] =	vst v63  }
0x3e2: {  	_ =	swait.ge [sflag:s9], $0x800  }
0x3e3: {  	s0 =	sld [smem:$0x7B3]  }
0x3e4: {  	[sflag:s9] =	ssyncset.done $0x0  }
0x3e5: {  	[sflag:s9] =	ssyncadd.s32 $0xFFFFF800  }
0x3e6: {  	[hbm4b:s0+s2] =	stream.linear.scatter [tilespmem:s6], [sflag:$0x3], $0x800, $0x38;
	[tilespmem:$0x3000] =	vst v63  }
0x3e7: {  	_ =	swait.ge [sflag:s4], $0x800  }
0x3e8: {  	s0 =	sld [smem:$0x7F3]  }
0x3e9: {  	[sflag:s4] =	ssyncset.done $0x0  }
0x3ea: {  	[sflag:s4] =	ssyncadd.s32 $0xFFFFF800  }
0x3eb: {  	[tilespmem:s6], [sflag:$0x1] =	stream.indirect.gather [hbm4b:s3+s7], $0x10, s0, s7, $0xb8;
	[tilespmem:$0x3000] =	vst v63  }
0x3ec: {  	_ =	swait.ge [sflag:s8], $0x800  }
0x3ed: {  	s0 =	sld [smem:$0x7B4]  }
0x3ee: {  	[sflag:s8] =	ssyncset.done $0x0  }
0x3ef: {  	[sflag:s8] =	ssyncadd.s32 $0xFFFFF800  }
0x3f0: {  	[hbm4b:s0+s2] =	stream.linear.scatter [tilespmem:s5], [sflag:$0x3], $0x800, $0x38;
	[tilespmem:$0x3000] =	vst v63  }
0x3f1: {  	_ =	swait.ge [sflag:s4], $0x800  }
0x3f2: {  	s0 =	sld [smem:$0x7F4]  }
0x3f3: {  	[sflag:s4] =	ssyncset.done $0x0  }
0x3f4: {  	[sflag:s4] =	ssyncadd.s32 $0xFFFFF800  }
0x3f5: {  	[tilespmem:s5], [sflag:$0x2] =	stream.indirect.gather [hbm4b:s3+s7], $0x10, s0, s7, $0xb8;
	[tilespmem:$0x3000] =	vst v63  }
0x3f6: {  	_ =	swait.ge [sflag:s9], $0x800  }
0x3f7: {  	s0 =	sld [smem:$0x7B5]  }
0x3f8: {  	[sflag:s9] =	ssyncset.done $0x0  }
0x3f9: {  	[sflag:s9] =	ssyncadd.s32 $0xFFFFF800  }
0x3fa: {  	[hbm4b:s0+s2] =	stream.linear.scatter [tilespmem:s6], [sflag:$0x3], $0x800, $0x38;
	[tilespmem:$0x3000] =	vst v63  }
0x3fb: {  	_ =	swait.ge [sflag:s4], $0x800  }
0x3fc: {  	s0 =	sld [smem:$0x7F5]  }
0x3fd: {  	[sflag:s4] =	ssyncset.done $0x0  }
0x3fe: {  	[sflag:s4] =	ssyncadd.s32 $0xFFFFF800  }
0x3ff: {  	[tilespmem:s6], [sflag:$0x1] =	stream.indirect.gather [hbm4b:s3+s7], $0x10, s0, s7, $0xb8;
	[tilespmem:$0x3000] =	vst v63  }
0x400: {  	_ =	swait.ge [sflag:s8], $0x800  }
0x401: {  	s0 =	sld [smem:$0x7B6]  }
0x402: {  	[sflag:s8] =	ssyncset.done $0x0  }
0x403: {  	[sflag:s8] =	ssyncadd.s32 $0xFFFFF800  }
0x404: {  	[hbm4b:s0+s2] =	stream.linear.scatter [tilespmem:s5], [sflag:$0x3], $0x800, $0x38;
	[tilespmem:$0x3000] =	vst v63  }
0x405: {  	_ =	swait.ge [sflag:s4], $0x800  }
0x406: {  	s0 =	sld [smem:$0x7F6]  }
0x407: {  	[sflag:s4] =	ssyncset.done $0x0  }
0x408: {  	[sflag:s4] =	ssyncadd.s32 $0xFFFFF800  }
0x409: {  	[tilespmem:s5], [sflag:$0x2] =	stream.indirect.gather [hbm4b:s3+s7], $0x10, s0, s7, $0xb8;
	[tilespmem:$0x3000] =	vst v63  }
0x40a: {  	_ =	swait.ge [sflag:s9], $0x800  }
0x40b: {  	s0 =	sld [smem:$0x7B7]  }
0x40c: {  	[sflag:s9] =	ssyncset.done $0x0  }
0x40d: {  	[sflag:s9] =	ssyncadd.s32 $0xFFFFF800  }
0x40e: {  	[hbm4b:s0+s2] =	stream.linear.scatter [tilespmem:s6], [sflag:$0x3], $0x800, $0x38;
	[tilespmem:$0x3000] =	vst v63  }
0x40f: {  	_ =	swait.ge [sflag:s4], $0x800  }
0x410: {  	s0 =	sld [smem:$0x7F7]  }
0x411: {  	[sflag:s4] =	ssyncset.done $0x0  }
0x412: {  	[sflag:s4] =	ssyncadd.s32 $0xFFFFF800  }
0x413: {  	[tilespmem:s6], [sflag:$0x1] =	stream.indirect.gather [hbm4b:s3+s7], $0x10, s0, s7, $0xb8;
	[tilespmem:$0x3000] =	vst v63  }
0x414: {  	_ =	swait.ge [sflag:s8], $0x800  }
0x415: {  	s0 =	sld [smem:$0x7B8]  }
0x416: {  	[sflag:s8] =	ssyncset.done $0x0  }
0x417: {  	[sflag:s8] =	ssyncadd.s32 $0xFFFFF800  }
0x418: {  	[hbm4b:s0+s2] =	stream.linear.scatter [tilespmem:s5], [sflag:$0x3], $0x800, $0x38;
	[tilespmem:$0x3000] =	vst v63  }
0x419: {  	_ =	swait.ge [sflag:s4], $0x800  }
0x41a: {  	s0 =	sld [smem:$0x7F8]  }
0x41b: {  	[sflag:s4] =	ssyncset.done $0x0  }
0x41c: {  	[sflag:s4] =	ssyncadd.s32 $0xFFFFF800  }
0x41d: {  	[tilespmem:s5], [sflag:$0x2] =	stream.indirect.gather [hbm4b:s3+s7], $0x10, s0, s7, $0xb8;
	[tilespmem:$0x3000] =	vst v63  }
0x41e: {  	_ =	swait.ge [sflag:s9], $0x800  }
0x41f: {  	s0 =	sld [smem:$0x7B9]  }
0x420: {  	[sflag:s9] =	ssyncset.done $0x0  }
0x421: {  	[sflag:s9] =	ssyncadd.s32 $0xFFFFF800  }
0x422: {  	[hbm4b:s0+s2] =	stream.linear.scatter [tilespmem:s6], [sflag:$0x3], $0x800, $0x38;
	[tilespmem:$0x3000] =	vst v63  }
0x423: {  	_ =	swait.ge [sflag:s4], $0x800  }
0x424: {  	s0 =	sld [smem:$0x7F9]  }
0x425: {  	[sflag:s4] =	ssyncset.done $0x0  }
0x426: {  	[sflag:s4] =	ssyncadd.s32 $0xFFFFF800  }
0x427: {  	[tilespmem:s6], [sflag:$0x1] =	stream.indirect.gather [hbm4b:s3+s7], $0x10, s0, s7, $0xb8;
	[tilespmem:$0x3000] =	vst v63  }
0x428: {  	_ =	swait.ge [sflag:s8], $0x800  }
0x429: {  	s0 =	sld [smem:$0x7BA]  }
0x42a: {  	[sflag:s8] =	ssyncset.done $0x0  }
0x42b: {  	[sflag:s8] =	ssyncadd.s32 $0xFFFFF800  }
0x42c: {  	[hbm4b:s0+s2] =	stream.linear.scatter [tilespmem:s5], [sflag:$0x3], $0x800, $0x38;
	[tilespmem:$0x3000] =	vst v63  }
0x42d: {  	_ =	swait.ge [sflag:s4], $0x800  }
0x42e: {  	s0 =	sld [smem:$0x7FA]  }
0x42f: {  	[sflag:s4] =	ssyncset.done $0x0  }
0x430: {  	[sflag:s4] =	ssyncadd.s32 $0xFFFFF800  }
0x431: {  	[tilespmem:s5], [sflag:$0x2] =	stream.indirect.gather [hbm4b:s3+s7], $0x10, s0, s7, $0xb8;
	[tilespmem:$0x3000] =	vst v63  }
0x432: {  	_ =	swait.ge [sflag:s9], $0x800  }
0x433: {  	s0 =	sld [smem:$0x7BB]  }
0x434: {  	[sflag:s9] =	ssyncset.done $0x0  }
0x435: {  	[sflag:s9] =	ssyncadd.s32 $0xFFFFF800  }
0x436: {  	[hbm4b:s0+s2] =	stream.linear.scatter [tilespmem:s6], [sflag:$0x3], $0x800, $0x38;
	[tilespmem:$0x3000] =	vst v63  }
0x437: {  	_ =	swait.ge [sflag:s4], $0x800  }
0x438: {  	s0 =	sld [smem:$0x7FB]  }
0x439: {  	[sflag:s4] =	ssyncset.done $0x0  }
0x43a: {  	[sflag:s4] =	ssyncadd.s32 $0xFFFFF800  }
0x43b: {  	[tilespmem:s6], [sflag:$0x1] =	stream.indirect.gather [hbm4b:s3+s7], $0x10, s0, s7, $0xb8;
	[tilespmem:$0x3000] =	vst v63  }
0x43c: {  	_ =	swait.ge [sflag:s8], $0x800  }
0x43d: {  	s0 =	sld [smem:$0x7BC]  }
0x43e: {  	[sflag:s8] =	ssyncset.done $0x0  }
0x43f: {  	[sflag:s8] =	ssyncadd.s32 $0xFFFFF800  }
0x440: {  	[hbm4b:s0+s2] =	stream.linear.scatter [tilespmem:s5], [sflag:$0x3], $0x800, $0x38;
	[tilespmem:$0x3000] =	vst v63  }
0x441: {  	_ =	swait.ge [sflag:s4], $0x800  }
0x442: {  	s0 =	sld [smem:$0x7FC]  }
0x443: {  	[sflag:s4] =	ssyncset.done $0x0  }
0x444: {  	[sflag:s4] =	ssyncadd.s32 $0xFFFFF800  }
0x445: {  	[tilespmem:s5], [sflag:$0x2] =	stream.indirect.gather [hbm4b:s3+s7], $0x10, s0, s7, $0xb8;
	[tilespmem:$0x3000] =	vst v63  }
0x446: {  	_ =	swait.ge [sflag:s9], $0x800  }
0x447: {  	s0 =	sld [smem:$0x7BD]  }
0x448: {  	[sflag:s9] =	ssyncset.done $0x0  }
0x449: {  	[sflag:s9] =	ssyncadd.s32 $0xFFFFF800  }
0x44a: {  	[hbm4b:s0+s2] =	stream.linear.scatter [tilespmem:s6], [sflag:$0x3], $0x800, $0x38;
	[tilespmem:$0x3000] =	vst v63  }
0x44b: {  	_ =	swait.ge [sflag:s4], $0x800  }
0x44c: {  	s0 =	sld [smem:$0x7FD]  }
0x44d: {  	[sflag:s4] =	ssyncset.done $0x0  }
0x44e: {  	[sflag:s4] =	ssyncadd.s32 $0xFFFFF800  }
0x44f: {  	[tilespmem:s6], [sflag:$0x1] =	stream.indirect.gather [hbm4b:s3+s7], $0x10, s0, s7, $0xb8;
	[tilespmem:$0x3000] =	vst v63  }
0x450: {  	_ =	swait.ge [sflag:s8], $0x800  }
0x451: {  	s0 =	sld [smem:$0x7BE]  }
0x452: {  	[sflag:s8] =	ssyncset.done $0x0  }
0x453: {  	[sflag:s8] =	ssyncadd.s32 $0xFFFFF800  }
0x454: {  	[hbm4b:s0+s2] =	stream.linear.scatter [tilespmem:s5], [sflag:$0x3], $0x800, $0x38;
	[tilespmem:$0x3000] =	vst v63  }
0x455: {  	_ =	swait.ge [sflag:s4], $0x800  }
0x456: {  	[sflag:s4] =	ssyncset.done $0x0  }
0x457: {  	[sflag:s4] =	ssyncadd.s32 $0xFFFFF800  }
0x458: {  	[tilespmem:s5], [sflag:$0x2] =	stream.indirect.gather [hbm4b:s3+s7], $0x10, s31, s7, $0xb8;
	[tilespmem:$0x3000] =	vst v63  }
0x459: {  	_ =	swait.ge [sflag:s9], $0x800  }
0x45a: {  	s0 =	sld [smem:$0x7BF]  }
0x45b: {  	[sflag:s9] =	ssyncset.done $0x0  }
0x45c: {  	[sflag:s9] =	ssyncadd.s32 $0xFFFFF800  }
0x45d: {  	[hbm4b:s0+s2] =	stream.linear.scatter [tilespmem:s6], [sflag:$0x3], $0x800, $0x38;
	[tilespmem:$0x3000] =	vst v63  }
0x45e: {  	_ =	swait.ge [sflag:s4], $0x800  }
0x45f: {  	[sflag:s4] =	ssyncset.done $0x0  }
0x460: {  	[sflag:s4] =	ssyncadd.s32 $0xFFFFF800  }
0x461: {  	[tilespmem:s6], [sflag:$0x1] =	stream.indirect.gather [hbm4b:s3+s7], $0x10, s30, s7, $0xb8;
	[tilespmem:$0x3000] =	vst v63  }
0x462: {  	_ =	swait.ge [sflag:s8], $0x800  }
0x463: {  	s0 =	sld [smem:$0x7C0]  }
0x464: {  	[sflag:s8] =	ssyncset.done $0x0  }
0x465: {  	[sflag:s8] =	ssyncadd.s32 $0xFFFFF800  }
0x466: {  	[hbm4b:s0+s2] =	stream.linear.scatter [tilespmem:s5], [sflag:$0x3], $0x800, $0x38;
	[tilespmem:$0x3000] =	vst v63  }
0x467: {  	_ =	swait.ge [sflag:s4], $0x800  }
0x468: {  	[sflag:s4] =	ssyncset.done $0x0  }
0x469: {  	[sflag:s4] =	ssyncadd.s32 $0xFFFFF800  }
0x46a: {  	[tilespmem:s5], [sflag:$0x2] =	stream.indirect.gather [hbm4b:s3+s7], $0x10, s29, s7, $0xb8;
	[tilespmem:$0x3000] =	vst v63  }
0x46b: {  	_ =	swait.ge [sflag:s9], $0x800  }
0x46c: {  	s0 =	sld [smem:$0x7C1]  }
0x46d: {  	[sflag:s9] =	ssyncset.done $0x0  }
0x46e: {  	[sflag:s9] =	ssyncadd.s32 $0xFFFFF800  }
0x46f: {  	[hbm4b:s0+s2] =	stream.linear.scatter [tilespmem:s6], [sflag:$0x3], $0x800, $0x38;
	[tilespmem:$0x3000] =	vst v63  }
0x470: {  	_ =	swait.ge [sflag:s4], $0x800  }
0x471: {  	[sflag:s4] =	ssyncset.done $0x0  }
0x472: {  	[sflag:s4] =	ssyncadd.s32 $0xFFFFF800  }
0x473: {  	[tilespmem:s6], [sflag:$0x1] =	stream.indirect.gather [hbm4b:s3+s7], $0x10, s28, s7, $0xb8;
	[tilespmem:$0x3000] =	vst v63  }
0x474: {  	_ =	swait.ge [sflag:s8], $0x800  }
0x475: {  	s0 =	sld [smem:$0x7C2]  }
0x476: {  	[sflag:s8] =	ssyncset.done $0x0  }
0x477: {  	[sflag:s8] =	ssyncadd.s32 $0xFFFFF800  }
0x478: {  	[hbm4b:s0+s2] =	stream.linear.scatter [tilespmem:s5], [sflag:$0x3], $0x800, $0x38;
	[tilespmem:$0x3000] =	vst v63  }
0x479: {  	_ =	swait.ge [sflag:s4], $0x800  }
0x47a: {  	[sflag:s4] =	ssyncset.done $0x0  }
0x47b: {  	[sflag:s4] =	ssyncadd.s32 $0xFFFFF800  }
0x47c: {  	[tilespmem:s5], [sflag:$0x2] =	stream.indirect.gather [hbm4b:s3+s7], $0x10, s26, s7, $0xb8;
	[tilespmem:$0x3000] =	vst v63  }
0x47d: {  	_ =	swait.ge [sflag:s9], $0x800  }
0x47e: {  	s0 =	sld [smem:$0x7C3]  }
0x47f: {  	[sflag:s9] =	ssyncset.done $0x0  }
0x480: {  	[sflag:s9] =	ssyncadd.s32 $0xFFFFF800  }
0x481: {  	[hbm4b:s0+s2] =	stream.linear.scatter [tilespmem:s6], [sflag:$0x3], $0x800, $0x38;
	[tilespmem:$0x3000] =	vst v63  }
0x482: {  	_ =	swait.ge [sflag:s4], $0x800  }
0x483: {  	[sflag:s4] =	ssyncset.done $0x0  }
0x484: {  	[sflag:s4] =	ssyncadd.s32 $0xFFFFF800  }
0x485: {  	[tilespmem:s6], [sflag:$0x1] =	stream.indirect.gather [hbm4b:s3+s7], $0x10, s25, s7, $0xb8;
	[tilespmem:$0x3000] =	vst v63  }
0x486: {  	_ =	swait.ge [sflag:s8], $0x800  }
0x487: {  	s0 =	sld [smem:$0x7C4]  }
0x488: {  	[sflag:s8] =	ssyncset.done $0x0  }
0x489: {  	[sflag:s8] =	ssyncadd.s32 $0xFFFFF800  }
0x48a: {  	[hbm4b:s0+s2] =	stream.linear.scatter [tilespmem:s5], [sflag:$0x3], $0x800, $0x38;
	[tilespmem:$0x3000] =	vst v63  }
0x48b: {  	_ =	swait.ge [sflag:s4], $0x800  }
0x48c: {  	[sflag:s4] =	ssyncset.done $0x0  }
0x48d: {  	[sflag:s4] =	ssyncadd.s32 $0xFFFFF800  }
0x48e: {  	[tilespmem:s5], [sflag:$0x2] =	stream.indirect.gather [hbm4b:s3+s7], $0x10, s24, s7, $0xb8;
	[tilespmem:$0x3000] =	vst v63  }
0x48f: {  	_ =	swait.ge [sflag:s9], $0x800  }
0x490: {  	s0 =	sld [smem:$0x7C5]  }
0x491: {  	[sflag:s9] =	ssyncset.done $0x0  }
0x492: {  	[sflag:s9] =	ssyncadd.s32 $0xFFFFF800  }
0x493: {  	[hbm4b:s0+s2] =	stream.linear.scatter [tilespmem:s6], [sflag:$0x3], $0x800, $0x38;
	[tilespmem:$0x3000] =	vst v63  }
0x494: {  	_ =	swait.ge [sflag:s4], $0x800  }
0x495: {  	[sflag:s4] =	ssyncset.done $0x0  }
0x496: {  	[sflag:s4] =	ssyncadd.s32 $0xFFFFF800  }
0x497: {  	[tilespmem:s6], [sflag:$0x1] =	stream.indirect.gather [hbm4b:s3+s7], $0x10, s23, s7, $0xb8;
	[tilespmem:$0x3000] =	vst v63  }
0x498: {  	_ =	swait.ge [sflag:s8], $0x800  }
0x499: {  	s0 =	sld [smem:$0x7C6]  }
0x49a: {  	[sflag:s8] =	ssyncset.done $0x0  }
0x49b: {  	[sflag:s8] =	ssyncadd.s32 $0xFFFFF800  }
0x49c: {  	[hbm4b:s0+s2] =	stream.linear.scatter [tilespmem:s5], [sflag:$0x3], $0x800, $0x38;
	[tilespmem:$0x3000] =	vst v63  }
0x49d: {  	_ =	swait.ge [sflag:s4], $0x800  }
0x49e: {  	[sflag:s4] =	ssyncset.done $0x0  }
0x49f: {  	[sflag:s4] =	ssyncadd.s32 $0xFFFFF800  }
0x4a0: {  	[tilespmem:s5], [sflag:$0x2] =	stream.indirect.gather [hbm4b:s3+s7], $0x10, s22, s7, $0xb8;
	[tilespmem:$0x3000] =	vst v63  }
0x4a1: {  	_ =	swait.ge [sflag:s9], $0x800  }
0x4a2: {  	s0 =	sld [smem:$0x7C7]  }
0x4a3: {  	[sflag:s9] =	ssyncset.done $0x0  }
0x4a4: {  	[sflag:s9] =	ssyncadd.s32 $0xFFFFF800  }
0x4a5: {  	[hbm4b:s0+s2] =	stream.linear.scatter [tilespmem:s6], [sflag:$0x3], $0x800, $0x38;
	[tilespmem:$0x3000] =	vst v63  }
0x4a6: {  	_ =	swait.ge [sflag:s4], $0x800  }
0x4a7: {  	[sflag:s4] =	ssyncset.done $0x0  }
0x4a8: {  	[sflag:s4] =	ssyncadd.s32 $0xFFFFF800  }
0x4a9: {  	[tilespmem:s6], [sflag:$0x1] =	stream.indirect.gather [hbm4b:s3+s7], $0x10, s21, s7, $0xb8;
	[tilespmem:$0x3000] =	vst v63  }
0x4aa: {  	_ =	swait.ge [sflag:s8], $0x800  }
0x4ab: {  	s0 =	sld [smem:$0x7C8]  }
0x4ac: {  	[sflag:s8] =	ssyncset.done $0x0  }
0x4ad: {  	[sflag:s8] =	ssyncadd.s32 $0xFFFFF800  }
0x4ae: {  	[hbm4b:s0+s2] =	stream.linear.scatter [tilespmem:s5], [sflag:$0x3], $0x800, $0x38;
	[tilespmem:$0x3000] =	vst v63  }
0x4af: {  	_ =	swait.ge [sflag:s4], $0x800  }
0x4b0: {  	[sflag:s4] =	ssyncset.done $0x0  }
0x4b1: {  	[sflag:s4] =	ssyncadd.s32 $0xFFFFF800  }
0x4b2: {  	[tilespmem:s5], [sflag:$0x2] =	stream.indirect.gather [hbm4b:s3+s7], $0x10, s20, s7, $0xb8;
	[tilespmem:$0x3000] =	vst v63  }
0x4b3: {  	_ =	swait.ge [sflag:s9], $0x800  }
0x4b4: {  	s0 =	sld [smem:$0x7C9]  }
0x4b5: {  	[sflag:s9] =	ssyncset.done $0x0  }
0x4b6: {  	[sflag:s9] =	ssyncadd.s32 $0xFFFFF800  }
0x4b7: {  	[hbm4b:s0+s2] =	stream.linear.scatter [tilespmem:s6], [sflag:$0x3], $0x800, $0x38;
	[tilespmem:$0x3000] =	vst v63  }
0x4b8: {  	_ =	swait.ge [sflag:s4], $0x800  }
0x4b9: {  	[sflag:s4] =	ssyncset.done $0x0  }
0x4ba: {  	[sflag:s4] =	ssyncadd.s32 $0xFFFFF800  }
0x4bb: {  	[tilespmem:s6], [sflag:$0x1] =	stream.indirect.gather [hbm4b:s3+s7], $0x10, s19, s7, $0xb8;
	[tilespmem:$0x3000] =	vst v63  }
0x4bc: {  	_ =	swait.ge [sflag:s8], $0x800  }
0x4bd: {  	s0 =	sld [smem:$0x7CA]  }
0x4be: {  	[sflag:s8] =	ssyncset.done $0x0  }
0x4bf: {  	[sflag:s8] =	ssyncadd.s32 $0xFFFFF800  }
0x4c0: {  	[hbm4b:s0+s2] =	stream.linear.scatter [tilespmem:s5], [sflag:$0x3], $0x800, $0x38;
	[tilespmem:$0x3000] =	vst v63  }
0x4c1: {  	_ =	swait.ge [sflag:s4], $0x800  }
0x4c2: {  	[sflag:s4] =	ssyncset.done $0x0  }
0x4c3: {  	[sflag:s4] =	ssyncadd.s32 $0xFFFFF800  }
0x4c4: {  	[tilespmem:s5], [sflag:$0x2] =	stream.indirect.gather [hbm4b:s3+s7], $0x10, s18, s7, $0xb8;
	[tilespmem:$0x3000] =	vst v63  }
0x4c5: {  	_ =	swait.ge [sflag:s9], $0x800  }
0x4c6: {  	s0 =	sld [smem:$0x7CB]  }
0x4c7: {  	[sflag:s9] =	ssyncset.done $0x0  }
0x4c8: {  	[sflag:s9] =	ssyncadd.s32 $0xFFFFF800  }
0x4c9: {  	[hbm4b:s0+s2] =	stream.linear.scatter [tilespmem:s6], [sflag:$0x3], $0x800, $0x38;
	[tilespmem:$0x3000] =	vst v63  }
0x4ca: {  	_ =	swait.ge [sflag:s4], $0x800  }
0x4cb: {  	[sflag:s4] =	ssyncset.done $0x0  }
0x4cc: {  	[sflag:s4] =	ssyncadd.s32 $0xFFFFF800  }
0x4cd: {  	[tilespmem:s6], [sflag:$0x1] =	stream.indirect.gather [hbm4b:s3+s7], $0x10, s17, s7, $0xb8;
	[tilespmem:$0x3000] =	vst v63  }
0x4ce: {  	_ =	swait.ge [sflag:s8], $0x800  }
0x4cf: {  	s0 =	sld [smem:$0x7CC]  }
0x4d0: {  	[sflag:s8] =	ssyncset.done $0x0  }
0x4d1: {  	[sflag:s8] =	ssyncadd.s32 $0xFFFFF800  }
0x4d2: {  	[hbm4b:s0+s2] =	stream.linear.scatter [tilespmem:s5], [sflag:$0x3], $0x800, $0x38;
	[tilespmem:$0x3000] =	vst v63  }
0x4d3: {  	_ =	swait.ge [sflag:s4], $0x800  }
0x4d4: {  	[sflag:s4] =	ssyncset.done $0x0  }
0x4d5: {  	[sflag:s4] =	ssyncadd.s32 $0xFFFFF800  }
0x4d6: {  	[tilespmem:s5], [sflag:$0x2] =	stream.indirect.gather [hbm4b:s3+s7], $0x10, s16, s7, $0xb8;
	[tilespmem:$0x3000] =	vst v63  }
0x4d7: {  	_ =	swait.ge [sflag:s9], $0x800  }
0x4d8: {  	s0 =	sld [smem:$0x7CD]  }
0x4d9: {  	[sflag:s9] =	ssyncset.done $0x0  }
0x4da: {  	[sflag:s9] =	ssyncadd.s32 $0xFFFFF800  }
0x4db: {  	[hbm4b:s0+s2] =	stream.linear.scatter [tilespmem:s6], [sflag:$0x3], $0x800, $0x38;
	[tilespmem:$0x3000] =	vst v63  }
0x4dc: {  	_ =	swait.ge [sflag:s4], $0x800  }
0x4dd: {  	[sflag:s4] =	ssyncset.done $0x0  }
0x4de: {  	[sflag:s4] =	ssyncadd.s32 $0xFFFFF800  }
0x4df: {  	[tilespmem:s6], [sflag:$0x1] =	stream.indirect.gather [hbm4b:s3+s7], $0x10, s15, s7, $0xb8;
	[tilespmem:$0x3000] =	vst v63  }
0x4e0: {  	_ =	swait.ge [sflag:s8], $0x800  }
0x4e1: {  	s0 =	sld [smem:$0x7CE]  }
0x4e2: {  	[sflag:s8] =	ssyncset.done $0x0  }
0x4e3: {  	[sflag:s8] =	ssyncadd.s32 $0xFFFFF800  }
0x4e4: {  	[hbm4b:s0+s2] =	stream.linear.scatter [tilespmem:s5], [sflag:$0x3], $0x800, $0x38;
	[tilespmem:$0x3000] =	vst v63  }
0x4e5: {  	_ =	swait.ge [sflag:s4], $0x800  }
0x4e6: {  	[sflag:s4] =	ssyncset.done $0x0  }
0x4e7: {  	[sflag:s4] =	ssyncadd.s32 $0xFFFFF800  }
0x4e8: {  	[tilespmem:s5], [sflag:$0x2] =	stream.indirect.gather [hbm4b:s3+s7], $0x10, s14, s7, $0xb8;
	[tilespmem:$0x3000] =	vst v63  }
0x4e9: {  	_ =	swait.ge [sflag:s9], $0x800  }
0x4ea: {  	s0 =	sld [smem:$0x7CF]  }
0x4eb: {  	[sflag:s9] =	ssyncset.done $0x0  }
0x4ec: {  	[sflag:s9] =	ssyncadd.s32 $0xFFFFF800  }
0x4ed: {  	[hbm4b:s0+s2] =	stream.linear.scatter [tilespmem:s6], [sflag:$0x3], $0x800, $0x38;
	[tilespmem:$0x3000] =	vst v63  }
0x4ee: {  	_ =	swait.ge [sflag:s4], $0x800  }
0x4ef: {  	[sflag:s4] =	ssyncset.done $0x0  }
0x4f0: {  	[sflag:s4] =	ssyncadd.s32 $0xFFFFF800  }
0x4f1: {  	[tilespmem:s6], [sflag:$0x1] =	stream.indirect.gather [hbm4b:s3+s7], $0x10, s13, s7, $0xb8;
	[tilespmem:$0x3000] =	vst v63  }
0x4f2: {  	_ =	swait.ge [sflag:s8], $0x800  }
0x4f3: {  	s0 =	sld [smem:$0x7D0]  }
0x4f4: {  	[sflag:s8] =	ssyncset.done $0x0  }
0x4f5: {  	[sflag:s8] =	ssyncadd.s32 $0xFFFFF800  }
0x4f6: {  	[hbm4b:s0+s2] =	stream.linear.scatter [tilespmem:s5], [sflag:$0x3], $0x800, $0x38;
	[tilespmem:$0x3000] =	vst v63  }
0x4f7: {  	_ =	swait.ge [sflag:s4], $0x800  }
0x4f8: {  	[sflag:s4] =	ssyncset.done $0x0  }
0x4f9: {  	[sflag:s4] =	ssyncadd.s32 $0xFFFFF800  }
0x4fa: {  	[tilespmem:s5], [sflag:$0x2] =	stream.indirect.gather [hbm4b:s3+s7], $0x10, s12, s7, $0xb8;
	[tilespmem:$0x3000] =	vst v63  }
0x4fb: {  	_ =	swait.ge [sflag:s9], $0x800  }
0x4fc: {  	s0 =	sld [smem:$0x7D1]  }
0x4fd: {  	[sflag:s9] =	ssyncset.done $0x0  }
0x4fe: {  	[sflag:s9] =	ssyncadd.s32 $0xFFFFF800  }
0x4ff: {  	[hbm4b:s0+s2] =	stream.linear.scatter [tilespmem:s6], [sflag:$0x3], $0x800, $0x38;
	[tilespmem:$0x3000] =	vst v63  }
0x500: {  	_ =	swait.ge [sflag:s4], $0x800  }
0x501: {  	[sflag:s4] =	ssyncset.done $0x0  }
0x502: {  	[sflag:s4] =	ssyncadd.s32 $0xFFFFF800  }
0x503: {  	[tilespmem:s6], [sflag:$0x1] =	stream.indirect.gather [hbm4b:s3+s7], $0x10, s11, s7, $0xb8;
	[tilespmem:$0x3000] =	vst v63  }
0x504: {  	_ =	swait.ge [sflag:s8], $0x800  }
0x505: {  	s0 =	sld [smem:$0x7D2]  }
0x506: {  	[sflag:s8] =	ssyncset.done $0x0  }
0x507: {  	[sflag:s8] =	ssyncadd.s32 $0xFFFFF800  }
0x508: {  	[hbm4b:s0+s2] =	stream.linear.scatter [tilespmem:s5], [sflag:$0x3], $0x800, $0x38;
	[tilespmem:$0x3000] =	vst v63  }
0x509: {  	_ =	swait.ge [sflag:s4], $0x800  }
0x50a: {  	[sflag:s4] =	ssyncset.done $0x0  }
0x50b: {  	[sflag:s4] =	ssyncadd.s32 $0xFFFFF800  }
0x50c: {  	[tilespmem:s5], [sflag:$0x2] =	stream.indirect.gather [hbm4b:s3+s7], $0x10, s10, s7, $0xb8;
	[tilespmem:$0x3000] =	vst v63  }
0x50d: {  	_ =	swait.ge [sflag:s9], $0x800  }
0x50e: {  	s0 =	sld [smem:$0x7D3]  }
0x50f: {  	[sflag:s9] =	ssyncset.done $0x0  }
0x510: {  	[sflag:s9] =	ssyncadd.s32 $0xFFFFF800  }
0x511: {  	[hbm4b:s0+s2] =	stream.linear.scatter [tilespmem:s6], [sflag:$0x3], $0x800, $0x38;
	[tilespmem:$0x3000] =	vst v63  }
0x512: {  	_ =	swait.ge [sflag:s4], $0x800  }
0x513: {  	[sflag:s4] =	ssyncset.done $0x0  }
0x514: {  	[sflag:s4] =	ssyncadd.s32 $0xFFFFF800  }
0x515: {  	_ =	swait.ge [sflag:s8], $0x800  }
0x516: {  	p1 =	sne.s32 s1, $0x1;
	s0 =	sld [smem:$0x7D4]  }
.Ltmp2:
0x517: {  	[sflag:s8] =	ssyncset.done $0x0;
	(pc) =	sbr.rel @p1 .LBB2_2-.Ltmp2, $4  }
0x518: {  	[sflag:s8] =	ssyncadd.s32 $0xFFFFF800  }
0x519: {  	[hbm4b:s0+s2] =	stream.linear.scatter [tilespmem:s5], [sflag:$0x3], $0x800, $0x38;
	[tilespmem:$0x3000] =	vst v63  }
0x51a: {  	_ =	swait.ge [sflag:s4], $0x800  }
0x51b: {  	s1 =	sadd.s32 $0xFFFFFFFF, s1;
	s0 =	rddreg [dreg:$0x3];
	[sflag:s4] =	ssyncset.done $0x0  }
.LBB2_3:
0x51c: {  	[sflag:s4] =	ssyncadd.s32 @p0 $0xFFFFF800  }
0x51d: {  	[tilespmem:s2], [sflag:$0x3] =	stream.linear.gather [hbm4b:s0+s2], $0x2000, $0x38;
	[tilespmem:$0x3000] =	vst v63  }
0x51e: {  	_ =	swait.ge [sflag:s4], $0x2000  }
0x51f: {  	[sflag:s4] =	ssyncset.done $0x0  }
0x520: {  	[sflag:s4] =	ssyncadd.s32 $0xFFFFE000  }
0x521: {  	[tilespmem:s6], [sflag:$0x1] =	stream.indirect.gather [hbm4b:s3+s7], $0x10, s2, s7, $0xb8;
	[tilespmem:$0x3000] =	vst v63  }
0x522: {  	_ = 	snop  }
0x523: {  	[tilespmem:s5], [sflag:$0x2] =	stream.indirect.gather [hbm4b:s3+s7], $0x10, s7, s7, $0xb8;
	[tilespmem:$0x3000] =	vst v63  }
0x524: {  	_ =	swait.ge [sflag:s9], $0x800  }
0x525: {  	[sflag:s9] =	ssyncset.done $0x0  }
0x526: {  	s1 =	rddreg [dreg:$0x4];
	[sflag:s9] =	ssyncadd.s32 $0xFFFFF800  }
0x527: {  	[hbm4b:s1+s2] =	stream.linear.scatter [tilespmem:s6], [sflag:$0x3], $0x800, $0x38;
	[tilespmem:$0x3000] =	vst v63  }
0x528: {  	_ =	swait.ge [sflag:s4], $0x800  }
0x529: {  	s1 =	sld [smem:$0x7D5]  }
0x52a: {  	[sflag:s4] =	ssyncset.done $0x0  }
0x52b: {  	[sflag:s4] =	ssyncadd.s32 $0xFFFFF800  }
0x52c: {  	[tilespmem:s6], [sflag:$0x1] =	stream.indirect.gather [hbm4b:s3+s7], $0x10, s1, s7, $0xb8;
	[tilespmem:$0x3000] =	vst v63  }
0x52d: {  	_ =	swait.ge [sflag:s8], $0x800  }
0x52e: {  	[sflag:s8] =	ssyncset.done $0x0  }
0x52f: {  	s1 =	rddreg [dreg:$0x5];
	[sflag:s8] =	ssyncadd.s32 $0xFFFFF800  }
0x530: {  	[hbm4b:s1+s2] =	stream.linear.scatter [tilespmem:s5], [sflag:$0x3], $0x800, $0x38;
	[tilespmem:$0x3000] =	vst v63  }
0x531: {  	_ =	swait.ge [sflag:s4], $0x800  }
0x532: {  	s1 =	sld [smem:$0x7D6]  }
0x533: {  	[sflag:s4] =	ssyncset.done $0x0  }
0x534: {  	[sflag:s4] =	ssyncadd.s32 $0xFFFFF800  }
0x535: {  	[tilespmem:s5], [sflag:$0x2] =	stream.indirect.gather [hbm4b:s3+s7], $0x10, s1, s7, $0xb8;
	[tilespmem:$0x3000] =	vst v63  }
0x536: {  	_ =	swait.ge [sflag:s9], $0x800  }
0x537: {  	[sflag:s9] =	ssyncset.done $0x0  }
0x538: {  	s1 =	rddreg [dreg:$0x6];
	[sflag:s9] =	ssyncadd.s32 $0xFFFFF800  }
0x539: {  	[hbm4b:s1+s2] =	stream.linear.scatter [tilespmem:s6], [sflag:$0x3], $0x800, $0x38;
	[tilespmem:$0x3000] =	vst v63  }
0x53a: {  	_ =	swait.ge [sflag:s4], $0x800  }
0x53b: {  	s1 =	sld [smem:$0x7D7]  }
0x53c: {  	[sflag:s4] =	ssyncset.done $0x0  }
0x53d: {  	[sflag:s4] =	ssyncadd.s32 $0xFFFFF800  }
0x53e: {  	[tilespmem:s6], [sflag:$0x1] =	stream.indirect.gather [hbm4b:s3+s7], $0x10, s1, s7, $0xb8;
	[tilespmem:$0x3000] =	vst v63  }
0x53f: {  	_ =	swait.ge [sflag:s8], $0x800  }
0x540: {  	[sflag:s8] =	ssyncset.done $0x0  }
0x541: {  	s1 =	rddreg [dreg:$0x7];
	[sflag:s8] =	ssyncadd.s32 $0xFFFFF800  }
0x542: {  	[hbm4b:s1+s2] =	stream.linear.scatter [tilespmem:s5], [sflag:$0x3], $0x800, $0x38;
	[tilespmem:$0x3000] =	vst v63  }
0x543: {  	_ =	swait.ge [sflag:s4], $0x800  }
0x544: {  	s1 =	sld [smem:$0x7D8]  }
0x545: {  	[sflag:s4] =	ssyncset.done $0x0  }
0x546: {  	[sflag:s4] =	ssyncadd.s32 $0xFFFFF800  }
0x547: {  	[tilespmem:s5], [sflag:$0x2] =	stream.indirect.gather [hbm4b:s3+s7], $0x10, s1, s7, $0xb8;
	[tilespmem:$0x3000] =	vst v63  }
0x548: {  	_ =	swait.ge [sflag:s9], $0x800  }
0x549: {  	[sflag:s9] =	ssyncset.done $0x0  }
0x54a: {  	s1 =	rddreg [dreg:$0x8];
	[sflag:s9] =	ssyncadd.s32 $0xFFFFF800  }
0x54b: {  	[hbm4b:s1+s2] =	stream.linear.scatter [tilespmem:s6], [sflag:$0x3], $0x800, $0x38;
	[tilespmem:$0x3000] =	vst v63  }
0x54c: {  	_ =	swait.ge [sflag:s4], $0x800  }
0x54d: {  	s1 =	sld [smem:$0x7D9]  }
0x54e: {  	[sflag:s4] =	ssyncset.done $0x0  }
0x54f: {  	[sflag:s4] =	ssyncadd.s32 $0xFFFFF800  }
0x550: {  	[tilespmem:s6], [sflag:$0x1] =	stream.indirect.gather [hbm4b:s3+s7], $0x10, s1, s7, $0xb8;
	[tilespmem:$0x3000] =	vst v63  }
0x551: {  	_ =	swait.ge [sflag:s8], $0x800  }
0x552: {  	[sflag:s8] =	ssyncset.done $0x0  }
0x553: {  	s1 =	rddreg [dreg:$0x9];
	[sflag:s8] =	ssyncadd.s32 $0xFFFFF800  }
0x554: {  	[hbm4b:s1+s2] =	stream.linear.scatter [tilespmem:s5], [sflag:$0x3], $0x800, $0x38;
	[tilespmem:$0x3000] =	vst v63  }
0x555: {  	_ =	swait.ge [sflag:s4], $0x800  }
0x556: {  	s1 =	sld [smem:$0x7DA]  }
0x557: {  	[sflag:s4] =	ssyncset.done $0x0  }
0x558: {  	[sflag:s4] =	ssyncadd.s32 $0xFFFFF800  }
0x559: {  	[tilespmem:s5], [sflag:$0x2] =	stream.indirect.gather [hbm4b:s3+s7], $0x10, s1, s7, $0xb8;
	[tilespmem:$0x3000] =	vst v63  }
0x55a: {  	_ =	swait.ge [sflag:s9], $0x800  }
0x55b: {  	[sflag:s9] =	ssyncset.done $0x0  }
0x55c: {  	s1 =	rddreg [dreg:$0xa];
	[sflag:s9] =	ssyncadd.s32 $0xFFFFF800  }
0x55d: {  	[hbm4b:s1+s2] =	stream.linear.scatter [tilespmem:s6], [sflag:$0x3], $0x800, $0x38;
	[tilespmem:$0x3000] =	vst v63  }
0x55e: {  	_ =	swait.ge [sflag:s4], $0x800  }
0x55f: {  	s1 =	sld [smem:$0x7DB]  }
0x560: {  	[sflag:s4] =	ssyncset.done $0x0  }
0x561: {  	[sflag:s4] =	ssyncadd.s32 $0xFFFFF800  }
0x562: {  	[tilespmem:s6], [sflag:$0x1] =	stream.indirect.gather [hbm4b:s3+s7], $0x10, s1, s7, $0xb8;
	[tilespmem:$0x3000] =	vst v63  }
0x563: {  	_ =	swait.ge [sflag:s8], $0x800  }
0x564: {  	[sflag:s8] =	ssyncset.done $0x0  }
0x565: {  	s1 =	rddreg [dreg:$0xb];
	[sflag:s8] =	ssyncadd.s32 $0xFFFFF800  }
0x566: {  	[hbm4b:s1+s2] =	stream.linear.scatter [tilespmem:s5], [sflag:$0x3], $0x800, $0x38;
	[tilespmem:$0x3000] =	vst v63  }
0x567: {  	_ =	swait.ge [sflag:s4], $0x800  }
0x568: {  	s1 =	sld [smem:$0x7DC]  }
0x569: {  	[sflag:s4] =	ssyncset.done $0x0  }
0x56a: {  	[sflag:s4] =	ssyncadd.s32 $0xFFFFF800  }
0x56b: {  	[tilespmem:s5], [sflag:$0x2] =	stream.indirect.gather [hbm4b:s3+s7], $0x10, s1, s7, $0xb8;
	[tilespmem:$0x3000] =	vst v63  }
0x56c: {  	_ =	swait.ge [sflag:s9], $0x800  }
0x56d: {  	[sflag:s9] =	ssyncset.done $0x0  }
0x56e: {  	s1 =	rddreg [dreg:$0xc];
	[sflag:s9] =	ssyncadd.s32 $0xFFFFF800  }
0x56f: {  	[hbm4b:s1+s2] =	stream.linear.scatter [tilespmem:s6], [sflag:$0x3], $0x800, $0x38;
	[tilespmem:$0x3000] =	vst v63  }
0x570: {  	_ =	swait.ge [sflag:s4], $0x800  }
0x571: {  	s1 =	sld [smem:$0x7DD]  }
0x572: {  	[sflag:s4] =	ssyncset.done $0x0  }
0x573: {  	[sflag:s4] =	ssyncadd.s32 $0xFFFFF800  }
0x574: {  	[tilespmem:s6], [sflag:$0x1] =	stream.indirect.gather [hbm4b:s3+s7], $0x10, s1, s7, $0xb8;
	[tilespmem:$0x3000] =	vst v63  }
0x575: {  	_ =	swait.ge [sflag:s8], $0x800  }
0x576: {  	[sflag:s8] =	ssyncset.done $0x0  }
0x577: {  	s1 =	rddreg [dreg:$0xd];
	[sflag:s8] =	ssyncadd.s32 $0xFFFFF800  }
0x578: {  	[hbm4b:s1+s2] =	stream.linear.scatter [tilespmem:s5], [sflag:$0x3], $0x800, $0x38;
	[tilespmem:$0x3000] =	vst v63  }
0x579: {  	_ =	swait.ge [sflag:s4], $0x800  }
0x57a: {  	s1 =	sld [smem:$0x7DE]  }
0x57b: {  	[sflag:s4] =	ssyncset.done $0x0  }
0x57c: {  	[sflag:s4] =	ssyncadd.s32 $0xFFFFF800  }
0x57d: {  	[tilespmem:s5], [sflag:$0x2] =	stream.indirect.gather [hbm4b:s3+s7], $0x10, s1, s7, $0xb8;
	[tilespmem:$0x3000] =	vst v63  }
0x57e: {  	_ =	swait.ge [sflag:s9], $0x800  }
0x57f: {  	[sflag:s9] =	ssyncset.done $0x0  }
0x580: {  	s1 =	rddreg [dreg:$0xe];
	[sflag:s9] =	ssyncadd.s32 $0xFFFFF800  }
0x581: {  	[hbm4b:s1+s2] =	stream.linear.scatter [tilespmem:s6], [sflag:$0x3], $0x800, $0x38;
	[tilespmem:$0x3000] =	vst v63  }
0x582: {  	_ =	swait.ge [sflag:s4], $0x800  }
0x583: {  	s1 =	sld [smem:$0x7DF]  }
0x584: {  	[sflag:s4] =	ssyncset.done $0x0  }
0x585: {  	[sflag:s4] =	ssyncadd.s32 $0xFFFFF800  }
0x586: {  	[tilespmem:s6], [sflag:$0x1] =	stream.indirect.gather [hbm4b:s3+s7], $0x10, s1, s7, $0xb8;
	[tilespmem:$0x3000] =	vst v63  }
0x587: {  	_ =	swait.ge [sflag:s8], $0x800  }
0x588: {  	[sflag:s8] =	ssyncset.done $0x0  }
0x589: {  	s1 =	rddreg [dreg:$0xf];
	[sflag:s8] =	ssyncadd.s32 $0xFFFFF800  }
0x58a: {  	[hbm4b:s1+s2] =	stream.linear.scatter [tilespmem:s5], [sflag:$0x3], $0x800, $0x38;
	[tilespmem:$0x3000] =	vst v63  }
0x58b: {  	_ =	swait.ge [sflag:s4], $0x800  }
0x58c: {  	s1 =	sld [smem:$0x7E0]  }
0x58d: {  	[sflag:s4] =	ssyncset.done $0x0  }
0x58e: {  	[sflag:s4] =	ssyncadd.s32 $0xFFFFF800  }
0x58f: {  	[tilespmem:s5], [sflag:$0x2] =	stream.indirect.gather [hbm4b:s3+s7], $0x10, s1, s7, $0xb8;
	[tilespmem:$0x3000] =	vst v63  }
0x590: {  	_ =	swait.ge [sflag:s9], $0x800  }
0x591: {  	[sflag:s9] =	ssyncset.done $0x0  }
0x592: {  	s1 =	rddreg [dreg:$0x10];
	[sflag:s9] =	ssyncadd.s32 $0xFFFFF800  }
0x593: {  	[hbm4b:s1+s2] =	stream.linear.scatter [tilespmem:s6], [sflag:$0x3], $0x800, $0x38;
	[tilespmem:$0x3000] =	vst v63  }
0x594: {  	_ =	swait.ge [sflag:s4], $0x800  }
0x595: {  	s1 =	sld [smem:$0x7E1]  }
0x596: {  	[sflag:s4] =	ssyncset.done $0x0  }
0x597: {  	[sflag:s4] =	ssyncadd.s32 $0xFFFFF800  }
0x598: {  	[tilespmem:s6], [sflag:$0x1] =	stream.indirect.gather [hbm4b:s3+s7], $0x10, s1, s7, $0xb8;
	[tilespmem:$0x3000] =	vst v63  }
0x599: {  	_ =	swait.ge [sflag:s8], $0x800  }
0x59a: {  	[sflag:s8] =	ssyncset.done $0x0  }
0x59b: {  	s1 =	rddreg [dreg:$0x11];
	[sflag:s8] =	ssyncadd.s32 $0xFFFFF800  }
0x59c: {  	[hbm4b:s1+s2] =	stream.linear.scatter [tilespmem:s5], [sflag:$0x3], $0x800, $0x38;
	[tilespmem:$0x3000] =	vst v63  }
0x59d: {  	_ =	swait.ge [sflag:s4], $0x800  }
0x59e: {  	s1 =	sld [smem:$0x7E2]  }
0x59f: {  	[sflag:s4] =	ssyncset.done $0x0  }
0x5a0: {  	[sflag:s4] =	ssyncadd.s32 $0xFFFFF800  }
0x5a1: {  	[tilespmem:s5], [sflag:$0x2] =	stream.indirect.gather [hbm4b:s3+s7], $0x10, s1, s7, $0xb8;
	[tilespmem:$0x3000] =	vst v63  }
0x5a2: {  	_ =	swait.ge [sflag:s9], $0x800  }
0x5a3: {  	[sflag:s9] =	ssyncset.done $0x0  }
0x5a4: {  	s1 =	rddreg [dreg:$0x12];
	[sflag:s9] =	ssyncadd.s32 $0xFFFFF800  }
0x5a5: {  	[hbm4b:s1+s2] =	stream.linear.scatter [tilespmem:s6], [sflag:$0x3], $0x800, $0x38;
	[tilespmem:$0x3000] =	vst v63  }
0x5a6: {  	_ =	swait.ge [sflag:s4], $0x800  }
0x5a7: {  	s1 =	sld [smem:$0x7E3]  }
0x5a8: {  	[sflag:s4] =	ssyncset.done $0x0  }
0x5a9: {  	[sflag:s4] =	ssyncadd.s32 $0xFFFFF800  }
0x5aa: {  	[tilespmem:s6], [sflag:$0x1] =	stream.indirect.gather [hbm4b:s3+s7], $0x10, s1, s7, $0xb8;
	[tilespmem:$0x3000] =	vst v63  }
0x5ab: {  	_ =	swait.ge [sflag:s8], $0x800  }
0x5ac: {  	[sflag:s8] =	ssyncset.done $0x0  }
0x5ad: {  	s1 =	rddreg [dreg:$0x13];
	[sflag:s8] =	ssyncadd.s32 $0xFFFFF800  }
0x5ae: {  	[hbm4b:s1+s2] =	stream.linear.scatter [tilespmem:s5], [sflag:$0x3], $0x800, $0x38;
	[tilespmem:$0x3000] =	vst v63  }
0x5af: {  	_ =	swait.ge [sflag:s4], $0x800  }
0x5b0: {  	s1 =	sld [smem:$0x7E4]  }
0x5b1: {  	[sflag:s4] =	ssyncset.done $0x0  }
0x5b2: {  	[sflag:s4] =	ssyncadd.s32 $0xFFFFF800  }
0x5b3: {  	[tilespmem:s5], [sflag:$0x2] =	stream.indirect.gather [hbm4b:s3+s7], $0x10, s1, s7, $0xb8;
	[tilespmem:$0x3000] =	vst v63  }
0x5b4: {  	_ =	swait.ge [sflag:s9], $0x800  }
0x5b5: {  	[sflag:s9] =	ssyncset.done $0x0  }
0x5b6: {  	s1 =	rddreg [dreg:$0x14];
	[sflag:s9] =	ssyncadd.s32 $0xFFFFF800  }
0x5b7: {  	[hbm4b:s1+s2] =	stream.linear.scatter [tilespmem:s6], [sflag:$0x3], $0x800, $0x38;
	[tilespmem:$0x3000] =	vst v63  }
0x5b8: {  	_ =	swait.ge [sflag:s4], $0x800  }
0x5b9: {  	s1 =	sld [smem:$0x7E5]  }
0x5ba: {  	[sflag:s4] =	ssyncset.done $0x0  }
0x5bb: {  	[sflag:s4] =	ssyncadd.s32 $0xFFFFF800  }
0x5bc: {  	[tilespmem:s6], [sflag:$0x1] =	stream.indirect.gather [hbm4b:s3+s7], $0x10, s1, s7, $0xb8;
	[tilespmem:$0x3000] =	vst v63  }
0x5bd: {  	_ =	swait.ge [sflag:s8], $0x800  }
0x5be: {  	[sflag:s8] =	ssyncset.done $0x0  }
0x5bf: {  	s1 =	rddreg [dreg:$0x15];
	[sflag:s8] =	ssyncadd.s32 $0xFFFFF800  }
0x5c0: {  	[hbm4b:s1+s2] =	stream.linear.scatter [tilespmem:s5], [sflag:$0x3], $0x800, $0x38;
	[tilespmem:$0x3000] =	vst v63  }
0x5c1: {  	_ =	swait.ge [sflag:s4], $0x800  }
0x5c2: {  	s1 =	sld [smem:$0x7E6]  }
0x5c3: {  	[sflag:s4] =	ssyncset.done $0x0  }
0x5c4: {  	[sflag:s4] =	ssyncadd.s32 $0xFFFFF800  }
0x5c5: {  	[tilespmem:s5], [sflag:$0x2] =	stream.indirect.gather [hbm4b:s3+s7], $0x10, s1, s7, $0xb8;
	[tilespmem:$0x3000] =	vst v63  }
0x5c6: {  	_ =	swait.ge [sflag:s9], $0x800  }
0x5c7: {  	[sflag:s9] =	ssyncset.done $0x0  }
0x5c8: {  	s1 =	rddreg [dreg:$0x16];
	[sflag:s9] =	ssyncadd.s32 $0xFFFFF800  }
0x5c9: {  	[hbm4b:s1+s2] =	stream.linear.scatter [tilespmem:s6], [sflag:$0x3], $0x800, $0x38;
	[tilespmem:$0x3000] =	vst v63  }
0x5ca: {  	_ =	swait.ge [sflag:s4], $0x800  }
0x5cb: {  	s1 =	sld [smem:$0x7E7]  }
0x5cc: {  	[sflag:s4] =	ssyncset.done $0x0  }
0x5cd: {  	[sflag:s4] =	ssyncadd.s32 $0xFFFFF800  }
0x5ce: {  	[tilespmem:s6], [sflag:$0x1] =	stream.indirect.gather [hbm4b:s3+s7], $0x10, s1, s7, $0xb8;
	[tilespmem:$0x3000] =	vst v63  }
0x5cf: {  	_ =	swait.ge [sflag:s8], $0x800  }
0x5d0: {  	[sflag:s8] =	ssyncset.done $0x0  }
0x5d1: {  	s1 =	rddreg [dreg:$0x17];
	[sflag:s8] =	ssyncadd.s32 $0xFFFFF800  }
0x5d2: {  	[hbm4b:s1+s2] =	stream.linear.scatter [tilespmem:s5], [sflag:$0x3], $0x800, $0x38;
	[tilespmem:$0x3000] =	vst v63  }
0x5d3: {  	_ =	swait.ge [sflag:s4], $0x800  }
0x5d4: {  	s1 =	sld [smem:$0x7E8]  }
0x5d5: {  	[sflag:s4] =	ssyncset.done $0x0  }
0x5d6: {  	[sflag:s4] =	ssyncadd.s32 $0xFFFFF800  }
0x5d7: {  	[tilespmem:s5], [sflag:$0x2] =	stream.indirect.gather [hbm4b:s3+s7], $0x10, s1, s7, $0xb8;
	[tilespmem:$0x3000] =	vst v63  }
0x5d8: {  	_ =	swait.ge [sflag:s9], $0x800  }
0x5d9: {  	[sflag:s9] =	ssyncset.done $0x0  }
0x5da: {  	s1 =	rddreg [dreg:$0x18];
	[sflag:s9] =	ssyncadd.s32 $0xFFFFF800  }
0x5db: {  	[hbm4b:s1+s2] =	stream.linear.scatter [tilespmem:s6], [sflag:$0x3], $0x800, $0x38;
	[tilespmem:$0x3000] =	vst v63  }
0x5dc: {  	_ =	swait.ge [sflag:s4], $0x800  }
0x5dd: {  	s1 =	sld [smem:$0x7E9]  }
0x5de: {  	[sflag:s4] =	ssyncset.done $0x0  }
0x5df: {  	[sflag:s4] =	ssyncadd.s32 $0xFFFFF800  }
0x5e0: {  	[tilespmem:s6], [sflag:$0x1] =	stream.indirect.gather [hbm4b:s3+s7], $0x10, s1, s7, $0xb8;
	[tilespmem:$0x3000] =	vst v63  }
0x5e1: {  	_ =	swait.ge [sflag:s8], $0x800  }
0x5e2: {  	[sflag:s8] =	ssyncset.done $0x0  }
0x5e3: {  	s1 =	rddreg [dreg:$0x19];
	[sflag:s8] =	ssyncadd.s32 $0xFFFFF800  }
0x5e4: {  	[hbm4b:s1+s2] =	stream.linear.scatter [tilespmem:s5], [sflag:$0x3], $0x800, $0x38;
	[tilespmem:$0x3000] =	vst v63  }
0x5e5: {  	_ =	swait.ge [sflag:s4], $0x800  }
0x5e6: {  	s1 =	sld [smem:$0x7EA]  }
0x5e7: {  	[sflag:s4] =	ssyncset.done $0x0  }
0x5e8: {  	[sflag:s4] =	ssyncadd.s32 $0xFFFFF800  }
0x5e9: {  	[tilespmem:s5], [sflag:$0x2] =	stream.indirect.gather [hbm4b:s3+s7], $0x10, s1, s7, $0xb8;
	[tilespmem:$0x3000] =	vst v63  }
0x5ea: {  	_ =	swait.ge [sflag:s9], $0x800  }
0x5eb: {  	[sflag:s9] =	ssyncset.done $0x0  }
0x5ec: {  	s1 =	rddreg [dreg:$0x1a];
	[sflag:s9] =	ssyncadd.s32 $0xFFFFF800  }
0x5ed: {  	[hbm4b:s1+s2] =	stream.linear.scatter [tilespmem:s6], [sflag:$0x3], $0x800, $0x38;
	[tilespmem:$0x3000] =	vst v63  }
0x5ee: {  	_ =	swait.ge [sflag:s4], $0x800  }
0x5ef: {  	s1 =	sld [smem:$0x7EB]  }
0x5f0: {  	[sflag:s4] =	ssyncset.done $0x0  }
0x5f1: {  	[sflag:s4] =	ssyncadd.s32 $0xFFFFF800  }
0x5f2: {  	[tilespmem:s6], [sflag:$0x1] =	stream.indirect.gather [hbm4b:s3+s7], $0x10, s1, s7, $0xb8;
	[tilespmem:$0x3000] =	vst v63  }
0x5f3: {  	_ =	swait.ge [sflag:s8], $0x800  }
0x5f4: {  	[sflag:s8] =	ssyncset.done $0x0  }
0x5f5: {  	s1 =	rddreg [dreg:$0x1b];
	[sflag:s8] =	ssyncadd.s32 $0xFFFFF800  }
0x5f6: {  	[hbm4b:s1+s2] =	stream.linear.scatter [tilespmem:s5], [sflag:$0x3], $0x800, $0x38;
	[tilespmem:$0x3000] =	vst v63  }
0x5f7: {  	_ =	swait.ge [sflag:s4], $0x800  }
0x5f8: {  	s1 =	sld [smem:$0x7EC]  }
0x5f9: {  	[sflag:s4] =	ssyncset.done $0x0  }
0x5fa: {  	[sflag:s4] =	ssyncadd.s32 $0xFFFFF800  }
0x5fb: {  	[tilespmem:s5], [sflag:$0x2] =	stream.indirect.gather [hbm4b:s3+s7], $0x10, s1, s7, $0xb8;
	[tilespmem:$0x3000] =	vst v63  }
0x5fc: {  	_ =	swait.ge [sflag:s9], $0x800  }
0x5fd: {  	[sflag:s9] =	ssyncset.done $0x0  }
0x5fe: {  	s1 =	rddreg [dreg:$0x1c];
	[sflag:s9] =	ssyncadd.s32 $0xFFFFF800  }
0x5ff: {  	[hbm4b:s1+s2] =	stream.linear.scatter [tilespmem:s6], [sflag:$0x3], $0x800, $0x38;
	[tilespmem:$0x3000] =	vst v63  }
0x600: {  	_ =	swait.ge [sflag:s4], $0x800  }
0x601: {  	s1 =	sld [smem:$0x7ED]  }
0x602: {  	[sflag:s4] =	ssyncset.done $0x0  }
0x603: {  	[sflag:s4] =	ssyncadd.s32 $0xFFFFF800  }
0x604: {  	[tilespmem:s6], [sflag:$0x1] =	stream.indirect.gather [hbm4b:s3+s7], $0x10, s1, s7, $0xb8;
	[tilespmem:$0x3000] =	vst v63  }
0x605: {  	_ =	swait.ge [sflag:s8], $0x800  }
0x606: {  	[sflag:s8] =	ssyncset.done $0x0  }
0x607: {  	s1 =	rddreg [dreg:$0x1d];
	[sflag:s8] =	ssyncadd.s32 $0xFFFFF800  }
0x608: {  	[hbm4b:s1+s2] =	stream.linear.scatter [tilespmem:s5], [sflag:$0x3], $0x800, $0x38;
	[tilespmem:$0x3000] =	vst v63  }
0x609: {  	_ =	swait.ge [sflag:s4], $0x800  }
0x60a: {  	s1 =	sld [smem:$0x7EE]  }
0x60b: {  	[sflag:s4] =	ssyncset.done $0x0  }
0x60c: {  	[sflag:s4] =	ssyncadd.s32 $0xFFFFF800  }
0x60d: {  	[tilespmem:s5], [sflag:$0x2] =	stream.indirect.gather [hbm4b:s3+s7], $0x10, s1, s7, $0xb8;
	[tilespmem:$0x3000] =	vst v63  }
0x60e: {  	_ =	swait.ge [sflag:s9], $0x800  }
0x60f: {  	[sflag:s9] =	ssyncset.done $0x0  }
0x610: {  	s1 =	rddreg [dreg:$0x1e];
	[sflag:s9] =	ssyncadd.s32 $0xFFFFF800  }
0x611: {  	[hbm4b:s1+s2] =	stream.linear.scatter [tilespmem:s6], [sflag:$0x3], $0x800, $0x38;
	[tilespmem:$0x3000] =	vst v63  }
0x612: {  	_ =	swait.ge [sflag:s4], $0x800  }
0x613: {  	s1 =	sld [smem:$0x7EF]  }
0x614: {  	[sflag:s4] =	ssyncset.done $0x0  }
0x615: {  	[sflag:s4] =	ssyncadd.s32 $0xFFFFF800  }
0x616: {  	[tilespmem:s6], [sflag:$0x1] =	stream.indirect.gather [hbm4b:s3+s7], $0x10, s1, s7, $0xb8;
	[tilespmem:$0x3000] =	vst v63  }
0x617: {  	_ =	swait.ge [sflag:s8], $0x800  }
0x618: {  	[sflag:s8] =	ssyncset.done $0x0  }
0x619: {  	s1 =	rddreg [dreg:$0x1f];
	[sflag:s8] =	ssyncadd.s32 $0xFFFFF800  }
0x61a: {  	[hbm4b:s1+s2] =	stream.linear.scatter [tilespmem:s5], [sflag:$0x3], $0x800, $0x38;
	[tilespmem:$0x3000] =	vst v63  }
0x61b: {  	_ =	swait.ge [sflag:s4], $0x800  }
0x61c: {  	s1 =	sld [smem:$0x7F0]  }
0x61d: {  	[sflag:s4] =	ssyncset.done $0x0  }
0x61e: {  	[sflag:s4] =	ssyncadd.s32 $0xFFFFF800  }
0x61f: {  	[tilespmem:s5], [sflag:$0x2] =	stream.indirect.gather [hbm4b:s3+s7], $0x10, s1, s7, $0xb8;
	[tilespmem:$0x3000] =	vst v63  }
0x620: {  	_ =	swait.ge [sflag:s9], $0x800  }
0x621: {  	s1 =	sld [smem:$0x7B1]  }
0x622: {  	[sflag:s9] =	ssyncset.done $0x0  }
0x623: {  	[sflag:s9] =	ssyncadd.s32 $0xFFFFF800  }
0x624: {  	[hbm4b:s1+s2] =	stream.linear.scatter [tilespmem:s6], [sflag:$0x3], $0x800, $0x38;
	[tilespmem:$0x3000] =	vst v63  }
0x625: {  	_ =	swait.ge [sflag:s4], $0x800  }
0x626: {  	s1 =	sld [smem:$0x7F1]  }
0x627: {  	[sflag:s4] =	ssyncset.done $0x0  }
0x628: {  	[sflag:s4] =	ssyncadd.s32 $0xFFFFF800  }
0x629: {  	[tilespmem:s6], [sflag:$0x1] =	stream.indirect.gather [hbm4b:s3+s7], $0x10, s1, s7, $0xb8;
	[tilespmem:$0x3000] =	vst v63  }
0x62a: {  	_ =	swait.ge [sflag:s8], $0x800  }
0x62b: {  	s1 =	sld [smem:$0x7B2]  }
0x62c: {  	[sflag:s8] =	ssyncset.done $0x0  }
0x62d: {  	[sflag:s8] =	ssyncadd.s32 $0xFFFFF800  }
0x62e: {  	[hbm4b:s1+s2] =	stream.linear.scatter [tilespmem:s5], [sflag:$0x3], $0x800, $0x38;
	[tilespmem:$0x3000] =	vst v63  }
0x62f: {  	_ =	swait.ge [sflag:s4], $0x800  }
0x630: {  	s1 =	sld [smem:$0x7F2]  }
0x631: {  	[sflag:s4] =	ssyncset.done $0x0  }
0x632: {  	[sflag:s4] =	ssyncadd.s32 $0xFFFFF800  }
0x633: {  	[tilespmem:s5], [sflag:$0x2] =	stream.indirect.gather [hbm4b:s3+s7], $0x10, s1, s7, $0xb8;
	[tilespmem:$0x3000] =	vst v63  }
0x634: {  	_ =	swait.ge [sflag:s9], $0x800  }
0x635: {  	s1 =	sld [smem:$0x7B3]  }
0x636: {  	[sflag:s9] =	ssyncset.done $0x0  }
0x637: {  	[sflag:s9] =	ssyncadd.s32 $0xFFFFF800  }
0x638: {  	[hbm4b:s1+s2] =	stream.linear.scatter [tilespmem:s6], [sflag:$0x3], $0x800, $0x38;
	[tilespmem:$0x3000] =	vst v63  }
0x639: {  	_ =	swait.ge [sflag:s4], $0x800  }
0x63a: {  	s1 =	sld [smem:$0x7F3]  }
0x63b: {  	[sflag:s4] =	ssyncset.done $0x0  }
0x63c: {  	[sflag:s4] =	ssyncadd.s32 $0xFFFFF800  }
0x63d: {  	[tilespmem:s6], [sflag:$0x1] =	stream.indirect.gather [hbm4b:s3+s7], $0x10, s1, s7, $0xb8;
	[tilespmem:$0x3000] =	vst v63  }
0x63e: {  	_ =	swait.ge [sflag:s8], $0x800  }
0x63f: {  	s1 =	sld [smem:$0x7B4]  }
0x640: {  	[sflag:s8] =	ssyncset.done $0x0  }
0x641: {  	[sflag:s8] =	ssyncadd.s32 $0xFFFFF800  }
0x642: {  	[hbm4b:s1+s2] =	stream.linear.scatter [tilespmem:s5], [sflag:$0x3], $0x800, $0x38;
	[tilespmem:$0x3000] =	vst v63  }
0x643: {  	_ =	swait.ge [sflag:s4], $0x800  }
0x644: {  	s1 =	sld [smem:$0x7F4]  }
0x645: {  	[sflag:s4] =	ssyncset.done $0x0  }
0x646: {  	[sflag:s4] =	ssyncadd.s32 $0xFFFFF800  }
0x647: {  	[tilespmem:s5], [sflag:$0x2] =	stream.indirect.gather [hbm4b:s3+s7], $0x10, s1, s7, $0xb8;
	[tilespmem:$0x3000] =	vst v63  }
0x648: {  	_ =	swait.ge [sflag:s9], $0x800  }
0x649: {  	s1 =	sld [smem:$0x7B5]  }
0x64a: {  	[sflag:s9] =	ssyncset.done $0x0  }
0x64b: {  	[sflag:s9] =	ssyncadd.s32 $0xFFFFF800  }
0x64c: {  	[hbm4b:s1+s2] =	stream.linear.scatter [tilespmem:s6], [sflag:$0x3], $0x800, $0x38;
	[tilespmem:$0x3000] =	vst v63  }
0x64d: {  	_ =	swait.ge [sflag:s4], $0x800  }
0x64e: {  	s1 =	sld [smem:$0x7F5]  }
0x64f: {  	[sflag:s4] =	ssyncset.done $0x0  }
0x650: {  	[sflag:s4] =	ssyncadd.s32 $0xFFFFF800  }
0x651: {  	[tilespmem:s6], [sflag:$0x1] =	stream.indirect.gather [hbm4b:s3+s7], $0x10, s1, s7, $0xb8;
	[tilespmem:$0x3000] =	vst v63  }
0x652: {  	_ =	swait.ge [sflag:s8], $0x800  }
0x653: {  	s1 =	sld [smem:$0x7B6]  }
0x654: {  	[sflag:s8] =	ssyncset.done $0x0  }
0x655: {  	[sflag:s8] =	ssyncadd.s32 $0xFFFFF800  }
0x656: {  	[hbm4b:s1+s2] =	stream.linear.scatter [tilespmem:s5], [sflag:$0x3], $0x800, $0x38;
	[tilespmem:$0x3000] =	vst v63  }
0x657: {  	_ =	swait.ge [sflag:s4], $0x800  }
0x658: {  	s1 =	sld [smem:$0x7F6]  }
0x659: {  	[sflag:s4] =	ssyncset.done $0x0  }
0x65a: {  	[sflag:s4] =	ssyncadd.s32 $0xFFFFF800  }
0x65b: {  	[tilespmem:s5], [sflag:$0x2] =	stream.indirect.gather [hbm4b:s3+s7], $0x10, s1, s7, $0xb8;
	[tilespmem:$0x3000] =	vst v63  }
0x65c: {  	_ =	swait.ge [sflag:s9], $0x800  }
0x65d: {  	s1 =	sld [smem:$0x7B7]  }
0x65e: {  	[sflag:s9] =	ssyncset.done $0x0  }
0x65f: {  	[sflag:s9] =	ssyncadd.s32 $0xFFFFF800  }
0x660: {  	[hbm4b:s1+s2] =	stream.linear.scatter [tilespmem:s6], [sflag:$0x3], $0x800, $0x38;
	[tilespmem:$0x3000] =	vst v63  }
0x661: {  	_ =	swait.ge [sflag:s4], $0x800  }
0x662: {  	s1 =	sld [smem:$0x7F7]  }
0x663: {  	[sflag:s4] =	ssyncset.done $0x0  }
0x664: {  	[sflag:s4] =	ssyncadd.s32 $0xFFFFF800  }
0x665: {  	[tilespmem:s6], [sflag:$0x1] =	stream.indirect.gather [hbm4b:s3+s7], $0x10, s1, s7, $0xb8;
	[tilespmem:$0x3000] =	vst v63  }
0x666: {  	_ =	swait.ge [sflag:s8], $0x800  }
0x667: {  	s1 =	sld [smem:$0x7B8]  }
0x668: {  	[sflag:s8] =	ssyncset.done $0x0  }
0x669: {  	[sflag:s8] =	ssyncadd.s32 $0xFFFFF800  }
0x66a: {  	[hbm4b:s1+s2] =	stream.linear.scatter [tilespmem:s5], [sflag:$0x3], $0x800, $0x38;
	[tilespmem:$0x3000] =	vst v63  }
0x66b: {  	_ =	swait.ge [sflag:s4], $0x800  }
0x66c: {  	s1 =	sld [smem:$0x7F8]  }
0x66d: {  	[sflag:s4] =	ssyncset.done $0x0  }
0x66e: {  	[sflag:s4] =	ssyncadd.s32 $0xFFFFF800  }
0x66f: {  	[tilespmem:s5], [sflag:$0x2] =	stream.indirect.gather [hbm4b:s3+s7], $0x10, s1, s7, $0xb8;
	[tilespmem:$0x3000] =	vst v63  }
0x670: {  	_ =	swait.ge [sflag:s9], $0x800  }
0x671: {  	s1 =	sld [smem:$0x7B9]  }
0x672: {  	[sflag:s9] =	ssyncset.done $0x0  }
0x673: {  	[sflag:s9] =	ssyncadd.s32 $0xFFFFF800  }
0x674: {  	[hbm4b:s1+s2] =	stream.linear.scatter [tilespmem:s6], [sflag:$0x3], $0x800, $0x38;
	[tilespmem:$0x3000] =	vst v63  }
0x675: {  	_ =	swait.ge [sflag:s4], $0x800  }
0x676: {  	s1 =	sld [smem:$0x7F9]  }
0x677: {  	[sflag:s4] =	ssyncset.done $0x0  }
0x678: {  	[sflag:s4] =	ssyncadd.s32 $0xFFFFF800  }
0x679: {  	[tilespmem:s6], [sflag:$0x1] =	stream.indirect.gather [hbm4b:s3+s7], $0x10, s1, s7, $0xb8;
	[tilespmem:$0x3000] =	vst v63  }
0x67a: {  	_ =	swait.ge [sflag:s8], $0x800  }
0x67b: {  	s1 =	sld [smem:$0x7BA]  }
0x67c: {  	[sflag:s8] =	ssyncset.done $0x0  }
0x67d: {  	[sflag:s8] =	ssyncadd.s32 $0xFFFFF800  }
0x67e: {  	[hbm4b:s1+s2] =	stream.linear.scatter [tilespmem:s5], [sflag:$0x3], $0x800, $0x38;
	[tilespmem:$0x3000] =	vst v63  }
0x67f: {  	_ =	swait.ge [sflag:s4], $0x800  }
0x680: {  	s1 =	sld [smem:$0x7FA]  }
0x681: {  	[sflag:s4] =	ssyncset.done $0x0  }
0x682: {  	[sflag:s4] =	ssyncadd.s32 $0xFFFFF800  }
0x683: {  	[tilespmem:s5], [sflag:$0x2] =	stream.indirect.gather [hbm4b:s3+s7], $0x10, s1, s7, $0xb8;
	[tilespmem:$0x3000] =	vst v63  }
0x684: {  	_ =	swait.ge [sflag:s9], $0x800  }
0x685: {  	s1 =	sld [smem:$0x7BB]  }
0x686: {  	[sflag:s9] =	ssyncset.done $0x0  }
0x687: {  	[sflag:s9] =	ssyncadd.s32 $0xFFFFF800  }
0x688: {  	[hbm4b:s1+s2] =	stream.linear.scatter [tilespmem:s6], [sflag:$0x3], $0x800, $0x38;
	[tilespmem:$0x3000] =	vst v63  }
0x689: {  	_ =	swait.ge [sflag:s4], $0x800  }
0x68a: {  	s1 =	sld [smem:$0x7FB]  }
0x68b: {  	[sflag:s4] =	ssyncset.done $0x0  }
0x68c: {  	[sflag:s4] =	ssyncadd.s32 $0xFFFFF800  }
0x68d: {  	[tilespmem:s6], [sflag:$0x1] =	stream.indirect.gather [hbm4b:s3+s7], $0x10, s1, s7, $0xb8;
	[tilespmem:$0x3000] =	vst v63  }
0x68e: {  	_ =	swait.ge [sflag:s8], $0x800  }
0x68f: {  	s1 =	sld [smem:$0x7BC]  }
0x690: {  	[sflag:s8] =	ssyncset.done $0x0  }
0x691: {  	[sflag:s8] =	ssyncadd.s32 $0xFFFFF800  }
0x692: {  	[hbm4b:s1+s2] =	stream.linear.scatter [tilespmem:s5], [sflag:$0x3], $0x800, $0x38;
	[tilespmem:$0x3000] =	vst v63  }
0x693: {  	_ =	swait.ge [sflag:s4], $0x800  }
0x694: {  	s1 =	sld [smem:$0x7FC]  }
0x695: {  	[sflag:s4] =	ssyncset.done $0x0  }
0x696: {  	[sflag:s4] =	ssyncadd.s32 $0xFFFFF800  }
0x697: {  	[tilespmem:s5], [sflag:$0x2] =	stream.indirect.gather [hbm4b:s3+s7], $0x10, s1, s7, $0xb8;
	[tilespmem:$0x3000] =	vst v63  }
0x698: {  	_ =	swait.ge [sflag:s9], $0x800  }
0x699: {  	s1 =	sld [smem:$0x7BD]  }
0x69a: {  	[sflag:s9] =	ssyncset.done $0x0  }
0x69b: {  	[sflag:s9] =	ssyncadd.s32 $0xFFFFF800  }
0x69c: {  	[hbm4b:s1+s2] =	stream.linear.scatter [tilespmem:s6], [sflag:$0x3], $0x800, $0x38;
	[tilespmem:$0x3000] =	vst v63  }
0x69d: {  	_ =	swait.ge [sflag:s4], $0x800  }
0x69e: {  	s1 =	sld [smem:$0x7FD]  }
0x69f: {  	[sflag:s4] =	ssyncset.done $0x0  }
0x6a0: {  	[sflag:s4] =	ssyncadd.s32 $0xFFFFF800  }
0x6a1: {  	[tilespmem:s6], [sflag:$0x1] =	stream.indirect.gather [hbm4b:s3+s7], $0x10, s1, s7, $0xb8;
	[tilespmem:$0x3000] =	vst v63  }
0x6a2: {  	_ =	swait.ge [sflag:s8], $0x800  }
0x6a3: {  	s1 =	sld [smem:$0x7BE]  }
0x6a4: {  	[sflag:s8] =	ssyncset.done $0x0  }
0x6a5: {  	[sflag:s8] =	ssyncadd.s32 $0xFFFFF800  }
0x6a6: {  	[hbm4b:s1+s2] =	stream.linear.scatter [tilespmem:s5], [sflag:$0x3], $0x800, $0x38;
	[tilespmem:$0x3000] =	vst v63  }
0x6a7: {  	_ =	swait.ge [sflag:s4], $0x800  }
0x6a8: {  	[sflag:s4] =	ssyncset.done $0x0  }
0x6a9: {  	[sflag:s4] =	ssyncadd.s32 $0xFFFFF800  }
0x6aa: {  	[tilespmem:s5], [sflag:$0x2] =	stream.indirect.gather [hbm4b:s3+s7], $0x10, s31, s7, $0xb8;
	[tilespmem:$0x3000] =	vst v63  }
0x6ab: {  	_ =	swait.ge [sflag:s9], $0x800  }
0x6ac: {  	s31 =	sld [smem:$0x7BF]  }
0x6ad: {  	[sflag:s9] =	ssyncset.done $0x0  }
0x6ae: {  	[sflag:s9] =	ssyncadd.s32 $0xFFFFF800  }
0x6af: {  	[hbm4b:s31+s2] =	stream.linear.scatter [tilespmem:s6], [sflag:$0x3], $0x800, $0x38;
	[tilespmem:$0x3000] =	vst v63  }
0x6b0: {  	_ =	swait.ge [sflag:s4], $0x800  }
0x6b1: {  	[sflag:s4] =	ssyncset.done $0x0  }
0x6b2: {  	[sflag:s4] =	ssyncadd.s32 $0xFFFFF800  }
0x6b3: {  	[tilespmem:s6], [sflag:$0x1] =	stream.indirect.gather [hbm4b:s3+s7], $0x10, s30, s7, $0xb8;
	[tilespmem:$0x3000] =	vst v63  }
0x6b4: {  	_ =	swait.ge [sflag:s8], $0x800  }
0x6b5: {  	s1 =	sld [smem:$0x7C0]  }
0x6b6: {  	[sflag:s8] =	ssyncset.done $0x0  }
0x6b7: {  	[sflag:s8] =	ssyncadd.s32 $0xFFFFF800  }
0x6b8: {  	[hbm4b:s1+s2] =	stream.linear.scatter [tilespmem:s5], [sflag:$0x3], $0x800, $0x38;
	[tilespmem:$0x3000] =	vst v63  }
0x6b9: {  	_ =	swait.ge [sflag:s4], $0x800  }
0x6ba: {  	[sflag:s4] =	ssyncset.done $0x0  }
0x6bb: {  	[sflag:s4] =	ssyncadd.s32 $0xFFFFF800  }
0x6bc: {  	[tilespmem:s5], [sflag:$0x2] =	stream.indirect.gather [hbm4b:s3+s7], $0x10, s29, s7, $0xb8;
	[tilespmem:$0x3000] =	vst v63  }
0x6bd: {  	_ =	swait.ge [sflag:s9], $0x800  }
0x6be: {  	s30 =	sld [smem:$0x7C1]  }
0x6bf: {  	[sflag:s9] =	ssyncset.done $0x0  }
0x6c0: {  	[sflag:s9] =	ssyncadd.s32 $0xFFFFF800  }
0x6c1: {  	[hbm4b:s30+s2] =	stream.linear.scatter [tilespmem:s6], [sflag:$0x3], $0x800, $0x38;
	[tilespmem:$0x3000] =	vst v63  }
0x6c2: {  	_ =	swait.ge [sflag:s4], $0x800  }
0x6c3: {  	[sflag:s4] =	ssyncset.done $0x0  }
0x6c4: {  	[sflag:s4] =	ssyncadd.s32 $0xFFFFF800  }
0x6c5: {  	[tilespmem:s6], [sflag:$0x1] =	stream.indirect.gather [hbm4b:s3+s7], $0x10, s28, s7, $0xb8;
	[tilespmem:$0x3000] =	vst v63  }
0x6c6: {  	_ =	swait.ge [sflag:s8], $0x800  }
0x6c7: {  	s31 =	sld [smem:$0x7C2]  }
0x6c8: {  	[sflag:s8] =	ssyncset.done $0x0  }
0x6c9: {  	[sflag:s8] =	ssyncadd.s32 $0xFFFFF800  }
0x6ca: {  	[hbm4b:s31+s2] =	stream.linear.scatter [tilespmem:s5], [sflag:$0x3], $0x800, $0x38;
	[tilespmem:$0x3000] =	vst v63  }
0x6cb: {  	_ =	swait.ge [sflag:s4], $0x800  }
0x6cc: {  	[sflag:s4] =	ssyncset.done $0x0  }
0x6cd: {  	[sflag:s4] =	ssyncadd.s32 $0xFFFFF800  }
0x6ce: {  	[tilespmem:s5], [sflag:$0x2] =	stream.indirect.gather [hbm4b:s3+s7], $0x10, s26, s7, $0xb8;
	[tilespmem:$0x3000] =	vst v63  }
0x6cf: {  	_ =	swait.ge [sflag:s9], $0x800  }
0x6d0: {  	s1 =	sld [smem:$0x7C3]  }
0x6d1: {  	[sflag:s9] =	ssyncset.done $0x0  }
0x6d2: {  	[sflag:s9] =	ssyncadd.s32 $0xFFFFF800  }
0x6d3: {  	[hbm4b:s1+s2] =	stream.linear.scatter [tilespmem:s6], [sflag:$0x3], $0x800, $0x38;
	[tilespmem:$0x3000] =	vst v63  }
0x6d4: {  	_ =	swait.ge [sflag:s4], $0x800  }
0x6d5: {  	[sflag:s4] =	ssyncset.done $0x0  }
0x6d6: {  	[sflag:s4] =	ssyncadd.s32 $0xFFFFF800  }
0x6d7: {  	[tilespmem:s6], [sflag:$0x1] =	stream.indirect.gather [hbm4b:s3+s7], $0x10, s25, s7, $0xb8;
	[tilespmem:$0x3000] =	vst v63  }
0x6d8: {  	_ =	swait.ge [sflag:s8], $0x800  }
0x6d9: {  	s26 =	sld [smem:$0x7C4]  }
0x6da: {  	[sflag:s8] =	ssyncset.done $0x0  }
0x6db: {  	[sflag:s8] =	ssyncadd.s32 $0xFFFFF800  }
0x6dc: {  	[hbm4b:s26+s2] =	stream.linear.scatter [tilespmem:s5], [sflag:$0x3], $0x800, $0x38;
	[tilespmem:$0x3000] =	vst v63  }
0x6dd: {  	_ =	swait.ge [sflag:s4], $0x800  }
0x6de: {  	[sflag:s4] =	ssyncset.done $0x0  }
0x6df: {  	[sflag:s4] =	ssyncadd.s32 $0xFFFFF800  }
0x6e0: {  	[tilespmem:s5], [sflag:$0x2] =	stream.indirect.gather [hbm4b:s3+s7], $0x10, s24, s7, $0xb8;
	[tilespmem:$0x3000] =	vst v63  }
0x6e1: {  	_ =	swait.ge [sflag:s9], $0x800  }
0x6e2: {  	s28 =	sld [smem:$0x7C5]  }
0x6e3: {  	[sflag:s9] =	ssyncset.done $0x0  }
0x6e4: {  	[sflag:s9] =	ssyncadd.s32 $0xFFFFF800  }
0x6e5: {  	[hbm4b:s28+s2] =	stream.linear.scatter [tilespmem:s6], [sflag:$0x3], $0x800, $0x38;
	[tilespmem:$0x3000] =	vst v63  }
0x6e6: {  	_ =	swait.ge [sflag:s4], $0x800  }
0x6e7: {  	[sflag:s4] =	ssyncset.done $0x0  }
0x6e8: {  	[sflag:s4] =	ssyncadd.s32 $0xFFFFF800  }
0x6e9: {  	[tilespmem:s6], [sflag:$0x1] =	stream.indirect.gather [hbm4b:s3+s7], $0x10, s23, s7, $0xb8;
	[tilespmem:$0x3000] =	vst v63  }
0x6ea: {  	_ =	swait.ge [sflag:s8], $0x800  }
0x6eb: {  	s29 =	sld [smem:$0x7C6]  }
0x6ec: {  	[sflag:s8] =	ssyncset.done $0x0  }
0x6ed: {  	[sflag:s8] =	ssyncadd.s32 $0xFFFFF800  }
0x6ee: {  	[hbm4b:s29+s2] =	stream.linear.scatter [tilespmem:s5], [sflag:$0x3], $0x800, $0x38;
	[tilespmem:$0x3000] =	vst v63  }
0x6ef: {  	_ =	swait.ge [sflag:s4], $0x800  }
0x6f0: {  	[sflag:s4] =	ssyncset.done $0x0  }
0x6f1: {  	[sflag:s4] =	ssyncadd.s32 $0xFFFFF800  }
0x6f2: {  	[tilespmem:s5], [sflag:$0x2] =	stream.indirect.gather [hbm4b:s3+s7], $0x10, s22, s7, $0xb8;
	[tilespmem:$0x3000] =	vst v63  }
0x6f3: {  	_ =	swait.ge [sflag:s9], $0x800  }
0x6f4: {  	s30 =	sld [smem:$0x7C7]  }
0x6f5: {  	[sflag:s9] =	ssyncset.done $0x0  }
0x6f6: {  	[sflag:s9] =	ssyncadd.s32 $0xFFFFF800  }
0x6f7: {  	[hbm4b:s30+s2] =	stream.linear.scatter [tilespmem:s6], [sflag:$0x3], $0x800, $0x38;
	[tilespmem:$0x3000] =	vst v63  }
0x6f8: {  	_ =	swait.ge [sflag:s4], $0x800  }
0x6f9: {  	[sflag:s4] =	ssyncset.done $0x0  }
0x6fa: {  	[sflag:s4] =	ssyncadd.s32 $0xFFFFF800  }
0x6fb: {  	[tilespmem:s6], [sflag:$0x1] =	stream.indirect.gather [hbm4b:s3+s7], $0x10, s21, s7, $0xb8;
	[tilespmem:$0x3000] =	vst v63  }
0x6fc: {  	_ =	swait.ge [sflag:s8], $0x800  }
0x6fd: {  	s31 =	sld [smem:$0x7C8]  }
0x6fe: {  	[sflag:s8] =	ssyncset.done $0x0  }
0x6ff: {  	[sflag:s8] =	ssyncadd.s32 $0xFFFFF800  }
0x700: {  	[hbm4b:s31+s2] =	stream.linear.scatter [tilespmem:s5], [sflag:$0x3], $0x800, $0x38;
	[tilespmem:$0x3000] =	vst v63  }
0x701: {  	_ =	swait.ge [sflag:s4], $0x800  }
0x702: {  	[sflag:s4] =	ssyncset.done $0x0  }
0x703: {  	[sflag:s4] =	ssyncadd.s32 $0xFFFFF800  }
0x704: {  	[tilespmem:s5], [sflag:$0x2] =	stream.indirect.gather [hbm4b:s3+s7], $0x10, s20, s7, $0xb8;
	[tilespmem:$0x3000] =	vst v63  }
0x705: {  	_ =	swait.ge [sflag:s9], $0x800  }
0x706: {  	s1 =	sld [smem:$0x7C9]  }
0x707: {  	[sflag:s9] =	ssyncset.done $0x0  }
0x708: {  	[sflag:s9] =	ssyncadd.s32 $0xFFFFF800  }
0x709: {  	[hbm4b:s1+s2] =	stream.linear.scatter [tilespmem:s6], [sflag:$0x3], $0x800, $0x38;
	[tilespmem:$0x3000] =	vst v63  }
0x70a: {  	_ =	swait.ge [sflag:s4], $0x800  }
0x70b: {  	[sflag:s4] =	ssyncset.done $0x0  }
0x70c: {  	[sflag:s4] =	ssyncadd.s32 $0xFFFFF800  }
0x70d: {  	[tilespmem:s6], [sflag:$0x1] =	stream.indirect.gather [hbm4b:s3+s7], $0x10, s19, s7, $0xb8;
	[tilespmem:$0x3000] =	vst v63  }
0x70e: {  	_ =	swait.ge [sflag:s8], $0x800  }
0x70f: {  	s19 =	sld [smem:$0x7CA]  }
0x710: {  	[sflag:s8] =	ssyncset.done $0x0  }
0x711: {  	[sflag:s8] =	ssyncadd.s32 $0xFFFFF800  }
0x712: {  	[hbm4b:s19+s2] =	stream.linear.scatter [tilespmem:s5], [sflag:$0x3], $0x800, $0x38;
	[tilespmem:$0x3000] =	vst v63  }
0x713: {  	_ =	swait.ge [sflag:s4], $0x800  }
0x714: {  	[sflag:s4] =	ssyncset.done $0x0  }
0x715: {  	[sflag:s4] =	ssyncadd.s32 $0xFFFFF800  }
0x716: {  	[tilespmem:s5], [sflag:$0x2] =	stream.indirect.gather [hbm4b:s3+s7], $0x10, s18, s7, $0xb8;
	[tilespmem:$0x3000] =	vst v63  }
0x717: {  	_ =	swait.ge [sflag:s9], $0x800  }
0x718: {  	s20 =	sld [smem:$0x7CB]  }
0x719: {  	[sflag:s9] =	ssyncset.done $0x0  }
0x71a: {  	[sflag:s9] =	ssyncadd.s32 $0xFFFFF800  }
0x71b: {  	[hbm4b:s20+s2] =	stream.linear.scatter [tilespmem:s6], [sflag:$0x3], $0x800, $0x38;
	[tilespmem:$0x3000] =	vst v63  }
0x71c: {  	_ =	swait.ge [sflag:s4], $0x800  }
0x71d: {  	[sflag:s4] =	ssyncset.done $0x0  }
0x71e: {  	[sflag:s4] =	ssyncadd.s32 $0xFFFFF800  }
0x71f: {  	[tilespmem:s6], [sflag:$0x1] =	stream.indirect.gather [hbm4b:s3+s7], $0x10, s17, s7, $0xb8;
	[tilespmem:$0x3000] =	vst v63  }
0x720: {  	_ =	swait.ge [sflag:s8], $0x800  }
0x721: {  	s21 =	sld [smem:$0x7CC]  }
0x722: {  	[sflag:s8] =	ssyncset.done $0x0  }
0x723: {  	[sflag:s8] =	ssyncadd.s32 $0xFFFFF800  }
0x724: {  	[hbm4b:s21+s2] =	stream.linear.scatter [tilespmem:s5], [sflag:$0x3], $0x800, $0x38;
	[tilespmem:$0x3000] =	vst v63  }
0x725: {  	_ =	swait.ge [sflag:s4], $0x800  }
0x726: {  	[sflag:s4] =	ssyncset.done $0x0  }
0x727: {  	[sflag:s4] =	ssyncadd.s32 $0xFFFFF800  }
0x728: {  	[tilespmem:s5], [sflag:$0x2] =	stream.indirect.gather [hbm4b:s3+s7], $0x10, s16, s7, $0xb8;
	[tilespmem:$0x3000] =	vst v63  }
0x729: {  	_ =	swait.ge [sflag:s9], $0x800  }
0x72a: {  	s22 =	sld [smem:$0x7CD]  }
0x72b: {  	[sflag:s9] =	ssyncset.done $0x0  }
0x72c: {  	[sflag:s9] =	ssyncadd.s32 $0xFFFFF800  }
0x72d: {  	[hbm4b:s22+s2] =	stream.linear.scatter [tilespmem:s6], [sflag:$0x3], $0x800, $0x38;
	[tilespmem:$0x3000] =	vst v63  }
0x72e: {  	_ =	swait.ge [sflag:s4], $0x800  }
0x72f: {  	[sflag:s4] =	ssyncset.done $0x0  }
0x730: {  	[sflag:s4] =	ssyncadd.s32 $0xFFFFF800  }
0x731: {  	[tilespmem:s6], [sflag:$0x1] =	stream.indirect.gather [hbm4b:s3+s7], $0x10, s15, s7, $0xb8;
	[tilespmem:$0x3000] =	vst v63  }
0x732: {  	_ =	swait.ge [sflag:s8], $0x800  }
0x733: {  	s23 =	sld [smem:$0x7CE]  }
0x734: {  	[sflag:s8] =	ssyncset.done $0x0  }
0x735: {  	[sflag:s8] =	ssyncadd.s32 $0xFFFFF800  }
0x736: {  	[hbm4b:s23+s2] =	stream.linear.scatter [tilespmem:s5], [sflag:$0x3], $0x800, $0x38;
	[tilespmem:$0x3000] =	vst v63  }
0x737: {  	_ =	swait.ge [sflag:s4], $0x800  }
0x738: {  	[sflag:s4] =	ssyncset.done $0x0  }
0x739: {  	[sflag:s4] =	ssyncadd.s32 $0xFFFFF800  }
0x73a: {  	[tilespmem:s5], [sflag:$0x2] =	stream.indirect.gather [hbm4b:s3+s7], $0x10, s14, s7, $0xb8;
	[tilespmem:$0x3000] =	vst v63  }
0x73b: {  	_ =	swait.ge [sflag:s9], $0x800  }
0x73c: {  	s24 =	sld [smem:$0x7CF]  }
0x73d: {  	[sflag:s9] =	ssyncset.done $0x0  }
0x73e: {  	[sflag:s9] =	ssyncadd.s32 $0xFFFFF800  }
0x73f: {  	[hbm4b:s24+s2] =	stream.linear.scatter [tilespmem:s6], [sflag:$0x3], $0x800, $0x38;
	[tilespmem:$0x3000] =	vst v63  }
0x740: {  	_ =	swait.ge [sflag:s4], $0x800  }
0x741: {  	[sflag:s4] =	ssyncset.done $0x0  }
0x742: {  	[sflag:s4] =	ssyncadd.s32 $0xFFFFF800  }
0x743: {  	[tilespmem:s6], [sflag:$0x1] =	stream.indirect.gather [hbm4b:s3+s7], $0x10, s13, s7, $0xb8;
	[tilespmem:$0x3000] =	vst v63  }
0x744: {  	_ =	swait.ge [sflag:s8], $0x800  }
0x745: {  	s25 =	sld [smem:$0x7D0]  }
0x746: {  	[sflag:s8] =	ssyncset.done $0x0  }
0x747: {  	[sflag:s8] =	ssyncadd.s32 $0xFFFFF800  }
0x748: {  	[hbm4b:s25+s2] =	stream.linear.scatter [tilespmem:s5], [sflag:$0x3], $0x800, $0x38;
	[tilespmem:$0x3000] =	vst v63  }
0x749: {  	_ =	swait.ge [sflag:s4], $0x800  }
0x74a: {  	[sflag:s4] =	ssyncset.done $0x0  }
0x74b: {  	[sflag:s4] =	ssyncadd.s32 $0xFFFFF800  }
0x74c: {  	[tilespmem:s5], [sflag:$0x2] =	stream.indirect.gather [hbm4b:s3+s7], $0x10, s12, s7, $0xb8;
	[tilespmem:$0x3000] =	vst v63  }
0x74d: {  	_ =	swait.ge [sflag:s9], $0x800  }
0x74e: {  	s26 =	sld [smem:$0x7D1]  }
0x74f: {  	[sflag:s9] =	ssyncset.done $0x0  }
0x750: {  	[sflag:s9] =	ssyncadd.s32 $0xFFFFF800  }
0x751: {  	[hbm4b:s26+s2] =	stream.linear.scatter [tilespmem:s6], [sflag:$0x3], $0x800, $0x38;
	[tilespmem:$0x3000] =	vst v63  }
0x752: {  	_ =	swait.ge [sflag:s4], $0x800  }
0x753: {  	[sflag:s4] =	ssyncset.done $0x0  }
0x754: {  	[sflag:s4] =	ssyncadd.s32 $0xFFFFF800  }
0x755: {  	[tilespmem:s6], [sflag:$0x1] =	stream.indirect.gather [hbm4b:s3+s7], $0x10, s11, s7, $0xb8;
	[tilespmem:$0x3000] =	vst v63  }
0x756: {  	_ =	swait.ge [sflag:s8], $0x800  }
0x757: {  	s28 =	sld [smem:$0x7D2]  }
0x758: {  	[sflag:s8] =	ssyncset.done $0x0  }
0x759: {  	[sflag:s8] =	ssyncadd.s32 $0xFFFFF800  }
0x75a: {  	[hbm4b:s28+s2] =	stream.linear.scatter [tilespmem:s5], [sflag:$0x3], $0x800, $0x38;
	[tilespmem:$0x3000] =	vst v63  }
0x75b: {  	_ =	swait.ge [sflag:s4], $0x800  }
0x75c: {  	[sflag:s4] =	ssyncset.done $0x0  }
0x75d: {  	[sflag:s4] =	ssyncadd.s32 $0xFFFFF800  }
0x75e: {  	[tilespmem:s5], [sflag:$0x2] =	stream.indirect.gather [hbm4b:s3+s7], $0x10, s10, s7, $0xb8;
	[tilespmem:$0x3000] =	vst v63  }
0x75f: {  	_ =	swait.ge [sflag:s9], $0x800  }
0x760: {  	s29 =	sld [smem:$0x7D3]  }
0x761: {  	[sflag:s9] =	ssyncset.done $0x0  }
0x762: {  	[sflag:s9] =	ssyncadd.s32 $0xFFFFF800  }
0x763: {  	[hbm4b:s29+s2] =	stream.linear.scatter [tilespmem:s6], [sflag:$0x3], $0x800, $0x38;
	[tilespmem:$0x3000] =	vst v63  }
0x764: {  	_ =	swait.ge [sflag:s4], $0x800  }
0x765: {  	[sflag:s4] =	ssyncset.done $0x0  }
0x766: {  	[sflag:s4] =	ssyncadd.s32 $0xFFFFF800  }
0x767: {  	_ =	swait.ge [sflag:s8], $0x800  }
0x768: {  	s30 =	sld [smem:$0x7D4]  }
0x769: {  	[sflag:s8] =	ssyncset.done $0x0  }
0x76a: {  	[sflag:s8] =	ssyncadd.s32 $0xFFFFF800  }
0x76b: {  	[hbm4b:s30+s2] =	stream.linear.scatter [tilespmem:s5], [sflag:$0x3], $0x800, $0x38;
	[tilespmem:$0x3000] =	vst v63  }
0x76c: {  	_ =	swait.ge [sflag:s4], $0x800  }
0x76d: {  	[sflag:s4] =	ssyncset.done $0x0  }
0x76e: {  	[sflag:s4] =	ssyncadd.s32 $0xFFFFF800  }
0x76f: {  	_ =	sfence.sel $0x180000  }
0x770: {  	[bflag:$0x0] =	sbarrier.arrive $0xFFFF  }
0x771: {  	_ =	strace $0x90000047  }
0x772: {  	s31 =	stileid.u32;
	[bflag:$0x2] =	sbarrier.arrive $0xFFFF  }
0x773: {  	p0 =	sne.s32 s31, $0x0;
	s0 =	rddreg [dreg:$0x2]  }
0x774: {  	s0 =	sadd.s32 @!p0 $0x100000, s0  }
0x775: {  	[sflag:s0] =	ssyncadd.tile.s32 @!p0 $0x1;
	_ =	shalt  }
.Lfunc_end2:
_tile_overlayer_lowered:
.L_overlay_start_2:
0x776: {  	(tag) =	ssettag $0x2  }
0x777: {  	s0 =	rddreg [dreg:$0x0];
	s2 =	stileid.u32  }
0x778: {  	s1 =	rddreg [dreg:$0x1];
	p0 =	sne.s32 s2, $0x0  }
0x779: {  	s3 =	rddreg [dreg:$0x2];
	[bflag:$0x3] =	sbarrier.arrive $0xFFFF;
	s2 =	simm.s32 @!p0 $0x1C03  }
0x77a: {  	[timem:s3], [sflag:s2] =	dma.local @!p0 [hbm:s0], s1  }
0x77b: {  	s0 =	simm.s32 @!p0 $0x3  }
0x77c: {  	_ =	swait.ge @!p0 [sflag:s0], s1  }
0x77d: {  	s1 =	ssub.s32 @!p0 $0x0, s1;
	[sflag:s0] =	ssyncset.done @!p0 $0x0  }
0x77e: {  	[sflag:s0] =	ssyncadd.s32 @!p0 s1  }
0x77f: {  	[bflag:$0x3] =	sbarrier.arrive $0xFFFF  }
0x780: {  	_ =	shalt  }

</sc_bundles>
